<compile_context>
chip_gen: v7x
topology: tpu7x:2x2x1
jax: 0.10.2.dev20260603
libtpu: 0.0.44.dev20260713+nightly
codegen_flags: <defaults>
</compile_context>

<pallas_src>
import functools

import jax
import jax.numpy as jnp
from jax import lax
from jax.experimental import pallas as pl
from jax.experimental.pallas import tpu as pltpu
from jax.experimental.pallas import tpu_sc as plsc

B, S, D = 4096, 200, 32
NW = 32
SEQ_W = B // NW
CSEQ = 1
NCHUNK = SEQ_W // CSEQ
NBUF = 8
PREF = 6
GSPLIT = (128, 72)
UNROLL = 2
NBUFW = 4

_GATHER_DNUMS = lax.GatherDimensionNumbers(
    offset_dims=(), collapsed_slice_dims=(0,), start_index_map=(0,))


def _permute(v, idx):
    return lax.gather(v, idx[:, None], _GATHER_DNUMS, slice_sizes=(1,),
                      mode=lax.GatherScatterMode.PROMISE_IN_BOUNDS)


def _sc_embed(x, token_table, pos_table, ln_gamma, ln_beta):
    mesh = plsc.VectorSubcoreMesh(core_axis_name="c", subcore_axis_name="s")

    @functools.partial(
        pl.kernel,
        mesh=mesh,
        compiler_params=pltpu.CompilerParams(use_tc_tiling_on_sc=False),
        out_type=jax.ShapeDtypeStruct((B * S * D // 128, 128), jnp.float32),
        scratch_types=[
            pltpu.VMEM((SEQ_W, S), jnp.int32),
            pltpu.VMEM((NBUF, CSEQ, S, D), jnp.float32),
            pltpu.VMEM((NBUFW, S * D // 128, 128), jnp.float32),
            pltpu.VMEM((S, D), jnp.float32),
            pltpu.VMEM((D,), jnp.float32),
            pltpu.VMEM((D,), jnp.float32),
        ] + [pltpu.SemaphoreType.DMA] * (NBUF + NBUFW),
    )
    def run(x_hbm, tok_hbm, pos_hbm, g_hbm, b_hbm, out_hbm,
            idx_v, ring_v, outs_v, pos_v, g_v, b_v, *sems):
        gsem = list(sems[:NBUF])
        wsem = list(sems[NBUF:])
        wid = lax.axis_index("s") * 2 + lax.axis_index("c")
        seq_base = wid * SEQ_W

        pltpu.sync_copy(x_hbm.at[pl.ds(seq_base, SEQ_W)], idx_v)
        pltpu.sync_copy(pos_hbm.at[pl.ds(0, S)], pos_v)
        pltpu.sync_copy(g_hbm, g_v)
        pltpu.sync_copy(b_hbm, b_v)
        g0 = g_v[0:16]
        g1 = g_v[16:32]
        b0 = b_v[0:16]
        b1 = b_v[16:32]

        lane = lax.iota(jnp.int32, 16)
        perms = [lane ^ k for k in (8, 4, 2, 1)]

        def fire_gather(c, b):
            for s in range(CSEQ):
                off = 0
                for glen in GSPLIT:
                    pltpu.async_copy(
                        tok_hbm.at[idx_v.at[c * CSEQ + s, pl.ds(off, glen)]],
                        ring_v.at[b, s, pl.ds(off, glen)],
                        gsem[b],
                    )
                    off += glen

        def drain_gather(b):
            pltpu.make_async_copy(
                tok_hbm.at[pl.ds(0, S)], ring_v.at[b, 0], gsem[b]).wait()

        def fire_write(c, bw):
            pltpu.async_copy(
                outs_v.at[bw],
                out_hbm.at[pl.ds((seq_base + c) * (S * D // 128),
                                 S * D // 128)],
                wsem[bw])

        def drain_write(bw):
            pltpu.make_async_copy(
                outs_v.at[bw],
                out_hbm.at[pl.ds(0, S * D // 128)], wsem[bw]).wait()

        def ln_row(b, bw, s, i):
            t0 = ring_v[b, s, i, 0:16]
            t1 = ring_v[b, s, i, 16:32]
            e0 = t0 + pos_v[i, 0:16]
            e1 = t1 + pos_v[i, 16:32]
            sm = e0 + e1
            q = e0 * e0 + e1 * e1
            for pidx in perms:
                sm = sm + _permute(sm, pidx)
                q = q + _permute(q, pidx)
            mean = sm * (1.0 / 32.0)
            var = q * (1.0 / 32.0) - mean * mean + 1e-5
            bits = lax.bitcast_convert_type(var, jnp.int32)
            y = lax.bitcast_convert_type(
                jnp.int32(0x5F3759DF) - (bits >> 1), jnp.float32)
            hv = 0.5 * var
            y = y * (1.5 - hv * y * y)
            y = y * (1.5 - hv * y * y)
            o0 = (e0 - mean) * y * g0 + b0
            o1 = (e1 - mean) * y * g1 + b1
            q = i >> 2
            m = (i & 3) * 32
            outs_v[bw, q, pl.ds(m, 16)] = o0
            outs_v[bw, q, pl.ds(m + 16, 16)] = o1

        for p in range(PREF):
            fire_gather(jnp.int32(p), p)

        def group_body(g, carry):
            for bs in range(NBUF):
                c = g * NBUF + bs
                bw = bs % NBUFW
                drain_gather(bs)

                @pl.when(c >= NBUFW)
                def _dw():
                    drain_write(bw)

                @plsc.parallel_loop(0, S, unroll=UNROLL)
                def _row(i):
                    for s in range(CSEQ):
                        ln_row(bs, bw, s, i)

                fire_write(c, bw)

                bn = (bs + PREF) % NBUF

                @pl.when(c + PREF < NCHUNK)
                def _prefetch():
                    fire_gather(c + PREF, bn)
            return carry

        lax.fori_loop(0, NCHUNK // NBUF, group_body, 0)

        for bw in range(NBUFW):
            drain_write(bw)

    return run(x, token_table, pos_table, ln_gamma, ln_beta)


def kernel(x, token_table, pos_table, ln_gamma, ln_beta):
    out = _sc_embed(x.astype(jnp.int32), token_table, pos_table,
                    ln_gamma, ln_beta)
    return out.reshape(B, S, D)

# --- scband reference (transcript-rebuilt; emitter-appended) ---
"""Pipeline reference for scband-transformer-embedding-64381559767154 (READ-ONLY COPY).

The authoritative reference and input builder live on the scoring server;
editing this copy changes nothing except your own understanding.
"""

import jax, jax.numpy as jnp
import numpy as np

VOCAB = 1000000
EMBED_DIM = 32
MAX_LEN = 512
PAD_IDX = 0
BATCH = 4096
SEQ = 200

def setup_inputs(seed: int = 0) -> dict:
    key = jax.random.key(seed)
    k1, k2, k3 = jax.random.split(key, 3)
    x = jax.random.randint(k1, (BATCH, SEQ), 0, VOCAB, dtype=jnp.int64 if jax.config.jax_enable_x64 else jnp.int32)
    token_table = jax.random.normal(k2, (VOCAB, EMBED_DIM), dtype=jnp.float32) * 0.02
    token_table = token_table.at[PAD_IDX].set(0.0)  # padding_idx row zeroed
    pos_table = jax.random.normal(k3, (MAX_LEN, EMBED_DIM), dtype=jnp.float32) * 0.02
    ln_gamma = jnp.ones((EMBED_DIM,), dtype=jnp.float32)
    ln_beta = jnp.zeros((EMBED_DIM,), dtype=jnp.float32)
    return {"x": x, "token_table": token_table, "pos_table": pos_table, "ln_gamma": ln_gamma, "ln_beta": ln_beta}

def reference(x, token_table, pos_table, ln_gamma, ln_beta):
    # token embedding lookup (gather)
    tok = jnp.take(token_table, x, axis=0)  # [B, S, D]
    # position embedding
    pos_ids = jnp.arange(x.shape[1])
    pos = jnp.take(pos_table, pos_ids, axis=0)[None, :, :]  # [1, S, D]
    emb = tok + pos
    # LayerNorm over last dim, eps=1e-5 (torch default)
    mean = jnp.mean(emb, axis=-1, keepdims=True)
    var = jnp.mean(jnp.square(emb - mean), axis=-1, keepdims=True)
    normed = (emb - mean) / jnp.sqrt(var + 1e-5)
    out = normed * ln_gamma + ln_beta
    # dropout p=0.0 (eval / identity)
    return out

if __name__ == "__main__":
    import jax
    _d = setup_inputs()
    print(jax.jit(kernel)(*tuple(_d.values())))

</pallas_src>

<mosaic_0001>
#map = affine_map<(d0, d1) -> (0, 0)>
#map1 = affine_map<(d0, d1) -> (0)>
module attributes {stable_mosaic.version = 14 : i64} {
  func.func @run(%arg0: i32, %arg1: i32, %arg2: memref<4096x200xi32, #tpu.memory_space<hbm>>, %arg3: memref<1000000x32xf32, #tpu.memory_space<hbm>>, %arg4: memref<512x32xf32, #tpu.memory_space<hbm>>, %arg5: memref<32xf32, #tpu.memory_space<hbm>>, %arg6: memref<32xf32, #tpu.memory_space<hbm>>, %arg7: memref<204800x128xf32, #tpu.memory_space<hbm>>, %arg8: memref<128x200xi32, #tpu.memory_space<vmem>>, %arg9: memref<8x1x200x32xf32, #tpu.memory_space<vmem>>, %arg10: memref<4x50x128xf32, #tpu.memory_space<vmem>>, %arg11: memref<200x32xf32, #tpu.memory_space<vmem>>, %arg12: memref<32xf32, #tpu.memory_space<vmem>>, %arg13: memref<32xf32, #tpu.memory_space<vmem>>, %arg14: memref<!tpu.dma_semaphore, #tpu.memory_space<semaphore_mem>>, %arg15: memref<!tpu.dma_semaphore, #tpu.memory_space<semaphore_mem>>, %arg16: memref<!tpu.dma_semaphore, #tpu.memory_space<semaphore_mem>>, %arg17: memref<!tpu.dma_semaphore, #tpu.memory_space<semaphore_mem>>, %arg18: memref<!tpu.dma_semaphore, #tpu.memory_space<semaphore_mem>>, %arg19: memref<!tpu.dma_semaphore, #tpu.memory_space<semaphore_mem>>, %arg20: memref<!tpu.dma_semaphore, #tpu.memory_space<semaphore_mem>>, %arg21: memref<!tpu.dma_semaphore, #tpu.memory_space<semaphore_mem>>, %arg22: memref<!tpu.dma_semaphore, #tpu.memory_space<semaphore_mem>>, %arg23: memref<!tpu.dma_semaphore, #tpu.memory_space<semaphore_mem>>, %arg24: memref<!tpu.dma_semaphore, #tpu.memory_space<semaphore_mem>>, %arg25: memref<!tpu.dma_semaphore, #tpu.memory_space<semaphore_mem>>) attributes {dimension_semantics = [#tpu.dimension_semantics<core_parallel>, #tpu.dimension_semantics<subcore_parallel>], iteration_bounds = array<i64: 2, 16>, scalar_prefetch = 0 : i64, scratch_operands = 18 : i64, tpu.core_type = #tpu.core_type<sc_vector_subcore>, window_params = [{transform_indices = #map}, {transform_indices = #map}, {transform_indices = #map}, {transform_indices = #map1}, {transform_indices = #map1}, {transform_indices = #map}]} {
    %mul3A = arith.constant 2 : i32
    %mul3A_0 = arith.muli %arg1, %mul3A : i32
    %add3A = arith.addi %mul3A_0, %arg0 : i32
    %mul3A_1 = arith.constant 128 : i32
    %mul3A_2 = arith.muli %add3A, %mul3A_1 : i32
    "tpu.region"() ({
      %run_scoped3A = tpu.sem_alloc : memref<!tpu.dma_semaphore, #tpu.memory_space<semaphore_mem>>
      %dma_start3A_292 = arith.constant 0 : i32
      %dma_start3A_293 = tpu.memref_slice %arg2[%mul3A_2, %dma_start3A_292] : memref<4096x200xi32, #tpu.memory_space<hbm>> -> memref<128x200xi32, #tpu.memory_space<hbm>>
      %dma_start3A_294 = arith.constant 0 : i32
      %dma_start3A_295 = tpu.memref_slice %arg2[%mul3A_2, %dma_start3A_294] : memref<4096x200xi32, #tpu.memory_space<hbm>> -> memref<128x200xi32, #tpu.memory_space<hbm>>
      tpu.enqueue_dma source(%dma_start3A_295 : memref<128x200xi32, #tpu.memory_space<hbm>>) target(%arg8 : memref<128x200xi32, #tpu.memory_space<vmem>>) target_semaphore(%run_scoped3A : memref<!tpu.dma_semaphore, #tpu.memory_space<semaphore_mem>>)
      %dma_wait3A_296 = arith.constant 0 : i32
      %dma_wait3A_297 = tpu.memref_slice %arg2[%mul3A_2, %dma_wait3A_296] : memref<4096x200xi32, #tpu.memory_space<hbm>> -> memref<128x200xi32, #tpu.memory_space<hbm>>
      %dma_wait3A_298 = arith.constant 0 : i32
      %dma_wait3A_299 = tpu.memref_slice %arg2[%mul3A_2, %dma_wait3A_298] : memref<4096x200xi32, #tpu.memory_space<hbm>> -> memref<128x200xi32, #tpu.memory_space<hbm>>
      tpu.wait_dma2 semaphore(%run_scoped3A : memref<!tpu.dma_semaphore, #tpu.memory_space<semaphore_mem>>) src(%dma_wait3A_299 : memref<128x200xi32, #tpu.memory_space<hbm>>) dst(%arg8 : memref<128x200xi32, #tpu.memory_space<vmem>>)
      tpu.yield
    }) : () -> ()
    "tpu.region"() ({
      %run_scoped3A = tpu.sem_alloc : memref<!tpu.dma_semaphore, #tpu.memory_space<semaphore_mem>>
      %dma_start3A_292 = arith.constant 0 : i32
      %dma_start3A_293 = arith.constant 0 : i32
      %dma_start3A_294 = tpu.memref_slice %arg4[%dma_start3A_292, %dma_start3A_293] : memref<512x32xf32, #tpu.memory_space<hbm>> -> memref<200x32xf32, #tpu.memory_space<hbm>>
      %dma_start3A_295 = arith.constant 0 : i32
      %dma_start3A_296 = arith.constant 0 : i32
      %dma_start3A_297 = tpu.memref_slice %arg4[%dma_start3A_295, %dma_start3A_296] : memref<512x32xf32, #tpu.memory_space<hbm>> -> memref<200x32xf32, #tpu.memory_space<hbm>>
      tpu.enqueue_dma source(%dma_start3A_297 : memref<200x32xf32, #tpu.memory_space<hbm>>) target(%arg11 : memref<200x32xf32, #tpu.memory_space<vmem>>) target_semaphore(%run_scoped3A : memref<!tpu.dma_semaphore, #tpu.memory_space<semaphore_mem>>)
      %dma_wait3A_298 = arith.constant 0 : i32
      %dma_wait3A_299 = arith.constant 0 : i32
      %dma_wait3A_300 = tpu.memref_slice %arg4[%dma_wait3A_298, %dma_wait3A_299] : memref<512x32xf32, #tpu.memory_space<hbm>> -> memref<200x32xf32, #tpu.memory_space<hbm>>
      %dma_wait3A_301 = arith.constant 0 : i32
      %dma_wait3A_302 = arith.constant 0 : i32
      %dma_wait3A_303 = tpu.memref_slice %arg4[%dma_wait3A_301, %dma_wait3A_302] : memref<512x32xf32, #tpu.memory_space<hbm>> -> memref<200x32xf32, #tpu.memory_space<hbm>>
      tpu.wait_dma2 semaphore(%run_scoped3A : memref<!tpu.dma_semaphore, #tpu.memory_space<semaphore_mem>>) src(%dma_wait3A_303 : memref<200x32xf32, #tpu.memory_space<hbm>>) dst(%arg11 : memref<200x32xf32, #tpu.memory_space<vmem>>)
      tpu.yield
    }) : () -> ()
    "tpu.region"() ({
      %run_scoped3A = tpu.sem_alloc : memref<!tpu.dma_semaphore, #tpu.memory_space<semaphore_mem>>
      tpu.enqueue_dma source(%arg5 : memref<32xf32, #tpu.memory_space<hbm>>) target(%arg12 : memref<32xf32, #tpu.memory_space<vmem>>) target_semaphore(%run_scoped3A : memref<!tpu.dma_semaphore, #tpu.memory_space<semaphore_mem>>)
      tpu.wait_dma2 semaphore(%run_scoped3A : memref<!tpu.dma_semaphore, #tpu.memory_space<semaphore_mem>>) src(%arg5 : memref<32xf32, #tpu.memory_space<hbm>>) dst(%arg12 : memref<32xf32, #tpu.memory_space<vmem>>)
      tpu.yield
    }) : () -> ()
    "tpu.region"() ({
      %run_scoped3A = tpu.sem_alloc : memref<!tpu.dma_semaphore, #tpu.memory_space<semaphore_mem>>
      tpu.enqueue_dma source(%arg6 : memref<32xf32, #tpu.memory_space<hbm>>) target(%arg13 : memref<32xf32, #tpu.memory_space<vmem>>) target_semaphore(%run_scoped3A : memref<!tpu.dma_semaphore, #tpu.memory_space<semaphore_mem>>)
      tpu.wait_dma2 semaphore(%run_scoped3A : memref<!tpu.dma_semaphore, #tpu.memory_space<semaphore_mem>>) src(%arg6 : memref<32xf32, #tpu.memory_space<hbm>>) dst(%arg13 : memref<32xf32, #tpu.memory_space<vmem>>)
      tpu.yield
    }) : () -> ()
    %get3A = arith.constant 0 : index
    %get3A_3 = tpu.vector_load %arg12[%get3A] {strides = array<i32>} : memref<32xf32, #tpu.memory_space<vmem>>, vector<16xf32>,
    %get3A_4 = vector.shape_cast %get3A_3 : vector<16xf32> to vector<16xf32>
    %get3A_5 = arith.constant 16 : index
    %get3A_6 = tpu.vector_load %arg12[%get3A_5] {strides = array<i32>} : memref<32xf32, #tpu.memory_space<vmem>>, vector<16xf32>,
    %get3A_7 = vector.shape_cast %get3A_6 : vector<16xf32> to vector<16xf32>
    %get3A_8 = arith.constant 0 : index
    %get3A_9 = tpu.vector_load %arg13[%get3A_8] {strides = array<i32>} : memref<32xf32, #tpu.memory_space<vmem>>, vector<16xf32>,
    %get3A_10 = vector.shape_cast %get3A_9 : vector<16xf32> to vector<16xf32>
    %get3A_11 = arith.constant 16 : index
    %get3A_12 = tpu.vector_load %arg13[%get3A_11] {strides = array<i32>} : memref<32xf32, #tpu.memory_space<vmem>>, vector<16xf32>,
    %get3A_13 = vector.shape_cast %get3A_12 : vector<16xf32> to vector<16xf32>
    %iota3A = tpu.iota {dimensions = array<i32: 0>} : vector<16xi32>
    %xor3A = arith.constant 8 : i32
    %xor3A_14 = vector.broadcast %xor3A : i32 to vector<16xi32>
    %xor3A_15 = arith.xori %iota3A, %xor3A_14 : vector<16xi32>
    %xor3A_16 = arith.constant 4 : i32
    %xor3A_17 = vector.broadcast %xor3A_16 : i32 to vector<16xi32>
    %xor3A_18 = arith.xori %iota3A, %xor3A_17 : vector<16xi32>
    %xor3A_19 = arith.constant 2 : i32
    %xor3A_20 = vector.broadcast %xor3A_19 : i32 to vector<16xi32>
    %xor3A_21 = arith.xori %iota3A, %xor3A_20 : vector<16xi32>
    %xor3A_22 = arith.constant 1 : i32
    %xor3A_23 = vector.broadcast %xor3A_22 : i32 to vector<16xi32>
    %xor3A_24 = arith.xori %iota3A, %xor3A_23 : vector<16xi32>
    %mul3A_25 = arith.constant 0 : i32
    %mul3A_26 = arith.constant 1 : i32
    %mul3A_27 = arith.muli %mul3A_25, %mul3A_26 : i32
    %add3A_28 = arith.constant 0 : i32
    %add3A_29 = arith.addi %mul3A_27, %add3A_28 : i32
    %dma_start3A = arith.constant 0 : i32
    %dma_start3A_30 = arith.constant 0 : i32
    %dma_start3A_31 = arith.constant 0 : i32
    %dma_start3A_32 = arith.constant 0 : i32
    %dma_start3A_33 = tpu.memref_slice %arg9[%dma_start3A, %dma_start3A_30, %dma_start3A_31, %dma_start3A_32] : memref<8x1x200x32xf32, #tpu.memory_space<vmem>> -> memref<1x1x128x32xf32, #tpu.memory_space<vmem>>
    %dma_start3A_34 = tpu.memref_squeeze %dma_start3A_33 : memref<1x1x128x32xf32, #tpu.memory_space<vmem>> -> memref<128x32xf32, #tpu.memory_space<vmem>>
    %dma_start3A_35 = arith.constant 0 : i32
    %dma_start3A_36 = tpu.memref_slice %arg8[%add3A_29, %dma_start3A_35] : memref<128x200xi32, #tpu.memory_space<vmem>> -> memref<1x128xi32, #tpu.memory_space<vmem>>
    %dma_start3A_37 = tpu.memref_squeeze %dma_start3A_36 : memref<1x128xi32, #tpu.memory_space<vmem>> -> memref<128xi32, #tpu.memory_space<vmem>>
    %dma_start3A_38 = arith.constant 0 : i32
    %dma_start3A_39 = arith.constant 0 : i32
    %dma_start3A_40 = tpu.memref_slice %arg3[%dma_start3A_38, %dma_start3A_39] : memref<1000000x32xf32, #tpu.memory_space<hbm>> -> memref<1000000x32xf32, #tpu.memory_space<hbm>>
    tpu.enqueue_indirect_dma source(%dma_start3A_40 : memref<1000000x32xf32, #tpu.memory_space<hbm>>) target(%dma_start3A_34 : memref<128x32xf32, #tpu.memory_space<vmem>>) offsets(%dma_start3A_37 : memref<128xi32, #tpu.memory_space<vmem>>) semaphore(%arg14 : memref<!tpu.dma_semaphore, #tpu.memory_space<semaphore_mem>>)
    %mul3A_41 = arith.constant 0 : i32
    %mul3A_42 = arith.constant 1 : i32
    %mul3A_43 = arith.muli %mul3A_41, %mul3A_42 : i32
    %add3A_44 = arith.constant 0 : i32
    %add3A_45 = arith.addi %mul3A_43, %add3A_44 : i32
    %dma_start3A_46 = arith.constant 0 : i32
    %dma_start3A_47 = arith.constant 0 : i32
    %dma_start3A_48 = arith.constant 128 : i32
    %dma_start3A_49 = arith.constant 0 : i32
    %dma_start3A_50 = tpu.memref_slice %arg9[%dma_start3A_46, %dma_start3A_47, %dma_start3A_48, %dma_start3A_49] : memref<8x1x200x32xf32, #tpu.memory_space<vmem>> -> memref<1x1x72x32xf32, #tpu.memory_space<vmem>>
    %dma_start3A_51 = tpu.memref_squeeze %dma_start3A_50 : memref<1x1x72x32xf32, #tpu.memory_space<vmem>> -> memref<72x32xf32, #tpu.memory_space<vmem>>
    %dma_start3A_52 = arith.constant 128 : i32
    %dma_start3A_53 = tpu.memref_slice %arg8[%add3A_45, %dma_start3A_52] : memref<128x200xi32, #tpu.memory_space<vmem>> -> memref<1x72xi32, #tpu.memory_space<vmem>>
    %dma_start3A_54 = tpu.memref_squeeze %dma_start3A_53 : memref<1x72xi32, #tpu.memory_space<vmem>> -> memref<72xi32, #tpu.memory_space<vmem>>
    %dma_start3A_55 = arith.constant 0 : i32
    %dma_start3A_56 = arith.constant 0 : i32
    %dma_start3A_57 = tpu.memref_slice %arg3[%dma_start3A_55, %dma_start3A_56] : memref<1000000x32xf32, #tpu.memory_space<hbm>> -> memref<1000000x32xf32, #tpu.memory_space<hbm>>
    tpu.enqueue_indirect_dma source(%dma_start3A_57 : memref<1000000x32xf32, #tpu.memory_space<hbm>>) target(%dma_start3A_51 : memref<72x32xf32, #tpu.memory_space<vmem>>) offsets(%dma_start3A_54 : memref<72xi32, #tpu.memory_space<vmem>>) semaphore(%arg14 : memref<!tpu.dma_semaphore, #tpu.memory_space<semaphore_mem>>)
    %mul3A_58 = arith.constant 1 : i32
    %mul3A_59 = arith.constant 1 : i32
    %mul3A_60 = arith.muli %mul3A_58, %mul3A_59 : i32
    %add3A_61 = arith.constant 0 : i32
    %add3A_62 = arith.addi %mul3A_60, %add3A_61 : i32
    %dma_start3A_63 = arith.constant 1 : i32
    %dma_start3A_64 = arith.constant 0 : i32
    %dma_start3A_65 = arith.constant 0 : i32
    %dma_start3A_66 = arith.constant 0 : i32
    %dma_start3A_67 = tpu.memref_slice %arg9[%dma_start3A_63, %dma_start3A_64, %dma_start3A_65, %dma_start3A_66] : memref<8x1x200x32xf32, #tpu.memory_space<vmem>> -> memref<1x1x128x32xf32, #tpu.memory_space<vmem>>
    %dma_start3A_68 = tpu.memref_squeeze %dma_start3A_67 : memref<1x1x128x32xf32, #tpu.memory_space<vmem>> -> memref<128x32xf32, #tpu.memory_space<vmem>>
    %dma_start3A_69 = arith.constant 0 : i32
    %dma_start3A_70 = tpu.memref_slice %arg8[%add3A_62, %dma_start3A_69] : memref<128x200xi32, #tpu.memory_space<vmem>> -> memref<1x128xi32, #tpu.memory_space<vmem>>
    %dma_start3A_71 = tpu.memref_squeeze %dma_start3A_70 : memref<1x128xi32, #tpu.memory_space<vmem>> -> memref<128xi32, #tpu.memory_space<vmem>>
    %dma_start3A_72 = arith.constant 0 : i32
    %dma_start3A_73 = arith.constant 0 : i32
    %dma_start3A_74 = tpu.memref_slice %arg3[%dma_start3A_72, %dma_start3A_73] : memref<1000000x32xf32, #tpu.memory_space<hbm>> -> memref<1000000x32xf32, #tpu.memory_space<hbm>>
    tpu.enqueue_indirect_dma source(%dma_start3A_74 : memref<1000000x32xf32, #tpu.memory_space<hbm>>) target(%dma_start3A_68 : memref<128x32xf32, #tpu.memory_space<vmem>>) offsets(%dma_start3A_71 : memref<128xi32, #tpu.memory_space<vmem>>) semaphore(%arg15 : memref<!tpu.dma_semaphore, #tpu.memory_space<semaphore_mem>>)
    %mul3A_75 = arith.constant 1 : i32
    %mul3A_76 = arith.constant 1 : i32
    %mul3A_77 = arith.muli %mul3A_75, %mul3A_76 : i32
    %add3A_78 = arith.constant 0 : i32
    %add3A_79 = arith.addi %mul3A_77, %add3A_78 : i32
    %dma_start3A_80 = arith.constant 1 : i32
    %dma_start3A_81 = arith.constant 0 : i32
    %dma_start3A_82 = arith.constant 128 : i32
    %dma_start3A_83 = arith.constant 0 : i32
    %dma_start3A_84 = tpu.memref_slice %arg9[%dma_start3A_80, %dma_start3A_81, %dma_start3A_82, %dma_start3A_83] : memref<8x1x200x32xf32, #tpu.memory_space<vmem>> -> memref<1x1x72x32xf32, #tpu.memory_space<vmem>>
    %dma_start3A_85 = tpu.memref_squeeze %dma_start3A_84 : memref<1x1x72x32xf32, #tpu.memory_space<vmem>> -> memref<72x32xf32, #tpu.memory_space<vmem>>
    %dma_start3A_86 = arith.constant 128 : i32
    %dma_start3A_87 = tpu.memref_slice %arg8[%add3A_79, %dma_start3A_86] : memref<128x200xi32, #tpu.memory_space<vmem>> -> memref<1x72xi32, #tpu.memory_space<vmem>>
    %dma_start3A_88 = tpu.memref_squeeze %dma_start3A_87 : memref<1x72xi32, #tpu.memory_space<vmem>> -> memref<72xi32, #tpu.memory_space<vmem>>
    %dma_start3A_89 = arith.constant 0 : i32
    %dma_start3A_90 = arith.constant 0 : i32
    %dma_start3A_91 = tpu.memref_slice %arg3[%dma_start3A_89, %dma_start3A_90] : memref<1000000x32xf32, #tpu.memory_space<hbm>> -> memref<1000000x32xf32, #tpu.memory_space<hbm>>
    tpu.enqueue_indirect_dma source(%dma_start3A_91 : memref<1000000x32xf32, #tpu.memory_space<hbm>>) target(%dma_start3A_85 : memref<72x32xf32, #tpu.memory_space<vmem>>) offsets(%dma_start3A_88 : memref<72xi32, #tpu.memory_space<vmem>>) semaphore(%arg15 : memref<!tpu.dma_semaphore, #tpu.memory_space<semaphore_mem>>)
    %mul3A_92 = arith.constant 2 : i32
    %mul3A_93 = arith.constant 1 : i32
    %mul3A_94 = arith.muli %mul3A_92, %mul3A_93 : i32
    %add3A_95 = arith.constant 0 : i32
    %add3A_96 = arith.addi %mul3A_94, %add3A_95 : i32
    %dma_start3A_97 = arith.constant 2 : i32
    %dma_start3A_98 = arith.constant 0 : i32
    %dma_start3A_99 = arith.constant 0 : i32
    %dma_start3A_100 = arith.constant 0 : i32
    %dma_start3A_101 = tpu.memref_slice %arg9[%dma_start3A_97, %dma_start3A_98, %dma_start3A_99, %dma_start3A_100] : memref<8x1x200x32xf32, #tpu.memory_space<vmem>> -> memref<1x1x128x32xf32, #tpu.memory_space<vmem>>
    %dma_start3A_102 = tpu.memref_squeeze %dma_start3A_101 : memref<1x1x128x32xf32, #tpu.memory_space<vmem>> -> memref<128x32xf32, #tpu.memory_space<vmem>>
    %dma_start3A_103 = arith.constant 0 : i32
    %dma_start3A_104 = tpu.memref_slice %arg8[%add3A_96, %dma_start3A_103] : memref<128x200xi32, #tpu.memory_space<vmem>> -> memref<1x128xi32, #tpu.memory_space<vmem>>
    %dma_start3A_105 = tpu.memref_squeeze %dma_start3A_104 : memref<1x128xi32, #tpu.memory_space<vmem>> -> memref<128xi32, #tpu.memory_space<vmem>>
    %dma_start3A_106 = arith.constant 0 : i32
    %dma_start3A_107 = arith.constant 0 : i32
    %dma_start3A_108 = tpu.memref_slice %arg3[%dma_start3A_106, %dma_start3A_107] : memref<1000000x32xf32, #tpu.memory_space<hbm>> -> memref<1000000x32xf32, #tpu.memory_space<hbm>>
    tpu.enqueue_indirect_dma source(%dma_start3A_108 : memref<1000000x32xf32, #tpu.memory_space<hbm>>) target(%dma_start3A_102 : memref<128x32xf32, #tpu.memory_space<vmem>>) offsets(%dma_start3A_105 : memref<128xi32, #tpu.memory_space<vmem>>) semaphore(%arg16 : memref<!tpu.dma_semaphore, #tpu.memory_space<semaphore_mem>>)
    %mul3A_109 = arith.constant 2 : i32
    %mul3A_110 = arith.constant 1 : i32
    %mul3A_111 = arith.muli %mul3A_109, %mul3A_110 : i32
    %add3A_112 = arith.constant 0 : i32
    %add3A_113 = arith.addi %mul3A_111, %add3A_112 : i32
    %dma_start3A_114 = arith.constant 2 : i32
    %dma_start3A_115 = arith.constant 0 : i32
    %dma_start3A_116 = arith.constant 128 : i32
    %dma_start3A_117 = arith.constant 0 : i32
    %dma_start3A_118 = tpu.memref_slice %arg9[%dma_start3A_114, %dma_start3A_115, %dma_start3A_116, %dma_start3A_117] : memref<8x1x200x32xf32, #tpu.memory_space<vmem>> -> memref<1x1x72x32xf32, #tpu.memory_space<vmem>>
    %dma_start3A_119 = tpu.memref_squeeze %dma_start3A_118 : memref<1x1x72x32xf32, #tpu.memory_space<vmem>> -> memref<72x32xf32, #tpu.memory_space<vmem>>
    %dma_start3A_120 = arith.constant 128 : i32
    %dma_start3A_121 = tpu.memref_slice %arg8[%add3A_113, %dma_start3A_120] : memref<128x200xi32, #tpu.memory_space<vmem>> -> memref<1x72xi32, #tpu.memory_space<vmem>>
    %dma_start3A_122 = tpu.memref_squeeze %dma_start3A_121 : memref<1x72xi32, #tpu.memory_space<vmem>> -> memref<72xi32, #tpu.memory_space<vmem>>
    %dma_start3A_123 = arith.constant 0 : i32
    %dma_start3A_124 = arith.constant 0 : i32
    %dma_start3A_125 = tpu.memref_slice %arg3[%dma_start3A_123, %dma_start3A_124] : memref<1000000x32xf32, #tpu.memory_space<hbm>> -> memref<1000000x32xf32, #tpu.memory_space<hbm>>
    tpu.enqueue_indirect_dma source(%dma_start3A_125 : memref<1000000x32xf32, #tpu.memory_space<hbm>>) target(%dma_start3A_119 : memref<72x32xf32, #tpu.memory_space<vmem>>) offsets(%dma_start3A_122 : memref<72xi32, #tpu.memory_space<vmem>>) semaphore(%arg16 : memref<!tpu.dma_semaphore, #tpu.memory_space<semaphore_mem>>)
    %mul3A_126 = arith.constant 3 : i32
    %mul3A_127 = arith.constant 1 : i32
    %mul3A_128 = arith.muli %mul3A_126, %mul3A_127 : i32
    %add3A_129 = arith.constant 0 : i32
    %add3A_130 = arith.addi %mul3A_128, %add3A_129 : i32
    %dma_start3A_131 = arith.constant 3 : i32
    %dma_start3A_132 = arith.constant 0 : i32
    %dma_start3A_133 = arith.constant 0 : i32
    %dma_start3A_134 = arith.constant 0 : i32
    %dma_start3A_135 = tpu.memref_slice %arg9[%dma_start3A_131, %dma_start3A_132, %dma_start3A_133, %dma_start3A_134] : memref<8x1x200x32xf32, #tpu.memory_space<vmem>> -> memref<1x1x128x32xf32, #tpu.memory_space<vmem>>
    %dma_start3A_136 = tpu.memref_squeeze %dma_start3A_135 : memref<1x1x128x32xf32, #tpu.memory_space<vmem>> -> memref<128x32xf32, #tpu.memory_space<vmem>>
    %dma_start3A_137 = arith.constant 0 : i32
    %dma_start3A_138 = tpu.memref_slice %arg8[%add3A_130, %dma_start3A_137] : memref<128x200xi32, #tpu.memory_space<vmem>> -> memref<1x128xi32, #tpu.memory_space<vmem>>
    %dma_start3A_139 = tpu.memref_squeeze %dma_start3A_138 : memref<1x128xi32, #tpu.memory_space<vmem>> -> memref<128xi32, #tpu.memory_space<vmem>>
    %dma_start3A_140 = arith.constant 0 : i32
    %dma_start3A_141 = arith.constant 0 : i32
    %dma_start3A_142 = tpu.memref_slice %arg3[%dma_start3A_140, %dma_start3A_141] : memref<1000000x32xf32, #tpu.memory_space<hbm>> -> memref<1000000x32xf32, #tpu.memory_space<hbm>>
    tpu.enqueue_indirect_dma source(%dma_start3A_142 : memref<1000000x32xf32, #tpu.memory_space<hbm>>) target(%dma_start3A_136 : memref<128x32xf32, #tpu.memory_space<vmem>>) offsets(%dma_start3A_139 : memref<128xi32, #tpu.memory_space<vmem>>) semaphore(%arg17 : memref<!tpu.dma_semaphore, #tpu.memory_space<semaphore_mem>>)
    %mul3A_143 = arith.constant 3 : i32
    %mul3A_144 = arith.constant 1 : i32
    %mul3A_145 = arith.muli %mul3A_143, %mul3A_144 : i32
    %add3A_146 = arith.constant 0 : i32
    %add3A_147 = arith.addi %mul3A_145, %add3A_146 : i32
    %dma_start3A_148 = arith.constant 3 : i32
    %dma_start3A_149 = arith.constant 0 : i32
    %dma_start3A_150 = arith.constant 128 : i32
    %dma_start3A_151 = arith.constant 0 : i32
    %dma_start3A_152 = tpu.memref_slice %arg9[%dma_start3A_148, %dma_start3A_149, %dma_start3A_150, %dma_start3A_151] : memref<8x1x200x32xf32, #tpu.memory_space<vmem>> -> memref<1x1x72x32xf32, #tpu.memory_space<vmem>>
    %dma_start3A_153 = tpu.memref_squeeze %dma_start3A_152 : memref<1x1x72x32xf32, #tpu.memory_space<vmem>> -> memref<72x32xf32, #tpu.memory_space<vmem>>
    %dma_start3A_154 = arith.constant 128 : i32
    %dma_start3A_155 = tpu.memref_slice %arg8[%add3A_147, %dma_start3A_154] : memref<128x200xi32, #tpu.memory_space<vmem>> -> memref<1x72xi32, #tpu.memory_space<vmem>>
    %dma_start3A_156 = tpu.memref_squeeze %dma_start3A_155 : memref<1x72xi32, #tpu.memory_space<vmem>> -> memref<72xi32, #tpu.memory_space<vmem>>
    %dma_start3A_157 = arith.constant 0 : i32
    %dma_start3A_158 = arith.constant 0 : i32
    %dma_start3A_159 = tpu.memref_slice %arg3[%dma_start3A_157, %dma_start3A_158] : memref<1000000x32xf32, #tpu.memory_space<hbm>> -> memref<1000000x32xf32, #tpu.memory_space<hbm>>
    tpu.enqueue_indirect_dma source(%dma_start3A_159 : memref<1000000x32xf32, #tpu.memory_space<hbm>>) target(%dma_start3A_153 : memref<72x32xf32, #tpu.memory_space<vmem>>) offsets(%dma_start3A_156 : memref<72xi32, #tpu.memory_space<vmem>>) semaphore(%arg17 : memref<!tpu.dma_semaphore, #tpu.memory_space<semaphore_mem>>)
    %mul3A_160 = arith.constant 4 : i32
    %mul3A_161 = arith.constant 1 : i32
    %mul3A_162 = arith.muli %mul3A_160, %mul3A_161 : i32
    %add3A_163 = arith.constant 0 : i32
    %add3A_164 = arith.addi %mul3A_162, %add3A_163 : i32
    %dma_start3A_165 = arith.constant 4 : i32
    %dma_start3A_166 = arith.constant 0 : i32
    %dma_start3A_167 = arith.constant 0 : i32
    %dma_start3A_168 = arith.constant 0 : i32
    %dma_start3A_169 = tpu.memref_slice %arg9[%dma_start3A_165, %dma_start3A_166, %dma_start3A_167, %dma_start3A_168] : memref<8x1x200x32xf32, #tpu.memory_space<vmem>> -> memref<1x1x128x32xf32, #tpu.memory_space<vmem>>
    %dma_start3A_170 = tpu.memref_squeeze %dma_start3A_169 : memref<1x1x128x32xf32, #tpu.memory_space<vmem>> -> memref<128x32xf32, #tpu.memory_space<vmem>>
    %dma_start3A_171 = arith.constant 0 : i32
    %dma_start3A_172 = tpu.memref_slice %arg8[%add3A_164, %dma_start3A_171] : memref<128x200xi32, #tpu.memory_space<vmem>> -> memref<1x128xi32, #tpu.memory_space<vmem>>
    %dma_start3A_173 = tpu.memref_squeeze %dma_start3A_172 : memref<1x128xi32, #tpu.memory_space<vmem>> -> memref<128xi32, #tpu.memory_space<vmem>>
    %dma_start3A_174 = arith.constant 0 : i32
    %dma_start3A_175 = arith.constant 0 : i32
    %dma_start3A_176 = tpu.memref_slice %arg3[%dma_start3A_174, %dma_start3A_175] : memref<1000000x32xf32, #tpu.memory_space<hbm>> -> memref<1000000x32xf32, #tpu.memory_space<hbm>>
    tpu.enqueue_indirect_dma source(%dma_start3A_176 : memref<1000000x32xf32, #tpu.memory_space<hbm>>) target(%dma_start3A_170 : memref<128x32xf32, #tpu.memory_space<vmem>>) offsets(%dma_start3A_173 : memref<128xi32, #tpu.memory_space<vmem>>) semaphore(%arg18 : memref<!tpu.dma_semaphore, #tpu.memory_space<semaphore_mem>>)
    %mul3A_177 = arith.constant 4 : i32
    %mul3A_178 = arith.constant 1 : i32
    %mul3A_179 = arith.muli %mul3A_177, %mul3A_178 : i32
    %add3A_180 = arith.constant 0 : i32
    %add3A_181 = arith.addi %mul3A_179, %add3A_180 : i32
    %dma_start3A_182 = arith.constant 4 : i32
    %dma_start3A_183 = arith.constant 0 : i32
    %dma_start3A_184 = arith.constant 128 : i32
    %dma_start3A_185 = arith.constant 0 : i32
    %dma_start3A_186 = tpu.memref_slice %arg9[%dma_start3A_182, %dma_start3A_183, %dma_start3A_184, %dma_start3A_185] : memref<8x1x200x32xf32, #tpu.memory_space<vmem>> -> memref<1x1x72x32xf32, #tpu.memory_space<vmem>>
    %dma_start3A_187 = tpu.memref_squeeze %dma_start3A_186 : memref<1x1x72x32xf32, #tpu.memory_space<vmem>> -> memref<72x32xf32, #tpu.memory_space<vmem>>
    %dma_start3A_188 = arith.constant 128 : i32
    %dma_start3A_189 = tpu.memref_slice %arg8[%add3A_181, %dma_start3A_188] : memref<128x200xi32, #tpu.memory_space<vmem>> -> memref<1x72xi32, #tpu.memory_space<vmem>>
    %dma_start3A_190 = tpu.memref_squeeze %dma_start3A_189 : memref<1x72xi32, #tpu.memory_space<vmem>> -> memref<72xi32, #tpu.memory_space<vmem>>
    %dma_start3A_191 = arith.constant 0 : i32
    %dma_start3A_192 = arith.constant 0 : i32
    %dma_start3A_193 = tpu.memref_slice %arg3[%dma_start3A_191, %dma_start3A_192] : memref<1000000x32xf32, #tpu.memory_space<hbm>> -> memref<1000000x32xf32, #tpu.memory_space<hbm>>
    tpu.enqueue_indirect_dma source(%dma_start3A_193 : memref<1000000x32xf32, #tpu.memory_space<hbm>>) target(%dma_start3A_187 : memref<72x32xf32, #tpu.memory_space<vmem>>) offsets(%dma_start3A_190 : memref<72xi32, #tpu.memory_space<vmem>>) semaphore(%arg18 : memref<!tpu.dma_semaphore, #tpu.memory_space<semaphore_mem>>)
    %mul3A_194 = arith.constant 5 : i32
    %mul3A_195 = arith.constant 1 : i32
    %mul3A_196 = arith.muli %mul3A_194, %mul3A_195 : i32
    %add3A_197 = arith.constant 0 : i32
    %add3A_198 = arith.addi %mul3A_196, %add3A_197 : i32
    %dma_start3A_199 = arith.constant 5 : i32
    %dma_start3A_200 = arith.constant 0 : i32
    %dma_start3A_201 = arith.constant 0 : i32
    %dma_start3A_202 = arith.constant 0 : i32
    %dma_start3A_203 = tpu.memref_slice %arg9[%dma_start3A_199, %dma_start3A_200, %dma_start3A_201, %dma_start3A_202] : memref<8x1x200x32xf32, #tpu.memory_space<vmem>> -> memref<1x1x128x32xf32, #tpu.memory_space<vmem>>
    %dma_start3A_204 = tpu.memref_squeeze %dma_start3A_203 : memref<1x1x128x32xf32, #tpu.memory_space<vmem>> -> memref<128x32xf32, #tpu.memory_space<vmem>>
    %dma_start3A_205 = arith.constant 0 : i32
    %dma_start3A_206 = tpu.memref_slice %arg8[%add3A_198, %dma_start3A_205] : memref<128x200xi32, #tpu.memory_space<vmem>> -> memref<1x128xi32, #tpu.memory_space<vmem>>
    %dma_start3A_207 = tpu.memref_squeeze %dma_start3A_206 : memref<1x128xi32, #tpu.memory_space<vmem>> -> memref<128xi32, #tpu.memory_space<vmem>>
    %dma_start3A_208 = arith.constant 0 : i32
    %dma_start3A_209 = arith.constant 0 : i32
    %dma_start3A_210 = tpu.memref_slice %arg3[%dma_start3A_208, %dma_start3A_209] : memref<1000000x32xf32, #tpu.memory_space<hbm>> -> memref<1000000x32xf32, #tpu.memory_space<hbm>>
    tpu.enqueue_indirect_dma source(%dma_start3A_210 : memref<1000000x32xf32, #tpu.memory_space<hbm>>) target(%dma_start3A_204 : memref<128x32xf32, #tpu.memory_space<vmem>>) offsets(%dma_start3A_207 : memref<128xi32, #tpu.memory_space<vmem>>) semaphore(%arg19 : memref<!tpu.dma_semaphore, #tpu.memory_space<semaphore_mem>>)
    %mul3A_211 = arith.constant 5 : i32
    %mul3A_212 = arith.constant 1 : i32
    %mul3A_213 = arith.muli %mul3A_211, %mul3A_212 : i32
    %add3A_214 = arith.constant 0 : i32
    %add3A_215 = arith.addi %mul3A_213, %add3A_214 : i32
    %dma_start3A_216 = arith.constant 5 : i32
    %dma_start3A_217 = arith.constant 0 : i32
    %dma_start3A_218 = arith.constant 128 : i32
    %dma_start3A_219 = arith.constant 0 : i32
    %dma_start3A_220 = tpu.memref_slice %arg9[%dma_start3A_216, %dma_start3A_217, %dma_start3A_218, %dma_start3A_219] : memref<8x1x200x32xf32, #tpu.memory_space<vmem>> -> memref<1x1x72x32xf32, #tpu.memory_space<vmem>>
    %dma_start3A_221 = tpu.memref_squeeze %dma_start3A_220 : memref<1x1x72x32xf32, #tpu.memory_space<vmem>> -> memref<72x32xf32, #tpu.memory_space<vmem>>
    %dma_start3A_222 = arith.constant 128 : i32
    %dma_start3A_223 = tpu.memref_slice %arg8[%add3A_215, %dma_start3A_222] : memref<128x200xi32, #tpu.memory_space<vmem>> -> memref<1x72xi32, #tpu.memory_space<vmem>>
    %dma_start3A_224 = tpu.memref_squeeze %dma_start3A_223 : memref<1x72xi32, #tpu.memory_space<vmem>> -> memref<72xi32, #tpu.memory_space<vmem>>
    %dma_start3A_225 = arith.constant 0 : i32
    %dma_start3A_226 = arith.constant 0 : i32
    %dma_start3A_227 = tpu.memref_slice %arg3[%dma_start3A_225, %dma_start3A_226] : memref<1000000x32xf32, #tpu.memory_space<hbm>> -> memref<1000000x32xf32, #tpu.memory_space<hbm>>
    tpu.enqueue_indirect_dma source(%dma_start3A_227 : memref<1000000x32xf32, #tpu.memory_space<hbm>>) target(%dma_start3A_221 : memref<72x32xf32, #tpu.memory_space<vmem>>) offsets(%dma_start3A_224 : memref<72xi32, #tpu.memory_space<vmem>>) semaphore(%arg19 : memref<!tpu.dma_semaphore, #tpu.memory_space<semaphore_mem>>)
    %scan3A = arith.constant 0 : i32
    %scan3A_228 = arith.constant 0 : i32
    %scan3A_229 = arith.constant 16 : i32
    %scan3A_230 = arith.addi %scan3A_228, %scan3A_229 : i32
    %scan3A_231 = arith.constant 1 : i32
    scf.for %scan3A_292 = %scan3A_228 to %scan3A_230 step %scan3A_231  : i32 {
      %mul3A_293 = arith.constant 8 : i32
      %mul3A_294 = arith.muli %scan3A_292, %mul3A_293 : i32
      %add3A_295 = arith.constant 0 : i32
      %add3A_296 = arith.addi %mul3A_294, %add3A_295 : i32
      %dma_wait3A_297 = arith.constant 0 : i32
      %dma_wait3A_298 = arith.constant 0 : i32
      %dma_wait3A_299 = arith.constant 0 : i32
      %dma_wait3A_300 = arith.constant 0 : i32
      %dma_wait3A_301 = tpu.memref_slice %arg9[%dma_wait3A_297, %dma_wait3A_298, %dma_wait3A_299, %dma_wait3A_300] : memref<8x1x200x32xf32, #tpu.memory_space<vmem>> -> memref<1x1x200x32xf32, #tpu.memory_space<vmem>>
      %dma_wait3A_302 = tpu.memref_squeeze %dma_wait3A_301 : memref<1x1x200x32xf32, #tpu.memory_space<vmem>> -> memref<200x32xf32, #tpu.memory_space<vmem>>
      %dma_wait3A_303 = arith.constant 0 : i32
      %dma_wait3A_304 = arith.constant 0 : i32
      %dma_wait3A_305 = tpu.memref_slice %arg3[%dma_wait3A_303, %dma_wait3A_304] : memref<1000000x32xf32, #tpu.memory_space<hbm>> -> memref<200x32xf32, #tpu.memory_space<hbm>>
      %dma_wait3A_306 = arith.constant 0 : i32
      %dma_wait3A_307 = arith.constant 0 : i32
      %dma_wait3A_308 = tpu.memref_slice %arg9[%dma_wait3A_297, %dma_wait3A_298, %dma_wait3A_306, %dma_wait3A_307] : memref<8x1x200x32xf32, #tpu.memory_space<vmem>> -> memref<1x1x200x32xf32, #tpu.memory_space<vmem>>
      %dma_wait3A_309 = tpu.memref_squeeze %dma_wait3A_308 : memref<1x1x200x32xf32, #tpu.memory_space<vmem>> -> memref<200x32xf32, #tpu.memory_space<vmem>>
      %dma_wait3A_310 = arith.constant 0 : i32
      %dma_wait3A_311 = arith.constant 0 : i32
      %dma_wait3A_312 = tpu.memref_slice %arg3[%dma_wait3A_310, %dma_wait3A_311] : memref<1000000x32xf32, #tpu.memory_space<hbm>> -> memref<200x32xf32, #tpu.memory_space<hbm>>
      tpu.wait_dma2 semaphore(%arg14 : memref<!tpu.dma_semaphore, #tpu.memory_space<semaphore_mem>>) src(%dma_wait3A_312 : memref<200x32xf32, #tpu.memory_space<hbm>>) dst(%dma_wait3A_309 : memref<200x32xf32, #tpu.memory_space<vmem>>)
      %ge3A = arith.constant 4 : i32
      %ge3A_313 = arith.cmpi sge, %add3A_296, %ge3A : i32
      %convert_element_type3A = arith.extui %ge3A_313 : i1 to i32
      %cond3A = arith.constant 0 : i32
      %cond3A_314 = arith.cmpi ne, %convert_element_type3A, %cond3A : i32
      scf.if %cond3A_314 {
        %dma_wait3A_696 = arith.constant 0 : i32
        %dma_wait3A_697 = arith.constant 0 : i32
        %dma_wait3A_698 = arith.constant 0 : i32
        %dma_wait3A_699 = tpu.memref_slice %arg10[%dma_wait3A_696, %dma_wait3A_697, %dma_wait3A_698] : memref<4x50x128xf32, #tpu.memory_space<vmem>> -> memref<1x50x128xf32, #tpu.memory_space<vmem>>
        %dma_wait3A_700 = tpu.memref_squeeze %dma_wait3A_699 : memref<1x50x128xf32, #tpu.memory_space<vmem>> -> memref<50x128xf32, #tpu.memory_space<vmem>>
        %dma_wait3A_701 = arith.constant 0 : i32
        %dma_wait3A_702 = arith.constant 0 : i32
        %dma_wait3A_703 = tpu.memref_slice %arg7[%dma_wait3A_701, %dma_wait3A_702] : memref<204800x128xf32, #tpu.memory_space<hbm>> -> memref<50x128xf32, #tpu.memory_space<hbm>>
        %dma_wait3A_704 = arith.constant 0 : i32
        %dma_wait3A_705 = arith.constant 0 : i32
        %dma_wait3A_706 = tpu.memref_slice %arg7[%dma_wait3A_704, %dma_wait3A_705] : memref<204800x128xf32, #tpu.memory_space<hbm>> -> memref<50x128xf32, #tpu.memory_space<hbm>>
        %dma_wait3A_707 = arith.constant 0 : i32
        %dma_wait3A_708 = arith.constant 0 : i32
        %dma_wait3A_709 = tpu.memref_slice %arg10[%dma_wait3A_696, %dma_wait3A_707, %dma_wait3A_708] : memref<4x50x128xf32, #tpu.memory_space<vmem>> -> memref<1x50x128xf32, #tpu.memory_space<vmem>>
        %dma_wait3A_710 = tpu.memref_squeeze %dma_wait3A_709 : memref<1x50x128xf32, #tpu.memory_space<vmem>> -> memref<50x128xf32, #tpu.memory_space<vmem>>
        tpu.wait_dma2 semaphore(%arg22 : memref<!tpu.dma_semaphore, #tpu.memory_space<semaphore_mem>>) src(%dma_wait3A_710 : memref<50x128xf32, #tpu.memory_space<vmem>>) dst(%dma_wait3A_706 : memref<50x128xf32, #tpu.memory_space<hbm>>)
      } else {
      }
      %parallel_loop3A = arith.constant 0 : i32
      %parallel_loop3A_315 = arith.constant 200 : i32
      %parallel_loop3A_316 = arith.constant 1 : i32
      scf.for %parallel_loop3A_696 = %parallel_loop3A to %parallel_loop3A_315 step %parallel_loop3A_316  : i32 {
        %parallel_loop3A_697 = arith.constant 0 : i32
        %parallel_loop3A_698 = arith.constant 0 : i32
        %parallel_loop3A_699 = arith.index_cast %parallel_loop3A_697 : i32 to index
        %parallel_loop3A_700 = arith.index_cast %parallel_loop3A_698 : i32 to index
        %parallel_loop3A_701 = arith.index_cast %parallel_loop3A_696 : i32 to index
        %parallel_loop3A_702 = arith.constant 0 : index
        %parallel_loop3A_703 = tpu.vector_load %arg9[%parallel_loop3A_699, %parallel_loop3A_700, %parallel_loop3A_701, %parallel_loop3A_702] {strides = array<i32>} : memref<8x1x200x32xf32, #tpu.memory_space<vmem>>, vector<1x1x1x16xf32>,
        %parallel_loop3A_704 = vector.shape_cast %parallel_loop3A_703 : vector<1x1x1x16xf32> to vector<16xf32>
        %parallel_loop3A_705 = arith.constant 0 : i32
        %parallel_loop3A_706 = arith.constant 0 : i32
        %parallel_loop3A_707 = arith.index_cast %parallel_loop3A_705 : i32 to index
        %parallel_loop3A_708 = arith.index_cast %parallel_loop3A_706 : i32 to index
        %parallel_loop3A_709 = arith.index_cast %parallel_loop3A_696 : i32 to index
        %parallel_loop3A_710 = arith.constant 16 : index
        %parallel_loop3A_711 = tpu.vector_load %arg9[%parallel_loop3A_707, %parallel_loop3A_708, %parallel_loop3A_709, %parallel_loop3A_710] {strides = array<i32>} : memref<8x1x200x32xf32, #tpu.memory_space<vmem>>, vector<1x1x1x16xf32>,
        %parallel_loop3A_712 = vector.shape_cast %parallel_loop3A_711 : vector<1x1x1x16xf32> to vector<16xf32>
        %parallel_loop3A_713 = arith.index_cast %parallel_loop3A_696 : i32 to index
        %parallel_loop3A_714 = arith.constant 0 : index
        %parallel_loop3A_715 = tpu.vector_load %arg11[%parallel_loop3A_713, %parallel_loop3A_714] {strides = array<i32>} : memref<200x32xf32, #tpu.memory_space<vmem>>, vector<1x16xf32>,
        %parallel_loop3A_716 = vector.shape_cast %parallel_loop3A_715 : vector<1x16xf32> to vector<16xf32>
        %parallel_loop3A_717 = arith.addf %parallel_loop3A_704, %parallel_loop3A_716 : vector<16xf32>
        %parallel_loop3A_718 = arith.index_cast %parallel_loop3A_696 : i32 to index
        %parallel_loop3A_719 = arith.constant 16 : index
        %parallel_loop3A_720 = tpu.vector_load %arg11[%parallel_loop3A_718, %parallel_loop3A_719] {strides = array<i32>} : memref<200x32xf32, #tpu.memory_space<vmem>>, vector<1x16xf32>,
        %parallel_loop3A_721 = vector.shape_cast %parallel_loop3A_720 : vector<1x16xf32> to vector<16xf32>
        %parallel_loop3A_722 = arith.addf %parallel_loop3A_712, %parallel_loop3A_721 : vector<16xf32>
        %parallel_loop3A_723 = arith.addf %parallel_loop3A_717, %parallel_loop3A_722 : vector<16xf32>
        %parallel_loop3A_724 = arith.mulf %parallel_loop3A_717, %parallel_loop3A_717 : vector<16xf32>
        %parallel_loop3A_725 = arith.mulf %parallel_loop3A_722, %parallel_loop3A_722 : vector<16xf32>
        %parallel_loop3A_726 = arith.addf %parallel_loop3A_724, %parallel_loop3A_725 : vector<16xf32>
        %parallel_loop3A_727 = vector.shape_cast %xor3A_15 : vector<16xi32> to vector<16x1xi32>
        %parallel_loop3A_728 = vector.shape_cast %parallel_loop3A_727 : vector<16x1xi32> to vector<16xi32>
        %parallel_loop3A_729 = tpu.dynamic_gather %parallel_loop3A_723[%parallel_loop3A_728] in [0] : vector<16xf32>, vector<16xi32> -> vector<16xf32>
        %parallel_loop3A_730 = arith.addf %parallel_loop3A_723, %parallel_loop3A_729 : vector<16xf32>
        %parallel_loop3A_731 = vector.shape_cast %xor3A_15 : vector<16xi32> to vector<16x1xi32>
        %parallel_loop3A_732 = vector.shape_cast %parallel_loop3A_731 : vector<16x1xi32> to vector<16xi32>
        %parallel_loop3A_733 = tpu.dynamic_gather %parallel_loop3A_726[%parallel_loop3A_732] in [0] : vector<16xf32>, vector<16xi32> -> vector<16xf32>
        %parallel_loop3A_734 = arith.addf %parallel_loop3A_726, %parallel_loop3A_733 : vector<16xf32>
        %parallel_loop3A_735 = vector.shape_cast %xor3A_18 : vector<16xi32> to vector<16x1xi32>
        %parallel_loop3A_736 = vector.shape_cast %parallel_loop3A_735 : vector<16x1xi32> to vector<16xi32>
        %parallel_loop3A_737 = tpu.dynamic_gather %parallel_loop3A_730[%parallel_loop3A_736] in [0] : vector<16xf32>, vector<16xi32> -> vector<16xf32>
        %parallel_loop3A_738 = arith.addf %parallel_loop3A_730, %parallel_loop3A_737 : vector<16xf32>
        %parallel_loop3A_739 = vector.shape_cast %xor3A_18 : vector<16xi32> to vector<16x1xi32>
        %parallel_loop3A_740 = vector.shape_cast %parallel_loop3A_739 : vector<16x1xi32> to vector<16xi32>
        %parallel_loop3A_741 = tpu.dynamic_gather %parallel_loop3A_734[%parallel_loop3A_740] in [0] : vector<16xf32>, vector<16xi32> -> vector<16xf32>
        %parallel_loop3A_742 = arith.addf %parallel_loop3A_734, %parallel_loop3A_741 : vector<16xf32>
        %parallel_loop3A_743 = vector.shape_cast %xor3A_21 : vector<16xi32> to vector<16x1xi32>
        %parallel_loop3A_744 = vector.shape_cast %parallel_loop3A_743 : vector<16x1xi32> to vector<16xi32>
        %parallel_loop3A_745 = tpu.dynamic_gather %parallel_loop3A_738[%parallel_loop3A_744] in [0] : vector<16xf32>, vector<16xi32> -> vector<16xf32>
        %parallel_loop3A_746 = arith.addf %parallel_loop3A_738, %parallel_loop3A_745 : vector<16xf32>
        %parallel_loop3A_747 = vector.shape_cast %xor3A_21 : vector<16xi32> to vector<16x1xi32>
        %parallel_loop3A_748 = vector.shape_cast %parallel_loop3A_747 : vector<16x1xi32> to vector<16xi32>
        %parallel_loop3A_749 = tpu.dynamic_gather %parallel_loop3A_742[%parallel_loop3A_748] in [0] : vector<16xf32>, vector<16xi32> -> vector<16xf32>
        %parallel_loop3A_750 = arith.addf %parallel_loop3A_742, %parallel_loop3A_749 : vector<16xf32>
        %parallel_loop3A_751 = vector.shape_cast %xor3A_24 : vector<16xi32> to vector<16x1xi32>
        %parallel_loop3A_752 = vector.shape_cast %parallel_loop3A_751 : vector<16x1xi32> to vector<16xi32>
        %parallel_loop3A_753 = tpu.dynamic_gather %parallel_loop3A_746[%parallel_loop3A_752] in [0] : vector<16xf32>, vector<16xi32> -> vector<16xf32>
        %parallel_loop3A_754 = arith.addf %parallel_loop3A_746, %parallel_loop3A_753 : vector<16xf32>
        %parallel_loop3A_755 = vector.shape_cast %xor3A_24 : vector<16xi32> to vector<16x1xi32>
        %parallel_loop3A_756 = vector.shape_cast %parallel_loop3A_755 : vector<16x1xi32> to vector<16xi32>
        %parallel_loop3A_757 = tpu.dynamic_gather %parallel_loop3A_750[%parallel_loop3A_756] in [0] : vector<16xf32>, vector<16xi32> -> vector<16xf32>
        %parallel_loop3A_758 = arith.addf %parallel_loop3A_750, %parallel_loop3A_757 : vector<16xf32>
        %parallel_loop3A_759 = arith.constant 3.125000e-02 : f32
        %parallel_loop3A_760 = vector.broadcast %parallel_loop3A_759 : f32 to vector<16xf32>
        %parallel_loop3A_761 = arith.mulf %parallel_loop3A_754, %parallel_loop3A_760 : vector<16xf32>
        %parallel_loop3A_762 = arith.constant 3.125000e-02 : f32
        %parallel_loop3A_763 = vector.broadcast %parallel_loop3A_762 : f32 to vector<16xf32>
        %parallel_loop3A_764 = arith.mulf %parallel_loop3A_758, %parallel_loop3A_763 : vector<16xf32>
        %parallel_loop3A_765 = arith.mulf %parallel_loop3A_761, %parallel_loop3A_761 : vector<16xf32>
        %parallel_loop3A_766 = arith.subf %parallel_loop3A_764, %parallel_loop3A_765 : vector<16xf32>
        %parallel_loop3A_767 = arith.constant 9.99999974E-6 : f32
        %parallel_loop3A_768 = vector.broadcast %parallel_loop3A_767 : f32 to vector<16xf32>
        %parallel_loop3A_769 = arith.addf %parallel_loop3A_766, %parallel_loop3A_768 : vector<16xf32>
        %parallel_loop3A_770 = tpu.bitcast %parallel_loop3A_769 : vector<16xf32> -> vector<16xi32>
        %parallel_loop3A_771 = arith.constant 1 : i32
        %parallel_loop3A_772 = vector.broadcast %parallel_loop3A_771 : i32 to vector<16xi32>
        %parallel_loop3A_773 = arith.shrsi %parallel_loop3A_770, %parallel_loop3A_772 : vector<16xi32>
        %parallel_loop3A_774 = arith.constant 1597463007 : i32
        %parallel_loop3A_775 = vector.broadcast %parallel_loop3A_774 : i32 to vector<16xi32>
        %parallel_loop3A_776 = arith.subi %parallel_loop3A_775, %parallel_loop3A_773 : vector<16xi32>
        %parallel_loop3A_777 = tpu.bitcast %parallel_loop3A_776 : vector<16xi32> -> vector<16xf32>
        %parallel_loop3A_778 = arith.constant 5.000000e-01 : f32
        %parallel_loop3A_779 = vector.broadcast %parallel_loop3A_778 : f32 to vector<16xf32>
        %parallel_loop3A_780 = arith.mulf %parallel_loop3A_779, %parallel_loop3A_769 : vector<16xf32>
        %parallel_loop3A_781 = arith.mulf %parallel_loop3A_780, %parallel_loop3A_777 : vector<16xf32>
        %parallel_loop3A_782 = arith.mulf %parallel_loop3A_781, %parallel_loop3A_777 : vector<16xf32>
        %parallel_loop3A_783 = arith.constant 1.500000e+00 : f32
        %parallel_loop3A_784 = vector.broadcast %parallel_loop3A_783 : f32 to vector<16xf32>
        %parallel_loop3A_785 = arith.subf %parallel_loop3A_784, %parallel_loop3A_782 : vector<16xf32>
        %parallel_loop3A_786 = arith.mulf %parallel_loop3A_777, %parallel_loop3A_785 : vector<16xf32>
        %parallel_loop3A_787 = arith.mulf %parallel_loop3A_780, %parallel_loop3A_786 : vector<16xf32>
        %parallel_loop3A_788 = arith.mulf %parallel_loop3A_787, %parallel_loop3A_786 : vector<16xf32>
        %parallel_loop3A_789 = arith.constant 1.500000e+00 : f32
        %parallel_loop3A_790 = vector.broadcast %parallel_loop3A_789 : f32 to vector<16xf32>
        %parallel_loop3A_791 = arith.subf %parallel_loop3A_790, %parallel_loop3A_788 : vector<16xf32>
        %parallel_loop3A_792 = arith.mulf %parallel_loop3A_786, %parallel_loop3A_791 : vector<16xf32>
        %parallel_loop3A_793 = arith.subf %parallel_loop3A_717, %parallel_loop3A_761 : vector<16xf32>
        %parallel_loop3A_794 = arith.mulf %parallel_loop3A_793, %parallel_loop3A_792 : vector<16xf32>
        %parallel_loop3A_795 = arith.mulf %parallel_loop3A_794, %get3A_4 : vector<16xf32>
        %parallel_loop3A_796 = arith.addf %parallel_loop3A_795, %get3A_10 : vector<16xf32>
        %parallel_loop3A_797 = arith.subf %parallel_loop3A_722, %parallel_loop3A_761 : vector<16xf32>
        %parallel_loop3A_798 = arith.mulf %parallel_loop3A_797, %parallel_loop3A_792 : vector<16xf32>
        %parallel_loop3A_799 = arith.mulf %parallel_loop3A_798, %get3A_7 : vector<16xf32>
        %parallel_loop3A_800 = arith.addf %parallel_loop3A_799, %get3A_13 : vector<16xf32>
        %parallel_loop3A_801 = arith.constant 2 : i32
        %parallel_loop3A_802 = arith.shrsi %parallel_loop3A_696, %parallel_loop3A_801 : i32
        %parallel_loop3A_803 = arith.constant 3 : i32
        %parallel_loop3A_804 = arith.andi %parallel_loop3A_696, %parallel_loop3A_803 : i32
        %parallel_loop3A_805 = arith.constant 32 : i32
        %parallel_loop3A_806 = arith.muli %parallel_loop3A_804, %parallel_loop3A_805 : i32
        %parallel_loop3A_807 = arith.constant 0 : i32
        %parallel_loop3A_808 = arith.index_cast %parallel_loop3A_807 : i32 to index
        %parallel_loop3A_809 = arith.index_cast %parallel_loop3A_802 : i32 to index
        %parallel_loop3A_810 = arith.index_cast %parallel_loop3A_806 : i32 to index
        %parallel_loop3A_811 = tpu.vector_load %arg10[%parallel_loop3A_808, %parallel_loop3A_809, %parallel_loop3A_810] {strides = array<i32>} : memref<4x50x128xf32, #tpu.memory_space<vmem>>, vector<1x1x16xf32>,
        %parallel_loop3A_812 = vector.shape_cast %parallel_loop3A_811 : vector<1x1x16xf32> to vector<16xf32>
        %parallel_loop3A_813 = vector.shape_cast %parallel_loop3A_796 : vector<16xf32> to vector<1x1x16xf32>
        tpu.vector_store %arg10[%parallel_loop3A_808, %parallel_loop3A_809, %parallel_loop3A_810], %parallel_loop3A_813 {strides = array<i32>} : memref<4x50x128xf32, #tpu.memory_space<vmem>>, vector<1x1x16xf32>,
        %parallel_loop3A_814 = arith.constant 16 : i32
        %parallel_loop3A_815 = arith.addi %parallel_loop3A_806, %parallel_loop3A_814 : i32
        %parallel_loop3A_816 = arith.constant 0 : i32
        %parallel_loop3A_817 = arith.index_cast %parallel_loop3A_816 : i32 to index
        %parallel_loop3A_818 = arith.index_cast %parallel_loop3A_802 : i32 to index
        %parallel_loop3A_819 = arith.index_cast %parallel_loop3A_815 : i32 to index
        %parallel_loop3A_820 = tpu.vector_load %arg10[%parallel_loop3A_817, %parallel_loop3A_818, %parallel_loop3A_819] {strides = array<i32>} : memref<4x50x128xf32, #tpu.memory_space<vmem>>, vector<1x1x16xf32>,
        %parallel_loop3A_821 = vector.shape_cast %parallel_loop3A_820 : vector<1x1x16xf32> to vector<16xf32>
        %parallel_loop3A_822 = vector.shape_cast %parallel_loop3A_800 : vector<16xf32> to vector<1x1x16xf32>
        tpu.vector_store %arg10[%parallel_loop3A_817, %parallel_loop3A_818, %parallel_loop3A_819], %parallel_loop3A_822 {strides = array<i32>} : memref<4x50x128xf32, #tpu.memory_space<vmem>>, vector<1x1x16xf32>,
      } {sc.loop_unroll_factor = 2 : i64, sc.parallel_access}
      %add3A_317 = arith.addi %mul3A_2, %add3A_296 : i32
      %mul3A_318 = arith.constant 50 : i32
      %mul3A_319 = arith.muli %add3A_317, %mul3A_318 : i32
      %dma_start3A_320 = arith.constant 0 : i32
      %dma_start3A_321 = arith.constant 0 : i32
      %dma_start3A_322 = arith.constant 0 : i32
      %dma_start3A_323 = tpu.memref_slice %arg10[%dma_start3A_320, %dma_start3A_321, %dma_start3A_322] : memref<4x50x128xf32, #tpu.memory_space<vmem>> -> memref<1x50x128xf32, #tpu.memory_space<vmem>>
      %dma_start3A_324 = tpu.memref_squeeze %dma_start3A_323 : memref<1x50x128xf32, #tpu.memory_space<vmem>> -> memref<50x128xf32, #tpu.memory_space<vmem>>
      %dma_start3A_325 = arith.constant 0 : i32
      %dma_start3A_326 = tpu.memref_slice %arg7[%mul3A_319, %dma_start3A_325] : memref<204800x128xf32, #tpu.memory_space<hbm>> -> memref<50x128xf32, #tpu.memory_space<hbm>>
      %dma_start3A_327 = arith.constant 0 : i32
      %dma_start3A_328 = tpu.memref_slice %arg7[%mul3A_319, %dma_start3A_327] : memref<204800x128xf32, #tpu.memory_space<hbm>> -> memref<50x128xf32, #tpu.memory_space<hbm>>
      %dma_start3A_329 = arith.constant 0 : i32
      %dma_start3A_330 = arith.constant 0 : i32
      %dma_start3A_331 = tpu.memref_slice %arg10[%dma_start3A_320, %dma_start3A_329, %dma_start3A_330] : memref<4x50x128xf32, #tpu.memory_space<vmem>> -> memref<1x50x128xf32, #tpu.memory_space<vmem>>
      %dma_start3A_332 = tpu.memref_squeeze %dma_start3A_331 : memref<1x50x128xf32, #tpu.memory_space<vmem>> -> memref<50x128xf32, #tpu.memory_space<vmem>>
      tpu.enqueue_dma source(%dma_start3A_332 : memref<50x128xf32, #tpu.memory_space<vmem>>) target(%dma_start3A_328 : memref<50x128xf32, #tpu.memory_space<hbm>>) target_semaphore(%arg22 : memref<!tpu.dma_semaphore, #tpu.memory_space<semaphore_mem>>)
      %add3A_333 = arith.constant 6 : i32
      %add3A_334 = arith.addi %add3A_296, %add3A_333 : i32
      %lt3A = arith.constant 128 : i32
      %lt3A_335 = arith.cmpi slt, %add3A_334, %lt3A : i32
      %convert_element_type3A_336 = arith.extui %lt3A_335 : i1 to i32
      %cond3A_337 = arith.constant 0 : i32
      %cond3A_338 = arith.cmpi ne, %convert_element_type3A_336, %cond3A_337 : i32
      scf.if %cond3A_338 {
        %add3A_696 = arith.constant 6 : i32
        %add3A_697 = arith.addi %add3A_296, %add3A_696 : i32
        %mul3A_698 = arith.constant 1 : i32
        %mul3A_699 = arith.muli %add3A_697, %mul3A_698 : i32
        %add3A_700 = arith.constant 0 : i32
        %add3A_701 = arith.addi %mul3A_699, %add3A_700 : i32
        %dma_start3A_702 = arith.constant 6 : i32
        %dma_start3A_703 = arith.constant 0 : i32
        %dma_start3A_704 = arith.constant 0 : i32
        %dma_start3A_705 = arith.constant 0 : i32
        %dma_start3A_706 = tpu.memref_slice %arg9[%dma_start3A_702, %dma_start3A_703, %dma_start3A_704, %dma_start3A_705] : memref<8x1x200x32xf32, #tpu.memory_space<vmem>> -> memref<1x1x128x32xf32, #tpu.memory_space<vmem>>
        %dma_start3A_707 = tpu.memref_squeeze %dma_start3A_706 : memref<1x1x128x32xf32, #tpu.memory_space<vmem>> -> memref<128x32xf32, #tpu.memory_space<vmem>>
        %dma_start3A_708 = arith.constant 0 : i32
        %dma_start3A_709 = tpu.memref_slice %arg8[%add3A_701, %dma_start3A_708] : memref<128x200xi32, #tpu.memory_space<vmem>> -> memref<1x128xi32, #tpu.memory_space<vmem>>
        %dma_start3A_710 = tpu.memref_squeeze %dma_start3A_709 : memref<1x128xi32, #tpu.memory_space<vmem>> -> memref<128xi32, #tpu.memory_space<vmem>>
        %dma_start3A_711 = arith.constant 0 : i32
        %dma_start3A_712 = arith.constant 0 : i32
        %dma_start3A_713 = tpu.memref_slice %arg3[%dma_start3A_711, %dma_start3A_712] : memref<1000000x32xf32, #tpu.memory_space<hbm>> -> memref<1000000x32xf32, #tpu.memory_space<hbm>>
        tpu.enqueue_indirect_dma source(%dma_start3A_713 : memref<1000000x32xf32, #tpu.memory_space<hbm>>) target(%dma_start3A_707 : memref<128x32xf32, #tpu.memory_space<vmem>>) offsets(%dma_start3A_710 : memref<128xi32, #tpu.memory_space<vmem>>) semaphore(%arg20 : memref<!tpu.dma_semaphore, #tpu.memory_space<semaphore_mem>>)
        %mul3A_714 = arith.constant 1 : i32
        %mul3A_715 = arith.muli %add3A_697, %mul3A_714 : i32
        %add3A_716 = arith.constant 0 : i32
        %add3A_717 = arith.addi %mul3A_715, %add3A_716 : i32
        %dma_start3A_718 = arith.constant 6 : i32
        %dma_start3A_719 = arith.constant 0 : i32
        %dma_start3A_720 = arith.constant 128 : i32
        %dma_start3A_721 = arith.constant 0 : i32
        %dma_start3A_722 = tpu.memref_slice %arg9[%dma_start3A_718, %dma_start3A_719, %dma_start3A_720, %dma_start3A_721] : memref<8x1x200x32xf32, #tpu.memory_space<vmem>> -> memref<1x1x72x32xf32, #tpu.memory_space<vmem>>
        %dma_start3A_723 = tpu.memref_squeeze %dma_start3A_722 : memref<1x1x72x32xf32, #tpu.memory_space<vmem>> -> memref<72x32xf32, #tpu.memory_space<vmem>>
        %dma_start3A_724 = arith.constant 128 : i32
        %dma_start3A_725 = tpu.memref_slice %arg8[%add3A_717, %dma_start3A_724] : memref<128x200xi32, #tpu.memory_space<vmem>> -> memref<1x72xi32, #tpu.memory_space<vmem>>
        %dma_start3A_726 = tpu.memref_squeeze %dma_start3A_725 : memref<1x72xi32, #tpu.memory_space<vmem>> -> memref<72xi32, #tpu.memory_space<vmem>>
        %dma_start3A_727 = arith.constant 0 : i32
        %dma_start3A_728 = arith.constant 0 : i32
        %dma_start3A_729 = tpu.memref_slice %arg3[%dma_start3A_727, %dma_start3A_728] : memref<1000000x32xf32, #tpu.memory_space<hbm>> -> memref<1000000x32xf32, #tpu.memory_space<hbm>>
        tpu.enqueue_indirect_dma source(%dma_start3A_729 : memref<1000000x32xf32, #tpu.memory_space<hbm>>) target(%dma_start3A_723 : memref<72x32xf32, #tpu.memory_space<vmem>>) offsets(%dma_start3A_726 : memref<72xi32, #tpu.memory_space<vmem>>) semaphore(%arg20 : memref<!tpu.dma_semaphore, #tpu.memory_space<semaphore_mem>>)
      } else {
      }
      %mul3A_339 = arith.constant 8 : i32
      %mul3A_340 = arith.muli %scan3A_292, %mul3A_339 : i32
      %add3A_341 = arith.constant 1 : i32
      %add3A_342 = arith.addi %mul3A_340, %add3A_341 : i32
      %dma_wait3A_343 = arith.constant 1 : i32
      %dma_wait3A_344 = arith.constant 0 : i32
      %dma_wait3A_345 = arith.constant 0 : i32
      %dma_wait3A_346 = arith.constant 0 : i32
      %dma_wait3A_347 = tpu.memref_slice %arg9[%dma_wait3A_343, %dma_wait3A_344, %dma_wait3A_345, %dma_wait3A_346] : memref<8x1x200x32xf32, #tpu.memory_space<vmem>> -> memref<1x1x200x32xf32, #tpu.memory_space<vmem>>
      %dma_wait3A_348 = tpu.memref_squeeze %dma_wait3A_347 : memref<1x1x200x32xf32, #tpu.memory_space<vmem>> -> memref<200x32xf32, #tpu.memory_space<vmem>>
      %dma_wait3A_349 = arith.constant 0 : i32
      %dma_wait3A_350 = arith.constant 0 : i32
      %dma_wait3A_351 = tpu.memref_slice %arg3[%dma_wait3A_349, %dma_wait3A_350] : memref<1000000x32xf32, #tpu.memory_space<hbm>> -> memref<200x32xf32, #tpu.memory_space<hbm>>
      %dma_wait3A_352 = arith.constant 0 : i32
      %dma_wait3A_353 = arith.constant 0 : i32
      %dma_wait3A_354 = tpu.memref_slice %arg9[%dma_wait3A_343, %dma_wait3A_344, %dma_wait3A_352, %dma_wait3A_353] : memref<8x1x200x32xf32, #tpu.memory_space<vmem>> -> memref<1x1x200x32xf32, #tpu.memory_space<vmem>>
      %dma_wait3A_355 = tpu.memref_squeeze %dma_wait3A_354 : memref<1x1x200x32xf32, #tpu.memory_space<vmem>> -> memref<200x32xf32, #tpu.memory_space<vmem>>
      %dma_wait3A_356 = arith.constant 0 : i32
      %dma_wait3A_357 = arith.constant 0 : i32
      %dma_wait3A_358 = tpu.memref_slice %arg3[%dma_wait3A_356, %dma_wait3A_357] : memref<1000000x32xf32, #tpu.memory_space<hbm>> -> memref<200x32xf32, #tpu.memory_space<hbm>>
      tpu.wait_dma2 semaphore(%arg15 : memref<!tpu.dma_semaphore, #tpu.memory_space<semaphore_mem>>) src(%dma_wait3A_358 : memref<200x32xf32, #tpu.memory_space<hbm>>) dst(%dma_wait3A_355 : memref<200x32xf32, #tpu.memory_space<vmem>>)
      %ge3A_359 = arith.constant 4 : i32
      %ge3A_360 = arith.cmpi sge, %add3A_342, %ge3A_359 : i32
      %convert_element_type3A_361 = arith.extui %ge3A_360 : i1 to i32
      %cond3A_362 = arith.constant 0 : i32
      %cond3A_363 = arith.cmpi ne, %convert_element_type3A_361, %cond3A_362 : i32
      scf.if %cond3A_363 {
        %dma_wait3A_696 = arith.constant 1 : i32
        %dma_wait3A_697 = arith.constant 0 : i32
        %dma_wait3A_698 = arith.constant 0 : i32
        %dma_wait3A_699 = tpu.memref_slice %arg10[%dma_wait3A_696, %dma_wait3A_697, %dma_wait3A_698] : memref<4x50x128xf32, #tpu.memory_space<vmem>> -> memref<1x50x128xf32, #tpu.memory_space<vmem>>
        %dma_wait3A_700 = tpu.memref_squeeze %dma_wait3A_699 : memref<1x50x128xf32, #tpu.memory_space<vmem>> -> memref<50x128xf32, #tpu.memory_space<vmem>>
        %dma_wait3A_701 = arith.constant 0 : i32
        %dma_wait3A_702 = arith.constant 0 : i32
        %dma_wait3A_703 = tpu.memref_slice %arg7[%dma_wait3A_701, %dma_wait3A_702] : memref<204800x128xf32, #tpu.memory_space<hbm>> -> memref<50x128xf32, #tpu.memory_space<hbm>>
        %dma_wait3A_704 = arith.constant 0 : i32
        %dma_wait3A_705 = arith.constant 0 : i32
        %dma_wait3A_706 = tpu.memref_slice %arg7[%dma_wait3A_704, %dma_wait3A_705] : memref<204800x128xf32, #tpu.memory_space<hbm>> -> memref<50x128xf32, #tpu.memory_space<hbm>>
        %dma_wait3A_707 = arith.constant 0 : i32
        %dma_wait3A_708 = arith.constant 0 : i32
        %dma_wait3A_709 = tpu.memref_slice %arg10[%dma_wait3A_696, %dma_wait3A_707, %dma_wait3A_708] : memref<4x50x128xf32, #tpu.memory_space<vmem>> -> memref<1x50x128xf32, #tpu.memory_space<vmem>>
        %dma_wait3A_710 = tpu.memref_squeeze %dma_wait3A_709 : memref<1x50x128xf32, #tpu.memory_space<vmem>> -> memref<50x128xf32, #tpu.memory_space<vmem>>
        tpu.wait_dma2 semaphore(%arg23 : memref<!tpu.dma_semaphore, #tpu.memory_space<semaphore_mem>>) src(%dma_wait3A_710 : memref<50x128xf32, #tpu.memory_space<vmem>>) dst(%dma_wait3A_706 : memref<50x128xf32, #tpu.memory_space<hbm>>)
      } else {
      }
      %parallel_loop3A_364 = arith.constant 0 : i32
      %parallel_loop3A_365 = arith.constant 200 : i32
      %parallel_loop3A_366 = arith.constant 1 : i32
      scf.for %parallel_loop3A_696 = %parallel_loop3A_364 to %parallel_loop3A_365 step %parallel_loop3A_366  : i32 {
        %parallel_loop3A_697 = arith.constant 1 : i32
        %parallel_loop3A_698 = arith.constant 0 : i32
        %parallel_loop3A_699 = arith.index_cast %parallel_loop3A_697 : i32 to index
        %parallel_loop3A_700 = arith.index_cast %parallel_loop3A_698 : i32 to index
        %parallel_loop3A_701 = arith.index_cast %parallel_loop3A_696 : i32 to index
        %parallel_loop3A_702 = arith.constant 0 : index
        %parallel_loop3A_703 = tpu.vector_load %arg9[%parallel_loop3A_699, %parallel_loop3A_700, %parallel_loop3A_701, %parallel_loop3A_702] {strides = array<i32>} : memref<8x1x200x32xf32, #tpu.memory_space<vmem>>, vector<1x1x1x16xf32>,
        %parallel_loop3A_704 = vector.shape_cast %parallel_loop3A_703 : vector<1x1x1x16xf32> to vector<16xf32>
        %parallel_loop3A_705 = arith.constant 1 : i32
        %parallel_loop3A_706 = arith.constant 0 : i32
        %parallel_loop3A_707 = arith.index_cast %parallel_loop3A_705 : i32 to index
        %parallel_loop3A_708 = arith.index_cast %parallel_loop3A_706 : i32 to index
        %parallel_loop3A_709 = arith.index_cast %parallel_loop3A_696 : i32 to index
        %parallel_loop3A_710 = arith.constant 16 : index
        %parallel_loop3A_711 = tpu.vector_load %arg9[%parallel_loop3A_707, %parallel_loop3A_708, %parallel_loop3A_709, %parallel_loop3A_710] {strides = array<i32>} : memref<8x1x200x32xf32, #tpu.memory_space<vmem>>, vector<1x1x1x16xf32>,
        %parallel_loop3A_712 = vector.shape_cast %parallel_loop3A_711 : vector<1x1x1x16xf32> to vector<16xf32>
        %parallel_loop3A_713 = arith.index_cast %parallel_loop3A_696 : i32 to index
        %parallel_loop3A_714 = arith.constant 0 : index
        %parallel_loop3A_715 = tpu.vector_load %arg11[%parallel_loop3A_713, %parallel_loop3A_714] {strides = array<i32>} : memref<200x32xf32, #tpu.memory_space<vmem>>, vector<1x16xf32>,
        %parallel_loop3A_716 = vector.shape_cast %parallel_loop3A_715 : vector<1x16xf32> to vector<16xf32>
        %parallel_loop3A_717 = arith.addf %parallel_loop3A_704, %parallel_loop3A_716 : vector<16xf32>
        %parallel_loop3A_718 = arith.index_cast %parallel_loop3A_696 : i32 to index
        %parallel_loop3A_719 = arith.constant 16 : index
        %parallel_loop3A_720 = tpu.vector_load %arg11[%parallel_loop3A_718, %parallel_loop3A_719] {strides = array<i32>} : memref<200x32xf32, #tpu.memory_space<vmem>>, vector<1x16xf32>,
        %parallel_loop3A_721 = vector.shape_cast %parallel_loop3A_720 : vector<1x16xf32> to vector<16xf32>
        %parallel_loop3A_722 = arith.addf %parallel_loop3A_712, %parallel_loop3A_721 : vector<16xf32>
        %parallel_loop3A_723 = arith.addf %parallel_loop3A_717, %parallel_loop3A_722 : vector<16xf32>
        %parallel_loop3A_724 = arith.mulf %parallel_loop3A_717, %parallel_loop3A_717 : vector<16xf32>
        %parallel_loop3A_725 = arith.mulf %parallel_loop3A_722, %parallel_loop3A_722 : vector<16xf32>
        %parallel_loop3A_726 = arith.addf %parallel_loop3A_724, %parallel_loop3A_725 : vector<16xf32>
        %parallel_loop3A_727 = vector.shape_cast %xor3A_15 : vector<16xi32> to vector<16x1xi32>
        %parallel_loop3A_728 = vector.shape_cast %parallel_loop3A_727 : vector<16x1xi32> to vector<16xi32>
        %parallel_loop3A_729 = tpu.dynamic_gather %parallel_loop3A_723[%parallel_loop3A_728] in [0] : vector<16xf32>, vector<16xi32> -> vector<16xf32>
        %parallel_loop3A_730 = arith.addf %parallel_loop3A_723, %parallel_loop3A_729 : vector<16xf32>
        %parallel_loop3A_731 = vector.shape_cast %xor3A_15 : vector<16xi32> to vector<16x1xi32>
        %parallel_loop3A_732 = vector.shape_cast %parallel_loop3A_731 : vector<16x1xi32> to vector<16xi32>
        %parallel_loop3A_733 = tpu.dynamic_gather %parallel_loop3A_726[%parallel_loop3A_732] in [0] : vector<16xf32>, vector<16xi32> -> vector<16xf32>
        %parallel_loop3A_734 = arith.addf %parallel_loop3A_726, %parallel_loop3A_733 : vector<16xf32>
        %parallel_loop3A_735 = vector.shape_cast %xor3A_18 : vector<16xi32> to vector<16x1xi32>
        %parallel_loop3A_736 = vector.shape_cast %parallel_loop3A_735 : vector<16x1xi32> to vector<16xi32>
        %parallel_loop3A_737 = tpu.dynamic_gather %parallel_loop3A_730[%parallel_loop3A_736] in [0] : vector<16xf32>, vector<16xi32> -> vector<16xf32>
        %parallel_loop3A_738 = arith.addf %parallel_loop3A_730, %parallel_loop3A_737 : vector<16xf32>
        %parallel_loop3A_739 = vector.shape_cast %xor3A_18 : vector<16xi32> to vector<16x1xi32>
        %parallel_loop3A_740 = vector.shape_cast %parallel_loop3A_739 : vector<16x1xi32> to vector<16xi32>
        %parallel_loop3A_741 = tpu.dynamic_gather %parallel_loop3A_734[%parallel_loop3A_740] in [0] : vector<16xf32>, vector<16xi32> -> vector<16xf32>
        %parallel_loop3A_742 = arith.addf %parallel_loop3A_734, %parallel_loop3A_741 : vector<16xf32>
        %parallel_loop3A_743 = vector.shape_cast %xor3A_21 : vector<16xi32> to vector<16x1xi32>
        %parallel_loop3A_744 = vector.shape_cast %parallel_loop3A_743 : vector<16x1xi32> to vector<16xi32>
        %parallel_loop3A_745 = tpu.dynamic_gather %parallel_loop3A_738[%parallel_loop3A_744] in [0] : vector<16xf32>, vector<16xi32> -> vector<16xf32>
        %parallel_loop3A_746 = arith.addf %parallel_loop3A_738, %parallel_loop3A_745 : vector<16xf32>
        %parallel_loop3A_747 = vector.shape_cast %xor3A_21 : vector<16xi32> to vector<16x1xi32>
        %parallel_loop3A_748 = vector.shape_cast %parallel_loop3A_747 : vector<16x1xi32> to vector<16xi32>
        %parallel_loop3A_749 = tpu.dynamic_gather %parallel_loop3A_742[%parallel_loop3A_748] in [0] : vector<16xf32>, vector<16xi32> -> vector<16xf32>
        %parallel_loop3A_750 = arith.addf %parallel_loop3A_742, %parallel_loop3A_749 : vector<16xf32>
        %parallel_loop3A_751 = vector.shape_cast %xor3A_24 : vector<16xi32> to vector<16x1xi32>
        %parallel_loop3A_752 = vector.shape_cast %parallel_loop3A_751 : vector<16x1xi32> to vector<16xi32>
        %parallel_loop3A_753 = tpu.dynamic_gather %parallel_loop3A_746[%parallel_loop3A_752] in [0] : vector<16xf32>, vector<16xi32> -> vector<16xf32>
        %parallel_loop3A_754 = arith.addf %parallel_loop3A_746, %parallel_loop3A_753 : vector<16xf32>
        %parallel_loop3A_755 = vector.shape_cast %xor3A_24 : vector<16xi32> to vector<16x1xi32>
        %parallel_loop3A_756 = vector.shape_cast %parallel_loop3A_755 : vector<16x1xi32> to vector<16xi32>
        %parallel_loop3A_757 = tpu.dynamic_gather %parallel_loop3A_750[%parallel_loop3A_756] in [0] : vector<16xf32>, vector<16xi32> -> vector<16xf32>
        %parallel_loop3A_758 = arith.addf %parallel_loop3A_750, %parallel_loop3A_757 : vector<16xf32>
        %parallel_loop3A_759 = arith.constant 3.125000e-02 : f32
        %parallel_loop3A_760 = vector.broadcast %parallel_loop3A_759 : f32 to vector<16xf32>
        %parallel_loop3A_761 = arith.mulf %parallel_loop3A_754, %parallel_loop3A_760 : vector<16xf32>
        %parallel_loop3A_762 = arith.constant 3.125000e-02 : f32
        %parallel_loop3A_763 = vector.broadcast %parallel_loop3A_762 : f32 to vector<16xf32>
        %parallel_loop3A_764 = arith.mulf %parallel_loop3A_758, %parallel_loop3A_763 : vector<16xf32>
        %parallel_loop3A_765 = arith.mulf %parallel_loop3A_761, %parallel_loop3A_761 : vector<16xf32>
        %parallel_loop3A_766 = arith.subf %parallel_loop3A_764, %parallel_loop3A_765 : vector<16xf32>
        %parallel_loop3A_767 = arith.constant 9.99999974E-6 : f32
        %parallel_loop3A_768 = vector.broadcast %parallel_loop3A_767 : f32 to vector<16xf32>
        %parallel_loop3A_769 = arith.addf %parallel_loop3A_766, %parallel_loop3A_768 : vector<16xf32>
        %parallel_loop3A_770 = tpu.bitcast %parallel_loop3A_769 : vector<16xf32> -> vector<16xi32>
        %parallel_loop3A_771 = arith.constant 1 : i32
        %parallel_loop3A_772 = vector.broadcast %parallel_loop3A_771 : i32 to vector<16xi32>
        %parallel_loop3A_773 = arith.shrsi %parallel_loop3A_770, %parallel_loop3A_772 : vector<16xi32>
        %parallel_loop3A_774 = arith.constant 1597463007 : i32
        %parallel_loop3A_775 = vector.broadcast %parallel_loop3A_774 : i32 to vector<16xi32>
        %parallel_loop3A_776 = arith.subi %parallel_loop3A_775, %parallel_loop3A_773 : vector<16xi32>
        %parallel_loop3A_777 = tpu.bitcast %parallel_loop3A_776 : vector<16xi32> -> vector<16xf32>
        %parallel_loop3A_778 = arith.constant 5.000000e-01 : f32
        %parallel_loop3A_779 = vector.broadcast %parallel_loop3A_778 : f32 to vector<16xf32>
        %parallel_loop3A_780 = arith.mulf %parallel_loop3A_779, %parallel_loop3A_769 : vector<16xf32>
        %parallel_loop3A_781 = arith.mulf %parallel_loop3A_780, %parallel_loop3A_777 : vector<16xf32>
        %parallel_loop3A_782 = arith.mulf %parallel_loop3A_781, %parallel_loop3A_777 : vector<16xf32>
        %parallel_loop3A_783 = arith.constant 1.500000e+00 : f32
        %parallel_loop3A_784 = vector.broadcast %parallel_loop3A_783 : f32 to vector<16xf32>
        %parallel_loop3A_785 = arith.subf %parallel_loop3A_784, %parallel_loop3A_782 : vector<16xf32>
        %parallel_loop3A_786 = arith.mulf %parallel_loop3A_777, %parallel_loop3A_785 : vector<16xf32>
        %parallel_loop3A_787 = arith.mulf %parallel_loop3A_780, %parallel_loop3A_786 : vector<16xf32>
        %parallel_loop3A_788 = arith.mulf %parallel_loop3A_787, %parallel_loop3A_786 : vector<16xf32>
        %parallel_loop3A_789 = arith.constant 1.500000e+00 : f32
        %parallel_loop3A_790 = vector.broadcast %parallel_loop3A_789 : f32 to vector<16xf32>
        %parallel_loop3A_791 = arith.subf %parallel_loop3A_790, %parallel_loop3A_788 : vector<16xf32>
        %parallel_loop3A_792 = arith.mulf %parallel_loop3A_786, %parallel_loop3A_791 : vector<16xf32>
        %parallel_loop3A_793 = arith.subf %parallel_loop3A_717, %parallel_loop3A_761 : vector<16xf32>
        %parallel_loop3A_794 = arith.mulf %parallel_loop3A_793, %parallel_loop3A_792 : vector<16xf32>
        %parallel_loop3A_795 = arith.mulf %parallel_loop3A_794, %get3A_4 : vector<16xf32>
        %parallel_loop3A_796 = arith.addf %parallel_loop3A_795, %get3A_10 : vector<16xf32>
        %parallel_loop3A_797 = arith.subf %parallel_loop3A_722, %parallel_loop3A_761 : vector<16xf32>
        %parallel_loop3A_798 = arith.mulf %parallel_loop3A_797, %parallel_loop3A_792 : vector<16xf32>
        %parallel_loop3A_799 = arith.mulf %parallel_loop3A_798, %get3A_7 : vector<16xf32>
        %parallel_loop3A_800 = arith.addf %parallel_loop3A_799, %get3A_13 : vector<16xf32>
        %parallel_loop3A_801 = arith.constant 2 : i32
        %parallel_loop3A_802 = arith.shrsi %parallel_loop3A_696, %parallel_loop3A_801 : i32
        %parallel_loop3A_803 = arith.constant 3 : i32
        %parallel_loop3A_804 = arith.andi %parallel_loop3A_696, %parallel_loop3A_803 : i32
        %parallel_loop3A_805 = arith.constant 32 : i32
        %parallel_loop3A_806 = arith.muli %parallel_loop3A_804, %parallel_loop3A_805 : i32
        %parallel_loop3A_807 = arith.constant 1 : i32
        %parallel_loop3A_808 = arith.index_cast %parallel_loop3A_807 : i32 to index
        %parallel_loop3A_809 = arith.index_cast %parallel_loop3A_802 : i32 to index
        %parallel_loop3A_810 = arith.index_cast %parallel_loop3A_806 : i32 to index
        %parallel_loop3A_811 = tpu.vector_load %arg10[%parallel_loop3A_808, %parallel_loop3A_809, %parallel_loop3A_810] {strides = array<i32>} : memref<4x50x128xf32, #tpu.memory_space<vmem>>, vector<1x1x16xf32>,
        %parallel_loop3A_812 = vector.shape_cast %parallel_loop3A_811 : vector<1x1x16xf32> to vector<16xf32>
        %parallel_loop3A_813 = vector.shape_cast %parallel_loop3A_796 : vector<16xf32> to vector<1x1x16xf32>
        tpu.vector_store %arg10[%parallel_loop3A_808, %parallel_loop3A_809, %parallel_loop3A_810], %parallel_loop3A_813 {strides = array<i32>} : memref<4x50x128xf32, #tpu.memory_space<vmem>>, vector<1x1x16xf32>,
        %parallel_loop3A_814 = arith.constant 16 : i32
        %parallel_loop3A_815 = arith.addi %parallel_loop3A_806, %parallel_loop3A_814 : i32
        %parallel_loop3A_816 = arith.constant 1 : i32
        %parallel_loop3A_817 = arith.index_cast %parallel_loop3A_816 : i32 to index
        %parallel_loop3A_818 = arith.index_cast %parallel_loop3A_802 : i32 to index
        %parallel_loop3A_819 = arith.index_cast %parallel_loop3A_815 : i32 to index
        %parallel_loop3A_820 = tpu.vector_load %arg10[%parallel_loop3A_817, %parallel_loop3A_818, %parallel_loop3A_819] {strides = array<i32>} : memref<4x50x128xf32, #tpu.memory_space<vmem>>, vector<1x1x16xf32>,
        %parallel_loop3A_821 = vector.shape_cast %parallel_loop3A_820 : vector<1x1x16xf32> to vector<16xf32>
        %parallel_loop3A_822 = vector.shape_cast %parallel_loop3A_800 : vector<16xf32> to vector<1x1x16xf32>
        tpu.vector_store %arg10[%parallel_loop3A_817, %parallel_loop3A_818, %parallel_loop3A_819], %parallel_loop3A_822 {strides = array<i32>} : memref<4x50x128xf32, #tpu.memory_space<vmem>>, vector<1x1x16xf32>,
      } {sc.loop_unroll_factor = 2 : i64, sc.parallel_access}
      %add3A_367 = arith.addi %mul3A_2, %add3A_342 : i32
      %mul3A_368 = arith.constant 50 : i32
      %mul3A_369 = arith.muli %add3A_367, %mul3A_368 : i32
      %dma_start3A_370 = arith.constant 1 : i32
      %dma_start3A_371 = arith.constant 0 : i32
      %dma_start3A_372 = arith.constant 0 : i32
      %dma_start3A_373 = tpu.memref_slice %arg10[%dma_start3A_370, %dma_start3A_371, %dma_start3A_372] : memref<4x50x128xf32, #tpu.memory_space<vmem>> -> memref<1x50x128xf32, #tpu.memory_space<vmem>>
      %dma_start3A_374 = tpu.memref_squeeze %dma_start3A_373 : memref<1x50x128xf32, #tpu.memory_space<vmem>> -> memref<50x128xf32, #tpu.memory_space<vmem>>
      %dma_start3A_375 = arith.constant 0 : i32
      %dma_start3A_376 = tpu.memref_slice %arg7[%mul3A_369, %dma_start3A_375] : memref<204800x128xf32, #tpu.memory_space<hbm>> -> memref<50x128xf32, #tpu.memory_space<hbm>>
      %dma_start3A_377 = arith.constant 0 : i32
      %dma_start3A_378 = tpu.memref_slice %arg7[%mul3A_369, %dma_start3A_377] : memref<204800x128xf32, #tpu.memory_space<hbm>> -> memref<50x128xf32, #tpu.memory_space<hbm>>
      %dma_start3A_379 = arith.constant 0 : i32
      %dma_start3A_380 = arith.constant 0 : i32
      %dma_start3A_381 = tpu.memref_slice %arg10[%dma_start3A_370, %dma_start3A_379, %dma_start3A_380] : memref<4x50x128xf32, #tpu.memory_space<vmem>> -> memref<1x50x128xf32, #tpu.memory_space<vmem>>
      %dma_start3A_382 = tpu.memref_squeeze %dma_start3A_381 : memref<1x50x128xf32, #tpu.memory_space<vmem>> -> memref<50x128xf32, #tpu.memory_space<vmem>>
      tpu.enqueue_dma source(%dma_start3A_382 : memref<50x128xf32, #tpu.memory_space<vmem>>) target(%dma_start3A_378 : memref<50x128xf32, #tpu.memory_space<hbm>>) target_semaphore(%arg23 : memref<!tpu.dma_semaphore, #tpu.memory_space<semaphore_mem>>)
      %add3A_383 = arith.constant 6 : i32
      %add3A_384 = arith.addi %add3A_342, %add3A_383 : i32
      %lt3A_385 = arith.constant 128 : i32
      %lt3A_386 = arith.cmpi slt, %add3A_384, %lt3A_385 : i32
      %convert_element_type3A_387 = arith.extui %lt3A_386 : i1 to i32
      %cond3A_388 = arith.constant 0 : i32
      %cond3A_389 = arith.cmpi ne, %convert_element_type3A_387, %cond3A_388 : i32
      scf.if %cond3A_389 {
        %add3A_696 = arith.constant 6 : i32
        %add3A_697 = arith.addi %add3A_342, %add3A_696 : i32
        %mul3A_698 = arith.constant 1 : i32
        %mul3A_699 = arith.muli %add3A_697, %mul3A_698 : i32
        %add3A_700 = arith.constant 0 : i32
        %add3A_701 = arith.addi %mul3A_699, %add3A_700 : i32
        %dma_start3A_702 = arith.constant 7 : i32
        %dma_start3A_703 = arith.constant 0 : i32
        %dma_start3A_704 = arith.constant 0 : i32
        %dma_start3A_705 = arith.constant 0 : i32
        %dma_start3A_706 = tpu.memref_slice %arg9[%dma_start3A_702, %dma_start3A_703, %dma_start3A_704, %dma_start3A_705] : memref<8x1x200x32xf32, #tpu.memory_space<vmem>> -> memref<1x1x128x32xf32, #tpu.memory_space<vmem>>
        %dma_start3A_707 = tpu.memref_squeeze %dma_start3A_706 : memref<1x1x128x32xf32, #tpu.memory_space<vmem>> -> memref<128x32xf32, #tpu.memory_space<vmem>>
        %dma_start3A_708 = arith.constant 0 : i32
        %dma_start3A_709 = tpu.memref_slice %arg8[%add3A_701, %dma_start3A_708] : memref<128x200xi32, #tpu.memory_space<vmem>> -> memref<1x128xi32, #tpu.memory_space<vmem>>
        %dma_start3A_710 = tpu.memref_squeeze %dma_start3A_709 : memref<1x128xi32, #tpu.memory_space<vmem>> -> memref<128xi32, #tpu.memory_space<vmem>>
        %dma_start3A_711 = arith.constant 0 : i32
        %dma_start3A_712 = arith.constant 0 : i32
        %dma_start3A_713 = tpu.memref_slice %arg3[%dma_start3A_711, %dma_start3A_712] : memref<1000000x32xf32, #tpu.memory_space<hbm>> -> memref<1000000x32xf32, #tpu.memory_space<hbm>>
        tpu.enqueue_indirect_dma source(%dma_start3A_713 : memref<1000000x32xf32, #tpu.memory_space<hbm>>) target(%dma_start3A_707 : memref<128x32xf32, #tpu.memory_space<vmem>>) offsets(%dma_start3A_710 : memref<128xi32, #tpu.memory_space<vmem>>) semaphore(%arg21 : memref<!tpu.dma_semaphore, #tpu.memory_space<semaphore_mem>>)
        %mul3A_714 = arith.constant 1 : i32
        %mul3A_715 = arith.muli %add3A_697, %mul3A_714 : i32
        %add3A_716 = arith.constant 0 : i32
        %add3A_717 = arith.addi %mul3A_715, %add3A_716 : i32
        %dma_start3A_718 = arith.constant 7 : i32
        %dma_start3A_719 = arith.constant 0 : i32
        %dma_start3A_720 = arith.constant 128 : i32
        %dma_start3A_721 = arith.constant 0 : i32
        %dma_start3A_722 = tpu.memref_slice %arg9[%dma_start3A_718, %dma_start3A_719, %dma_start3A_720, %dma_start3A_721] : memref<8x1x200x32xf32, #tpu.memory_space<vmem>> -> memref<1x1x72x32xf32, #tpu.memory_space<vmem>>
        %dma_start3A_723 = tpu.memref_squeeze %dma_start3A_722 : memref<1x1x72x32xf32, #tpu.memory_space<vmem>> -> memref<72x32xf32, #tpu.memory_space<vmem>>
        %dma_start3A_724 = arith.constant 128 : i32
        %dma_start3A_725 = tpu.memref_slice %arg8[%add3A_717, %dma_start3A_724] : memref<128x200xi32, #tpu.memory_space<vmem>> -> memref<1x72xi32, #tpu.memory_space<vmem>>
        %dma_start3A_726 = tpu.memref_squeeze %dma_start3A_725 : memref<1x72xi32, #tpu.memory_space<vmem>> -> memref<72xi32, #tpu.memory_space<vmem>>
        %dma_start3A_727 = arith.constant 0 : i32
        %dma_start3A_728 = arith.constant 0 : i32
        %dma_start3A_729 = tpu.memref_slice %arg3[%dma_start3A_727, %dma_start3A_728] : memref<1000000x32xf32, #tpu.memory_space<hbm>> -> memref<1000000x32xf32, #tpu.memory_space<hbm>>
        tpu.enqueue_indirect_dma source(%dma_start3A_729 : memref<1000000x32xf32, #tpu.memory_space<hbm>>) target(%dma_start3A_723 : memref<72x32xf32, #tpu.memory_space<vmem>>) offsets(%dma_start3A_726 : memref<72xi32, #tpu.memory_space<vmem>>) semaphore(%arg21 : memref<!tpu.dma_semaphore, #tpu.memory_space<semaphore_mem>>)
      } else {
      }
      %mul3A_390 = arith.constant 8 : i32
      %mul3A_391 = arith.muli %scan3A_292, %mul3A_390 : i32
      %add3A_392 = arith.constant 2 : i32
      %add3A_393 = arith.addi %mul3A_391, %add3A_392 : i32
      %dma_wait3A_394 = arith.constant 2 : i32
      %dma_wait3A_395 = arith.constant 0 : i32
      %dma_wait3A_396 = arith.constant 0 : i32
      %dma_wait3A_397 = arith.constant 0 : i32
      %dma_wait3A_398 = tpu.memref_slice %arg9[%dma_wait3A_394, %dma_wait3A_395, %dma_wait3A_396, %dma_wait3A_397] : memref<8x1x200x32xf32, #tpu.memory_space<vmem>> -> memref<1x1x200x32xf32, #tpu.memory_space<vmem>>
      %dma_wait3A_399 = tpu.memref_squeeze %dma_wait3A_398 : memref<1x1x200x32xf32, #tpu.memory_space<vmem>> -> memref<200x32xf32, #tpu.memory_space<vmem>>
      %dma_wait3A_400 = arith.constant 0 : i32
      %dma_wait3A_401 = arith.constant 0 : i32
      %dma_wait3A_402 = tpu.memref_slice %arg3[%dma_wait3A_400, %dma_wait3A_401] : memref<1000000x32xf32, #tpu.memory_space<hbm>> -> memref<200x32xf32, #tpu.memory_space<hbm>>
      %dma_wait3A_403 = arith.constant 0 : i32
      %dma_wait3A_404 = arith.constant 0 : i32
      %dma_wait3A_405 = tpu.memref_slice %arg9[%dma_wait3A_394, %dma_wait3A_395, %dma_wait3A_403, %dma_wait3A_404] : memref<8x1x200x32xf32, #tpu.memory_space<vmem>> -> memref<1x1x200x32xf32, #tpu.memory_space<vmem>>
      %dma_wait3A_406 = tpu.memref_squeeze %dma_wait3A_405 : memref<1x1x200x32xf32, #tpu.memory_space<vmem>> -> memref<200x32xf32, #tpu.memory_space<vmem>>
      %dma_wait3A_407 = arith.constant 0 : i32
      %dma_wait3A_408 = arith.constant 0 : i32
      %dma_wait3A_409 = tpu.memref_slice %arg3[%dma_wait3A_407, %dma_wait3A_408] : memref<1000000x32xf32, #tpu.memory_space<hbm>> -> memref<200x32xf32, #tpu.memory_space<hbm>>
      tpu.wait_dma2 semaphore(%arg16 : memref<!tpu.dma_semaphore, #tpu.memory_space<semaphore_mem>>) src(%dma_wait3A_409 : memref<200x32xf32, #tpu.memory_space<hbm>>) dst(%dma_wait3A_406 : memref<200x32xf32, #tpu.memory_space<vmem>>)
      %ge3A_410 = arith.constant 4 : i32
      %ge3A_411 = arith.cmpi sge, %add3A_393, %ge3A_410 : i32
      %convert_element_type3A_412 = arith.extui %ge3A_411 : i1 to i32
      %cond3A_413 = arith.constant 0 : i32
      %cond3A_414 = arith.cmpi ne, %convert_element_type3A_412, %cond3A_413 : i32
      scf.if %cond3A_414 {
        %dma_wait3A_696 = arith.constant 2 : i32
        %dma_wait3A_697 = arith.constant 0 : i32
        %dma_wait3A_698 = arith.constant 0 : i32
        %dma_wait3A_699 = tpu.memref_slice %arg10[%dma_wait3A_696, %dma_wait3A_697, %dma_wait3A_698] : memref<4x50x128xf32, #tpu.memory_space<vmem>> -> memref<1x50x128xf32, #tpu.memory_space<vmem>>
        %dma_wait3A_700 = tpu.memref_squeeze %dma_wait3A_699 : memref<1x50x128xf32, #tpu.memory_space<vmem>> -> memref<50x128xf32, #tpu.memory_space<vmem>>
        %dma_wait3A_701 = arith.constant 0 : i32
        %dma_wait3A_702 = arith.constant 0 : i32
        %dma_wait3A_703 = tpu.memref_slice %arg7[%dma_wait3A_701, %dma_wait3A_702] : memref<204800x128xf32, #tpu.memory_space<hbm>> -> memref<50x128xf32, #tpu.memory_space<hbm>>
        %dma_wait3A_704 = arith.constant 0 : i32
        %dma_wait3A_705 = arith.constant 0 : i32
        %dma_wait3A_706 = tpu.memref_slice %arg7[%dma_wait3A_704, %dma_wait3A_705] : memref<204800x128xf32, #tpu.memory_space<hbm>> -> memref<50x128xf32, #tpu.memory_space<hbm>>
        %dma_wait3A_707 = arith.constant 0 : i32
        %dma_wait3A_708 = arith.constant 0 : i32
        %dma_wait3A_709 = tpu.memref_slice %arg10[%dma_wait3A_696, %dma_wait3A_707, %dma_wait3A_708] : memref<4x50x128xf32, #tpu.memory_space<vmem>> -> memref<1x50x128xf32, #tpu.memory_space<vmem>>
        %dma_wait3A_710 = tpu.memref_squeeze %dma_wait3A_709 : memref<1x50x128xf32, #tpu.memory_space<vmem>> -> memref<50x128xf32, #tpu.memory_space<vmem>>
        tpu.wait_dma2 semaphore(%arg24 : memref<!tpu.dma_semaphore, #tpu.memory_space<semaphore_mem>>) src(%dma_wait3A_710 : memref<50x128xf32, #tpu.memory_space<vmem>>) dst(%dma_wait3A_706 : memref<50x128xf32, #tpu.memory_space<hbm>>)
      } else {
      }
      %parallel_loop3A_415 = arith.constant 0 : i32
      %parallel_loop3A_416 = arith.constant 200 : i32
      %parallel_loop3A_417 = arith.constant 1 : i32
      scf.for %parallel_loop3A_696 = %parallel_loop3A_415 to %parallel_loop3A_416 step %parallel_loop3A_417  : i32 {
        %parallel_loop3A_697 = arith.constant 2 : i32
        %parallel_loop3A_698 = arith.constant 0 : i32
        %parallel_loop3A_699 = arith.index_cast %parallel_loop3A_697 : i32 to index
        %parallel_loop3A_700 = arith.index_cast %parallel_loop3A_698 : i32 to index
        %parallel_loop3A_701 = arith.index_cast %parallel_loop3A_696 : i32 to index
        %parallel_loop3A_702 = arith.constant 0 : index
        %parallel_loop3A_703 = tpu.vector_load %arg9[%parallel_loop3A_699, %parallel_loop3A_700, %parallel_loop3A_701, %parallel_loop3A_702] {strides = array<i32>} : memref<8x1x200x32xf32, #tpu.memory_space<vmem>>, vector<1x1x1x16xf32>,
        %parallel_loop3A_704 = vector.shape_cast %parallel_loop3A_703 : vector<1x1x1x16xf32> to vector<16xf32>
        %parallel_loop3A_705 = arith.constant 2 : i32
        %parallel_loop3A_706 = arith.constant 0 : i32
        %parallel_loop3A_707 = arith.index_cast %parallel_loop3A_705 : i32 to index
        %parallel_loop3A_708 = arith.index_cast %parallel_loop3A_706 : i32 to index
        %parallel_loop3A_709 = arith.index_cast %parallel_loop3A_696 : i32 to index
        %parallel_loop3A_710 = arith.constant 16 : index
        %parallel_loop3A_711 = tpu.vector_load %arg9[%parallel_loop3A_707, %parallel_loop3A_708, %parallel_loop3A_709, %parallel_loop3A_710] {strides = array<i32>} : memref<8x1x200x32xf32, #tpu.memory_space<vmem>>, vector<1x1x1x16xf32>,
        %parallel_loop3A_712 = vector.shape_cast %parallel_loop3A_711 : vector<1x1x1x16xf32> to vector<16xf32>
        %parallel_loop3A_713 = arith.index_cast %parallel_loop3A_696 : i32 to index
        %parallel_loop3A_714 = arith.constant 0 : index
        %parallel_loop3A_715 = tpu.vector_load %arg11[%parallel_loop3A_713, %parallel_loop3A_714] {strides = array<i32>} : memref<200x32xf32, #tpu.memory_space<vmem>>, vector<1x16xf32>,
        %parallel_loop3A_716 = vector.shape_cast %parallel_loop3A_715 : vector<1x16xf32> to vector<16xf32>
        %parallel_loop3A_717 = arith.addf %parallel_loop3A_704, %parallel_loop3A_716 : vector<16xf32>
        %parallel_loop3A_718 = arith.index_cast %parallel_loop3A_696 : i32 to index
        %parallel_loop3A_719 = arith.constant 16 : index
        %parallel_loop3A_720 = tpu.vector_load %arg11[%parallel_loop3A_718, %parallel_loop3A_719] {strides = array<i32>} : memref<200x32xf32, #tpu.memory_space<vmem>>, vector<1x16xf32>,
        %parallel_loop3A_721 = vector.shape_cast %parallel_loop3A_720 : vector<1x16xf32> to vector<16xf32>
        %parallel_loop3A_722 = arith.addf %parallel_loop3A_712, %parallel_loop3A_721 : vector<16xf32>
        %parallel_loop3A_723 = arith.addf %parallel_loop3A_717, %parallel_loop3A_722 : vector<16xf32>
        %parallel_loop3A_724 = arith.mulf %parallel_loop3A_717, %parallel_loop3A_717 : vector<16xf32>
        %parallel_loop3A_725 = arith.mulf %parallel_loop3A_722, %parallel_loop3A_722 : vector<16xf32>
        %parallel_loop3A_726 = arith.addf %parallel_loop3A_724, %parallel_loop3A_725 : vector<16xf32>
        %parallel_loop3A_727 = vector.shape_cast %xor3A_15 : vector<16xi32> to vector<16x1xi32>
        %parallel_loop3A_728 = vector.shape_cast %parallel_loop3A_727 : vector<16x1xi32> to vector<16xi32>
        %parallel_loop3A_729 = tpu.dynamic_gather %parallel_loop3A_723[%parallel_loop3A_728] in [0] : vector<16xf32>, vector<16xi32> -> vector<16xf32>
        %parallel_loop3A_730 = arith.addf %parallel_loop3A_723, %parallel_loop3A_729 : vector<16xf32>
        %parallel_loop3A_731 = vector.shape_cast %xor3A_15 : vector<16xi32> to vector<16x1xi32>
        %parallel_loop3A_732 = vector.shape_cast %parallel_loop3A_731 : vector<16x1xi32> to vector<16xi32>
        %parallel_loop3A_733 = tpu.dynamic_gather %parallel_loop3A_726[%parallel_loop3A_732] in [0] : vector<16xf32>, vector<16xi32> -> vector<16xf32>
        %parallel_loop3A_734 = arith.addf %parallel_loop3A_726, %parallel_loop3A_733 : vector<16xf32>
        %parallel_loop3A_735 = vector.shape_cast %xor3A_18 : vector<16xi32> to vector<16x1xi32>
        %parallel_loop3A_736 = vector.shape_cast %parallel_loop3A_735 : vector<16x1xi32> to vector<16xi32>
        %parallel_loop3A_737 = tpu.dynamic_gather %parallel_loop3A_730[%parallel_loop3A_736] in [0] : vector<16xf32>, vector<16xi32> -> vector<16xf32>
        %parallel_loop3A_738 = arith.addf %parallel_loop3A_730, %parallel_loop3A_737 : vector<16xf32>
        %parallel_loop3A_739 = vector.shape_cast %xor3A_18 : vector<16xi32> to vector<16x1xi32>
        %parallel_loop3A_740 = vector.shape_cast %parallel_loop3A_739 : vector<16x1xi32> to vector<16xi32>
        %parallel_loop3A_741 = tpu.dynamic_gather %parallel_loop3A_734[%parallel_loop3A_740] in [0] : vector<16xf32>, vector<16xi32> -> vector<16xf32>
        %parallel_loop3A_742 = arith.addf %parallel_loop3A_734, %parallel_loop3A_741 : vector<16xf32>
        %parallel_loop3A_743 = vector.shape_cast %xor3A_21 : vector<16xi32> to vector<16x1xi32>
        %parallel_loop3A_744 = vector.shape_cast %parallel_loop3A_743 : vector<16x1xi32> to vector<16xi32>
        %parallel_loop3A_745 = tpu.dynamic_gather %parallel_loop3A_738[%parallel_loop3A_744] in [0] : vector<16xf32>, vector<16xi32> -> vector<16xf32>
        %parallel_loop3A_746 = arith.addf %parallel_loop3A_738, %parallel_loop3A_745 : vector<16xf32>
        %parallel_loop3A_747 = vector.shape_cast %xor3A_21 : vector<16xi32> to vector<16x1xi32>
        %parallel_loop3A_748 = vector.shape_cast %parallel_loop3A_747 : vector<16x1xi32> to vector<16xi32>
        %parallel_loop3A_749 = tpu.dynamic_gather %parallel_loop3A_742[%parallel_loop3A_748] in [0] : vector<16xf32>, vector<16xi32> -> vector<16xf32>
        %parallel_loop3A_750 = arith.addf %parallel_loop3A_742, %parallel_loop3A_749 : vector<16xf32>
        %parallel_loop3A_751 = vector.shape_cast %xor3A_24 : vector<16xi32> to vector<16x1xi32>
        %parallel_loop3A_752 = vector.shape_cast %parallel_loop3A_751 : vector<16x1xi32> to vector<16xi32>
        %parallel_loop3A_753 = tpu.dynamic_gather %parallel_loop3A_746[%parallel_loop3A_752] in [0] : vector<16xf32>, vector<16xi32> -> vector<16xf32>
        %parallel_loop3A_754 = arith.addf %parallel_loop3A_746, %parallel_loop3A_753 : vector<16xf32>
        %parallel_loop3A_755 = vector.shape_cast %xor3A_24 : vector<16xi32> to vector<16x1xi32>
        %parallel_loop3A_756 = vector.shape_cast %parallel_loop3A_755 : vector<16x1xi32> to vector<16xi32>
        %parallel_loop3A_757 = tpu.dynamic_gather %parallel_loop3A_750[%parallel_loop3A_756] in [0] : vector<16xf32>, vector<16xi32> -> vector<16xf32>
        %parallel_loop3A_758 = arith.addf %parallel_loop3A_750, %parallel_loop3A_757 : vector<16xf32>
        %parallel_loop3A_759 = arith.constant 3.125000e-02 : f32
        %parallel_loop3A_760 = vector.broadcast %parallel_loop3A_759 : f32 to vector<16xf32>
        %parallel_loop3A_761 = arith.mulf %parallel_loop3A_754, %parallel_loop3A_760 : vector<16xf32>
        %parallel_loop3A_762 = arith.constant 3.125000e-02 : f32
        %parallel_loop3A_763 = vector.broadcast %parallel_loop3A_762 : f32 to vector<16xf32>
        %parallel_loop3A_764 = arith.mulf %parallel_loop3A_758, %parallel_loop3A_763 : vector<16xf32>
        %parallel_loop3A_765 = arith.mulf %parallel_loop3A_761, %parallel_loop3A_761 : vector<16xf32>
        %parallel_loop3A_766 = arith.subf %parallel_loop3A_764, %parallel_loop3A_765 : vector<16xf32>
        %parallel_loop3A_767 = arith.constant 9.99999974E-6 : f32
        %parallel_loop3A_768 = vector.broadcast %parallel_loop3A_767 : f32 to vector<16xf32>
        %parallel_loop3A_769 = arith.addf %parallel_loop3A_766, %parallel_loop3A_768 : vector<16xf32>
        %parallel_loop3A_770 = tpu.bitcast %parallel_loop3A_769 : vector<16xf32> -> vector<16xi32>
        %parallel_loop3A_771 = arith.constant 1 : i32
        %parallel_loop3A_772 = vector.broadcast %parallel_loop3A_771 : i32 to vector<16xi32>
        %parallel_loop3A_773 = arith.shrsi %parallel_loop3A_770, %parallel_loop3A_772 : vector<16xi32>
        %parallel_loop3A_774 = arith.constant 1597463007 : i32
        %parallel_loop3A_775 = vector.broadcast %parallel_loop3A_774 : i32 to vector<16xi32>
        %parallel_loop3A_776 = arith.subi %parallel_loop3A_775, %parallel_loop3A_773 : vector<16xi32>
        %parallel_loop3A_777 = tpu.bitcast %parallel_loop3A_776 : vector<16xi32> -> vector<16xf32>
        %parallel_loop3A_778 = arith.constant 5.000000e-01 : f32
        %parallel_loop3A_779 = vector.broadcast %parallel_loop3A_778 : f32 to vector<16xf32>
        %parallel_loop3A_780 = arith.mulf %parallel_loop3A_779, %parallel_loop3A_769 : vector<16xf32>
        %parallel_loop3A_781 = arith.mulf %parallel_loop3A_780, %parallel_loop3A_777 : vector<16xf32>
        %parallel_loop3A_782 = arith.mulf %parallel_loop3A_781, %parallel_loop3A_777 : vector<16xf32>
        %parallel_loop3A_783 = arith.constant 1.500000e+00 : f32
        %parallel_loop3A_784 = vector.broadcast %parallel_loop3A_783 : f32 to vector<16xf32>
        %parallel_loop3A_785 = arith.subf %parallel_loop3A_784, %parallel_loop3A_782 : vector<16xf32>
        %parallel_loop3A_786 = arith.mulf %parallel_loop3A_777, %parallel_loop3A_785 : vector<16xf32>
        %parallel_loop3A_787 = arith.mulf %parallel_loop3A_780, %parallel_loop3A_786 : vector<16xf32>
        %parallel_loop3A_788 = arith.mulf %parallel_loop3A_787, %parallel_loop3A_786 : vector<16xf32>
        %parallel_loop3A_789 = arith.constant 1.500000e+00 : f32
        %parallel_loop3A_790 = vector.broadcast %parallel_loop3A_789 : f32 to vector<16xf32>
        %parallel_loop3A_791 = arith.subf %parallel_loop3A_790, %parallel_loop3A_788 : vector<16xf32>
        %parallel_loop3A_792 = arith.mulf %parallel_loop3A_786, %parallel_loop3A_791 : vector<16xf32>
        %parallel_loop3A_793 = arith.subf %parallel_loop3A_717, %parallel_loop3A_761 : vector<16xf32>
        %parallel_loop3A_794 = arith.mulf %parallel_loop3A_793, %parallel_loop3A_792 : vector<16xf32>
        %parallel_loop3A_795 = arith.mulf %parallel_loop3A_794, %get3A_4 : vector<16xf32>
        %parallel_loop3A_796 = arith.addf %parallel_loop3A_795, %get3A_10 : vector<16xf32>
        %parallel_loop3A_797 = arith.subf %parallel_loop3A_722, %parallel_loop3A_761 : vector<16xf32>
        %parallel_loop3A_798 = arith.mulf %parallel_loop3A_797, %parallel_loop3A_792 : vector<16xf32>
        %parallel_loop3A_799 = arith.mulf %parallel_loop3A_798, %get3A_7 : vector<16xf32>
        %parallel_loop3A_800 = arith.addf %parallel_loop3A_799, %get3A_13 : vector<16xf32>
        %parallel_loop3A_801 = arith.constant 2 : i32
        %parallel_loop3A_802 = arith.shrsi %parallel_loop3A_696, %parallel_loop3A_801 : i32
        %parallel_loop3A_803 = arith.constant 3 : i32
        %parallel_loop3A_804 = arith.andi %parallel_loop3A_696, %parallel_loop3A_803 : i32
        %parallel_loop3A_805 = arith.constant 32 : i32
        %parallel_loop3A_806 = arith.muli %parallel_loop3A_804, %parallel_loop3A_805 : i32
        %parallel_loop3A_807 = arith.constant 2 : i32
        %parallel_loop3A_808 = arith.index_cast %parallel_loop3A_807 : i32 to index
        %parallel_loop3A_809 = arith.index_cast %parallel_loop3A_802 : i32 to index
        %parallel_loop3A_810 = arith.index_cast %parallel_loop3A_806 : i32 to index
        %parallel_loop3A_811 = tpu.vector_load %arg10[%parallel_loop3A_808, %parallel_loop3A_809, %parallel_loop3A_810] {strides = array<i32>} : memref<4x50x128xf32, #tpu.memory_space<vmem>>, vector<1x1x16xf32>,
        %parallel_loop3A_812 = vector.shape_cast %parallel_loop3A_811 : vector<1x1x16xf32> to vector<16xf32>
        %parallel_loop3A_813 = vector.shape_cast %parallel_loop3A_796 : vector<16xf32> to vector<1x1x16xf32>
        tpu.vector_store %arg10[%parallel_loop3A_808, %parallel_loop3A_809, %parallel_loop3A_810], %parallel_loop3A_813 {strides = array<i32>} : memref<4x50x128xf32, #tpu.memory_space<vmem>>, vector<1x1x16xf32>,
        %parallel_loop3A_814 = arith.constant 16 : i32
        %parallel_loop3A_815 = arith.addi %parallel_loop3A_806, %parallel_loop3A_814 : i32
        %parallel_loop3A_816 = arith.constant 2 : i32
        %parallel_loop3A_817 = arith.index_cast %parallel_loop3A_816 : i32 to index
        %parallel_loop3A_818 = arith.index_cast %parallel_loop3A_802 : i32 to index
        %parallel_loop3A_819 = arith.index_cast %parallel_loop3A_815 : i32 to index
        %parallel_loop3A_820 = tpu.vector_load %arg10[%parallel_loop3A_817, %parallel_loop3A_818, %parallel_loop3A_819] {strides = array<i32>} : memref<4x50x128xf32, #tpu.memory_space<vmem>>, vector<1x1x16xf32>,
        %parallel_loop3A_821 = vector.shape_cast %parallel_loop3A_820 : vector<1x1x16xf32> to vector<16xf32>
        %parallel_loop3A_822 = vector.shape_cast %parallel_loop3A_800 : vector<16xf32> to vector<1x1x16xf32>
        tpu.vector_store %arg10[%parallel_loop3A_817, %parallel_loop3A_818, %parallel_loop3A_819], %parallel_loop3A_822 {strides = array<i32>} : memref<4x50x128xf32, #tpu.memory_space<vmem>>, vector<1x1x16xf32>,
      } {sc.loop_unroll_factor = 2 : i64, sc.parallel_access}
      %add3A_418 = arith.addi %mul3A_2, %add3A_393 : i32
      %mul3A_419 = arith.constant 50 : i32
      %mul3A_420 = arith.muli %add3A_418, %mul3A_419 : i32
      %dma_start3A_421 = arith.constant 2 : i32
      %dma_start3A_422 = arith.constant 0 : i32
      %dma_start3A_423 = arith.constant 0 : i32
      %dma_start3A_424 = tpu.memref_slice %arg10[%dma_start3A_421, %dma_start3A_422, %dma_start3A_423] : memref<4x50x128xf32, #tpu.memory_space<vmem>> -> memref<1x50x128xf32, #tpu.memory_space<vmem>>
      %dma_start3A_425 = tpu.memref_squeeze %dma_start3A_424 : memref<1x50x128xf32, #tpu.memory_space<vmem>> -> memref<50x128xf32, #tpu.memory_space<vmem>>
      %dma_start3A_426 = arith.constant 0 : i32
      %dma_start3A_427 = tpu.memref_slice %arg7[%mul3A_420, %dma_start3A_426] : memref<204800x128xf32, #tpu.memory_space<hbm>> -> memref<50x128xf32, #tpu.memory_space<hbm>>
      %dma_start3A_428 = arith.constant 0 : i32
      %dma_start3A_429 = tpu.memref_slice %arg7[%mul3A_420, %dma_start3A_428] : memref<204800x128xf32, #tpu.memory_space<hbm>> -> memref<50x128xf32, #tpu.memory_space<hbm>>
      %dma_start3A_430 = arith.constant 0 : i32
      %dma_start3A_431 = arith.constant 0 : i32
      %dma_start3A_432 = tpu.memref_slice %arg10[%dma_start3A_421, %dma_start3A_430, %dma_start3A_431] : memref<4x50x128xf32, #tpu.memory_space<vmem>> -> memref<1x50x128xf32, #tpu.memory_space<vmem>>
      %dma_start3A_433 = tpu.memref_squeeze %dma_start3A_432 : memref<1x50x128xf32, #tpu.memory_space<vmem>> -> memref<50x128xf32, #tpu.memory_space<vmem>>
      tpu.enqueue_dma source(%dma_start3A_433 : memref<50x128xf32, #tpu.memory_space<vmem>>) target(%dma_start3A_429 : memref<50x128xf32, #tpu.memory_space<hbm>>) target_semaphore(%arg24 : memref<!tpu.dma_semaphore, #tpu.memory_space<semaphore_mem>>)
      %add3A_434 = arith.constant 6 : i32
      %add3A_435 = arith.addi %add3A_393, %add3A_434 : i32
      %lt3A_436 = arith.constant 128 : i32
      %lt3A_437 = arith.cmpi slt, %add3A_435, %lt3A_436 : i32
      %convert_element_type3A_438 = arith.extui %lt3A_437 : i1 to i32
      %cond3A_439 = arith.constant 0 : i32
      %cond3A_440 = arith.cmpi ne, %convert_element_type3A_438, %cond3A_439 : i32
      scf.if %cond3A_440 {
        %add3A_696 = arith.constant 6 : i32
        %add3A_697 = arith.addi %add3A_393, %add3A_696 : i32
        %mul3A_698 = arith.constant 1 : i32
        %mul3A_699 = arith.muli %add3A_697, %mul3A_698 : i32
        %add3A_700 = arith.constant 0 : i32
        %add3A_701 = arith.addi %mul3A_699, %add3A_700 : i32
        %dma_start3A_702 = arith.constant 0 : i32
        %dma_start3A_703 = arith.constant 0 : i32
        %dma_start3A_704 = arith.constant 0 : i32
        %dma_start3A_705 = arith.constant 0 : i32
        %dma_start3A_706 = tpu.memref_slice %arg9[%dma_start3A_702, %dma_start3A_703, %dma_start3A_704, %dma_start3A_705] : memref<8x1x200x32xf32, #tpu.memory_space<vmem>> -> memref<1x1x128x32xf32, #tpu.memory_space<vmem>>
        %dma_start3A_707 = tpu.memref_squeeze %dma_start3A_706 : memref<1x1x128x32xf32, #tpu.memory_space<vmem>> -> memref<128x32xf32, #tpu.memory_space<vmem>>
        %dma_start3A_708 = arith.constant 0 : i32
        %dma_start3A_709 = tpu.memref_slice %arg8[%add3A_701, %dma_start3A_708] : memref<128x200xi32, #tpu.memory_space<vmem>> -> memref<1x128xi32, #tpu.memory_space<vmem>>
        %dma_start3A_710 = tpu.memref_squeeze %dma_start3A_709 : memref<1x128xi32, #tpu.memory_space<vmem>> -> memref<128xi32, #tpu.memory_space<vmem>>
        %dma_start3A_711 = arith.constant 0 : i32
        %dma_start3A_712 = arith.constant 0 : i32
        %dma_start3A_713 = tpu.memref_slice %arg3[%dma_start3A_711, %dma_start3A_712] : memref<1000000x32xf32, #tpu.memory_space<hbm>> -> memref<1000000x32xf32, #tpu.memory_space<hbm>>
        tpu.enqueue_indirect_dma source(%dma_start3A_713 : memref<1000000x32xf32, #tpu.memory_space<hbm>>) target(%dma_start3A_707 : memref<128x32xf32, #tpu.memory_space<vmem>>) offsets(%dma_start3A_710 : memref<128xi32, #tpu.memory_space<vmem>>) semaphore(%arg14 : memref<!tpu.dma_semaphore, #tpu.memory_space<semaphore_mem>>)
        %mul3A_714 = arith.constant 1 : i32
        %mul3A_715 = arith.muli %add3A_697, %mul3A_714 : i32
        %add3A_716 = arith.constant 0 : i32
        %add3A_717 = arith.addi %mul3A_715, %add3A_716 : i32
        %dma_start3A_718 = arith.constant 0 : i32
        %dma_start3A_719 = arith.constant 0 : i32
        %dma_start3A_720 = arith.constant 128 : i32
        %dma_start3A_721 = arith.constant 0 : i32
        %dma_start3A_722 = tpu.memref_slice %arg9[%dma_start3A_718, %dma_start3A_719, %dma_start3A_720, %dma_start3A_721] : memref<8x1x200x32xf32, #tpu.memory_space<vmem>> -> memref<1x1x72x32xf32, #tpu.memory_space<vmem>>
        %dma_start3A_723 = tpu.memref_squeeze %dma_start3A_722 : memref<1x1x72x32xf32, #tpu.memory_space<vmem>> -> memref<72x32xf32, #tpu.memory_space<vmem>>
        %dma_start3A_724 = arith.constant 128 : i32
        %dma_start3A_725 = tpu.memref_slice %arg8[%add3A_717, %dma_start3A_724] : memref<128x200xi32, #tpu.memory_space<vmem>> -> memref<1x72xi32, #tpu.memory_space<vmem>>
        %dma_start3A_726 = tpu.memref_squeeze %dma_start3A_725 : memref<1x72xi32, #tpu.memory_space<vmem>> -> memref<72xi32, #tpu.memory_space<vmem>>
        %dma_start3A_727 = arith.constant 0 : i32
        %dma_start3A_728 = arith.constant 0 : i32
        %dma_start3A_729 = tpu.memref_slice %arg3[%dma_start3A_727, %dma_start3A_728] : memref<1000000x32xf32, #tpu.memory_space<hbm>> -> memref<1000000x32xf32, #tpu.memory_space<hbm>>
        tpu.enqueue_indirect_dma source(%dma_start3A_729 : memref<1000000x32xf32, #tpu.memory_space<hbm>>) target(%dma_start3A_723 : memref<72x32xf32, #tpu.memory_space<vmem>>) offsets(%dma_start3A_726 : memref<72xi32, #tpu.memory_space<vmem>>) semaphore(%arg14 : memref<!tpu.dma_semaphore, #tpu.memory_space<semaphore_mem>>)
      } else {
      }
      %mul3A_441 = arith.constant 8 : i32
      %mul3A_442 = arith.muli %scan3A_292, %mul3A_441 : i32
      %add3A_443 = arith.constant 3 : i32
      %add3A_444 = arith.addi %mul3A_442, %add3A_443 : i32
      %dma_wait3A_445 = arith.constant 3 : i32
      %dma_wait3A_446 = arith.constant 0 : i32
      %dma_wait3A_447 = arith.constant 0 : i32
      %dma_wait3A_448 = arith.constant 0 : i32
      %dma_wait3A_449 = tpu.memref_slice %arg9[%dma_wait3A_445, %dma_wait3A_446, %dma_wait3A_447, %dma_wait3A_448] : memref<8x1x200x32xf32, #tpu.memory_space<vmem>> -> memref<1x1x200x32xf32, #tpu.memory_space<vmem>>
      %dma_wait3A_450 = tpu.memref_squeeze %dma_wait3A_449 : memref<1x1x200x32xf32, #tpu.memory_space<vmem>> -> memref<200x32xf32, #tpu.memory_space<vmem>>
      %dma_wait3A_451 = arith.constant 0 : i32
      %dma_wait3A_452 = arith.constant 0 : i32
      %dma_wait3A_453 = tpu.memref_slice %arg3[%dma_wait3A_451, %dma_wait3A_452] : memref<1000000x32xf32, #tpu.memory_space<hbm>> -> memref<200x32xf32, #tpu.memory_space<hbm>>
      %dma_wait3A_454 = arith.constant 0 : i32
      %dma_wait3A_455 = arith.constant 0 : i32
      %dma_wait3A_456 = tpu.memref_slice %arg9[%dma_wait3A_445, %dma_wait3A_446, %dma_wait3A_454, %dma_wait3A_455] : memref<8x1x200x32xf32, #tpu.memory_space<vmem>> -> memref<1x1x200x32xf32, #tpu.memory_space<vmem>>
      %dma_wait3A_457 = tpu.memref_squeeze %dma_wait3A_456 : memref<1x1x200x32xf32, #tpu.memory_space<vmem>> -> memref<200x32xf32, #tpu.memory_space<vmem>>
      %dma_wait3A_458 = arith.constant 0 : i32
      %dma_wait3A_459 = arith.constant 0 : i32
      %dma_wait3A_460 = tpu.memref_slice %arg3[%dma_wait3A_458, %dma_wait3A_459] : memref<1000000x32xf32, #tpu.memory_space<hbm>> -> memref<200x32xf32, #tpu.memory_space<hbm>>
      tpu.wait_dma2 semaphore(%arg17 : memref<!tpu.dma_semaphore, #tpu.memory_space<semaphore_mem>>) src(%dma_wait3A_460 : memref<200x32xf32, #tpu.memory_space<hbm>>) dst(%dma_wait3A_457 : memref<200x32xf32, #tpu.memory_space<vmem>>)
      %ge3A_461 = arith.constant 4 : i32
      %ge3A_462 = arith.cmpi sge, %add3A_444, %ge3A_461 : i32
      %convert_element_type3A_463 = arith.extui %ge3A_462 : i1 to i32
      %cond3A_464 = arith.constant 0 : i32
      %cond3A_465 = arith.cmpi ne, %convert_element_type3A_463, %cond3A_464 : i32
      scf.if %cond3A_465 {
        %dma_wait3A_696 = arith.constant 3 : i32
        %dma_wait3A_697 = arith.constant 0 : i32
        %dma_wait3A_698 = arith.constant 0 : i32
        %dma_wait3A_699 = tpu.memref_slice %arg10[%dma_wait3A_696, %dma_wait3A_697, %dma_wait3A_698] : memref<4x50x128xf32, #tpu.memory_space<vmem>> -> memref<1x50x128xf32, #tpu.memory_space<vmem>>
        %dma_wait3A_700 = tpu.memref_squeeze %dma_wait3A_699 : memref<1x50x128xf32, #tpu.memory_space<vmem>> -> memref<50x128xf32, #tpu.memory_space<vmem>>
        %dma_wait3A_701 = arith.constant 0 : i32
        %dma_wait3A_702 = arith.constant 0 : i32
        %dma_wait3A_703 = tpu.memref_slice %arg7[%dma_wait3A_701, %dma_wait3A_702] : memref<204800x128xf32, #tpu.memory_space<hbm>> -> memref<50x128xf32, #tpu.memory_space<hbm>>
        %dma_wait3A_704 = arith.constant 0 : i32
        %dma_wait3A_705 = arith.constant 0 : i32
        %dma_wait3A_706 = tpu.memref_slice %arg7[%dma_wait3A_704, %dma_wait3A_705] : memref<204800x128xf32, #tpu.memory_space<hbm>> -> memref<50x128xf32, #tpu.memory_space<hbm>>
        %dma_wait3A_707 = arith.constant 0 : i32
        %dma_wait3A_708 = arith.constant 0 : i32
        %dma_wait3A_709 = tpu.memref_slice %arg10[%dma_wait3A_696, %dma_wait3A_707, %dma_wait3A_708] : memref<4x50x128xf32, #tpu.memory_space<vmem>> -> memref<1x50x128xf32, #tpu.memory_space<vmem>>
        %dma_wait3A_710 = tpu.memref_squeeze %dma_wait3A_709 : memref<1x50x128xf32, #tpu.memory_space<vmem>> -> memref<50x128xf32, #tpu.memory_space<vmem>>
        tpu.wait_dma2 semaphore(%arg25 : memref<!tpu.dma_semaphore, #tpu.memory_space<semaphore_mem>>) src(%dma_wait3A_710 : memref<50x128xf32, #tpu.memory_space<vmem>>) dst(%dma_wait3A_706 : memref<50x128xf32, #tpu.memory_space<hbm>>)
      } else {
      }
      %parallel_loop3A_466 = arith.constant 0 : i32
      %parallel_loop3A_467 = arith.constant 200 : i32
      %parallel_loop3A_468 = arith.constant 1 : i32
      scf.for %parallel_loop3A_696 = %parallel_loop3A_466 to %parallel_loop3A_467 step %parallel_loop3A_468  : i32 {
        %parallel_loop3A_697 = arith.constant 3 : i32
        %parallel_loop3A_698 = arith.constant 0 : i32
        %parallel_loop3A_699 = arith.index_cast %parallel_loop3A_697 : i32 to index
        %parallel_loop3A_700 = arith.index_cast %parallel_loop3A_698 : i32 to index
        %parallel_loop3A_701 = arith.index_cast %parallel_loop3A_696 : i32 to index
        %parallel_loop3A_702 = arith.constant 0 : index
        %parallel_loop3A_703 = tpu.vector_load %arg9[%parallel_loop3A_699, %parallel_loop3A_700, %parallel_loop3A_701, %parallel_loop3A_702] {strides = array<i32>} : memref<8x1x200x32xf32, #tpu.memory_space<vmem>>, vector<1x1x1x16xf32>,
        %parallel_loop3A_704 = vector.shape_cast %parallel_loop3A_703 : vector<1x1x1x16xf32> to vector<16xf32>
        %parallel_loop3A_705 = arith.constant 3 : i32
        %parallel_loop3A_706 = arith.constant 0 : i32
        %parallel_loop3A_707 = arith.index_cast %parallel_loop3A_705 : i32 to index
        %parallel_loop3A_708 = arith.index_cast %parallel_loop3A_706 : i32 to index
        %parallel_loop3A_709 = arith.index_cast %parallel_loop3A_696 : i32 to index
        %parallel_loop3A_710 = arith.constant 16 : index
        %parallel_loop3A_711 = tpu.vector_load %arg9[%parallel_loop3A_707, %parallel_loop3A_708, %parallel_loop3A_709, %parallel_loop3A_710] {strides = array<i32>} : memref<8x1x200x32xf32, #tpu.memory_space<vmem>>, vector<1x1x1x16xf32>,
        %parallel_loop3A_712 = vector.shape_cast %parallel_loop3A_711 : vector<1x1x1x16xf32> to vector<16xf32>
        %parallel_loop3A_713 = arith.index_cast %parallel_loop3A_696 : i32 to index
        %parallel_loop3A_714 = arith.constant 0 : index
        %parallel_loop3A_715 = tpu.vector_load %arg11[%parallel_loop3A_713, %parallel_loop3A_714] {strides = array<i32>} : memref<200x32xf32, #tpu.memory_space<vmem>>, vector<1x16xf32>,
        %parallel_loop3A_716 = vector.shape_cast %parallel_loop3A_715 : vector<1x16xf32> to vector<16xf32>
        %parallel_loop3A_717 = arith.addf %parallel_loop3A_704, %parallel_loop3A_716 : vector<16xf32>
        %parallel_loop3A_718 = arith.index_cast %parallel_loop3A_696 : i32 to index
        %parallel_loop3A_719 = arith.constant 16 : index
        %parallel_loop3A_720 = tpu.vector_load %arg11[%parallel_loop3A_718, %parallel_loop3A_719] {strides = array<i32>} : memref<200x32xf32, #tpu.memory_space<vmem>>, vector<1x16xf32>,
        %parallel_loop3A_721 = vector.shape_cast %parallel_loop3A_720 : vector<1x16xf32> to vector<16xf32>
        %parallel_loop3A_722 = arith.addf %parallel_loop3A_712, %parallel_loop3A_721 : vector<16xf32>
        %parallel_loop3A_723 = arith.addf %parallel_loop3A_717, %parallel_loop3A_722 : vector<16xf32>
        %parallel_loop3A_724 = arith.mulf %parallel_loop3A_717, %parallel_loop3A_717 : vector<16xf32>
        %parallel_loop3A_725 = arith.mulf %parallel_loop3A_722, %parallel_loop3A_722 : vector<16xf32>
        %parallel_loop3A_726 = arith.addf %parallel_loop3A_724, %parallel_loop3A_725 : vector<16xf32>
        %parallel_loop3A_727 = vector.shape_cast %xor3A_15 : vector<16xi32> to vector<16x1xi32>
        %parallel_loop3A_728 = vector.shape_cast %parallel_loop3A_727 : vector<16x1xi32> to vector<16xi32>
        %parallel_loop3A_729 = tpu.dynamic_gather %parallel_loop3A_723[%parallel_loop3A_728] in [0] : vector<16xf32>, vector<16xi32> -> vector<16xf32>
        %parallel_loop3A_730 = arith.addf %parallel_loop3A_723, %parallel_loop3A_729 : vector<16xf32>
        %parallel_loop3A_731 = vector.shape_cast %xor3A_15 : vector<16xi32> to vector<16x1xi32>
        %parallel_loop3A_732 = vector.shape_cast %parallel_loop3A_731 : vector<16x1xi32> to vector<16xi32>
        %parallel_loop3A_733 = tpu.dynamic_gather %parallel_loop3A_726[%parallel_loop3A_732] in [0] : vector<16xf32>, vector<16xi32> -> vector<16xf32>
        %parallel_loop3A_734 = arith.addf %parallel_loop3A_726, %parallel_loop3A_733 : vector<16xf32>
        %parallel_loop3A_735 = vector.shape_cast %xor3A_18 : vector<16xi32> to vector<16x1xi32>
        %parallel_loop3A_736 = vector.shape_cast %parallel_loop3A_735 : vector<16x1xi32> to vector<16xi32>
        %parallel_loop3A_737 = tpu.dynamic_gather %parallel_loop3A_730[%parallel_loop3A_736] in [0] : vector<16xf32>, vector<16xi32> -> vector<16xf32>
        %parallel_loop3A_738 = arith.addf %parallel_loop3A_730, %parallel_loop3A_737 : vector<16xf32>
        %parallel_loop3A_739 = vector.shape_cast %xor3A_18 : vector<16xi32> to vector<16x1xi32>
        %parallel_loop3A_740 = vector.shape_cast %parallel_loop3A_739 : vector<16x1xi32> to vector<16xi32>
        %parallel_loop3A_741 = tpu.dynamic_gather %parallel_loop3A_734[%parallel_loop3A_740] in [0] : vector<16xf32>, vector<16xi32> -> vector<16xf32>
        %parallel_loop3A_742 = arith.addf %parallel_loop3A_734, %parallel_loop3A_741 : vector<16xf32>
        %parallel_loop3A_743 = vector.shape_cast %xor3A_21 : vector<16xi32> to vector<16x1xi32>
        %parallel_loop3A_744 = vector.shape_cast %parallel_loop3A_743 : vector<16x1xi32> to vector<16xi32>
        %parallel_loop3A_745 = tpu.dynamic_gather %parallel_loop3A_738[%parallel_loop3A_744] in [0] : vector<16xf32>, vector<16xi32> -> vector<16xf32>
        %parallel_loop3A_746 = arith.addf %parallel_loop3A_738, %parallel_loop3A_745 : vector<16xf32>
        %parallel_loop3A_747 = vector.shape_cast %xor3A_21 : vector<16xi32> to vector<16x1xi32>
        %parallel_loop3A_748 = vector.shape_cast %parallel_loop3A_747 : vector<16x1xi32> to vector<16xi32>
        %parallel_loop3A_749 = tpu.dynamic_gather %parallel_loop3A_742[%parallel_loop3A_748] in [0] : vector<16xf32>, vector<16xi32> -> vector<16xf32>
        %parallel_loop3A_750 = arith.addf %parallel_loop3A_742, %parallel_loop3A_749 : vector<16xf32>
        %parallel_loop3A_751 = vector.shape_cast %xor3A_24 : vector<16xi32> to vector<16x1xi32>
        %parallel_loop3A_752 = vector.shape_cast %parallel_loop3A_751 : vector<16x1xi32> to vector<16xi32>
        %parallel_loop3A_753 = tpu.dynamic_gather %parallel_loop3A_746[%parallel_loop3A_752] in [0] : vector<16xf32>, vector<16xi32> -> vector<16xf32>
        %parallel_loop3A_754 = arith.addf %parallel_loop3A_746, %parallel_loop3A_753 : vector<16xf32>
        %parallel_loop3A_755 = vector.shape_cast %xor3A_24 : vector<16xi32> to vector<16x1xi32>
        %parallel_loop3A_756 = vector.shape_cast %parallel_loop3A_755 : vector<16x1xi32> to vector<16xi32>
        %parallel_loop3A_757 = tpu.dynamic_gather %parallel_loop3A_750[%parallel_loop3A_756] in [0] : vector<16xf32>, vector<16xi32> -> vector<16xf32>
        %parallel_loop3A_758 = arith.addf %parallel_loop3A_750, %parallel_loop3A_757 : vector<16xf32>
        %parallel_loop3A_759 = arith.constant 3.125000e-02 : f32
        %parallel_loop3A_760 = vector.broadcast %parallel_loop3A_759 : f32 to vector<16xf32>
        %parallel_loop3A_761 = arith.mulf %parallel_loop3A_754, %parallel_loop3A_760 : vector<16xf32>
        %parallel_loop3A_762 = arith.constant 3.125000e-02 : f32
        %parallel_loop3A_763 = vector.broadcast %parallel_loop3A_762 : f32 to vector<16xf32>
        %parallel_loop3A_764 = arith.mulf %parallel_loop3A_758, %parallel_loop3A_763 : vector<16xf32>
        %parallel_loop3A_765 = arith.mulf %parallel_loop3A_761, %parallel_loop3A_761 : vector<16xf32>
        %parallel_loop3A_766 = arith.subf %parallel_loop3A_764, %parallel_loop3A_765 : vector<16xf32>
        %parallel_loop3A_767 = arith.constant 9.99999974E-6 : f32
        %parallel_loop3A_768 = vector.broadcast %parallel_loop3A_767 : f32 to vector<16xf32>
        %parallel_loop3A_769 = arith.addf %parallel_loop3A_766, %parallel_loop3A_768 : vector<16xf32>
        %parallel_loop3A_770 = tpu.bitcast %parallel_loop3A_769 : vector<16xf32> -> vector<16xi32>
        %parallel_loop3A_771 = arith.constant 1 : i32
        %parallel_loop3A_772 = vector.broadcast %parallel_loop3A_771 : i32 to vector<16xi32>
        %parallel_loop3A_773 = arith.shrsi %parallel_loop3A_770, %parallel_loop3A_772 : vector<16xi32>
        %parallel_loop3A_774 = arith.constant 1597463007 : i32
        %parallel_loop3A_775 = vector.broadcast %parallel_loop3A_774 : i32 to vector<16xi32>
        %parallel_loop3A_776 = arith.subi %parallel_loop3A_775, %parallel_loop3A_773 : vector<16xi32>
        %parallel_loop3A_777 = tpu.bitcast %parallel_loop3A_776 : vector<16xi32> -> vector<16xf32>
        %parallel_loop3A_778 = arith.constant 5.000000e-01 : f32
        %parallel_loop3A_779 = vector.broadcast %parallel_loop3A_778 : f32 to vector<16xf32>
        %parallel_loop3A_780 = arith.mulf %parallel_loop3A_779, %parallel_loop3A_769 : vector<16xf32>
        %parallel_loop3A_781 = arith.mulf %parallel_loop3A_780, %parallel_loop3A_777 : vector<16xf32>
        %parallel_loop3A_782 = arith.mulf %parallel_loop3A_781, %parallel_loop3A_777 : vector<16xf32>
        %parallel_loop3A_783 = arith.constant 1.500000e+00 : f32
        %parallel_loop3A_784 = vector.broadcast %parallel_loop3A_783 : f32 to vector<16xf32>
        %parallel_loop3A_785 = arith.subf %parallel_loop3A_784, %parallel_loop3A_782 : vector<16xf32>
        %parallel_loop3A_786 = arith.mulf %parallel_loop3A_777, %parallel_loop3A_785 : vector<16xf32>
        %parallel_loop3A_787 = arith.mulf %parallel_loop3A_780, %parallel_loop3A_786 : vector<16xf32>
        %parallel_loop3A_788 = arith.mulf %parallel_loop3A_787, %parallel_loop3A_786 : vector<16xf32>
        %parallel_loop3A_789 = arith.constant 1.500000e+00 : f32
        %parallel_loop3A_790 = vector.broadcast %parallel_loop3A_789 : f32 to vector<16xf32>
        %parallel_loop3A_791 = arith.subf %parallel_loop3A_790, %parallel_loop3A_788 : vector<16xf32>
        %parallel_loop3A_792 = arith.mulf %parallel_loop3A_786, %parallel_loop3A_791 : vector<16xf32>
        %parallel_loop3A_793 = arith.subf %parallel_loop3A_717, %parallel_loop3A_761 : vector<16xf32>
        %parallel_loop3A_794 = arith.mulf %parallel_loop3A_793, %parallel_loop3A_792 : vector<16xf32>
        %parallel_loop3A_795 = arith.mulf %parallel_loop3A_794, %get3A_4 : vector<16xf32>
        %parallel_loop3A_796 = arith.addf %parallel_loop3A_795, %get3A_10 : vector<16xf32>
        %parallel_loop3A_797 = arith.subf %parallel_loop3A_722, %parallel_loop3A_761 : vector<16xf32>
        %parallel_loop3A_798 = arith.mulf %parallel_loop3A_797, %parallel_loop3A_792 : vector<16xf32>
        %parallel_loop3A_799 = arith.mulf %parallel_loop3A_798, %get3A_7 : vector<16xf32>
        %parallel_loop3A_800 = arith.addf %parallel_loop3A_799, %get3A_13 : vector<16xf32>
        %parallel_loop3A_801 = arith.constant 2 : i32
        %parallel_loop3A_802 = arith.shrsi %parallel_loop3A_696, %parallel_loop3A_801 : i32
        %parallel_loop3A_803 = arith.constant 3 : i32
        %parallel_loop3A_804 = arith.andi %parallel_loop3A_696, %parallel_loop3A_803 : i32
        %parallel_loop3A_805 = arith.constant 32 : i32
        %parallel_loop3A_806 = arith.muli %parallel_loop3A_804, %parallel_loop3A_805 : i32
        %parallel_loop3A_807 = arith.constant 3 : i32
        %parallel_loop3A_808 = arith.index_cast %parallel_loop3A_807 : i32 to index
        %parallel_loop3A_809 = arith.index_cast %parallel_loop3A_802 : i32 to index
        %parallel_loop3A_810 = arith.index_cast %parallel_loop3A_806 : i32 to index
        %parallel_loop3A_811 = tpu.vector_load %arg10[%parallel_loop3A_808, %parallel_loop3A_809, %parallel_loop3A_810] {strides = array<i32>} : memref<4x50x128xf32, #tpu.memory_space<vmem>>, vector<1x1x16xf32>,
        %parallel_loop3A_812 = vector.shape_cast %parallel_loop3A_811 : vector<1x1x16xf32> to vector<16xf32>
        %parallel_loop3A_813 = vector.shape_cast %parallel_loop3A_796 : vector<16xf32> to vector<1x1x16xf32>
        tpu.vector_store %arg10[%parallel_loop3A_808, %parallel_loop3A_809, %parallel_loop3A_810], %parallel_loop3A_813 {strides = array<i32>} : memref<4x50x128xf32, #tpu.memory_space<vmem>>, vector<1x1x16xf32>,
        %parallel_loop3A_814 = arith.constant 16 : i32
        %parallel_loop3A_815 = arith.addi %parallel_loop3A_806, %parallel_loop3A_814 : i32
        %parallel_loop3A_816 = arith.constant 3 : i32
        %parallel_loop3A_817 = arith.index_cast %parallel_loop3A_816 : i32 to index
        %parallel_loop3A_818 = arith.index_cast %parallel_loop3A_802 : i32 to index
        %parallel_loop3A_819 = arith.index_cast %parallel_loop3A_815 : i32 to index
        %parallel_loop3A_820 = tpu.vector_load %arg10[%parallel_loop3A_817, %parallel_loop3A_818, %parallel_loop3A_819] {strides = array<i32>} : memref<4x50x128xf32, #tpu.memory_space<vmem>>, vector<1x1x16xf32>,
        %parallel_loop3A_821 = vector.shape_cast %parallel_loop3A_820 : vector<1x1x16xf32> to vector<16xf32>
        %parallel_loop3A_822 = vector.shape_cast %parallel_loop3A_800 : vector<16xf32> to vector<1x1x16xf32>
        tpu.vector_store %arg10[%parallel_loop3A_817, %parallel_loop3A_818, %parallel_loop3A_819], %parallel_loop3A_822 {strides = array<i32>} : memref<4x50x128xf32, #tpu.memory_space<vmem>>, vector<1x1x16xf32>,
      } {sc.loop_unroll_factor = 2 : i64, sc.parallel_access}
      %add3A_469 = arith.addi %mul3A_2, %add3A_444 : i32
      %mul3A_470 = arith.constant 50 : i32
      %mul3A_471 = arith.muli %add3A_469, %mul3A_470 : i32
      %dma_start3A_472 = arith.constant 3 : i32
      %dma_start3A_473 = arith.constant 0 : i32
      %dma_start3A_474 = arith.constant 0 : i32
      %dma_start3A_475 = tpu.memref_slice %arg10[%dma_start3A_472, %dma_start3A_473, %dma_start3A_474] : memref<4x50x128xf32, #tpu.memory_space<vmem>> -> memref<1x50x128xf32, #tpu.memory_space<vmem>>
      %dma_start3A_476 = tpu.memref_squeeze %dma_start3A_475 : memref<1x50x128xf32, #tpu.memory_space<vmem>> -> memref<50x128xf32, #tpu.memory_space<vmem>>
      %dma_start3A_477 = arith.constant 0 : i32
      %dma_start3A_478 = tpu.memref_slice %arg7[%mul3A_471, %dma_start3A_477] : memref<204800x128xf32, #tpu.memory_space<hbm>> -> memref<50x128xf32, #tpu.memory_space<hbm>>
      %dma_start3A_479 = arith.constant 0 : i32
      %dma_start3A_480 = tpu.memref_slice %arg7[%mul3A_471, %dma_start3A_479] : memref<204800x128xf32, #tpu.memory_space<hbm>> -> memref<50x128xf32, #tpu.memory_space<hbm>>
      %dma_start3A_481 = arith.constant 0 : i32
      %dma_start3A_482 = arith.constant 0 : i32
      %dma_start3A_483 = tpu.memref_slice %arg10[%dma_start3A_472, %dma_start3A_481, %dma_start3A_482] : memref<4x50x128xf32, #tpu.memory_space<vmem>> -> memref<1x50x128xf32, #tpu.memory_space<vmem>>
      %dma_start3A_484 = tpu.memref_squeeze %dma_start3A_483 : memref<1x50x128xf32, #tpu.memory_space<vmem>> -> memref<50x128xf32, #tpu.memory_space<vmem>>
      tpu.enqueue_dma source(%dma_start3A_484 : memref<50x128xf32, #tpu.memory_space<vmem>>) target(%dma_start3A_480 : memref<50x128xf32, #tpu.memory_space<hbm>>) target_semaphore(%arg25 : memref<!tpu.dma_semaphore, #tpu.memory_space<semaphore_mem>>)
      %add3A_485 = arith.constant 6 : i32
      %add3A_486 = arith.addi %add3A_444, %add3A_485 : i32
      %lt3A_487 = arith.constant 128 : i32
      %lt3A_488 = arith.cmpi slt, %add3A_486, %lt3A_487 : i32
      %convert_element_type3A_489 = arith.extui %lt3A_488 : i1 to i32
      %cond3A_490 = arith.constant 0 : i32
      %cond3A_491 = arith.cmpi ne, %convert_element_type3A_489, %cond3A_490 : i32
      scf.if %cond3A_491 {
        %add3A_696 = arith.constant 6 : i32
        %add3A_697 = arith.addi %add3A_444, %add3A_696 : i32
        %mul3A_698 = arith.constant 1 : i32
        %mul3A_699 = arith.muli %add3A_697, %mul3A_698 : i32
        %add3A_700 = arith.constant 0 : i32
        %add3A_701 = arith.addi %mul3A_699, %add3A_700 : i32
        %dma_start3A_702 = arith.constant 1 : i32
        %dma_start3A_703 = arith.constant 0 : i32
        %dma_start3A_704 = arith.constant 0 : i32
        %dma_start3A_705 = arith.constant 0 : i32
        %dma_start3A_706 = tpu.memref_slice %arg9[%dma_start3A_702, %dma_start3A_703, %dma_start3A_704, %dma_start3A_705] : memref<8x1x200x32xf32, #tpu.memory_space<vmem>> -> memref<1x1x128x32xf32, #tpu.memory_space<vmem>>
        %dma_start3A_707 = tpu.memref_squeeze %dma_start3A_706 : memref<1x1x128x32xf32, #tpu.memory_space<vmem>> -> memref<128x32xf32, #tpu.memory_space<vmem>>
        %dma_start3A_708 = arith.constant 0 : i32
        %dma_start3A_709 = tpu.memref_slice %arg8[%add3A_701, %dma_start3A_708] : memref<128x200xi32, #tpu.memory_space<vmem>> -> memref<1x128xi32, #tpu.memory_space<vmem>>
        %dma_start3A_710 = tpu.memref_squeeze %dma_start3A_709 : memref<1x128xi32, #tpu.memory_space<vmem>> -> memref<128xi32, #tpu.memory_space<vmem>>
        %dma_start3A_711 = arith.constant 0 : i32
        %dma_start3A_712 = arith.constant 0 : i32
        %dma_start3A_713 = tpu.memref_slice %arg3[%dma_start3A_711, %dma_start3A_712] : memref<1000000x32xf32, #tpu.memory_space<hbm>> -> memref<1000000x32xf32, #tpu.memory_space<hbm>>
        tpu.enqueue_indirect_dma source(%dma_start3A_713 : memref<1000000x32xf32, #tpu.memory_space<hbm>>) target(%dma_start3A_707 : memref<128x32xf32, #tpu.memory_space<vmem>>) offsets(%dma_start3A_710 : memref<128xi32, #tpu.memory_space<vmem>>) semaphore(%arg15 : memref<!tpu.dma_semaphore, #tpu.memory_space<semaphore_mem>>)
        %mul3A_714 = arith.constant 1 : i32
        %mul3A_715 = arith.muli %add3A_697, %mul3A_714 : i32
        %add3A_716 = arith.constant 0 : i32
        %add3A_717 = arith.addi %mul3A_715, %add3A_716 : i32
        %dma_start3A_718 = arith.constant 1 : i32
        %dma_start3A_719 = arith.constant 0 : i32
        %dma_start3A_720 = arith.constant 128 : i32
        %dma_start3A_721 = arith.constant 0 : i32
        %dma_start3A_722 = tpu.memref_slice %arg9[%dma_start3A_718, %dma_start3A_719, %dma_start3A_720, %dma_start3A_721] : memref<8x1x200x32xf32, #tpu.memory_space<vmem>> -> memref<1x1x72x32xf32, #tpu.memory_space<vmem>>
        %dma_start3A_723 = tpu.memref_squeeze %dma_start3A_722 : memref<1x1x72x32xf32, #tpu.memory_space<vmem>> -> memref<72x32xf32, #tpu.memory_space<vmem>>
        %dma_start3A_724 = arith.constant 128 : i32
        %dma_start3A_725 = tpu.memref_slice %arg8[%add3A_717, %dma_start3A_724] : memref<128x200xi32, #tpu.memory_space<vmem>> -> memref<1x72xi32, #tpu.memory_space<vmem>>
        %dma_start3A_726 = tpu.memref_squeeze %dma_start3A_725 : memref<1x72xi32, #tpu.memory_space<vmem>> -> memref<72xi32, #tpu.memory_space<vmem>>
        %dma_start3A_727 = arith.constant 0 : i32
        %dma_start3A_728 = arith.constant 0 : i32
        %dma_start3A_729 = tpu.memref_slice %arg3[%dma_start3A_727, %dma_start3A_728] : memref<1000000x32xf32, #tpu.memory_space<hbm>> -> memref<1000000x32xf32, #tpu.memory_space<hbm>>
        tpu.enqueue_indirect_dma source(%dma_start3A_729 : memref<1000000x32xf32, #tpu.memory_space<hbm>>) target(%dma_start3A_723 : memref<72x32xf32, #tpu.memory_space<vmem>>) offsets(%dma_start3A_726 : memref<72xi32, #tpu.memory_space<vmem>>) semaphore(%arg15 : memref<!tpu.dma_semaphore, #tpu.memory_space<semaphore_mem>>)
      } else {
      }
      %mul3A_492 = arith.constant 8 : i32
      %mul3A_493 = arith.muli %scan3A_292, %mul3A_492 : i32
      %add3A_494 = arith.constant 4 : i32
      %add3A_495 = arith.addi %mul3A_493, %add3A_494 : i32
      %dma_wait3A_496 = arith.constant 4 : i32
      %dma_wait3A_497 = arith.constant 0 : i32
      %dma_wait3A_498 = arith.constant 0 : i32
      %dma_wait3A_499 = arith.constant 0 : i32
      %dma_wait3A_500 = tpu.memref_slice %arg9[%dma_wait3A_496, %dma_wait3A_497, %dma_wait3A_498, %dma_wait3A_499] : memref<8x1x200x32xf32, #tpu.memory_space<vmem>> -> memref<1x1x200x32xf32, #tpu.memory_space<vmem>>
      %dma_wait3A_501 = tpu.memref_squeeze %dma_wait3A_500 : memref<1x1x200x32xf32, #tpu.memory_space<vmem>> -> memref<200x32xf32, #tpu.memory_space<vmem>>
      %dma_wait3A_502 = arith.constant 0 : i32
      %dma_wait3A_503 = arith.constant 0 : i32
      %dma_wait3A_504 = tpu.memref_slice %arg3[%dma_wait3A_502, %dma_wait3A_503] : memref<1000000x32xf32, #tpu.memory_space<hbm>> -> memref<200x32xf32, #tpu.memory_space<hbm>>
      %dma_wait3A_505 = arith.constant 0 : i32
      %dma_wait3A_506 = arith.constant 0 : i32
      %dma_wait3A_507 = tpu.memref_slice %arg9[%dma_wait3A_496, %dma_wait3A_497, %dma_wait3A_505, %dma_wait3A_506] : memref<8x1x200x32xf32, #tpu.memory_space<vmem>> -> memref<1x1x200x32xf32, #tpu.memory_space<vmem>>
      %dma_wait3A_508 = tpu.memref_squeeze %dma_wait3A_507 : memref<1x1x200x32xf32, #tpu.memory_space<vmem>> -> memref<200x32xf32, #tpu.memory_space<vmem>>
      %dma_wait3A_509 = arith.constant 0 : i32
      %dma_wait3A_510 = arith.constant 0 : i32
      %dma_wait3A_511 = tpu.memref_slice %arg3[%dma_wait3A_509, %dma_wait3A_510] : memref<1000000x32xf32, #tpu.memory_space<hbm>> -> memref<200x32xf32, #tpu.memory_space<hbm>>
      tpu.wait_dma2 semaphore(%arg18 : memref<!tpu.dma_semaphore, #tpu.memory_space<semaphore_mem>>) src(%dma_wait3A_511 : memref<200x32xf32, #tpu.memory_space<hbm>>) dst(%dma_wait3A_508 : memref<200x32xf32, #tpu.memory_space<vmem>>)
      %ge3A_512 = arith.constant 4 : i32
      %ge3A_513 = arith.cmpi sge, %add3A_495, %ge3A_512 : i32
      %convert_element_type3A_514 = arith.extui %ge3A_513 : i1 to i32
      %cond3A_515 = arith.constant 0 : i32
      %cond3A_516 = arith.cmpi ne, %convert_element_type3A_514, %cond3A_515 : i32
      scf.if %cond3A_516 {
        %dma_wait3A_696 = arith.constant 0 : i32
        %dma_wait3A_697 = arith.constant 0 : i32
        %dma_wait3A_698 = arith.constant 0 : i32
        %dma_wait3A_699 = tpu.memref_slice %arg10[%dma_wait3A_696, %dma_wait3A_697, %dma_wait3A_698] : memref<4x50x128xf32, #tpu.memory_space<vmem>> -> memref<1x50x128xf32, #tpu.memory_space<vmem>>
        %dma_wait3A_700 = tpu.memref_squeeze %dma_wait3A_699 : memref<1x50x128xf32, #tpu.memory_space<vmem>> -> memref<50x128xf32, #tpu.memory_space<vmem>>
        %dma_wait3A_701 = arith.constant 0 : i32
        %dma_wait3A_702 = arith.constant 0 : i32
        %dma_wait3A_703 = tpu.memref_slice %arg7[%dma_wait3A_701, %dma_wait3A_702] : memref<204800x128xf32, #tpu.memory_space<hbm>> -> memref<50x128xf32, #tpu.memory_space<hbm>>
        %dma_wait3A_704 = arith.constant 0 : i32
        %dma_wait3A_705 = arith.constant 0 : i32
        %dma_wait3A_706 = tpu.memref_slice %arg7[%dma_wait3A_704, %dma_wait3A_705] : memref<204800x128xf32, #tpu.memory_space<hbm>> -> memref<50x128xf32, #tpu.memory_space<hbm>>
        %dma_wait3A_707 = arith.constant 0 : i32
        %dma_wait3A_708 = arith.constant 0 : i32
        %dma_wait3A_709 = tpu.memref_slice %arg10[%dma_wait3A_696, %dma_wait3A_707, %dma_wait3A_708] : memref<4x50x128xf32, #tpu.memory_space<vmem>> -> memref<1x50x128xf32, #tpu.memory_space<vmem>>
        %dma_wait3A_710 = tpu.memref_squeeze %dma_wait3A_709 : memref<1x50x128xf32, #tpu.memory_space<vmem>> -> memref<50x128xf32, #tpu.memory_space<vmem>>
        tpu.wait_dma2 semaphore(%arg22 : memref<!tpu.dma_semaphore, #tpu.memory_space<semaphore_mem>>) src(%dma_wait3A_710 : memref<50x128xf32, #tpu.memory_space<vmem>>) dst(%dma_wait3A_706 : memref<50x128xf32, #tpu.memory_space<hbm>>)
      } else {
      }
      %parallel_loop3A_517 = arith.constant 0 : i32
      %parallel_loop3A_518 = arith.constant 200 : i32
      %parallel_loop3A_519 = arith.constant 1 : i32
      scf.for %parallel_loop3A_696 = %parallel_loop3A_517 to %parallel_loop3A_518 step %parallel_loop3A_519  : i32 {
        %parallel_loop3A_697 = arith.constant 4 : i32
        %parallel_loop3A_698 = arith.constant 0 : i32
        %parallel_loop3A_699 = arith.index_cast %parallel_loop3A_697 : i32 to index
        %parallel_loop3A_700 = arith.index_cast %parallel_loop3A_698 : i32 to index
        %parallel_loop3A_701 = arith.index_cast %parallel_loop3A_696 : i32 to index
        %parallel_loop3A_702 = arith.constant 0 : index
        %parallel_loop3A_703 = tpu.vector_load %arg9[%parallel_loop3A_699, %parallel_loop3A_700, %parallel_loop3A_701, %parallel_loop3A_702] {strides = array<i32>} : memref<8x1x200x32xf32, #tpu.memory_space<vmem>>, vector<1x1x1x16xf32>,
        %parallel_loop3A_704 = vector.shape_cast %parallel_loop3A_703 : vector<1x1x1x16xf32> to vector<16xf32>
        %parallel_loop3A_705 = arith.constant 4 : i32
        %parallel_loop3A_706 = arith.constant 0 : i32
        %parallel_loop3A_707 = arith.index_cast %parallel_loop3A_705 : i32 to index
        %parallel_loop3A_708 = arith.index_cast %parallel_loop3A_706 : i32 to index
        %parallel_loop3A_709 = arith.index_cast %parallel_loop3A_696 : i32 to index
        %parallel_loop3A_710 = arith.constant 16 : index
        %parallel_loop3A_711 = tpu.vector_load %arg9[%parallel_loop3A_707, %parallel_loop3A_708, %parallel_loop3A_709, %parallel_loop3A_710] {strides = array<i32>} : memref<8x1x200x32xf32, #tpu.memory_space<vmem>>, vector<1x1x1x16xf32>,
        %parallel_loop3A_712 = vector.shape_cast %parallel_loop3A_711 : vector<1x1x1x16xf32> to vector<16xf32>
        %parallel_loop3A_713 = arith.index_cast %parallel_loop3A_696 : i32 to index
        %parallel_loop3A_714 = arith.constant 0 : index
        %parallel_loop3A_715 = tpu.vector_load %arg11[%parallel_loop3A_713, %parallel_loop3A_714] {strides = array<i32>} : memref<200x32xf32, #tpu.memory_space<vmem>>, vector<1x16xf32>,
        %parallel_loop3A_716 = vector.shape_cast %parallel_loop3A_715 : vector<1x16xf32> to vector<16xf32>
        %parallel_loop3A_717 = arith.addf %parallel_loop3A_704, %parallel_loop3A_716 : vector<16xf32>
        %parallel_loop3A_718 = arith.index_cast %parallel_loop3A_696 : i32 to index
        %parallel_loop3A_719 = arith.constant 16 : index
        %parallel_loop3A_720 = tpu.vector_load %arg11[%parallel_loop3A_718, %parallel_loop3A_719] {strides = array<i32>} : memref<200x32xf32, #tpu.memory_space<vmem>>, vector<1x16xf32>,
        %parallel_loop3A_721 = vector.shape_cast %parallel_loop3A_720 : vector<1x16xf32> to vector<16xf32>
        %parallel_loop3A_722 = arith.addf %parallel_loop3A_712, %parallel_loop3A_721 : vector<16xf32>
        %parallel_loop3A_723 = arith.addf %parallel_loop3A_717, %parallel_loop3A_722 : vector<16xf32>
        %parallel_loop3A_724 = arith.mulf %parallel_loop3A_717, %parallel_loop3A_717 : vector<16xf32>
        %parallel_loop3A_725 = arith.mulf %parallel_loop3A_722, %parallel_loop3A_722 : vector<16xf32>
        %parallel_loop3A_726 = arith.addf %parallel_loop3A_724, %parallel_loop3A_725 : vector<16xf32>
        %parallel_loop3A_727 = vector.shape_cast %xor3A_15 : vector<16xi32> to vector<16x1xi32>
        %parallel_loop3A_728 = vector.shape_cast %parallel_loop3A_727 : vector<16x1xi32> to vector<16xi32>
        %parallel_loop3A_729 = tpu.dynamic_gather %parallel_loop3A_723[%parallel_loop3A_728] in [0] : vector<16xf32>, vector<16xi32> -> vector<16xf32>
        %parallel_loop3A_730 = arith.addf %parallel_loop3A_723, %parallel_loop3A_729 : vector<16xf32>
        %parallel_loop3A_731 = vector.shape_cast %xor3A_15 : vector<16xi32> to vector<16x1xi32>
        %parallel_loop3A_732 = vector.shape_cast %parallel_loop3A_731 : vector<16x1xi32> to vector<16xi32>
        %parallel_loop3A_733 = tpu.dynamic_gather %parallel_loop3A_726[%parallel_loop3A_732] in [0] : vector<16xf32>, vector<16xi32> -> vector<16xf32>
        %parallel_loop3A_734 = arith.addf %parallel_loop3A_726, %parallel_loop3A_733 : vector<16xf32>
        %parallel_loop3A_735 = vector.shape_cast %xor3A_18 : vector<16xi32> to vector<16x1xi32>
        %parallel_loop3A_736 = vector.shape_cast %parallel_loop3A_735 : vector<16x1xi32> to vector<16xi32>
        %parallel_loop3A_737 = tpu.dynamic_gather %parallel_loop3A_730[%parallel_loop3A_736] in [0] : vector<16xf32>, vector<16xi32> -> vector<16xf32>
        %parallel_loop3A_738 = arith.addf %parallel_loop3A_730, %parallel_loop3A_737 : vector<16xf32>
        %parallel_loop3A_739 = vector.shape_cast %xor3A_18 : vector<16xi32> to vector<16x1xi32>
        %parallel_loop3A_740 = vector.shape_cast %parallel_loop3A_739 : vector<16x1xi32> to vector<16xi32>
        %parallel_loop3A_741 = tpu.dynamic_gather %parallel_loop3A_734[%parallel_loop3A_740] in [0] : vector<16xf32>, vector<16xi32> -> vector<16xf32>
        %parallel_loop3A_742 = arith.addf %parallel_loop3A_734, %parallel_loop3A_741 : vector<16xf32>
        %parallel_loop3A_743 = vector.shape_cast %xor3A_21 : vector<16xi32> to vector<16x1xi32>
        %parallel_loop3A_744 = vector.shape_cast %parallel_loop3A_743 : vector<16x1xi32> to vector<16xi32>
        %parallel_loop3A_745 = tpu.dynamic_gather %parallel_loop3A_738[%parallel_loop3A_744] in [0] : vector<16xf32>, vector<16xi32> -> vector<16xf32>
        %parallel_loop3A_746 = arith.addf %parallel_loop3A_738, %parallel_loop3A_745 : vector<16xf32>
        %parallel_loop3A_747 = vector.shape_cast %xor3A_21 : vector<16xi32> to vector<16x1xi32>
        %parallel_loop3A_748 = vector.shape_cast %parallel_loop3A_747 : vector<16x1xi32> to vector<16xi32>
        %parallel_loop3A_749 = tpu.dynamic_gather %parallel_loop3A_742[%parallel_loop3A_748] in [0] : vector<16xf32>, vector<16xi32> -> vector<16xf32>
        %parallel_loop3A_750 = arith.addf %parallel_loop3A_742, %parallel_loop3A_749 : vector<16xf32>
        %parallel_loop3A_751 = vector.shape_cast %xor3A_24 : vector<16xi32> to vector<16x1xi32>
        %parallel_loop3A_752 = vector.shape_cast %parallel_loop3A_751 : vector<16x1xi32> to vector<16xi32>
        %parallel_loop3A_753 = tpu.dynamic_gather %parallel_loop3A_746[%parallel_loop3A_752] in [0] : vector<16xf32>, vector<16xi32> -> vector<16xf32>
        %parallel_loop3A_754 = arith.addf %parallel_loop3A_746, %parallel_loop3A_753 : vector<16xf32>
        %parallel_loop3A_755 = vector.shape_cast %xor3A_24 : vector<16xi32> to vector<16x1xi32>
        %parallel_loop3A_756 = vector.shape_cast %parallel_loop3A_755 : vector<16x1xi32> to vector<16xi32>
        %parallel_loop3A_757 = tpu.dynamic_gather %parallel_loop3A_750[%parallel_loop3A_756] in [0] : vector<16xf32>, vector<16xi32> -> vector<16xf32>
        %parallel_loop3A_758 = arith.addf %parallel_loop3A_750, %parallel_loop3A_757 : vector<16xf32>
        %parallel_loop3A_759 = arith.constant 3.125000e-02 : f32
        %parallel_loop3A_760 = vector.broadcast %parallel_loop3A_759 : f32 to vector<16xf32>
        %parallel_loop3A_761 = arith.mulf %parallel_loop3A_754, %parallel_loop3A_760 : vector<16xf32>
        %parallel_loop3A_762 = arith.constant 3.125000e-02 : f32
        %parallel_loop3A_763 = vector.broadcast %parallel_loop3A_762 : f32 to vector<16xf32>
        %parallel_loop3A_764 = arith.mulf %parallel_loop3A_758, %parallel_loop3A_763 : vector<16xf32>
        %parallel_loop3A_765 = arith.mulf %parallel_loop3A_761, %parallel_loop3A_761 : vector<16xf32>
        %parallel_loop3A_766 = arith.subf %parallel_loop3A_764, %parallel_loop3A_765 : vector<16xf32>
        %parallel_loop3A_767 = arith.constant 9.99999974E-6 : f32
        %parallel_loop3A_768 = vector.broadcast %parallel_loop3A_767 : f32 to vector<16xf32>
        %parallel_loop3A_769 = arith.addf %parallel_loop3A_766, %parallel_loop3A_768 : vector<16xf32>
        %parallel_loop3A_770 = tpu.bitcast %parallel_loop3A_769 : vector<16xf32> -> vector<16xi32>
        %parallel_loop3A_771 = arith.constant 1 : i32
        %parallel_loop3A_772 = vector.broadcast %parallel_loop3A_771 : i32 to vector<16xi32>
        %parallel_loop3A_773 = arith.shrsi %parallel_loop3A_770, %parallel_loop3A_772 : vector<16xi32>
        %parallel_loop3A_774 = arith.constant 1597463007 : i32
        %parallel_loop3A_775 = vector.broadcast %parallel_loop3A_774 : i32 to vector<16xi32>
        %parallel_loop3A_776 = arith.subi %parallel_loop3A_775, %parallel_loop3A_773 : vector<16xi32>
        %parallel_loop3A_777 = tpu.bitcast %parallel_loop3A_776 : vector<16xi32> -> vector<16xf32>
        %parallel_loop3A_778 = arith.constant 5.000000e-01 : f32
        %parallel_loop3A_779 = vector.broadcast %parallel_loop3A_778 : f32 to vector<16xf32>
        %parallel_loop3A_780 = arith.mulf %parallel_loop3A_779, %parallel_loop3A_769 : vector<16xf32>
        %parallel_loop3A_781 = arith.mulf %parallel_loop3A_780, %parallel_loop3A_777 : vector<16xf32>
        %parallel_loop3A_782 = arith.mulf %parallel_loop3A_781, %parallel_loop3A_777 : vector<16xf32>
        %parallel_loop3A_783 = arith.constant 1.500000e+00 : f32
        %parallel_loop3A_784 = vector.broadcast %parallel_loop3A_783 : f32 to vector<16xf32>
        %parallel_loop3A_785 = arith.subf %parallel_loop3A_784, %parallel_loop3A_782 : vector<16xf32>
        %parallel_loop3A_786 = arith.mulf %parallel_loop3A_777, %parallel_loop3A_785 : vector<16xf32>
        %parallel_loop3A_787 = arith.mulf %parallel_loop3A_780, %parallel_loop3A_786 : vector<16xf32>
        %parallel_loop3A_788 = arith.mulf %parallel_loop3A_787, %parallel_loop3A_786 : vector<16xf32>
        %parallel_loop3A_789 = arith.constant 1.500000e+00 : f32
        %parallel_loop3A_790 = vector.broadcast %parallel_loop3A_789 : f32 to vector<16xf32>
        %parallel_loop3A_791 = arith.subf %parallel_loop3A_790, %parallel_loop3A_788 : vector<16xf32>
        %parallel_loop3A_792 = arith.mulf %parallel_loop3A_786, %parallel_loop3A_791 : vector<16xf32>
        %parallel_loop3A_793 = arith.subf %parallel_loop3A_717, %parallel_loop3A_761 : vector<16xf32>
        %parallel_loop3A_794 = arith.mulf %parallel_loop3A_793, %parallel_loop3A_792 : vector<16xf32>
        %parallel_loop3A_795 = arith.mulf %parallel_loop3A_794, %get3A_4 : vector<16xf32>
        %parallel_loop3A_796 = arith.addf %parallel_loop3A_795, %get3A_10 : vector<16xf32>
        %parallel_loop3A_797 = arith.subf %parallel_loop3A_722, %parallel_loop3A_761 : vector<16xf32>
        %parallel_loop3A_798 = arith.mulf %parallel_loop3A_797, %parallel_loop3A_792 : vector<16xf32>
        %parallel_loop3A_799 = arith.mulf %parallel_loop3A_798, %get3A_7 : vector<16xf32>
        %parallel_loop3A_800 = arith.addf %parallel_loop3A_799, %get3A_13 : vector<16xf32>
        %parallel_loop3A_801 = arith.constant 2 : i32
        %parallel_loop3A_802 = arith.shrsi %parallel_loop3A_696, %parallel_loop3A_801 : i32
        %parallel_loop3A_803 = arith.constant 3 : i32
        %parallel_loop3A_804 = arith.andi %parallel_loop3A_696, %parallel_loop3A_803 : i32
        %parallel_loop3A_805 = arith.constant 32 : i32
        %parallel_loop3A_806 = arith.muli %parallel_loop3A_804, %parallel_loop3A_805 : i32
        %parallel_loop3A_807 = arith.constant 0 : i32
        %parallel_loop3A_808 = arith.index_cast %parallel_loop3A_807 : i32 to index
        %parallel_loop3A_809 = arith.index_cast %parallel_loop3A_802 : i32 to index
        %parallel_loop3A_810 = arith.index_cast %parallel_loop3A_806 : i32 to index
        %parallel_loop3A_811 = tpu.vector_load %arg10[%parallel_loop3A_808, %parallel_loop3A_809, %parallel_loop3A_810] {strides = array<i32>} : memref<4x50x128xf32, #tpu.memory_space<vmem>>, vector<1x1x16xf32>,
        %parallel_loop3A_812 = vector.shape_cast %parallel_loop3A_811 : vector<1x1x16xf32> to vector<16xf32>
        %parallel_loop3A_813 = vector.shape_cast %parallel_loop3A_796 : vector<16xf32> to vector<1x1x16xf32>
        tpu.vector_store %arg10[%parallel_loop3A_808, %parallel_loop3A_809, %parallel_loop3A_810], %parallel_loop3A_813 {strides = array<i32>} : memref<4x50x128xf32, #tpu.memory_space<vmem>>, vector<1x1x16xf32>,
        %parallel_loop3A_814 = arith.constant 16 : i32
        %parallel_loop3A_815 = arith.addi %parallel_loop3A_806, %parallel_loop3A_814 : i32
        %parallel_loop3A_816 = arith.constant 0 : i32
        %parallel_loop3A_817 = arith.index_cast %parallel_loop3A_816 : i32 to index
        %parallel_loop3A_818 = arith.index_cast %parallel_loop3A_802 : i32 to index
        %parallel_loop3A_819 = arith.index_cast %parallel_loop3A_815 : i32 to index
        %parallel_loop3A_820 = tpu.vector_load %arg10[%parallel_loop3A_817, %parallel_loop3A_818, %parallel_loop3A_819] {strides = array<i32>} : memref<4x50x128xf32, #tpu.memory_space<vmem>>, vector<1x1x16xf32>,
        %parallel_loop3A_821 = vector.shape_cast %parallel_loop3A_820 : vector<1x1x16xf32> to vector<16xf32>
        %parallel_loop3A_822 = vector.shape_cast %parallel_loop3A_800 : vector<16xf32> to vector<1x1x16xf32>
        tpu.vector_store %arg10[%parallel_loop3A_817, %parallel_loop3A_818, %parallel_loop3A_819], %parallel_loop3A_822 {strides = array<i32>} : memref<4x50x128xf32, #tpu.memory_space<vmem>>, vector<1x1x16xf32>,
      } {sc.loop_unroll_factor = 2 : i64, sc.parallel_access}
      %add3A_520 = arith.addi %mul3A_2, %add3A_495 : i32
      %mul3A_521 = arith.constant 50 : i32
      %mul3A_522 = arith.muli %add3A_520, %mul3A_521 : i32
      %dma_start3A_523 = arith.constant 0 : i32
      %dma_start3A_524 = arith.constant 0 : i32
      %dma_start3A_525 = arith.constant 0 : i32
      %dma_start3A_526 = tpu.memref_slice %arg10[%dma_start3A_523, %dma_start3A_524, %dma_start3A_525] : memref<4x50x128xf32, #tpu.memory_space<vmem>> -> memref<1x50x128xf32, #tpu.memory_space<vmem>>
      %dma_start3A_527 = tpu.memref_squeeze %dma_start3A_526 : memref<1x50x128xf32, #tpu.memory_space<vmem>> -> memref<50x128xf32, #tpu.memory_space<vmem>>
      %dma_start3A_528 = arith.constant 0 : i32
      %dma_start3A_529 = tpu.memref_slice %arg7[%mul3A_522, %dma_start3A_528] : memref<204800x128xf32, #tpu.memory_space<hbm>> -> memref<50x128xf32, #tpu.memory_space<hbm>>
      %dma_start3A_530 = arith.constant 0 : i32
      %dma_start3A_531 = tpu.memref_slice %arg7[%mul3A_522, %dma_start3A_530] : memref<204800x128xf32, #tpu.memory_space<hbm>> -> memref<50x128xf32, #tpu.memory_space<hbm>>
      %dma_start3A_532 = arith.constant 0 : i32
      %dma_start3A_533 = arith.constant 0 : i32
      %dma_start3A_534 = tpu.memref_slice %arg10[%dma_start3A_523, %dma_start3A_532, %dma_start3A_533] : memref<4x50x128xf32, #tpu.memory_space<vmem>> -> memref<1x50x128xf32, #tpu.memory_space<vmem>>
      %dma_start3A_535 = tpu.memref_squeeze %dma_start3A_534 : memref<1x50x128xf32, #tpu.memory_space<vmem>> -> memref<50x128xf32, #tpu.memory_space<vmem>>
      tpu.enqueue_dma source(%dma_start3A_535 : memref<50x128xf32, #tpu.memory_space<vmem>>) target(%dma_start3A_531 : memref<50x128xf32, #tpu.memory_space<hbm>>) target_semaphore(%arg22 : memref<!tpu.dma_semaphore, #tpu.memory_space<semaphore_mem>>)
      %add3A_536 = arith.constant 6 : i32
      %add3A_537 = arith.addi %add3A_495, %add3A_536 : i32
      %lt3A_538 = arith.constant 128 : i32
      %lt3A_539 = arith.cmpi slt, %add3A_537, %lt3A_538 : i32
      %convert_element_type3A_540 = arith.extui %lt3A_539 : i1 to i32
      %cond3A_541 = arith.constant 0 : i32
      %cond3A_542 = arith.cmpi ne, %convert_element_type3A_540, %cond3A_541 : i32
      scf.if %cond3A_542 {
        %add3A_696 = arith.constant 6 : i32
        %add3A_697 = arith.addi %add3A_495, %add3A_696 : i32
        %mul3A_698 = arith.constant 1 : i32
        %mul3A_699 = arith.muli %add3A_697, %mul3A_698 : i32
        %add3A_700 = arith.constant 0 : i32
        %add3A_701 = arith.addi %mul3A_699, %add3A_700 : i32
        %dma_start3A_702 = arith.constant 2 : i32
        %dma_start3A_703 = arith.constant 0 : i32
        %dma_start3A_704 = arith.constant 0 : i32
        %dma_start3A_705 = arith.constant 0 : i32
        %dma_start3A_706 = tpu.memref_slice %arg9[%dma_start3A_702, %dma_start3A_703, %dma_start3A_704, %dma_start3A_705] : memref<8x1x200x32xf32, #tpu.memory_space<vmem>> -> memref<1x1x128x32xf32, #tpu.memory_space<vmem>>
        %dma_start3A_707 = tpu.memref_squeeze %dma_start3A_706 : memref<1x1x128x32xf32, #tpu.memory_space<vmem>> -> memref<128x32xf32, #tpu.memory_space<vmem>>
        %dma_start3A_708 = arith.constant 0 : i32
        %dma_start3A_709 = tpu.memref_slice %arg8[%add3A_701, %dma_start3A_708] : memref<128x200xi32, #tpu.memory_space<vmem>> -> memref<1x128xi32, #tpu.memory_space<vmem>>
        %dma_start3A_710 = tpu.memref_squeeze %dma_start3A_709 : memref<1x128xi32, #tpu.memory_space<vmem>> -> memref<128xi32, #tpu.memory_space<vmem>>
        %dma_start3A_711 = arith.constant 0 : i32
        %dma_start3A_712 = arith.constant 0 : i32
        %dma_start3A_713 = tpu.memref_slice %arg3[%dma_start3A_711, %dma_start3A_712] : memref<1000000x32xf32, #tpu.memory_space<hbm>> -> memref<1000000x32xf32, #tpu.memory_space<hbm>>
        tpu.enqueue_indirect_dma source(%dma_start3A_713 : memref<1000000x32xf32, #tpu.memory_space<hbm>>) target(%dma_start3A_707 : memref<128x32xf32, #tpu.memory_space<vmem>>) offsets(%dma_start3A_710 : memref<128xi32, #tpu.memory_space<vmem>>) semaphore(%arg16 : memref<!tpu.dma_semaphore, #tpu.memory_space<semaphore_mem>>)
        %mul3A_714 = arith.constant 1 : i32
        %mul3A_715 = arith.muli %add3A_697, %mul3A_714 : i32
        %add3A_716 = arith.constant 0 : i32
        %add3A_717 = arith.addi %mul3A_715, %add3A_716 : i32
        %dma_start3A_718 = arith.constant 2 : i32
        %dma_start3A_719 = arith.constant 0 : i32
        %dma_start3A_720 = arith.constant 128 : i32
        %dma_start3A_721 = arith.constant 0 : i32
        %dma_start3A_722 = tpu.memref_slice %arg9[%dma_start3A_718, %dma_start3A_719, %dma_start3A_720, %dma_start3A_721] : memref<8x1x200x32xf32, #tpu.memory_space<vmem>> -> memref<1x1x72x32xf32, #tpu.memory_space<vmem>>
        %dma_start3A_723 = tpu.memref_squeeze %dma_start3A_722 : memref<1x1x72x32xf32, #tpu.memory_space<vmem>> -> memref<72x32xf32, #tpu.memory_space<vmem>>
        %dma_start3A_724 = arith.constant 128 : i32
        %dma_start3A_725 = tpu.memref_slice %arg8[%add3A_717, %dma_start3A_724] : memref<128x200xi32, #tpu.memory_space<vmem>> -> memref<1x72xi32, #tpu.memory_space<vmem>>
        %dma_start3A_726 = tpu.memref_squeeze %dma_start3A_725 : memref<1x72xi32, #tpu.memory_space<vmem>> -> memref<72xi32, #tpu.memory_space<vmem>>
        %dma_start3A_727 = arith.constant 0 : i32
        %dma_start3A_728 = arith.constant 0 : i32
        %dma_start3A_729 = tpu.memref_slice %arg3[%dma_start3A_727, %dma_start3A_728] : memref<1000000x32xf32, #tpu.memory_space<hbm>> -> memref<1000000x32xf32, #tpu.memory_space<hbm>>
        tpu.enqueue_indirect_dma source(%dma_start3A_729 : memref<1000000x32xf32, #tpu.memory_space<hbm>>) target(%dma_start3A_723 : memref<72x32xf32, #tpu.memory_space<vmem>>) offsets(%dma_start3A_726 : memref<72xi32, #tpu.memory_space<vmem>>) semaphore(%arg16 : memref<!tpu.dma_semaphore, #tpu.memory_space<semaphore_mem>>)
      } else {
      }
      %mul3A_543 = arith.constant 8 : i32
      %mul3A_544 = arith.muli %scan3A_292, %mul3A_543 : i32
      %add3A_545 = arith.constant 5 : i32
      %add3A_546 = arith.addi %mul3A_544, %add3A_545 : i32
      %dma_wait3A_547 = arith.constant 5 : i32
      %dma_wait3A_548 = arith.constant 0 : i32
      %dma_wait3A_549 = arith.constant 0 : i32
      %dma_wait3A_550 = arith.constant 0 : i32
      %dma_wait3A_551 = tpu.memref_slice %arg9[%dma_wait3A_547, %dma_wait3A_548, %dma_wait3A_549, %dma_wait3A_550] : memref<8x1x200x32xf32, #tpu.memory_space<vmem>> -> memref<1x1x200x32xf32, #tpu.memory_space<vmem>>
      %dma_wait3A_552 = tpu.memref_squeeze %dma_wait3A_551 : memref<1x1x200x32xf32, #tpu.memory_space<vmem>> -> memref<200x32xf32, #tpu.memory_space<vmem>>
      %dma_wait3A_553 = arith.constant 0 : i32
      %dma_wait3A_554 = arith.constant 0 : i32
      %dma_wait3A_555 = tpu.memref_slice %arg3[%dma_wait3A_553, %dma_wait3A_554] : memref<1000000x32xf32, #tpu.memory_space<hbm>> -> memref<200x32xf32, #tpu.memory_space<hbm>>
      %dma_wait3A_556 = arith.constant 0 : i32
      %dma_wait3A_557 = arith.constant 0 : i32
      %dma_wait3A_558 = tpu.memref_slice %arg9[%dma_wait3A_547, %dma_wait3A_548, %dma_wait3A_556, %dma_wait3A_557] : memref<8x1x200x32xf32, #tpu.memory_space<vmem>> -> memref<1x1x200x32xf32, #tpu.memory_space<vmem>>
      %dma_wait3A_559 = tpu.memref_squeeze %dma_wait3A_558 : memref<1x1x200x32xf32, #tpu.memory_space<vmem>> -> memref<200x32xf32, #tpu.memory_space<vmem>>
      %dma_wait3A_560 = arith.constant 0 : i32
      %dma_wait3A_561 = arith.constant 0 : i32
      %dma_wait3A_562 = tpu.memref_slice %arg3[%dma_wait3A_560, %dma_wait3A_561] : memref<1000000x32xf32, #tpu.memory_space<hbm>> -> memref<200x32xf32, #tpu.memory_space<hbm>>
      tpu.wait_dma2 semaphore(%arg19 : memref<!tpu.dma_semaphore, #tpu.memory_space<semaphore_mem>>) src(%dma_wait3A_562 : memref<200x32xf32, #tpu.memory_space<hbm>>) dst(%dma_wait3A_559 : memref<200x32xf32, #tpu.memory_space<vmem>>)
      %ge3A_563 = arith.constant 4 : i32
      %ge3A_564 = arith.cmpi sge, %add3A_546, %ge3A_563 : i32
      %convert_element_type3A_565 = arith.extui %ge3A_564 : i1 to i32
      %cond3A_566 = arith.constant 0 : i32
      %cond3A_567 = arith.cmpi ne, %convert_element_type3A_565, %cond3A_566 : i32
      scf.if %cond3A_567 {
        %dma_wait3A_696 = arith.constant 1 : i32
        %dma_wait3A_697 = arith.constant 0 : i32
        %dma_wait3A_698 = arith.constant 0 : i32
        %dma_wait3A_699 = tpu.memref_slice %arg10[%dma_wait3A_696, %dma_wait3A_697, %dma_wait3A_698] : memref<4x50x128xf32, #tpu.memory_space<vmem>> -> memref<1x50x128xf32, #tpu.memory_space<vmem>>
        %dma_wait3A_700 = tpu.memref_squeeze %dma_wait3A_699 : memref<1x50x128xf32, #tpu.memory_space<vmem>> -> memref<50x128xf32, #tpu.memory_space<vmem>>
        %dma_wait3A_701 = arith.constant 0 : i32
        %dma_wait3A_702 = arith.constant 0 : i32
        %dma_wait3A_703 = tpu.memref_slice %arg7[%dma_wait3A_701, %dma_wait3A_702] : memref<204800x128xf32, #tpu.memory_space<hbm>> -> memref<50x128xf32, #tpu.memory_space<hbm>>
        %dma_wait3A_704 = arith.constant 0 : i32
        %dma_wait3A_705 = arith.constant 0 : i32
        %dma_wait3A_706 = tpu.memref_slice %arg7[%dma_wait3A_704, %dma_wait3A_705] : memref<204800x128xf32, #tpu.memory_space<hbm>> -> memref<50x128xf32, #tpu.memory_space<hbm>>
        %dma_wait3A_707 = arith.constant 0 : i32
        %dma_wait3A_708 = arith.constant 0 : i32
        %dma_wait3A_709 = tpu.memref_slice %arg10[%dma_wait3A_696, %dma_wait3A_707, %dma_wait3A_708] : memref<4x50x128xf32, #tpu.memory_space<vmem>> -> memref<1x50x128xf32, #tpu.memory_space<vmem>>
        %dma_wait3A_710 = tpu.memref_squeeze %dma_wait3A_709 : memref<1x50x128xf32, #tpu.memory_space<vmem>> -> memref<50x128xf32, #tpu.memory_space<vmem>>
        tpu.wait_dma2 semaphore(%arg23 : memref<!tpu.dma_semaphore, #tpu.memory_space<semaphore_mem>>) src(%dma_wait3A_710 : memref<50x128xf32, #tpu.memory_space<vmem>>) dst(%dma_wait3A_706 : memref<50x128xf32, #tpu.memory_space<hbm>>)
      } else {
      }
      %parallel_loop3A_568 = arith.constant 0 : i32
      %parallel_loop3A_569 = arith.constant 200 : i32
      %parallel_loop3A_570 = arith.constant 1 : i32
      scf.for %parallel_loop3A_696 = %parallel_loop3A_568 to %parallel_loop3A_569 step %parallel_loop3A_570  : i32 {
        %parallel_loop3A_697 = arith.constant 5 : i32
        %parallel_loop3A_698 = arith.constant 0 : i32
        %parallel_loop3A_699 = arith.index_cast %parallel_loop3A_697 : i32 to index
        %parallel_loop3A_700 = arith.index_cast %parallel_loop3A_698 : i32 to index
        %parallel_loop3A_701 = arith.index_cast %parallel_loop3A_696 : i32 to index
        %parallel_loop3A_702 = arith.constant 0 : index
        %parallel_loop3A_703 = tpu.vector_load %arg9[%parallel_loop3A_699, %parallel_loop3A_700, %parallel_loop3A_701, %parallel_loop3A_702] {strides = array<i32>} : memref<8x1x200x32xf32, #tpu.memory_space<vmem>>, vector<1x1x1x16xf32>,
        %parallel_loop3A_704 = vector.shape_cast %parallel_loop3A_703 : vector<1x1x1x16xf32> to vector<16xf32>
        %parallel_loop3A_705 = arith.constant 5 : i32
        %parallel_loop3A_706 = arith.constant 0 : i32
        %parallel_loop3A_707 = arith.index_cast %parallel_loop3A_705 : i32 to index
        %parallel_loop3A_708 = arith.index_cast %parallel_loop3A_706 : i32 to index
        %parallel_loop3A_709 = arith.index_cast %parallel_loop3A_696 : i32 to index
        %parallel_loop3A_710 = arith.constant 16 : index
        %parallel_loop3A_711 = tpu.vector_load %arg9[%parallel_loop3A_707, %parallel_loop3A_708, %parallel_loop3A_709, %parallel_loop3A_710] {strides = array<i32>} : memref<8x1x200x32xf32, #tpu.memory_space<vmem>>, vector<1x1x1x16xf32>,
        %parallel_loop3A_712 = vector.shape_cast %parallel_loop3A_711 : vector<1x1x1x16xf32> to vector<16xf32>
        %parallel_loop3A_713 = arith.index_cast %parallel_loop3A_696 : i32 to index
        %parallel_loop3A_714 = arith.constant 0 : index
        %parallel_loop3A_715 = tpu.vector_load %arg11[%parallel_loop3A_713, %parallel_loop3A_714] {strides = array<i32>} : memref<200x32xf32, #tpu.memory_space<vmem>>, vector<1x16xf32>,
        %parallel_loop3A_716 = vector.shape_cast %parallel_loop3A_715 : vector<1x16xf32> to vector<16xf32>
        %parallel_loop3A_717 = arith.addf %parallel_loop3A_704, %parallel_loop3A_716 : vector<16xf32>
        %parallel_loop3A_718 = arith.index_cast %parallel_loop3A_696 : i32 to index
        %parallel_loop3A_719 = arith.constant 16 : index
        %parallel_loop3A_720 = tpu.vector_load %arg11[%parallel_loop3A_718, %parallel_loop3A_719] {strides = array<i32>} : memref<200x32xf32, #tpu.memory_space<vmem>>, vector<1x16xf32>,
        %parallel_loop3A_721 = vector.shape_cast %parallel_loop3A_720 : vector<1x16xf32> to vector<16xf32>
        %parallel_loop3A_722 = arith.addf %parallel_loop3A_712, %parallel_loop3A_721 : vector<16xf32>
        %parallel_loop3A_723 = arith.addf %parallel_loop3A_717, %parallel_loop3A_722 : vector<16xf32>
        %parallel_loop3A_724 = arith.mulf %parallel_loop3A_717, %parallel_loop3A_717 : vector<16xf32>
        %parallel_loop3A_725 = arith.mulf %parallel_loop3A_722, %parallel_loop3A_722 : vector<16xf32>
        %parallel_loop3A_726 = arith.addf %parallel_loop3A_724, %parallel_loop3A_725 : vector<16xf32>
        %parallel_loop3A_727 = vector.shape_cast %xor3A_15 : vector<16xi32> to vector<16x1xi32>
        %parallel_loop3A_728 = vector.shape_cast %parallel_loop3A_727 : vector<16x1xi32> to vector<16xi32>
        %parallel_loop3A_729 = tpu.dynamic_gather %parallel_loop3A_723[%parallel_loop3A_728] in [0] : vector<16xf32>, vector<16xi32> -> vector<16xf32>
        %parallel_loop3A_730 = arith.addf %parallel_loop3A_723, %parallel_loop3A_729 : vector<16xf32>
        %parallel_loop3A_731 = vector.shape_cast %xor3A_15 : vector<16xi32> to vector<16x1xi32>
        %parallel_loop3A_732 = vector.shape_cast %parallel_loop3A_731 : vector<16x1xi32> to vector<16xi32>
        %parallel_loop3A_733 = tpu.dynamic_gather %parallel_loop3A_726[%parallel_loop3A_732] in [0] : vector<16xf32>, vector<16xi32> -> vector<16xf32>
        %parallel_loop3A_734 = arith.addf %parallel_loop3A_726, %parallel_loop3A_733 : vector<16xf32>
        %parallel_loop3A_735 = vector.shape_cast %xor3A_18 : vector<16xi32> to vector<16x1xi32>
        %parallel_loop3A_736 = vector.shape_cast %parallel_loop3A_735 : vector<16x1xi32> to vector<16xi32>
        %parallel_loop3A_737 = tpu.dynamic_gather %parallel_loop3A_730[%parallel_loop3A_736] in [0] : vector<16xf32>, vector<16xi32> -> vector<16xf32>
        %parallel_loop3A_738 = arith.addf %parallel_loop3A_730, %parallel_loop3A_737 : vector<16xf32>
        %parallel_loop3A_739 = vector.shape_cast %xor3A_18 : vector<16xi32> to vector<16x1xi32>
        %parallel_loop3A_740 = vector.shape_cast %parallel_loop3A_739 : vector<16x1xi32> to vector<16xi32>
        %parallel_loop3A_741 = tpu.dynamic_gather %parallel_loop3A_734[%parallel_loop3A_740] in [0] : vector<16xf32>, vector<16xi32> -> vector<16xf32>
        %parallel_loop3A_742 = arith.addf %parallel_loop3A_734, %parallel_loop3A_741 : vector<16xf32>
        %parallel_loop3A_743 = vector.shape_cast %xor3A_21 : vector<16xi32> to vector<16x1xi32>
        %parallel_loop3A_744 = vector.shape_cast %parallel_loop3A_743 : vector<16x1xi32> to vector<16xi32>
        %parallel_loop3A_745 = tpu.dynamic_gather %parallel_loop3A_738[%parallel_loop3A_744] in [0] : vector<16xf32>, vector<16xi32> -> vector<16xf32>
        %parallel_loop3A_746 = arith.addf %parallel_loop3A_738, %parallel_loop3A_745 : vector<16xf32>
        %parallel_loop3A_747 = vector.shape_cast %xor3A_21 : vector<16xi32> to vector<16x1xi32>
        %parallel_loop3A_748 = vector.shape_cast %parallel_loop3A_747 : vector<16x1xi32> to vector<16xi32>
        %parallel_loop3A_749 = tpu.dynamic_gather %parallel_loop3A_742[%parallel_loop3A_748] in [0] : vector<16xf32>, vector<16xi32> -> vector<16xf32>
        %parallel_loop3A_750 = arith.addf %parallel_loop3A_742, %parallel_loop3A_749 : vector<16xf32>
        %parallel_loop3A_751 = vector.shape_cast %xor3A_24 : vector<16xi32> to vector<16x1xi32>
        %parallel_loop3A_752 = vector.shape_cast %parallel_loop3A_751 : vector<16x1xi32> to vector<16xi32>
        %parallel_loop3A_753 = tpu.dynamic_gather %parallel_loop3A_746[%parallel_loop3A_752] in [0] : vector<16xf32>, vector<16xi32> -> vector<16xf32>
        %parallel_loop3A_754 = arith.addf %parallel_loop3A_746, %parallel_loop3A_753 : vector<16xf32>
        %parallel_loop3A_755 = vector.shape_cast %xor3A_24 : vector<16xi32> to vector<16x1xi32>
        %parallel_loop3A_756 = vector.shape_cast %parallel_loop3A_755 : vector<16x1xi32> to vector<16xi32>
        %parallel_loop3A_757 = tpu.dynamic_gather %parallel_loop3A_750[%parallel_loop3A_756] in [0] : vector<16xf32>, vector<16xi32> -> vector<16xf32>
        %parallel_loop3A_758 = arith.addf %parallel_loop3A_750, %parallel_loop3A_757 : vector<16xf32>
        %parallel_loop3A_759 = arith.constant 3.125000e-02 : f32
        %parallel_loop3A_760 = vector.broadcast %parallel_loop3A_759 : f32 to vector<16xf32>
        %parallel_loop3A_761 = arith.mulf %parallel_loop3A_754, %parallel_loop3A_760 : vector<16xf32>
        %parallel_loop3A_762 = arith.constant 3.125000e-02 : f32
        %parallel_loop3A_763 = vector.broadcast %parallel_loop3A_762 : f32 to vector<16xf32>
        %parallel_loop3A_764 = arith.mulf %parallel_loop3A_758, %parallel_loop3A_763 : vector<16xf32>
        %parallel_loop3A_765 = arith.mulf %parallel_loop3A_761, %parallel_loop3A_761 : vector<16xf32>
        %parallel_loop3A_766 = arith.subf %parallel_loop3A_764, %parallel_loop3A_765 : vector<16xf32>
        %parallel_loop3A_767 = arith.constant 9.99999974E-6 : f32
        %parallel_loop3A_768 = vector.broadcast %parallel_loop3A_767 : f32 to vector<16xf32>
        %parallel_loop3A_769 = arith.addf %parallel_loop3A_766, %parallel_loop3A_768 : vector<16xf32>
        %parallel_loop3A_770 = tpu.bitcast %parallel_loop3A_769 : vector<16xf32> -> vector<16xi32>
        %parallel_loop3A_771 = arith.constant 1 : i32
        %parallel_loop3A_772 = vector.broadcast %parallel_loop3A_771 : i32 to vector<16xi32>
        %parallel_loop3A_773 = arith.shrsi %parallel_loop3A_770, %parallel_loop3A_772 : vector<16xi32>
        %parallel_loop3A_774 = arith.constant 1597463007 : i32
        %parallel_loop3A_775 = vector.broadcast %parallel_loop3A_774 : i32 to vector<16xi32>
        %parallel_loop3A_776 = arith.subi %parallel_loop3A_775, %parallel_loop3A_773 : vector<16xi32>
        %parallel_loop3A_777 = tpu.bitcast %parallel_loop3A_776 : vector<16xi32> -> vector<16xf32>
        %parallel_loop3A_778 = arith.constant 5.000000e-01 : f32
        %parallel_loop3A_779 = vector.broadcast %parallel_loop3A_778 : f32 to vector<16xf32>
        %parallel_loop3A_780 = arith.mulf %parallel_loop3A_779, %parallel_loop3A_769 : vector<16xf32>
        %parallel_loop3A_781 = arith.mulf %parallel_loop3A_780, %parallel_loop3A_777 : vector<16xf32>
        %parallel_loop3A_782 = arith.mulf %parallel_loop3A_781, %parallel_loop3A_777 : vector<16xf32>
        %parallel_loop3A_783 = arith.constant 1.500000e+00 : f32
        %parallel_loop3A_784 = vector.broadcast %parallel_loop3A_783 : f32 to vector<16xf32>
        %parallel_loop3A_785 = arith.subf %parallel_loop3A_784, %parallel_loop3A_782 : vector<16xf32>
        %parallel_loop3A_786 = arith.mulf %parallel_loop3A_777, %parallel_loop3A_785 : vector<16xf32>
        %parallel_loop3A_787 = arith.mulf %parallel_loop3A_780, %parallel_loop3A_786 : vector<16xf32>
        %parallel_loop3A_788 = arith.mulf %parallel_loop3A_787, %parallel_loop3A_786 : vector<16xf32>
        %parallel_loop3A_789 = arith.constant 1.500000e+00 : f32
        %parallel_loop3A_790 = vector.broadcast %parallel_loop3A_789 : f32 to vector<16xf32>
        %parallel_loop3A_791 = arith.subf %parallel_loop3A_790, %parallel_loop3A_788 : vector<16xf32>
        %parallel_loop3A_792 = arith.mulf %parallel_loop3A_786, %parallel_loop3A_791 : vector<16xf32>
        %parallel_loop3A_793 = arith.subf %parallel_loop3A_717, %parallel_loop3A_761 : vector<16xf32>
        %parallel_loop3A_794 = arith.mulf %parallel_loop3A_793, %parallel_loop3A_792 : vector<16xf32>
        %parallel_loop3A_795 = arith.mulf %parallel_loop3A_794, %get3A_4 : vector<16xf32>
        %parallel_loop3A_796 = arith.addf %parallel_loop3A_795, %get3A_10 : vector<16xf32>
        %parallel_loop3A_797 = arith.subf %parallel_loop3A_722, %parallel_loop3A_761 : vector<16xf32>
        %parallel_loop3A_798 = arith.mulf %parallel_loop3A_797, %parallel_loop3A_792 : vector<16xf32>
        %parallel_loop3A_799 = arith.mulf %parallel_loop3A_798, %get3A_7 : vector<16xf32>
        %parallel_loop3A_800 = arith.addf %parallel_loop3A_799, %get3A_13 : vector<16xf32>
        %parallel_loop3A_801 = arith.constant 2 : i32
        %parallel_loop3A_802 = arith.shrsi %parallel_loop3A_696, %parallel_loop3A_801 : i32
        %parallel_loop3A_803 = arith.constant 3 : i32
        %parallel_loop3A_804 = arith.andi %parallel_loop3A_696, %parallel_loop3A_803 : i32
        %parallel_loop3A_805 = arith.constant 32 : i32
        %parallel_loop3A_806 = arith.muli %parallel_loop3A_804, %parallel_loop3A_805 : i32
        %parallel_loop3A_807 = arith.constant 1 : i32
        %parallel_loop3A_808 = arith.index_cast %parallel_loop3A_807 : i32 to index
        %parallel_loop3A_809 = arith.index_cast %parallel_loop3A_802 : i32 to index
        %parallel_loop3A_810 = arith.index_cast %parallel_loop3A_806 : i32 to index
        %parallel_loop3A_811 = tpu.vector_load %arg10[%parallel_loop3A_808, %parallel_loop3A_809, %parallel_loop3A_810] {strides = array<i32>} : memref<4x50x128xf32, #tpu.memory_space<vmem>>, vector<1x1x16xf32>,
        %parallel_loop3A_812 = vector.shape_cast %parallel_loop3A_811 : vector<1x1x16xf32> to vector<16xf32>
        %parallel_loop3A_813 = vector.shape_cast %parallel_loop3A_796 : vector<16xf32> to vector<1x1x16xf32>
        tpu.vector_store %arg10[%parallel_loop3A_808, %parallel_loop3A_809, %parallel_loop3A_810], %parallel_loop3A_813 {strides = array<i32>} : memref<4x50x128xf32, #tpu.memory_space<vmem>>, vector<1x1x16xf32>,
        %parallel_loop3A_814 = arith.constant 16 : i32
        %parallel_loop3A_815 = arith.addi %parallel_loop3A_806, %parallel_loop3A_814 : i32
        %parallel_loop3A_816 = arith.constant 1 : i32
        %parallel_loop3A_817 = arith.index_cast %parallel_loop3A_816 : i32 to index
        %parallel_loop3A_818 = arith.index_cast %parallel_loop3A_802 : i32 to index
        %parallel_loop3A_819 = arith.index_cast %parallel_loop3A_815 : i32 to index
        %parallel_loop3A_820 = tpu.vector_load %arg10[%parallel_loop3A_817, %parallel_loop3A_818, %parallel_loop3A_819] {strides = array<i32>} : memref<4x50x128xf32, #tpu.memory_space<vmem>>, vector<1x1x16xf32>,
        %parallel_loop3A_821 = vector.shape_cast %parallel_loop3A_820 : vector<1x1x16xf32> to vector<16xf32>
        %parallel_loop3A_822 = vector.shape_cast %parallel_loop3A_800 : vector<16xf32> to vector<1x1x16xf32>
        tpu.vector_store %arg10[%parallel_loop3A_817, %parallel_loop3A_818, %parallel_loop3A_819], %parallel_loop3A_822 {strides = array<i32>} : memref<4x50x128xf32, #tpu.memory_space<vmem>>, vector<1x1x16xf32>,
      } {sc.loop_unroll_factor = 2 : i64, sc.parallel_access}
      %add3A_571 = arith.addi %mul3A_2, %add3A_546 : i32
      %mul3A_572 = arith.constant 50 : i32
      %mul3A_573 = arith.muli %add3A_571, %mul3A_572 : i32
      %dma_start3A_574 = arith.constant 1 : i32
      %dma_start3A_575 = arith.constant 0 : i32
      %dma_start3A_576 = arith.constant 0 : i32
      %dma_start3A_577 = tpu.memref_slice %arg10[%dma_start3A_574, %dma_start3A_575, %dma_start3A_576] : memref<4x50x128xf32, #tpu.memory_space<vmem>> -> memref<1x50x128xf32, #tpu.memory_space<vmem>>
      %dma_start3A_578 = tpu.memref_squeeze %dma_start3A_577 : memref<1x50x128xf32, #tpu.memory_space<vmem>> -> memref<50x128xf32, #tpu.memory_space<vmem>>
      %dma_start3A_579 = arith.constant 0 : i32
      %dma_start3A_580 = tpu.memref_slice %arg7[%mul3A_573, %dma_start3A_579] : memref<204800x128xf32, #tpu.memory_space<hbm>> -> memref<50x128xf32, #tpu.memory_space<hbm>>
      %dma_start3A_581 = arith.constant 0 : i32
      %dma_start3A_582 = tpu.memref_slice %arg7[%mul3A_573, %dma_start3A_581] : memref<204800x128xf32, #tpu.memory_space<hbm>> -> memref<50x128xf32, #tpu.memory_space<hbm>>
      %dma_start3A_583 = arith.constant 0 : i32
      %dma_start3A_584 = arith.constant 0 : i32
      %dma_start3A_585 = tpu.memref_slice %arg10[%dma_start3A_574, %dma_start3A_583, %dma_start3A_584] : memref<4x50x128xf32, #tpu.memory_space<vmem>> -> memref<1x50x128xf32, #tpu.memory_space<vmem>>
      %dma_start3A_586 = tpu.memref_squeeze %dma_start3A_585 : memref<1x50x128xf32, #tpu.memory_space<vmem>> -> memref<50x128xf32, #tpu.memory_space<vmem>>
      tpu.enqueue_dma source(%dma_start3A_586 : memref<50x128xf32, #tpu.memory_space<vmem>>) target(%dma_start3A_582 : memref<50x128xf32, #tpu.memory_space<hbm>>) target_semaphore(%arg23 : memref<!tpu.dma_semaphore, #tpu.memory_space<semaphore_mem>>)
      %add3A_587 = arith.constant 6 : i32
      %add3A_588 = arith.addi %add3A_546, %add3A_587 : i32
      %lt3A_589 = arith.constant 128 : i32
      %lt3A_590 = arith.cmpi slt, %add3A_588, %lt3A_589 : i32
      %convert_element_type3A_591 = arith.extui %lt3A_590 : i1 to i32
      %cond3A_592 = arith.constant 0 : i32
      %cond3A_593 = arith.cmpi ne, %convert_element_type3A_591, %cond3A_592 : i32
      scf.if %cond3A_593 {
        %add3A_696 = arith.constant 6 : i32
        %add3A_697 = arith.addi %add3A_546, %add3A_696 : i32
        %mul3A_698 = arith.constant 1 : i32
        %mul3A_699 = arith.muli %add3A_697, %mul3A_698 : i32
        %add3A_700 = arith.constant 0 : i32
        %add3A_701 = arith.addi %mul3A_699, %add3A_700 : i32
        %dma_start3A_702 = arith.constant 3 : i32
        %dma_start3A_703 = arith.constant 0 : i32
        %dma_start3A_704 = arith.constant 0 : i32
        %dma_start3A_705 = arith.constant 0 : i32
        %dma_start3A_706 = tpu.memref_slice %arg9[%dma_start3A_702, %dma_start3A_703, %dma_start3A_704, %dma_start3A_705] : memref<8x1x200x32xf32, #tpu.memory_space<vmem>> -> memref<1x1x128x32xf32, #tpu.memory_space<vmem>>
        %dma_start3A_707 = tpu.memref_squeeze %dma_start3A_706 : memref<1x1x128x32xf32, #tpu.memory_space<vmem>> -> memref<128x32xf32, #tpu.memory_space<vmem>>
        %dma_start3A_708 = arith.constant 0 : i32
        %dma_start3A_709 = tpu.memref_slice %arg8[%add3A_701, %dma_start3A_708] : memref<128x200xi32, #tpu.memory_space<vmem>> -> memref<1x128xi32, #tpu.memory_space<vmem>>
        %dma_start3A_710 = tpu.memref_squeeze %dma_start3A_709 : memref<1x128xi32, #tpu.memory_space<vmem>> -> memref<128xi32, #tpu.memory_space<vmem>>
        %dma_start3A_711 = arith.constant 0 : i32
        %dma_start3A_712 = arith.constant 0 : i32
        %dma_start3A_713 = tpu.memref_slice %arg3[%dma_start3A_711, %dma_start3A_712] : memref<1000000x32xf32, #tpu.memory_space<hbm>> -> memref<1000000x32xf32, #tpu.memory_space<hbm>>
        tpu.enqueue_indirect_dma source(%dma_start3A_713 : memref<1000000x32xf32, #tpu.memory_space<hbm>>) target(%dma_start3A_707 : memref<128x32xf32, #tpu.memory_space<vmem>>) offsets(%dma_start3A_710 : memref<128xi32, #tpu.memory_space<vmem>>) semaphore(%arg17 : memref<!tpu.dma_semaphore, #tpu.memory_space<semaphore_mem>>)
        %mul3A_714 = arith.constant 1 : i32
        %mul3A_715 = arith.muli %add3A_697, %mul3A_714 : i32
        %add3A_716 = arith.constant 0 : i32
        %add3A_717 = arith.addi %mul3A_715, %add3A_716 : i32
        %dma_start3A_718 = arith.constant 3 : i32
        %dma_start3A_719 = arith.constant 0 : i32
        %dma_start3A_720 = arith.constant 128 : i32
        %dma_start3A_721 = arith.constant 0 : i32
        %dma_start3A_722 = tpu.memref_slice %arg9[%dma_start3A_718, %dma_start3A_719, %dma_start3A_720, %dma_start3A_721] : memref<8x1x200x32xf32, #tpu.memory_space<vmem>> -> memref<1x1x72x32xf32, #tpu.memory_space<vmem>>
        %dma_start3A_723 = tpu.memref_squeeze %dma_start3A_722 : memref<1x1x72x32xf32, #tpu.memory_space<vmem>> -> memref<72x32xf32, #tpu.memory_space<vmem>>
        %dma_start3A_724 = arith.constant 128 : i32
        %dma_start3A_725 = tpu.memref_slice %arg8[%add3A_717, %dma_start3A_724] : memref<128x200xi32, #tpu.memory_space<vmem>> -> memref<1x72xi32, #tpu.memory_space<vmem>>
        %dma_start3A_726 = tpu.memref_squeeze %dma_start3A_725 : memref<1x72xi32, #tpu.memory_space<vmem>> -> memref<72xi32, #tpu.memory_space<vmem>>
        %dma_start3A_727 = arith.constant 0 : i32
        %dma_start3A_728 = arith.constant 0 : i32
        %dma_start3A_729 = tpu.memref_slice %arg3[%dma_start3A_727, %dma_start3A_728] : memref<1000000x32xf32, #tpu.memory_space<hbm>> -> memref<1000000x32xf32, #tpu.memory_space<hbm>>
        tpu.enqueue_indirect_dma source(%dma_start3A_729 : memref<1000000x32xf32, #tpu.memory_space<hbm>>) target(%dma_start3A_723 : memref<72x32xf32, #tpu.memory_space<vmem>>) offsets(%dma_start3A_726 : memref<72xi32, #tpu.memory_space<vmem>>) semaphore(%arg17 : memref<!tpu.dma_semaphore, #tpu.memory_space<semaphore_mem>>)
      } else {
      }
      %mul3A_594 = arith.constant 8 : i32
      %mul3A_595 = arith.muli %scan3A_292, %mul3A_594 : i32
      %add3A_596 = arith.constant 6 : i32
      %add3A_597 = arith.addi %mul3A_595, %add3A_596 : i32
      %dma_wait3A_598 = arith.constant 6 : i32
      %dma_wait3A_599 = arith.constant 0 : i32
      %dma_wait3A_600 = arith.constant 0 : i32
      %dma_wait3A_601 = arith.constant 0 : i32
      %dma_wait3A_602 = tpu.memref_slice %arg9[%dma_wait3A_598, %dma_wait3A_599, %dma_wait3A_600, %dma_wait3A_601] : memref<8x1x200x32xf32, #tpu.memory_space<vmem>> -> memref<1x1x200x32xf32, #tpu.memory_space<vmem>>
      %dma_wait3A_603 = tpu.memref_squeeze %dma_wait3A_602 : memref<1x1x200x32xf32, #tpu.memory_space<vmem>> -> memref<200x32xf32, #tpu.memory_space<vmem>>
      %dma_wait3A_604 = arith.constant 0 : i32
      %dma_wait3A_605 = arith.constant 0 : i32
      %dma_wait3A_606 = tpu.memref_slice %arg3[%dma_wait3A_604, %dma_wait3A_605] : memref<1000000x32xf32, #tpu.memory_space<hbm>> -> memref<200x32xf32, #tpu.memory_space<hbm>>
      %dma_wait3A_607 = arith.constant 0 : i32
      %dma_wait3A_608 = arith.constant 0 : i32
      %dma_wait3A_609 = tpu.memref_slice %arg9[%dma_wait3A_598, %dma_wait3A_599, %dma_wait3A_607, %dma_wait3A_608] : memref<8x1x200x32xf32, #tpu.memory_space<vmem>> -> memref<1x1x200x32xf32, #tpu.memory_space<vmem>>
      %dma_wait3A_610 = tpu.memref_squeeze %dma_wait3A_609 : memref<1x1x200x32xf32, #tpu.memory_space<vmem>> -> memref<200x32xf32, #tpu.memory_space<vmem>>
      %dma_wait3A_611 = arith.constant 0 : i32
      %dma_wait3A_612 = arith.constant 0 : i32
      %dma_wait3A_613 = tpu.memref_slice %arg3[%dma_wait3A_611, %dma_wait3A_612] : memref<1000000x32xf32, #tpu.memory_space<hbm>> -> memref<200x32xf32, #tpu.memory_space<hbm>>
      tpu.wait_dma2 semaphore(%arg20 : memref<!tpu.dma_semaphore, #tpu.memory_space<semaphore_mem>>) src(%dma_wait3A_613 : memref<200x32xf32, #tpu.memory_space<hbm>>) dst(%dma_wait3A_610 : memref<200x32xf32, #tpu.memory_space<vmem>>)
      %ge3A_614 = arith.constant 4 : i32
      %ge3A_615 = arith.cmpi sge, %add3A_597, %ge3A_614 : i32
      %convert_element_type3A_616 = arith.extui %ge3A_615 : i1 to i32
      %cond3A_617 = arith.constant 0 : i32
      %cond3A_618 = arith.cmpi ne, %convert_element_type3A_616, %cond3A_617 : i32
      scf.if %cond3A_618 {
        %dma_wait3A_696 = arith.constant 2 : i32
        %dma_wait3A_697 = arith.constant 0 : i32
        %dma_wait3A_698 = arith.constant 0 : i32
        %dma_wait3A_699 = tpu.memref_slice %arg10[%dma_wait3A_696, %dma_wait3A_697, %dma_wait3A_698] : memref<4x50x128xf32, #tpu.memory_space<vmem>> -> memref<1x50x128xf32, #tpu.memory_space<vmem>>
        %dma_wait3A_700 = tpu.memref_squeeze %dma_wait3A_699 : memref<1x50x128xf32, #tpu.memory_space<vmem>> -> memref<50x128xf32, #tpu.memory_space<vmem>>
        %dma_wait3A_701 = arith.constant 0 : i32
        %dma_wait3A_702 = arith.constant 0 : i32
        %dma_wait3A_703 = tpu.memref_slice %arg7[%dma_wait3A_701, %dma_wait3A_702] : memref<204800x128xf32, #tpu.memory_space<hbm>> -> memref<50x128xf32, #tpu.memory_space<hbm>>
        %dma_wait3A_704 = arith.constant 0 : i32
        %dma_wait3A_705 = arith.constant 0 : i32
        %dma_wait3A_706 = tpu.memref_slice %arg7[%dma_wait3A_704, %dma_wait3A_705] : memref<204800x128xf32, #tpu.memory_space<hbm>> -> memref<50x128xf32, #tpu.memory_space<hbm>>
        %dma_wait3A_707 = arith.constant 0 : i32
        %dma_wait3A_708 = arith.constant 0 : i32
        %dma_wait3A_709 = tpu.memref_slice %arg10[%dma_wait3A_696, %dma_wait3A_707, %dma_wait3A_708] : memref<4x50x128xf32, #tpu.memory_space<vmem>> -> memref<1x50x128xf32, #tpu.memory_space<vmem>>
        %dma_wait3A_710 = tpu.memref_squeeze %dma_wait3A_709 : memref<1x50x128xf32, #tpu.memory_space<vmem>> -> memref<50x128xf32, #tpu.memory_space<vmem>>
        tpu.wait_dma2 semaphore(%arg24 : memref<!tpu.dma_semaphore, #tpu.memory_space<semaphore_mem>>) src(%dma_wait3A_710 : memref<50x128xf32, #tpu.memory_space<vmem>>) dst(%dma_wait3A_706 : memref<50x128xf32, #tpu.memory_space<hbm>>)
      } else {
      }
      %parallel_loop3A_619 = arith.constant 0 : i32
      %parallel_loop3A_620 = arith.constant 200 : i32
      %parallel_loop3A_621 = arith.constant 1 : i32
      scf.for %parallel_loop3A_696 = %parallel_loop3A_619 to %parallel_loop3A_620 step %parallel_loop3A_621  : i32 {
        %parallel_loop3A_697 = arith.constant 6 : i32
        %parallel_loop3A_698 = arith.constant 0 : i32
        %parallel_loop3A_699 = arith.index_cast %parallel_loop3A_697 : i32 to index
        %parallel_loop3A_700 = arith.index_cast %parallel_loop3A_698 : i32 to index
        %parallel_loop3A_701 = arith.index_cast %parallel_loop3A_696 : i32 to index
        %parallel_loop3A_702 = arith.constant 0 : index
        %parallel_loop3A_703 = tpu.vector_load %arg9[%parallel_loop3A_699, %parallel_loop3A_700, %parallel_loop3A_701, %parallel_loop3A_702] {strides = array<i32>} : memref<8x1x200x32xf32, #tpu.memory_space<vmem>>, vector<1x1x1x16xf32>,
        %parallel_loop3A_704 = vector.shape_cast %parallel_loop3A_703 : vector<1x1x1x16xf32> to vector<16xf32>
        %parallel_loop3A_705 = arith.constant 6 : i32
        %parallel_loop3A_706 = arith.constant 0 : i32
        %parallel_loop3A_707 = arith.index_cast %parallel_loop3A_705 : i32 to index
        %parallel_loop3A_708 = arith.index_cast %parallel_loop3A_706 : i32 to index
        %parallel_loop3A_709 = arith.index_cast %parallel_loop3A_696 : i32 to index
        %parallel_loop3A_710 = arith.constant 16 : index
        %parallel_loop3A_711 = tpu.vector_load %arg9[%parallel_loop3A_707, %parallel_loop3A_708, %parallel_loop3A_709, %parallel_loop3A_710] {strides = array<i32>} : memref<8x1x200x32xf32, #tpu.memory_space<vmem>>, vector<1x1x1x16xf32>,
        %parallel_loop3A_712 = vector.shape_cast %parallel_loop3A_711 : vector<1x1x1x16xf32> to vector<16xf32>
        %parallel_loop3A_713 = arith.index_cast %parallel_loop3A_696 : i32 to index
        %parallel_loop3A_714 = arith.constant 0 : index
        %parallel_loop3A_715 = tpu.vector_load %arg11[%parallel_loop3A_713, %parallel_loop3A_714] {strides = array<i32>} : memref<200x32xf32, #tpu.memory_space<vmem>>, vector<1x16xf32>,
        %parallel_loop3A_716 = vector.shape_cast %parallel_loop3A_715 : vector<1x16xf32> to vector<16xf32>
        %parallel_loop3A_717 = arith.addf %parallel_loop3A_704, %parallel_loop3A_716 : vector<16xf32>
        %parallel_loop3A_718 = arith.index_cast %parallel_loop3A_696 : i32 to index
        %parallel_loop3A_719 = arith.constant 16 : index
        %parallel_loop3A_720 = tpu.vector_load %arg11[%parallel_loop3A_718, %parallel_loop3A_719] {strides = array<i32>} : memref<200x32xf32, #tpu.memory_space<vmem>>, vector<1x16xf32>,
        %parallel_loop3A_721 = vector.shape_cast %parallel_loop3A_720 : vector<1x16xf32> to vector<16xf32>
        %parallel_loop3A_722 = arith.addf %parallel_loop3A_712, %parallel_loop3A_721 : vector<16xf32>
        %parallel_loop3A_723 = arith.addf %parallel_loop3A_717, %parallel_loop3A_722 : vector<16xf32>
        %parallel_loop3A_724 = arith.mulf %parallel_loop3A_717, %parallel_loop3A_717 : vector<16xf32>
        %parallel_loop3A_725 = arith.mulf %parallel_loop3A_722, %parallel_loop3A_722 : vector<16xf32>
        %parallel_loop3A_726 = arith.addf %parallel_loop3A_724, %parallel_loop3A_725 : vector<16xf32>
        %parallel_loop3A_727 = vector.shape_cast %xor3A_15 : vector<16xi32> to vector<16x1xi32>
        %parallel_loop3A_728 = vector.shape_cast %parallel_loop3A_727 : vector<16x1xi32> to vector<16xi32>
        %parallel_loop3A_729 = tpu.dynamic_gather %parallel_loop3A_723[%parallel_loop3A_728] in [0] : vector<16xf32>, vector<16xi32> -> vector<16xf32>
        %parallel_loop3A_730 = arith.addf %parallel_loop3A_723, %parallel_loop3A_729 : vector<16xf32>
        %parallel_loop3A_731 = vector.shape_cast %xor3A_15 : vector<16xi32> to vector<16x1xi32>
        %parallel_loop3A_732 = vector.shape_cast %parallel_loop3A_731 : vector<16x1xi32> to vector<16xi32>
        %parallel_loop3A_733 = tpu.dynamic_gather %parallel_loop3A_726[%parallel_loop3A_732] in [0] : vector<16xf32>, vector<16xi32> -> vector<16xf32>
        %parallel_loop3A_734 = arith.addf %parallel_loop3A_726, %parallel_loop3A_733 : vector<16xf32>
        %parallel_loop3A_735 = vector.shape_cast %xor3A_18 : vector<16xi32> to vector<16x1xi32>
        %parallel_loop3A_736 = vector.shape_cast %parallel_loop3A_735 : vector<16x1xi32> to vector<16xi32>
        %parallel_loop3A_737 = tpu.dynamic_gather %parallel_loop3A_730[%parallel_loop3A_736] in [0] : vector<16xf32>, vector<16xi32> -> vector<16xf32>
        %parallel_loop3A_738 = arith.addf %parallel_loop3A_730, %parallel_loop3A_737 : vector<16xf32>
        %parallel_loop3A_739 = vector.shape_cast %xor3A_18 : vector<16xi32> to vector<16x1xi32>
        %parallel_loop3A_740 = vector.shape_cast %parallel_loop3A_739 : vector<16x1xi32> to vector<16xi32>
        %parallel_loop3A_741 = tpu.dynamic_gather %parallel_loop3A_734[%parallel_loop3A_740] in [0] : vector<16xf32>, vector<16xi32> -> vector<16xf32>
        %parallel_loop3A_742 = arith.addf %parallel_loop3A_734, %parallel_loop3A_741 : vector<16xf32>
        %parallel_loop3A_743 = vector.shape_cast %xor3A_21 : vector<16xi32> to vector<16x1xi32>
        %parallel_loop3A_744 = vector.shape_cast %parallel_loop3A_743 : vector<16x1xi32> to vector<16xi32>
        %parallel_loop3A_745 = tpu.dynamic_gather %parallel_loop3A_738[%parallel_loop3A_744] in [0] : vector<16xf32>, vector<16xi32> -> vector<16xf32>
        %parallel_loop3A_746 = arith.addf %parallel_loop3A_738, %parallel_loop3A_745 : vector<16xf32>
        %parallel_loop3A_747 = vector.shape_cast %xor3A_21 : vector<16xi32> to vector<16x1xi32>
        %parallel_loop3A_748 = vector.shape_cast %parallel_loop3A_747 : vector<16x1xi32> to vector<16xi32>
        %parallel_loop3A_749 = tpu.dynamic_gather %parallel_loop3A_742[%parallel_loop3A_748] in [0] : vector<16xf32>, vector<16xi32> -> vector<16xf32>
        %parallel_loop3A_750 = arith.addf %parallel_loop3A_742, %parallel_loop3A_749 : vector<16xf32>
        %parallel_loop3A_751 = vector.shape_cast %xor3A_24 : vector<16xi32> to vector<16x1xi32>
        %parallel_loop3A_752 = vector.shape_cast %parallel_loop3A_751 : vector<16x1xi32> to vector<16xi32>
        %parallel_loop3A_753 = tpu.dynamic_gather %parallel_loop3A_746[%parallel_loop3A_752] in [0] : vector<16xf32>, vector<16xi32> -> vector<16xf32>
        %parallel_loop3A_754 = arith.addf %parallel_loop3A_746, %parallel_loop3A_753 : vector<16xf32>
        %parallel_loop3A_755 = vector.shape_cast %xor3A_24 : vector<16xi32> to vector<16x1xi32>
        %parallel_loop3A_756 = vector.shape_cast %parallel_loop3A_755 : vector<16x1xi32> to vector<16xi32>
        %parallel_loop3A_757 = tpu.dynamic_gather %parallel_loop3A_750[%parallel_loop3A_756] in [0] : vector<16xf32>, vector<16xi32> -> vector<16xf32>
        %parallel_loop3A_758 = arith.addf %parallel_loop3A_750, %parallel_loop3A_757 : vector<16xf32>
        %parallel_loop3A_759 = arith.constant 3.125000e-02 : f32
        %parallel_loop3A_760 = vector.broadcast %parallel_loop3A_759 : f32 to vector<16xf32>
        %parallel_loop3A_761 = arith.mulf %parallel_loop3A_754, %parallel_loop3A_760 : vector<16xf32>
        %parallel_loop3A_762 = arith.constant 3.125000e-02 : f32
        %parallel_loop3A_763 = vector.broadcast %parallel_loop3A_762 : f32 to vector<16xf32>
        %parallel_loop3A_764 = arith.mulf %parallel_loop3A_758, %parallel_loop3A_763 : vector<16xf32>
        %parallel_loop3A_765 = arith.mulf %parallel_loop3A_761, %parallel_loop3A_761 : vector<16xf32>
        %parallel_loop3A_766 = arith.subf %parallel_loop3A_764, %parallel_loop3A_765 : vector<16xf32>
        %parallel_loop3A_767 = arith.constant 9.99999974E-6 : f32
        %parallel_loop3A_768 = vector.broadcast %parallel_loop3A_767 : f32 to vector<16xf32>
        %parallel_loop3A_769 = arith.addf %parallel_loop3A_766, %parallel_loop3A_768 : vector<16xf32>
        %parallel_loop3A_770 = tpu.bitcast %parallel_loop3A_769 : vector<16xf32> -> vector<16xi32>
        %parallel_loop3A_771 = arith.constant 1 : i32
        %parallel_loop3A_772 = vector.broadcast %parallel_loop3A_771 : i32 to vector<16xi32>
        %parallel_loop3A_773 = arith.shrsi %parallel_loop3A_770, %parallel_loop3A_772 : vector<16xi32>
        %parallel_loop3A_774 = arith.constant 1597463007 : i32
        %parallel_loop3A_775 = vector.broadcast %parallel_loop3A_774 : i32 to vector<16xi32>
        %parallel_loop3A_776 = arith.subi %parallel_loop3A_775, %parallel_loop3A_773 : vector<16xi32>
        %parallel_loop3A_777 = tpu.bitcast %parallel_loop3A_776 : vector<16xi32> -> vector<16xf32>
        %parallel_loop3A_778 = arith.constant 5.000000e-01 : f32
        %parallel_loop3A_779 = vector.broadcast %parallel_loop3A_778 : f32 to vector<16xf32>
        %parallel_loop3A_780 = arith.mulf %parallel_loop3A_779, %parallel_loop3A_769 : vector<16xf32>
        %parallel_loop3A_781 = arith.mulf %parallel_loop3A_780, %parallel_loop3A_777 : vector<16xf32>
        %parallel_loop3A_782 = arith.mulf %parallel_loop3A_781, %parallel_loop3A_777 : vector<16xf32>
        %parallel_loop3A_783 = arith.constant 1.500000e+00 : f32
        %parallel_loop3A_784 = vector.broadcast %parallel_loop3A_783 : f32 to vector<16xf32>
        %parallel_loop3A_785 = arith.subf %parallel_loop3A_784, %parallel_loop3A_782 : vector<16xf32>
        %parallel_loop3A_786 = arith.mulf %parallel_loop3A_777, %parallel_loop3A_785 : vector<16xf32>
        %parallel_loop3A_787 = arith.mulf %parallel_loop3A_780, %parallel_loop3A_786 : vector<16xf32>
        %parallel_loop3A_788 = arith.mulf %parallel_loop3A_787, %parallel_loop3A_786 : vector<16xf32>
        %parallel_loop3A_789 = arith.constant 1.500000e+00 : f32
        %parallel_loop3A_790 = vector.broadcast %parallel_loop3A_789 : f32 to vector<16xf32>
        %parallel_loop3A_791 = arith.subf %parallel_loop3A_790, %parallel_loop3A_788 : vector<16xf32>
        %parallel_loop3A_792 = arith.mulf %parallel_loop3A_786, %parallel_loop3A_791 : vector<16xf32>
        %parallel_loop3A_793 = arith.subf %parallel_loop3A_717, %parallel_loop3A_761 : vector<16xf32>
        %parallel_loop3A_794 = arith.mulf %parallel_loop3A_793, %parallel_loop3A_792 : vector<16xf32>
        %parallel_loop3A_795 = arith.mulf %parallel_loop3A_794, %get3A_4 : vector<16xf32>
        %parallel_loop3A_796 = arith.addf %parallel_loop3A_795, %get3A_10 : vector<16xf32>
        %parallel_loop3A_797 = arith.subf %parallel_loop3A_722, %parallel_loop3A_761 : vector<16xf32>
        %parallel_loop3A_798 = arith.mulf %parallel_loop3A_797, %parallel_loop3A_792 : vector<16xf32>
        %parallel_loop3A_799 = arith.mulf %parallel_loop3A_798, %get3A_7 : vector<16xf32>
        %parallel_loop3A_800 = arith.addf %parallel_loop3A_799, %get3A_13 : vector<16xf32>
        %parallel_loop3A_801 = arith.constant 2 : i32
        %parallel_loop3A_802 = arith.shrsi %parallel_loop3A_696, %parallel_loop3A_801 : i32
        %parallel_loop3A_803 = arith.constant 3 : i32
        %parallel_loop3A_804 = arith.andi %parallel_loop3A_696, %parallel_loop3A_803 : i32
        %parallel_loop3A_805 = arith.constant 32 : i32
        %parallel_loop3A_806 = arith.muli %parallel_loop3A_804, %parallel_loop3A_805 : i32
        %parallel_loop3A_807 = arith.constant 2 : i32
        %parallel_loop3A_808 = arith.index_cast %parallel_loop3A_807 : i32 to index
        %parallel_loop3A_809 = arith.index_cast %parallel_loop3A_802 : i32 to index
        %parallel_loop3A_810 = arith.index_cast %parallel_loop3A_806 : i32 to index
        %parallel_loop3A_811 = tpu.vector_load %arg10[%parallel_loop3A_808, %parallel_loop3A_809, %parallel_loop3A_810] {strides = array<i32>} : memref<4x50x128xf32, #tpu.memory_space<vmem>>, vector<1x1x16xf32>,
        %parallel_loop3A_812 = vector.shape_cast %parallel_loop3A_811 : vector<1x1x16xf32> to vector<16xf32>
        %parallel_loop3A_813 = vector.shape_cast %parallel_loop3A_796 : vector<16xf32> to vector<1x1x16xf32>
        tpu.vector_store %arg10[%parallel_loop3A_808, %parallel_loop3A_809, %parallel_loop3A_810], %parallel_loop3A_813 {strides = array<i32>} : memref<4x50x128xf32, #tpu.memory_space<vmem>>, vector<1x1x16xf32>,
        %parallel_loop3A_814 = arith.constant 16 : i32
        %parallel_loop3A_815 = arith.addi %parallel_loop3A_806, %parallel_loop3A_814 : i32
        %parallel_loop3A_816 = arith.constant 2 : i32
        %parallel_loop3A_817 = arith.index_cast %parallel_loop3A_816 : i32 to index
        %parallel_loop3A_818 = arith.index_cast %parallel_loop3A_802 : i32 to index
        %parallel_loop3A_819 = arith.index_cast %parallel_loop3A_815 : i32 to index
        %parallel_loop3A_820 = tpu.vector_load %arg10[%parallel_loop3A_817, %parallel_loop3A_818, %parallel_loop3A_819] {strides = array<i32>} : memref<4x50x128xf32, #tpu.memory_space<vmem>>, vector<1x1x16xf32>,
        %parallel_loop3A_821 = vector.shape_cast %parallel_loop3A_820 : vector<1x1x16xf32> to vector<16xf32>
        %parallel_loop3A_822 = vector.shape_cast %parallel_loop3A_800 : vector<16xf32> to vector<1x1x16xf32>
        tpu.vector_store %arg10[%parallel_loop3A_817, %parallel_loop3A_818, %parallel_loop3A_819], %parallel_loop3A_822 {strides = array<i32>} : memref<4x50x128xf32, #tpu.memory_space<vmem>>, vector<1x1x16xf32>,
      } {sc.loop_unroll_factor = 2 : i64, sc.parallel_access}
      %add3A_622 = arith.addi %mul3A_2, %add3A_597 : i32
      %mul3A_623 = arith.constant 50 : i32
      %mul3A_624 = arith.muli %add3A_622, %mul3A_623 : i32
      %dma_start3A_625 = arith.constant 2 : i32
      %dma_start3A_626 = arith.constant 0 : i32
      %dma_start3A_627 = arith.constant 0 : i32
      %dma_start3A_628 = tpu.memref_slice %arg10[%dma_start3A_625, %dma_start3A_626, %dma_start3A_627] : memref<4x50x128xf32, #tpu.memory_space<vmem>> -> memref<1x50x128xf32, #tpu.memory_space<vmem>>
      %dma_start3A_629 = tpu.memref_squeeze %dma_start3A_628 : memref<1x50x128xf32, #tpu.memory_space<vmem>> -> memref<50x128xf32, #tpu.memory_space<vmem>>
      %dma_start3A_630 = arith.constant 0 : i32
      %dma_start3A_631 = tpu.memref_slice %arg7[%mul3A_624, %dma_start3A_630] : memref<204800x128xf32, #tpu.memory_space<hbm>> -> memref<50x128xf32, #tpu.memory_space<hbm>>
      %dma_start3A_632 = arith.constant 0 : i32
      %dma_start3A_633 = tpu.memref_slice %arg7[%mul3A_624, %dma_start3A_632] : memref<204800x128xf32, #tpu.memory_space<hbm>> -> memref<50x128xf32, #tpu.memory_space<hbm>>
      %dma_start3A_634 = arith.constant 0 : i32
      %dma_start3A_635 = arith.constant 0 : i32
      %dma_start3A_636 = tpu.memref_slice %arg10[%dma_start3A_625, %dma_start3A_634, %dma_start3A_635] : memref<4x50x128xf32, #tpu.memory_space<vmem>> -> memref<1x50x128xf32, #tpu.memory_space<vmem>>
      %dma_start3A_637 = tpu.memref_squeeze %dma_start3A_636 : memref<1x50x128xf32, #tpu.memory_space<vmem>> -> memref<50x128xf32, #tpu.memory_space<vmem>>
      tpu.enqueue_dma source(%dma_start3A_637 : memref<50x128xf32, #tpu.memory_space<vmem>>) target(%dma_start3A_633 : memref<50x128xf32, #tpu.memory_space<hbm>>) target_semaphore(%arg24 : memref<!tpu.dma_semaphore, #tpu.memory_space<semaphore_mem>>)
      %add3A_638 = arith.constant 6 : i32
      %add3A_639 = arith.addi %add3A_597, %add3A_638 : i32
      %lt3A_640 = arith.constant 128 : i32
      %lt3A_641 = arith.cmpi slt, %add3A_639, %lt3A_640 : i32
      %convert_element_type3A_642 = arith.extui %lt3A_641 : i1 to i32
      %cond3A_643 = arith.constant 0 : i32
      %cond3A_644 = arith.cmpi ne, %convert_element_type3A_642, %cond3A_643 : i32
      scf.if %cond3A_644 {
        %add3A_696 = arith.constant 6 : i32
        %add3A_697 = arith.addi %add3A_597, %add3A_696 : i32
        %mul3A_698 = arith.constant 1 : i32
        %mul3A_699 = arith.muli %add3A_697, %mul3A_698 : i32
        %add3A_700 = arith.constant 0 : i32
        %add3A_701 = arith.addi %mul3A_699, %add3A_700 : i32
        %dma_start3A_702 = arith.constant 4 : i32
        %dma_start3A_703 = arith.constant 0 : i32
        %dma_start3A_704 = arith.constant 0 : i32
        %dma_start3A_705 = arith.constant 0 : i32
        %dma_start3A_706 = tpu.memref_slice %arg9[%dma_start3A_702, %dma_start3A_703, %dma_start3A_704, %dma_start3A_705] : memref<8x1x200x32xf32, #tpu.memory_space<vmem>> -> memref<1x1x128x32xf32, #tpu.memory_space<vmem>>
        %dma_start3A_707 = tpu.memref_squeeze %dma_start3A_706 : memref<1x1x128x32xf32, #tpu.memory_space<vmem>> -> memref<128x32xf32, #tpu.memory_space<vmem>>
        %dma_start3A_708 = arith.constant 0 : i32
        %dma_start3A_709 = tpu.memref_slice %arg8[%add3A_701, %dma_start3A_708] : memref<128x200xi32, #tpu.memory_space<vmem>> -> memref<1x128xi32, #tpu.memory_space<vmem>>
        %dma_start3A_710 = tpu.memref_squeeze %dma_start3A_709 : memref<1x128xi32, #tpu.memory_space<vmem>> -> memref<128xi32, #tpu.memory_space<vmem>>
        %dma_start3A_711 = arith.constant 0 : i32
        %dma_start3A_712 = arith.constant 0 : i32
        %dma_start3A_713 = tpu.memref_slice %arg3[%dma_start3A_711, %dma_start3A_712] : memref<1000000x32xf32, #tpu.memory_space<hbm>> -> memref<1000000x32xf32, #tpu.memory_space<hbm>>
        tpu.enqueue_indirect_dma source(%dma_start3A_713 : memref<1000000x32xf32, #tpu.memory_space<hbm>>) target(%dma_start3A_707 : memref<128x32xf32, #tpu.memory_space<vmem>>) offsets(%dma_start3A_710 : memref<128xi32, #tpu.memory_space<vmem>>) semaphore(%arg18 : memref<!tpu.dma_semaphore, #tpu.memory_space<semaphore_mem>>)
        %mul3A_714 = arith.constant 1 : i32
        %mul3A_715 = arith.muli %add3A_697, %mul3A_714 : i32
        %add3A_716 = arith.constant 0 : i32
        %add3A_717 = arith.addi %mul3A_715, %add3A_716 : i32
        %dma_start3A_718 = arith.constant 4 : i32
        %dma_start3A_719 = arith.constant 0 : i32
        %dma_start3A_720 = arith.constant 128 : i32
        %dma_start3A_721 = arith.constant 0 : i32
        %dma_start3A_722 = tpu.memref_slice %arg9[%dma_start3A_718, %dma_start3A_719, %dma_start3A_720, %dma_start3A_721] : memref<8x1x200x32xf32, #tpu.memory_space<vmem>> -> memref<1x1x72x32xf32, #tpu.memory_space<vmem>>
        %dma_start3A_723 = tpu.memref_squeeze %dma_start3A_722 : memref<1x1x72x32xf32, #tpu.memory_space<vmem>> -> memref<72x32xf32, #tpu.memory_space<vmem>>
        %dma_start3A_724 = arith.constant 128 : i32
        %dma_start3A_725 = tpu.memref_slice %arg8[%add3A_717, %dma_start3A_724] : memref<128x200xi32, #tpu.memory_space<vmem>> -> memref<1x72xi32, #tpu.memory_space<vmem>>
        %dma_start3A_726 = tpu.memref_squeeze %dma_start3A_725 : memref<1x72xi32, #tpu.memory_space<vmem>> -> memref<72xi32, #tpu.memory_space<vmem>>
        %dma_start3A_727 = arith.constant 0 : i32
        %dma_start3A_728 = arith.constant 0 : i32
        %dma_start3A_729 = tpu.memref_slice %arg3[%dma_start3A_727, %dma_start3A_728] : memref<1000000x32xf32, #tpu.memory_space<hbm>> -> memref<1000000x32xf32, #tpu.memory_space<hbm>>
        tpu.enqueue_indirect_dma source(%dma_start3A_729 : memref<1000000x32xf32, #tpu.memory_space<hbm>>) target(%dma_start3A_723 : memref<72x32xf32, #tpu.memory_space<vmem>>) offsets(%dma_start3A_726 : memref<72xi32, #tpu.memory_space<vmem>>) semaphore(%arg18 : memref<!tpu.dma_semaphore, #tpu.memory_space<semaphore_mem>>)
      } else {
      }
      %mul3A_645 = arith.constant 8 : i32
      %mul3A_646 = arith.muli %scan3A_292, %mul3A_645 : i32
      %add3A_647 = arith.constant 7 : i32
      %add3A_648 = arith.addi %mul3A_646, %add3A_647 : i32
      %dma_wait3A_649 = arith.constant 7 : i32
      %dma_wait3A_650 = arith.constant 0 : i32
      %dma_wait3A_651 = arith.constant 0 : i32
      %dma_wait3A_652 = arith.constant 0 : i32
      %dma_wait3A_653 = tpu.memref_slice %arg9[%dma_wait3A_649, %dma_wait3A_650, %dma_wait3A_651, %dma_wait3A_652] : memref<8x1x200x32xf32, #tpu.memory_space<vmem>> -> memref<1x1x200x32xf32, #tpu.memory_space<vmem>>
      %dma_wait3A_654 = tpu.memref_squeeze %dma_wait3A_653 : memref<1x1x200x32xf32, #tpu.memory_space<vmem>> -> memref<200x32xf32, #tpu.memory_space<vmem>>
      %dma_wait3A_655 = arith.constant 0 : i32
      %dma_wait3A_656 = arith.constant 0 : i32
      %dma_wait3A_657 = tpu.memref_slice %arg3[%dma_wait3A_655, %dma_wait3A_656] : memref<1000000x32xf32, #tpu.memory_space<hbm>> -> memref<200x32xf32, #tpu.memory_space<hbm>>
      %dma_wait3A_658 = arith.constant 0 : i32
      %dma_wait3A_659 = arith.constant 0 : i32
      %dma_wait3A_660 = tpu.memref_slice %arg9[%dma_wait3A_649, %dma_wait3A_650, %dma_wait3A_658, %dma_wait3A_659] : memref<8x1x200x32xf32, #tpu.memory_space<vmem>> -> memref<1x1x200x32xf32, #tpu.memory_space<vmem>>
      %dma_wait3A_661 = tpu.memref_squeeze %dma_wait3A_660 : memref<1x1x200x32xf32, #tpu.memory_space<vmem>> -> memref<200x32xf32, #tpu.memory_space<vmem>>
      %dma_wait3A_662 = arith.constant 0 : i32
      %dma_wait3A_663 = arith.constant 0 : i32
      %dma_wait3A_664 = tpu.memref_slice %arg3[%dma_wait3A_662, %dma_wait3A_663] : memref<1000000x32xf32, #tpu.memory_space<hbm>> -> memref<200x32xf32, #tpu.memory_space<hbm>>
      tpu.wait_dma2 semaphore(%arg21 : memref<!tpu.dma_semaphore, #tpu.memory_space<semaphore_mem>>) src(%dma_wait3A_664 : memref<200x32xf32, #tpu.memory_space<hbm>>) dst(%dma_wait3A_661 : memref<200x32xf32, #tpu.memory_space<vmem>>)
      %ge3A_665 = arith.constant 4 : i32
      %ge3A_666 = arith.cmpi sge, %add3A_648, %ge3A_665 : i32
      %convert_element_type3A_667 = arith.extui %ge3A_666 : i1 to i32
      %cond3A_668 = arith.constant 0 : i32
      %cond3A_669 = arith.cmpi ne, %convert_element_type3A_667, %cond3A_668 : i32
      scf.if %cond3A_669 {
        %dma_wait3A_696 = arith.constant 3 : i32
        %dma_wait3A_697 = arith.constant 0 : i32
        %dma_wait3A_698 = arith.constant 0 : i32
        %dma_wait3A_699 = tpu.memref_slice %arg10[%dma_wait3A_696, %dma_wait3A_697, %dma_wait3A_698] : memref<4x50x128xf32, #tpu.memory_space<vmem>> -> memref<1x50x128xf32, #tpu.memory_space<vmem>>
        %dma_wait3A_700 = tpu.memref_squeeze %dma_wait3A_699 : memref<1x50x128xf32, #tpu.memory_space<vmem>> -> memref<50x128xf32, #tpu.memory_space<vmem>>
        %dma_wait3A_701 = arith.constant 0 : i32
        %dma_wait3A_702 = arith.constant 0 : i32
        %dma_wait3A_703 = tpu.memref_slice %arg7[%dma_wait3A_701, %dma_wait3A_702] : memref<204800x128xf32, #tpu.memory_space<hbm>> -> memref<50x128xf32, #tpu.memory_space<hbm>>
        %dma_wait3A_704 = arith.constant 0 : i32
        %dma_wait3A_705 = arith.constant 0 : i32
        %dma_wait3A_706 = tpu.memref_slice %arg7[%dma_wait3A_704, %dma_wait3A_705] : memref<204800x128xf32, #tpu.memory_space<hbm>> -> memref<50x128xf32, #tpu.memory_space<hbm>>
        %dma_wait3A_707 = arith.constant 0 : i32
        %dma_wait3A_708 = arith.constant 0 : i32
        %dma_wait3A_709 = tpu.memref_slice %arg10[%dma_wait3A_696, %dma_wait3A_707, %dma_wait3A_708] : memref<4x50x128xf32, #tpu.memory_space<vmem>> -> memref<1x50x128xf32, #tpu.memory_space<vmem>>
        %dma_wait3A_710 = tpu.memref_squeeze %dma_wait3A_709 : memref<1x50x128xf32, #tpu.memory_space<vmem>> -> memref<50x128xf32, #tpu.memory_space<vmem>>
        tpu.wait_dma2 semaphore(%arg25 : memref<!tpu.dma_semaphore, #tpu.memory_space<semaphore_mem>>) src(%dma_wait3A_710 : memref<50x128xf32, #tpu.memory_space<vmem>>) dst(%dma_wait3A_706 : memref<50x128xf32, #tpu.memory_space<hbm>>)
      } else {
      }
      %parallel_loop3A_670 = arith.constant 0 : i32
      %parallel_loop3A_671 = arith.constant 200 : i32
      %parallel_loop3A_672 = arith.constant 1 : i32
      scf.for %parallel_loop3A_696 = %parallel_loop3A_670 to %parallel_loop3A_671 step %parallel_loop3A_672  : i32 {
        %parallel_loop3A_697 = arith.constant 7 : i32
        %parallel_loop3A_698 = arith.constant 0 : i32
        %parallel_loop3A_699 = arith.index_cast %parallel_loop3A_697 : i32 to index
        %parallel_loop3A_700 = arith.index_cast %parallel_loop3A_698 : i32 to index
        %parallel_loop3A_701 = arith.index_cast %parallel_loop3A_696 : i32 to index
        %parallel_loop3A_702 = arith.constant 0 : index
        %parallel_loop3A_703 = tpu.vector_load %arg9[%parallel_loop3A_699, %parallel_loop3A_700, %parallel_loop3A_701, %parallel_loop3A_702] {strides = array<i32>} : memref<8x1x200x32xf32, #tpu.memory_space<vmem>>, vector<1x1x1x16xf32>,
        %parallel_loop3A_704 = vector.shape_cast %parallel_loop3A_703 : vector<1x1x1x16xf32> to vector<16xf32>
        %parallel_loop3A_705 = arith.constant 7 : i32
        %parallel_loop3A_706 = arith.constant 0 : i32
        %parallel_loop3A_707 = arith.index_cast %parallel_loop3A_705 : i32 to index
        %parallel_loop3A_708 = arith.index_cast %parallel_loop3A_706 : i32 to index
        %parallel_loop3A_709 = arith.index_cast %parallel_loop3A_696 : i32 to index
        %parallel_loop3A_710 = arith.constant 16 : index
        %parallel_loop3A_711 = tpu.vector_load %arg9[%parallel_loop3A_707, %parallel_loop3A_708, %parallel_loop3A_709, %parallel_loop3A_710] {strides = array<i32>} : memref<8x1x200x32xf32, #tpu.memory_space<vmem>>, vector<1x1x1x16xf32>,
        %parallel_loop3A_712 = vector.shape_cast %parallel_loop3A_711 : vector<1x1x1x16xf32> to vector<16xf32>
        %parallel_loop3A_713 = arith.index_cast %parallel_loop3A_696 : i32 to index
        %parallel_loop3A_714 = arith.constant 0 : index
        %parallel_loop3A_715 = tpu.vector_load %arg11[%parallel_loop3A_713, %parallel_loop3A_714] {strides = array<i32>} : memref<200x32xf32, #tpu.memory_space<vmem>>, vector<1x16xf32>,
        %parallel_loop3A_716 = vector.shape_cast %parallel_loop3A_715 : vector<1x16xf32> to vector<16xf32>
        %parallel_loop3A_717 = arith.addf %parallel_loop3A_704, %parallel_loop3A_716 : vector<16xf32>
        %parallel_loop3A_718 = arith.index_cast %parallel_loop3A_696 : i32 to index
        %parallel_loop3A_719 = arith.constant 16 : index
        %parallel_loop3A_720 = tpu.vector_load %arg11[%parallel_loop3A_718, %parallel_loop3A_719] {strides = array<i32>} : memref<200x32xf32, #tpu.memory_space<vmem>>, vector<1x16xf32>,
        %parallel_loop3A_721 = vector.shape_cast %parallel_loop3A_720 : vector<1x16xf32> to vector<16xf32>
        %parallel_loop3A_722 = arith.addf %parallel_loop3A_712, %parallel_loop3A_721 : vector<16xf32>
        %parallel_loop3A_723 = arith.addf %parallel_loop3A_717, %parallel_loop3A_722 : vector<16xf32>
        %parallel_loop3A_724 = arith.mulf %parallel_loop3A_717, %parallel_loop3A_717 : vector<16xf32>
        %parallel_loop3A_725 = arith.mulf %parallel_loop3A_722, %parallel_loop3A_722 : vector<16xf32>
        %parallel_loop3A_726 = arith.addf %parallel_loop3A_724, %parallel_loop3A_725 : vector<16xf32>
        %parallel_loop3A_727 = vector.shape_cast %xor3A_15 : vector<16xi32> to vector<16x1xi32>
        %parallel_loop3A_728 = vector.shape_cast %parallel_loop3A_727 : vector<16x1xi32> to vector<16xi32>
        %parallel_loop3A_729 = tpu.dynamic_gather %parallel_loop3A_723[%parallel_loop3A_728] in [0] : vector<16xf32>, vector<16xi32> -> vector<16xf32>
        %parallel_loop3A_730 = arith.addf %parallel_loop3A_723, %parallel_loop3A_729 : vector<16xf32>
        %parallel_loop3A_731 = vector.shape_cast %xor3A_15 : vector<16xi32> to vector<16x1xi32>
        %parallel_loop3A_732 = vector.shape_cast %parallel_loop3A_731 : vector<16x1xi32> to vector<16xi32>
        %parallel_loop3A_733 = tpu.dynamic_gather %parallel_loop3A_726[%parallel_loop3A_732] in [0] : vector<16xf32>, vector<16xi32> -> vector<16xf32>
        %parallel_loop3A_734 = arith.addf %parallel_loop3A_726, %parallel_loop3A_733 : vector<16xf32>
        %parallel_loop3A_735 = vector.shape_cast %xor3A_18 : vector<16xi32> to vector<16x1xi32>
        %parallel_loop3A_736 = vector.shape_cast %parallel_loop3A_735 : vector<16x1xi32> to vector<16xi32>
        %parallel_loop3A_737 = tpu.dynamic_gather %parallel_loop3A_730[%parallel_loop3A_736] in [0] : vector<16xf32>, vector<16xi32> -> vector<16xf32>
        %parallel_loop3A_738 = arith.addf %parallel_loop3A_730, %parallel_loop3A_737 : vector<16xf32>
        %parallel_loop3A_739 = vector.shape_cast %xor3A_18 : vector<16xi32> to vector<16x1xi32>
        %parallel_loop3A_740 = vector.shape_cast %parallel_loop3A_739 : vector<16x1xi32> to vector<16xi32>
        %parallel_loop3A_741 = tpu.dynamic_gather %parallel_loop3A_734[%parallel_loop3A_740] in [0] : vector<16xf32>, vector<16xi32> -> vector<16xf32>
        %parallel_loop3A_742 = arith.addf %parallel_loop3A_734, %parallel_loop3A_741 : vector<16xf32>
        %parallel_loop3A_743 = vector.shape_cast %xor3A_21 : vector<16xi32> to vector<16x1xi32>
        %parallel_loop3A_744 = vector.shape_cast %parallel_loop3A_743 : vector<16x1xi32> to vector<16xi32>
        %parallel_loop3A_745 = tpu.dynamic_gather %parallel_loop3A_738[%parallel_loop3A_744] in [0] : vector<16xf32>, vector<16xi32> -> vector<16xf32>
        %parallel_loop3A_746 = arith.addf %parallel_loop3A_738, %parallel_loop3A_745 : vector<16xf32>
        %parallel_loop3A_747 = vector.shape_cast %xor3A_21 : vector<16xi32> to vector<16x1xi32>
        %parallel_loop3A_748 = vector.shape_cast %parallel_loop3A_747 : vector<16x1xi32> to vector<16xi32>
        %parallel_loop3A_749 = tpu.dynamic_gather %parallel_loop3A_742[%parallel_loop3A_748] in [0] : vector<16xf32>, vector<16xi32> -> vector<16xf32>
        %parallel_loop3A_750 = arith.addf %parallel_loop3A_742, %parallel_loop3A_749 : vector<16xf32>
        %parallel_loop3A_751 = vector.shape_cast %xor3A_24 : vector<16xi32> to vector<16x1xi32>
        %parallel_loop3A_752 = vector.shape_cast %parallel_loop3A_751 : vector<16x1xi32> to vector<16xi32>
        %parallel_loop3A_753 = tpu.dynamic_gather %parallel_loop3A_746[%parallel_loop3A_752] in [0] : vector<16xf32>, vector<16xi32> -> vector<16xf32>
        %parallel_loop3A_754 = arith.addf %parallel_loop3A_746, %parallel_loop3A_753 : vector<16xf32>
        %parallel_loop3A_755 = vector.shape_cast %xor3A_24 : vector<16xi32> to vector<16x1xi32>
        %parallel_loop3A_756 = vector.shape_cast %parallel_loop3A_755 : vector<16x1xi32> to vector<16xi32>
        %parallel_loop3A_757 = tpu.dynamic_gather %parallel_loop3A_750[%parallel_loop3A_756] in [0] : vector<16xf32>, vector<16xi32> -> vector<16xf32>
        %parallel_loop3A_758 = arith.addf %parallel_loop3A_750, %parallel_loop3A_757 : vector<16xf32>
        %parallel_loop3A_759 = arith.constant 3.125000e-02 : f32
        %parallel_loop3A_760 = vector.broadcast %parallel_loop3A_759 : f32 to vector<16xf32>
        %parallel_loop3A_761 = arith.mulf %parallel_loop3A_754, %parallel_loop3A_760 : vector<16xf32>
        %parallel_loop3A_762 = arith.constant 3.125000e-02 : f32
        %parallel_loop3A_763 = vector.broadcast %parallel_loop3A_762 : f32 to vector<16xf32>
        %parallel_loop3A_764 = arith.mulf %parallel_loop3A_758, %parallel_loop3A_763 : vector<16xf32>
        %parallel_loop3A_765 = arith.mulf %parallel_loop3A_761, %parallel_loop3A_761 : vector<16xf32>
        %parallel_loop3A_766 = arith.subf %parallel_loop3A_764, %parallel_loop3A_765 : vector<16xf32>
        %parallel_loop3A_767 = arith.constant 9.99999974E-6 : f32
        %parallel_loop3A_768 = vector.broadcast %parallel_loop3A_767 : f32 to vector<16xf32>
        %parallel_loop3A_769 = arith.addf %parallel_loop3A_766, %parallel_loop3A_768 : vector<16xf32>
        %parallel_loop3A_770 = tpu.bitcast %parallel_loop3A_769 : vector<16xf32> -> vector<16xi32>
        %parallel_loop3A_771 = arith.constant 1 : i32
        %parallel_loop3A_772 = vector.broadcast %parallel_loop3A_771 : i32 to vector<16xi32>
        %parallel_loop3A_773 = arith.shrsi %parallel_loop3A_770, %parallel_loop3A_772 : vector<16xi32>
        %parallel_loop3A_774 = arith.constant 1597463007 : i32
        %parallel_loop3A_775 = vector.broadcast %parallel_loop3A_774 : i32 to vector<16xi32>
        %parallel_loop3A_776 = arith.subi %parallel_loop3A_775, %parallel_loop3A_773 : vector<16xi32>
        %parallel_loop3A_777 = tpu.bitcast %parallel_loop3A_776 : vector<16xi32> -> vector<16xf32>
        %parallel_loop3A_778 = arith.constant 5.000000e-01 : f32
        %parallel_loop3A_779 = vector.broadcast %parallel_loop3A_778 : f32 to vector<16xf32>
        %parallel_loop3A_780 = arith.mulf %parallel_loop3A_779, %parallel_loop3A_769 : vector<16xf32>
        %parallel_loop3A_781 = arith.mulf %parallel_loop3A_780, %parallel_loop3A_777 : vector<16xf32>
        %parallel_loop3A_782 = arith.mulf %parallel_loop3A_781, %parallel_loop3A_777 : vector<16xf32>
        %parallel_loop3A_783 = arith.constant 1.500000e+00 : f32
        %parallel_loop3A_784 = vector.broadcast %parallel_loop3A_783 : f32 to vector<16xf32>
        %parallel_loop3A_785 = arith.subf %parallel_loop3A_784, %parallel_loop3A_782 : vector<16xf32>
        %parallel_loop3A_786 = arith.mulf %parallel_loop3A_777, %parallel_loop3A_785 : vector<16xf32>
        %parallel_loop3A_787 = arith.mulf %parallel_loop3A_780, %parallel_loop3A_786 : vector<16xf32>
        %parallel_loop3A_788 = arith.mulf %parallel_loop3A_787, %parallel_loop3A_786 : vector<16xf32>
        %parallel_loop3A_789 = arith.constant 1.500000e+00 : f32
        %parallel_loop3A_790 = vector.broadcast %parallel_loop3A_789 : f32 to vector<16xf32>
        %parallel_loop3A_791 = arith.subf %parallel_loop3A_790, %parallel_loop3A_788 : vector<16xf32>
        %parallel_loop3A_792 = arith.mulf %parallel_loop3A_786, %parallel_loop3A_791 : vector<16xf32>
        %parallel_loop3A_793 = arith.subf %parallel_loop3A_717, %parallel_loop3A_761 : vector<16xf32>
        %parallel_loop3A_794 = arith.mulf %parallel_loop3A_793, %parallel_loop3A_792 : vector<16xf32>
        %parallel_loop3A_795 = arith.mulf %parallel_loop3A_794, %get3A_4 : vector<16xf32>
        %parallel_loop3A_796 = arith.addf %parallel_loop3A_795, %get3A_10 : vector<16xf32>
        %parallel_loop3A_797 = arith.subf %parallel_loop3A_722, %parallel_loop3A_761 : vector<16xf32>
        %parallel_loop3A_798 = arith.mulf %parallel_loop3A_797, %parallel_loop3A_792 : vector<16xf32>
        %parallel_loop3A_799 = arith.mulf %parallel_loop3A_798, %get3A_7 : vector<16xf32>
        %parallel_loop3A_800 = arith.addf %parallel_loop3A_799, %get3A_13 : vector<16xf32>
        %parallel_loop3A_801 = arith.constant 2 : i32
        %parallel_loop3A_802 = arith.shrsi %parallel_loop3A_696, %parallel_loop3A_801 : i32
        %parallel_loop3A_803 = arith.constant 3 : i32
        %parallel_loop3A_804 = arith.andi %parallel_loop3A_696, %parallel_loop3A_803 : i32
        %parallel_loop3A_805 = arith.constant 32 : i32
        %parallel_loop3A_806 = arith.muli %parallel_loop3A_804, %parallel_loop3A_805 : i32
        %parallel_loop3A_807 = arith.constant 3 : i32
        %parallel_loop3A_808 = arith.index_cast %parallel_loop3A_807 : i32 to index
        %parallel_loop3A_809 = arith.index_cast %parallel_loop3A_802 : i32 to index
        %parallel_loop3A_810 = arith.index_cast %parallel_loop3A_806 : i32 to index
        %parallel_loop3A_811 = tpu.vector_load %arg10[%parallel_loop3A_808, %parallel_loop3A_809, %parallel_loop3A_810] {strides = array<i32>} : memref<4x50x128xf32, #tpu.memory_space<vmem>>, vector<1x1x16xf32>,
        %parallel_loop3A_812 = vector.shape_cast %parallel_loop3A_811 : vector<1x1x16xf32> to vector<16xf32>
        %parallel_loop3A_813 = vector.shape_cast %parallel_loop3A_796 : vector<16xf32> to vector<1x1x16xf32>
        tpu.vector_store %arg10[%parallel_loop3A_808, %parallel_loop3A_809, %parallel_loop3A_810], %parallel_loop3A_813 {strides = array<i32>} : memref<4x50x128xf32, #tpu.memory_space<vmem>>, vector<1x1x16xf32>,
        %parallel_loop3A_814 = arith.constant 16 : i32
        %parallel_loop3A_815 = arith.addi %parallel_loop3A_806, %parallel_loop3A_814 : i32
        %parallel_loop3A_816 = arith.constant 3 : i32
        %parallel_loop3A_817 = arith.index_cast %parallel_loop3A_816 : i32 to index
        %parallel_loop3A_818 = arith.index_cast %parallel_loop3A_802 : i32 to index
        %parallel_loop3A_819 = arith.index_cast %parallel_loop3A_815 : i32 to index
        %parallel_loop3A_820 = tpu.vector_load %arg10[%parallel_loop3A_817, %parallel_loop3A_818, %parallel_loop3A_819] {strides = array<i32>} : memref<4x50x128xf32, #tpu.memory_space<vmem>>, vector<1x1x16xf32>,
        %parallel_loop3A_821 = vector.shape_cast %parallel_loop3A_820 : vector<1x1x16xf32> to vector<16xf32>
        %parallel_loop3A_822 = vector.shape_cast %parallel_loop3A_800 : vector<16xf32> to vector<1x1x16xf32>
        tpu.vector_store %arg10[%parallel_loop3A_817, %parallel_loop3A_818, %parallel_loop3A_819], %parallel_loop3A_822 {strides = array<i32>} : memref<4x50x128xf32, #tpu.memory_space<vmem>>, vector<1x1x16xf32>,
      } {sc.loop_unroll_factor = 2 : i64, sc.parallel_access}
      %add3A_673 = arith.addi %mul3A_2, %add3A_648 : i32
      %mul3A_674 = arith.constant 50 : i32
      %mul3A_675 = arith.muli %add3A_673, %mul3A_674 : i32
      %dma_start3A_676 = arith.constant 3 : i32
      %dma_start3A_677 = arith.constant 0 : i32
      %dma_start3A_678 = arith.constant 0 : i32
      %dma_start3A_679 = tpu.memref_slice %arg10[%dma_start3A_676, %dma_start3A_677, %dma_start3A_678] : memref<4x50x128xf32, #tpu.memory_space<vmem>> -> memref<1x50x128xf32, #tpu.memory_space<vmem>>
      %dma_start3A_680 = tpu.memref_squeeze %dma_start3A_679 : memref<1x50x128xf32, #tpu.memory_space<vmem>> -> memref<50x128xf32, #tpu.memory_space<vmem>>
      %dma_start3A_681 = arith.constant 0 : i32
      %dma_start3A_682 = tpu.memref_slice %arg7[%mul3A_675, %dma_start3A_681] : memref<204800x128xf32, #tpu.memory_space<hbm>> -> memref<50x128xf32, #tpu.memory_space<hbm>>
      %dma_start3A_683 = arith.constant 0 : i32
      %dma_start3A_684 = tpu.memref_slice %arg7[%mul3A_675, %dma_start3A_683] : memref<204800x128xf32, #tpu.memory_space<hbm>> -> memref<50x128xf32, #tpu.memory_space<hbm>>
      %dma_start3A_685 = arith.constant 0 : i32
      %dma_start3A_686 = arith.constant 0 : i32
      %dma_start3A_687 = tpu.memref_slice %arg10[%dma_start3A_676, %dma_start3A_685, %dma_start3A_686] : memref<4x50x128xf32, #tpu.memory_space<vmem>> -> memref<1x50x128xf32, #tpu.memory_space<vmem>>
      %dma_start3A_688 = tpu.memref_squeeze %dma_start3A_687 : memref<1x50x128xf32, #tpu.memory_space<vmem>> -> memref<50x128xf32, #tpu.memory_space<vmem>>
      tpu.enqueue_dma source(%dma_start3A_688 : memref<50x128xf32, #tpu.memory_space<vmem>>) target(%dma_start3A_684 : memref<50x128xf32, #tpu.memory_space<hbm>>) target_semaphore(%arg25 : memref<!tpu.dma_semaphore, #tpu.memory_space<semaphore_mem>>)
      %add3A_689 = arith.constant 6 : i32
      %add3A_690 = arith.addi %add3A_648, %add3A_689 : i32
      %lt3A_691 = arith.constant 128 : i32
      %lt3A_692 = arith.cmpi slt, %add3A_690, %lt3A_691 : i32
      %convert_element_type3A_693 = arith.extui %lt3A_692 : i1 to i32
      %cond3A_694 = arith.constant 0 : i32
      %cond3A_695 = arith.cmpi ne, %convert_element_type3A_693, %cond3A_694 : i32
      scf.if %cond3A_695 {
        %add3A_696 = arith.constant 6 : i32
        %add3A_697 = arith.addi %add3A_648, %add3A_696 : i32
        %mul3A_698 = arith.constant 1 : i32
        %mul3A_699 = arith.muli %add3A_697, %mul3A_698 : i32
        %add3A_700 = arith.constant 0 : i32
        %add3A_701 = arith.addi %mul3A_699, %add3A_700 : i32
        %dma_start3A_702 = arith.constant 5 : i32
        %dma_start3A_703 = arith.constant 0 : i32
        %dma_start3A_704 = arith.constant 0 : i32
        %dma_start3A_705 = arith.constant 0 : i32
        %dma_start3A_706 = tpu.memref_slice %arg9[%dma_start3A_702, %dma_start3A_703, %dma_start3A_704, %dma_start3A_705] : memref<8x1x200x32xf32, #tpu.memory_space<vmem>> -> memref<1x1x128x32xf32, #tpu.memory_space<vmem>>
        %dma_start3A_707 = tpu.memref_squeeze %dma_start3A_706 : memref<1x1x128x32xf32, #tpu.memory_space<vmem>> -> memref<128x32xf32, #tpu.memory_space<vmem>>
        %dma_start3A_708 = arith.constant 0 : i32
        %dma_start3A_709 = tpu.memref_slice %arg8[%add3A_701, %dma_start3A_708] : memref<128x200xi32, #tpu.memory_space<vmem>> -> memref<1x128xi32, #tpu.memory_space<vmem>>
        %dma_start3A_710 = tpu.memref_squeeze %dma_start3A_709 : memref<1x128xi32, #tpu.memory_space<vmem>> -> memref<128xi32, #tpu.memory_space<vmem>>
        %dma_start3A_711 = arith.constant 0 : i32
        %dma_start3A_712 = arith.constant 0 : i32
        %dma_start3A_713 = tpu.memref_slice %arg3[%dma_start3A_711, %dma_start3A_712] : memref<1000000x32xf32, #tpu.memory_space<hbm>> -> memref<1000000x32xf32, #tpu.memory_space<hbm>>
        tpu.enqueue_indirect_dma source(%dma_start3A_713 : memref<1000000x32xf32, #tpu.memory_space<hbm>>) target(%dma_start3A_707 : memref<128x32xf32, #tpu.memory_space<vmem>>) offsets(%dma_start3A_710 : memref<128xi32, #tpu.memory_space<vmem>>) semaphore(%arg19 : memref<!tpu.dma_semaphore, #tpu.memory_space<semaphore_mem>>)
        %mul3A_714 = arith.constant 1 : i32
        %mul3A_715 = arith.muli %add3A_697, %mul3A_714 : i32
        %add3A_716 = arith.constant 0 : i32
        %add3A_717 = arith.addi %mul3A_715, %add3A_716 : i32
        %dma_start3A_718 = arith.constant 5 : i32
        %dma_start3A_719 = arith.constant 0 : i32
        %dma_start3A_720 = arith.constant 128 : i32
        %dma_start3A_721 = arith.constant 0 : i32
        %dma_start3A_722 = tpu.memref_slice %arg9[%dma_start3A_718, %dma_start3A_719, %dma_start3A_720, %dma_start3A_721] : memref<8x1x200x32xf32, #tpu.memory_space<vmem>> -> memref<1x1x72x32xf32, #tpu.memory_space<vmem>>
        %dma_start3A_723 = tpu.memref_squeeze %dma_start3A_722 : memref<1x1x72x32xf32, #tpu.memory_space<vmem>> -> memref<72x32xf32, #tpu.memory_space<vmem>>
        %dma_start3A_724 = arith.constant 128 : i32
        %dma_start3A_725 = tpu.memref_slice %arg8[%add3A_717, %dma_start3A_724] : memref<128x200xi32, #tpu.memory_space<vmem>> -> memref<1x72xi32, #tpu.memory_space<vmem>>
        %dma_start3A_726 = tpu.memref_squeeze %dma_start3A_725 : memref<1x72xi32, #tpu.memory_space<vmem>> -> memref<72xi32, #tpu.memory_space<vmem>>
        %dma_start3A_727 = arith.constant 0 : i32
        %dma_start3A_728 = arith.constant 0 : i32
        %dma_start3A_729 = tpu.memref_slice %arg3[%dma_start3A_727, %dma_start3A_728] : memref<1000000x32xf32, #tpu.memory_space<hbm>> -> memref<1000000x32xf32, #tpu.memory_space<hbm>>
        tpu.enqueue_indirect_dma source(%dma_start3A_729 : memref<1000000x32xf32, #tpu.memory_space<hbm>>) target(%dma_start3A_723 : memref<72x32xf32, #tpu.memory_space<vmem>>) offsets(%dma_start3A_726 : memref<72xi32, #tpu.memory_space<vmem>>) semaphore(%arg19 : memref<!tpu.dma_semaphore, #tpu.memory_space<semaphore_mem>>)
      } else {
      }
    }
    %scan3A_232 = arith.constant 16 : i32
    %dma_wait3A = arith.constant 0 : i32
    %dma_wait3A_233 = arith.constant 0 : i32
    %dma_wait3A_234 = arith.constant 0 : i32
    %dma_wait3A_235 = tpu.memref_slice %arg10[%dma_wait3A, %dma_wait3A_233, %dma_wait3A_234] : memref<4x50x128xf32, #tpu.memory_space<vmem>> -> memref<1x50x128xf32, #tpu.memory_space<vmem>>
    %dma_wait3A_236 = tpu.memref_squeeze %dma_wait3A_235 : memref<1x50x128xf32, #tpu.memory_space<vmem>> -> memref<50x128xf32, #tpu.memory_space<vmem>>
    %dma_wait3A_237 = arith.constant 0 : i32
    %dma_wait3A_238 = arith.constant 0 : i32
    %dma_wait3A_239 = tpu.memref_slice %arg7[%dma_wait3A_237, %dma_wait3A_238] : memref<204800x128xf32, #tpu.memory_space<hbm>> -> memref<50x128xf32, #tpu.memory_space<hbm>>
    %dma_wait3A_240 = arith.constant 0 : i32
    %dma_wait3A_241 = arith.constant 0 : i32
    %dma_wait3A_242 = tpu.memref_slice %arg7[%dma_wait3A_240, %dma_wait3A_241] : memref<204800x128xf32, #tpu.memory_space<hbm>> -> memref<50x128xf32, #tpu.memory_space<hbm>>
    %dma_wait3A_243 = arith.constant 0 : i32
    %dma_wait3A_244 = arith.constant 0 : i32
    %dma_wait3A_245 = tpu.memref_slice %arg10[%dma_wait3A, %dma_wait3A_243, %dma_wait3A_244] : memref<4x50x128xf32, #tpu.memory_space<vmem>> -> memref<1x50x128xf32, #tpu.memory_space<vmem>>
    %dma_wait3A_246 = tpu.memref_squeeze %dma_wait3A_245 : memref<1x50x128xf32, #tpu.memory_space<vmem>> -> memref<50x128xf32, #tpu.memory_space<vmem>>
    tpu.wait_dma2 semaphore(%arg22 : memref<!tpu.dma_semaphore, #tpu.memory_space<semaphore_mem>>) src(%dma_wait3A_246 : memref<50x128xf32, #tpu.memory_space<vmem>>) dst(%dma_wait3A_242 : memref<50x128xf32, #tpu.memory_space<hbm>>)
    %dma_wait3A_247 = arith.constant 1 : i32
    %dma_wait3A_248 = arith.constant 0 : i32
    %dma_wait3A_249 = arith.constant 0 : i32
    %dma_wait3A_250 = tpu.memref_slice %arg10[%dma_wait3A_247, %dma_wait3A_248, %dma_wait3A_249] : memref<4x50x128xf32, #tpu.memory_space<vmem>> -> memref<1x50x128xf32, #tpu.memory_space<vmem>>
    %dma_wait3A_251 = tpu.memref_squeeze %dma_wait3A_250 : memref<1x50x128xf32, #tpu.memory_space<vmem>> -> memref<50x128xf32, #tpu.memory_space<vmem>>
    %dma_wait3A_252 = arith.constant 0 : i32
    %dma_wait3A_253 = arith.constant 0 : i32
    %dma_wait3A_254 = tpu.memref_slice %arg7[%dma_wait3A_252, %dma_wait3A_253] : memref<204800x128xf32, #tpu.memory_space<hbm>> -> memref<50x128xf32, #tpu.memory_space<hbm>>
    %dma_wait3A_255 = arith.constant 0 : i32
    %dma_wait3A_256 = arith.constant 0 : i32
    %dma_wait3A_257 = tpu.memref_slice %arg7[%dma_wait3A_255, %dma_wait3A_256] : memref<204800x128xf32, #tpu.memory_space<hbm>> -> memref<50x128xf32, #tpu.memory_space<hbm>>
    %dma_wait3A_258 = arith.constant 0 : i32
    %dma_wait3A_259 = arith.constant 0 : i32
    %dma_wait3A_260 = tpu.memref_slice %arg10[%dma_wait3A_247, %dma_wait3A_258, %dma_wait3A_259] : memref<4x50x128xf32, #tpu.memory_space<vmem>> -> memref<1x50x128xf32, #tpu.memory_space<vmem>>
    %dma_wait3A_261 = tpu.memref_squeeze %dma_wait3A_260 : memref<1x50x128xf32, #tpu.memory_space<vmem>> -> memref<50x128xf32, #tpu.memory_space<vmem>>
    tpu.wait_dma2 semaphore(%arg23 : memref<!tpu.dma_semaphore, #tpu.memory_space<semaphore_mem>>) src(%dma_wait3A_261 : memref<50x128xf32, #tpu.memory_space<vmem>>) dst(%dma_wait3A_257 : memref<50x128xf32, #tpu.memory_space<hbm>>)
    %dma_wait3A_262 = arith.constant 2 : i32
    %dma_wait3A_263 = arith.constant 0 : i32
    %dma_wait3A_264 = arith.constant 0 : i32
    %dma_wait3A_265 = tpu.memref_slice %arg10[%dma_wait3A_262, %dma_wait3A_263, %dma_wait3A_264] : memref<4x50x128xf32, #tpu.memory_space<vmem>> -> memref<1x50x128xf32, #tpu.memory_space<vmem>>
    %dma_wait3A_266 = tpu.memref_squeeze %dma_wait3A_265 : memref<1x50x128xf32, #tpu.memory_space<vmem>> -> memref<50x128xf32, #tpu.memory_space<vmem>>
    %dma_wait3A_267 = arith.constant 0 : i32
    %dma_wait3A_268 = arith.constant 0 : i32
    %dma_wait3A_269 = tpu.memref_slice %arg7[%dma_wait3A_267, %dma_wait3A_268] : memref<204800x128xf32, #tpu.memory_space<hbm>> -> memref<50x128xf32, #tpu.memory_space<hbm>>
    %dma_wait3A_270 = arith.constant 0 : i32
    %dma_wait3A_271 = arith.constant 0 : i32
    %dma_wait3A_272 = tpu.memref_slice %arg7[%dma_wait3A_270, %dma_wait3A_271] : memref<204800x128xf32, #tpu.memory_space<hbm>> -> memref<50x128xf32, #tpu.memory_space<hbm>>
    %dma_wait3A_273 = arith.constant 0 : i32
    %dma_wait3A_274 = arith.constant 0 : i32
    %dma_wait3A_275 = tpu.memref_slice %arg10[%dma_wait3A_262, %dma_wait3A_273, %dma_wait3A_274] : memref<4x50x128xf32, #tpu.memory_space<vmem>> -> memref<1x50x128xf32, #tpu.memory_space<vmem>>
    %dma_wait3A_276 = tpu.memref_squeeze %dma_wait3A_275 : memref<1x50x128xf32, #tpu.memory_space<vmem>> -> memref<50x128xf32, #tpu.memory_space<vmem>>
    tpu.wait_dma2 semaphore(%arg24 : memref<!tpu.dma_semaphore, #tpu.memory_space<semaphore_mem>>) src(%dma_wait3A_276 : memref<50x128xf32, #tpu.memory_space<vmem>>) dst(%dma_wait3A_272 : memref<50x128xf32, #tpu.memory_space<hbm>>)
    %dma_wait3A_277 = arith.constant 3 : i32
    %dma_wait3A_278 = arith.constant 0 : i32
    %dma_wait3A_279 = arith.constant 0 : i32
    %dma_wait3A_280 = tpu.memref_slice %arg10[%dma_wait3A_277, %dma_wait3A_278, %dma_wait3A_279] : memref<4x50x128xf32, #tpu.memory_space<vmem>> -> memref<1x50x128xf32, #tpu.memory_space<vmem>>
    %dma_wait3A_281 = tpu.memref_squeeze %dma_wait3A_280 : memref<1x50x128xf32, #tpu.memory_space<vmem>> -> memref<50x128xf32, #tpu.memory_space<vmem>>
    %dma_wait3A_282 = arith.constant 0 : i32
    %dma_wait3A_283 = arith.constant 0 : i32
    %dma_wait3A_284 = tpu.memref_slice %arg7[%dma_wait3A_282, %dma_wait3A_283] : memref<204800x128xf32, #tpu.memory_space<hbm>> -> memref<50x128xf32, #tpu.memory_space<hbm>>
    %dma_wait3A_285 = arith.constant 0 : i32
    %dma_wait3A_286 = arith.constant 0 : i32
    %dma_wait3A_287 = tpu.memref_slice %arg7[%dma_wait3A_285, %dma_wait3A_286] : memref<204800x128xf32, #tpu.memory_space<hbm>> -> memref<50x128xf32, #tpu.memory_space<hbm>>
    %dma_wait3A_288 = arith.constant 0 : i32
    %dma_wait3A_289 = arith.constant 0 : i32
    %dma_wait3A_290 = tpu.memref_slice %arg10[%dma_wait3A_277, %dma_wait3A_288, %dma_wait3A_289] : memref<4x50x128xf32, #tpu.memory_space<vmem>> -> memref<1x50x128xf32, #tpu.memory_space<vmem>>
    %dma_wait3A_291 = tpu.memref_squeeze %dma_wait3A_290 : memref<1x50x128xf32, #tpu.memory_space<vmem>> -> memref<50x128xf32, #tpu.memory_space<vmem>>
    tpu.wait_dma2 semaphore(%arg25 : memref<!tpu.dma_semaphore, #tpu.memory_space<semaphore_mem>>) src(%dma_wait3A_291 : memref<50x128xf32, #tpu.memory_space<vmem>>) dst(%dma_wait3A_287 : memref<50x128xf32, #tpu.memory_space<hbm>>)
    return
  }
}

</mosaic_0001>

<sc_bundles>
// kernel: kernel.3.cloned.1.call-start
scs
__scs_entry_jumppad:
0x0: {  	(pc) =	sbr.rel $0x88, $3  }
0x1: {  	(tag) =	ssettag $0x0;
	lr =	simm.s32 $0x1  }
0x2: {  	[smem:$0x3F9C] =	sst lr;
	_ =	strace $0xD0000000  }
0x3: {  	_ = 	snop  }
0x4: {  	_ = 	snop  }
0x5: {  	_ = 	snop  }
0x6: {  	_ = 	snop  }
0x7: {  	_ = 	snop  }
__scs_overlays_trampoline_lowered:
0x8: {  	[smem:$0x3FAB] =	sst s0  }
0x9: {  	[smem:$0x3FAC] =	sst s1  }
0xa: {  	[smem:$0x3FAD] =	sst s2  }
0xb: {  	[smem:$0x3FAE] =	sst s3  }
0xc: {  	[smem:$0x3FAF] =	sst s4  }
0xd: {  	[smem:$0x3FB0] =	sst s5  }
0xe: {  	[smem:$0x3FB1] =	sst s6  }
0xf: {  	[smem:$0x3FB2] =	sst s7  }
0x10: {  	[smem:$0x3FB3] =	sst s8  }
0x11: {  	[smem:$0x3FB4] =	sst s9;
	s0 =	simm.s32 @!p0 $0x0  }
0x12: {  	s1 =	sld [smem:$0x3F9A];
	s0 =	simm.s32 @p0 $0x1  }
0x13: {  	[smem:$0x3FB5] =	sst s0;
	s0 =	simm.s32 @!p1 $0x0  }
0x14: {  	s2 =	sld [smem:$0x3F99];
	s0 =	simm.s32 @p1 $0x1  }
0x15: {  	[smem:$0x3FB6] =	sst s0;
	s0 =	simm.s32 @!p2 $0x0  }
0x16: {  	s3 =	sld [smem:$0x3FDB];
	s0 =	simm.s32 @p2 $0x1  }
0x17: {  	s4 =	simm.s32 $0x1BF5;
	[smem:$0x3FB8] =	sst s0  }
0x18: {  	s0 =	sld [smem:$0x3F9B];
	_ =	swait.ge [sflag:s4], $0x0  }
0x19: {  	s7 =	sld [smem:$0x3F9C]  }
0x1a: {  	s8 =	sadd.s32 $0xFFFFE003, lr  }
0x1b: {  	s9 =	sadd.s32 $0xFFFFFEF7, lr;
	s5 =	simm.s32 $0xFFFFFFFF;
	p2 =	slt.u32 s8, $0xFFFFF086  }
0x1c: {  	p1 =	slt.u32 s9, $0xF7A;
	s5 =	simm.s32 @!p2 $0x0  }
0x1d: {  	s5 =	simm.s32 @p1 $0x1;
	p0 =	seq.s32 s7, s2  }
0x1e: {  	s7 =	smul.u32 @!p0 $0xF7A, s2;
	p2 =	seq.s32 @!p0 s5, $0x0  }
0x1f: {  	s9 =	smul.u32 $0xF7A, s1;
	s8 =	simm.s32 @!p0 $0x1BF5;
	p2 =	por !p2, p0  }
0x20: {  	[sflag:s8] =	ssyncset.s32 @!p0 $0xFFFFF086;
	s6 =	sadd.s32 @!p0 s3, s7;
	s7 =	simm.s32 @!p0 $0x108  }
0x21: {  	s3 =	sadd.s32 s3, s9;
	s6 =	sadd.s32 @!p0 $0x88, s6;
	s7 =	simm.s32 @p2 $0x1082  }
0x22: {  	[simem:s7], [sflag:s8] =	dma.local @!p0 [hbm:s6], $0xF7A  }
0x23: {  	s9 =	sor.u32 $0xD0000000, s2;
	s6 =	simm.s32 $0x108;
	_ =	swait.ge @!p0 [sflag:s8], $0x0  }
0x24: {  	s3 =	sadd.s32 $0x88, s3;
	s6 =	simm.s32 @!p1 $0x1082;
	[sflag:s4] =	ssyncset.s32 $0xFFFFF086  }
0x25: {  	[simem:s6], [sflag:s4] =	dma.local [hbm:s3], $0xF7A  }
0x26: {  	[smem:$0x3F9C] =	sst s1;
	(tag) =	ssettag s2;
	_ =	strace s9  }
0x27: {  	s1 =	sld [smem:$0x3FAC]  }
0x28: {  	s2 =	sld [smem:$0x3FAD]  }
0x29: {  	s4 =	sld [smem:$0x3FAF]  }
0x2a: {  	p0 =	seq.s32 s5, $0x0;
	s5 =	sld [smem:$0x3FB0]  }
0x2b: {  	s6 =	sld [smem:$0x3FB1]  }
0x2c: {  	s7 =	sld [smem:$0x3FB2]  }
0x2d: {  	s3 =	simm.s32 $0x108;
	s8 =	sld [smem:$0x3FB3]  }
0x2e: {  	s3 =	simm.s32 @!p0 $0x1082;
	s9 =	sld [smem:$0x3FB4]  }
0x2f: {  	lr =	sadd.s32 s0, s3;
	s0 =	sld [smem:$0x3FAB]  }
0x30: {  	s3 =	sld [smem:$0x3FAE]  }
0x31: {  	[smem:$0x3FB7] =	sst s10  }
0x32: {  	s10 =	sld [smem:$0x3FB5];
	_ =	sdelay $0x3  }
0x33: {  	p0 =	seq.s32 s10, $0x1;
	s10 =	sld [smem:$0x3FB7];
	_ =	sdelay $0x3  }
0x34: {  	[smem:$0x3FB7] =	sst s10  }
0x35: {  	s10 =	sld [smem:$0x3FB6];
	_ =	sdelay $0x3  }
0x36: {  	p1 =	seq.s32 s10, $0x1;
	s10 =	sld [smem:$0x3FB7];
	_ =	sdelay $0x3  }
0x37: {  	[smem:$0x3FB7] =	sst s10  }
0x38: {  	s10 =	sld [smem:$0x3FB8]  }
0x39: {  	_ = 	snop;
	(pc) =	sbr.ind lr, $3  }
0x3a: {  	_ = 	snop  }
0x3b: {  	_ = 	snop  }
0x3c: {  	p2 =	seq.s32 s10, $0x1;
	s10 =	sld [smem:$0x3FB7]  }
0x3d: {  	_ =	shalt  }
0x3e: {  	_ =	shalt  }
0x3f: {  	_ =	shalt  }
0x40: {  	_ =	shalt  }
0x41: {  	_ =	shalt  }
0x42: {  	_ =	shalt  }
0x43: {  	_ =	shalt  }
0x44: {  	_ =	shalt  }
0x45: {  	_ =	shalt  }
0x46: {  	_ =	shalt  }
0x47: {  	_ =	shalt  }
0x48: {  	_ =	shalt  }
0x49: {  	_ =	shalt  }
0x4a: {  	_ =	shalt  }
0x4b: {  	_ =	shalt  }
0x4c: {  	_ =	shalt  }
0x4d: {  	_ =	shalt  }
0x4e: {  	_ =	shalt  }
0x4f: {  	_ =	shalt  }
0x50: {  	_ =	shalt  }
0x51: {  	_ =	shalt  }
0x52: {  	_ =	shalt  }
0x53: {  	_ =	shalt  }
0x54: {  	_ =	shalt  }
0x55: {  	_ =	shalt  }
0x56: {  	_ =	shalt  }
0x57: {  	_ =	shalt  }
0x58: {  	_ =	shalt  }
0x59: {  	_ =	shalt  }
0x5a: {  	_ =	shalt  }
0x5b: {  	_ =	shalt  }
0x5c: {  	_ =	shalt  }
0x5d: {  	_ =	shalt  }
0x5e: {  	_ =	shalt  }
0x5f: {  	_ =	shalt  }
0x60: {  	_ =	shalt  }
0x61: {  	_ =	shalt  }
0x62: {  	_ =	shalt  }
0x63: {  	_ =	shalt  }
0x64: {  	_ =	shalt  }
0x65: {  	_ =	shalt  }
0x66: {  	_ =	shalt  }
0x67: {  	_ =	shalt  }
0x68: {  	_ =	shalt  }
0x69: {  	_ =	shalt  }
0x6a: {  	_ =	shalt  }
0x6b: {  	_ =	shalt  }
0x6c: {  	_ =	shalt  }
0x6d: {  	_ =	shalt  }
0x6e: {  	_ =	shalt  }
0x6f: {  	_ =	shalt  }
0x70: {  	_ =	shalt  }
0x71: {  	_ =	shalt  }
0x72: {  	_ =	shalt  }
0x73: {  	_ =	shalt  }
0x74: {  	_ =	shalt  }
0x75: {  	_ =	shalt  }
0x76: {  	_ =	shalt  }
0x77: {  	_ =	shalt  }
0x78: {  	_ =	shalt  }
0x79: {  	_ =	shalt  }
0x7a: {  	_ =	shalt  }
0x7b: {  	_ =	shalt  }
0x7c: {  	_ =	shalt  }
0x7d: {  	_ =	shalt  }
0x7e: {  	_ =	shalt  }
0x7f: {  	_ =	shalt  }
0x80: {  	_ =	shalt  }
0x81: {  	_ =	shalt  }
0x82: {  	_ =	shalt  }
0x83: {  	_ =	shalt  }
0x84: {  	_ =	shalt  }
0x85: {  	_ =	shalt  }
0x86: {  	_ =	shalt  }
0x87: {  	_ =	shalt  }
.Lfunc_end0:
.L_simem_size_0:
called_computation.1_lowered:
.L_overlay_start_0:
0x88: {  	s2 =	sld [smem:$0x3FD9]  }
0x89: {  	s3 =	sld [smem:$0x3FFE];
	_ =	sdelay $0x1  }
0x8a: {  	s1 =	srdreg.scid  }
0x8b: {  	s0 =	sand.u32 $0x1, s1  }
0x8c: {  	s17 =	sshll.u32 s0, $0xA;
	s2 =	sadd.s32 s3, s2  }
0x8d: {  	s2 =	sadd.s32 s2, s17  }
0x8e: {  	[smem:$0x3FC3] =	sst s2  }
0x8f: {  	_ = 	snop  }
0x90: {  	s2 =	sld [smem:$0x3FC6]  }
0x91: {  	s18 =	sld [smem:$0x3FC5]  }
0x92: {  	s4 =	sld [smem:$0x3FD0];
	(tm) =	ssettm $0x1  }
0x93: {  	s5 =	sld [smem:$0x3FFB];
	_ =	sdelay $0x3  }
0x94: {  	_ =	strace s5  }
0x95: {  	s5 =	sld [smem:$0x3FFC];
	_ =	sdelay $0x3  }
0x96: {  	_ =	strace s5  }
0x97: {  	s5 =	sld [smem:$0x3FFD];
	_ =	sdelay $0x3  }
0x98: {  	_ =	strace s5  }
0x99: {  	_ =	strace $0x8FFFFFFF  }
0x9a: {  	s19 =	sld [smem:$0x3FDB];
	_ =	sdelay $0x1  }
0x9b: {  	s6 =	simm.s32 $_scs_section_size  }
0x9c: {  	s7 =	simm.s32 $_size__tile_overlayer_lowered;
	s8 =	simm.s32 $_tile_overlayer_lowered  }
0x9d: {  	s22 =	simm.s32 $0x1BFF;
	s21 =	sshll.u32 s8, $0x1;
	s5 =	sadd.s32 s6, s19  }
0x9e: {  	s9 =	simm.s32 $0x0;
	s20 =	sshll.u32 s7, $0x1;
	s7 =	sadd.s32 s21, s5  }
0x9f: {  	[timem:s9], [sflag:s22] =	dma.local [hbm:s7], s20  }
0xa0: {  	_ =	swait.ge [sflag:s22], s20  }
0xa1: {  	s6 =	ssub.s32 $0x0, s20;
	[sflag:s22] =	ssyncset.done $0x0  }
0xa2: {  	[sflag:s22] =	ssyncadd.s32 s6;
	_ =	sdelay $0x1  }
0xa3: {  	s23 =	simm.s32 $0x1B8B  }
0xa4: {  	_ =	swait.ge [sflag:s23], $0x1  }
0xa5: {  	[sflag:s23] =	ssyncset.done $0x0  }
0xa6: {  	s25 =	simm.s32 $0x1B8E;
	s24 =	sld [smem:$0x3FFE];
	[sflag:s23] =	ssyncadd.s32 $0xFFFFFFFF  }
0xa7: {  	s26 =	simm.s32 $execute0_lowered;
	[smem:$0x3FD2] =	sst s25  }
0xa8: {  	s7 =	sshll.u32 s26, $0x1;
	_ =	strace $0x80000046;
	[dreg:$0x1] =	wrdreg $0xFFFFFFFF  }
0xa9: {  	s28 =	simm.s32 $_size_execute0_lowered;
	s5 =	sadd.s32 s5, s7;
	[dreg:$0x0] =	wrdreg $0x0  }
0xaa: {  	s7 =	sshll.u32 s28, $0x1;
	[dreg:$0x2] =	wrdreg s5  }
0xab: {  	[dreg:$0x3] =	wrdreg s7  }
0xac: {  	[dreg:$0x4] =	wrdreg $0xC0  }
0xad: {  	_ =	task [dreg:s9], $0x5FFFF  }
0xae: {  	[dreg:$0x1] =	wrdreg $0xFFFFFFFF  }
0xaf: {  	[dreg:$0x0] =	wrdreg $0x60  }
0xb0: {  	[dreg:$0x2] =	wrdreg s24  }
0xb1: {  	[dreg:$0x3] =	wrdreg s2  }
0xb2: {  	[dreg:$0x4] =	wrdreg s18  }
0xb3: {  	[dreg:$0x5] =	wrdreg s4  }
0xb4: {  	[dreg:$0x6] =	wrdreg $0x9  }
0xb5: {  	_ =	task.clear_ibuf [dreg:s9], $0x7FFFF;
	_ =	strace $0x90000046  }
0xb6: {  	s29 =	simm.s32 $0x9;
	_ =	strace $0x80000048  }
0xb7: {  	_ =	swait.ge [sflag:s29], $0x1  }
0xb8: {  	[sflag:s29] =	ssyncadd.s32 $0xFFFFFFFF  }
0xb9: {  	_ =	strace $0x90000048  }
0xba: {  	_ =	sfence  }
0xbb: {  	s30 =	sld [smem:$0x0];
	_ =	sdelay $0x2  }
0xbc: {  	s31 =	sshll.u32 s1, $0xD;
	s1 =	sshrl.u32 s1, $0x2  }
0xbd: {  	s3 =	sand.u32 $0x4000, s31;
	s1 =	sadd.s32 s1, s30  }
0xbe: {  	s0 =	sor.u32 s3, s0;
	s1 =	sshll.u32 s1, $0x11  }
0xbf: {  	s0 =	sor.u32 s1, s0  }
0xc0: {  	s0 =	sadd.s32 $0x8F2B, s0  }
0xc1: {  	[sflag:s0] =	ssyncadd.remote.s32 $0x1  }
0xc2: {  	_ =	sfence.sel $0xFFFF  }
0xc3: {  	[dreg:$0x0] =	wrdreg $0xFFFFFFFF;
	(pc) =	sbr.abs _section_cstart, $3  }
0xc4: {  	[dreg:$0x1] =	wrdreg $0xFFFFFFFF  }
0xc5: {  	_ =	task.clear_ibuf [dreg:s9], $0x2FFFF;
	_ =	strace $0x9FFFFFFF  }
0xc6: {  	(tm) =	ssettm $0x7FFFFFFF  }
0xc7: {  	_ =	shalt  }
tec
execute0_lowered:
.L_overlay_start_1:
0x0: {  	(tag) =	ssettag $0x1  }
0x1: {  	s0 =	rddreg [dreg:$0x0];
	s1 =	srdreg.scid;
	v0 =	vimm.s32 $0x76543210  }
0x2: {  	s2 =	stileid.u32;
	s4 =	rddreg [dreg:$0x3];
	s6 =	simm.s32 $0x0;
	v1 =	vimm.s32 $0xFEDCBA98;
	v2 =	vimm.s32 $0xBA98FEDC;
	v3 =	vimm.s32 $0x32107654  }
0x3: {  	s15 =	simm.s32 $0x48;
	s24 =	simm.s32 $0x80;
	v4 =	vimm.s32 $0xDCFE98BA;
	v5 =	vimm.s32 $0x54761032;
	s30 =	simm.s32 $0x12C00  }
0x4: {  	v6 =	vimm.s32 $0xEFCDAB89;
	v7 =	vimm.s32 $0x67452301;
	s29 =	simm.s32 $0x4;
	s31 =	simm.s32 $0x5;
	s11 =	simm.s32 $0xB  }
0x5: {  	s13 =	simm.s32 $0x8;
	s8 =	simm.s32 $0xC;
	s1 =	sand.u32 $0x1, s1;
	v1 =	vunpack.c.l.s4.s8 v1;
	v0 =	vunpack.c.l.s4.s8 v0;
	v2 =	vunpack.c.l.s4.s8 v2  }
0x6: {  	s10 =	simm.s32 $0x0;
	s2 =	sshll.u32 s2, $0x8;
	v3 =	vunpack.c.l.s4.s8 v3;
	v4 =	vunpack.c.l.s4.s8 v4;
	v5 =	vunpack.c.l.s4.s8 v5;
	s3 =	sshll.u32 s1, $0x7  }
0x7: {  	[smem:$0x7FF] =	sst s6;
	s7 =	sadd.s32 $0xF43000, s0;
	v6 =	vunpack.c.l.s4.s8 v6;
	v7 =	vunpack.c.l.s4.s8 v7;
	s5 =	sor.u32 s3, s2;
	v1 =	vunpack.c.0.s8.s32 v1  }
0x8: {  	s1 =	ssub.s32 $0x2, s1;
	_ =	strace $0x80000047;
	v2 =	vunpack.c.0.s8.s32 v2;
	v3 =	vunpack.c.0.s8.s32 v3;
	v4 =	vunpack.c.0.s8.s32 v4;
	s2 =	smul.u32 $0x19, s5  }
.Ltmp0:
0x9: {  	s25 =	sshrl.u32 s1, $0x1;
	v5 =	vunpack.c.0.s8.s32 v5;
	v6 =	vunpack.c.0.s8.s32 v6;
	v7 =	vunpack.c.0.s8.s32 v7;
	s3 =	simm.s32 $0x7;
	(pc) =	sbr.rel .LBB2_1-.Ltmp0, $4  }
0xa: {  	v0 =	vunpack.c.0.s8.s32 v0;
	s26 =	ssub.s32 s1, s25;
	v2 =	vcombine.low v3, v2;
	s2 =	sadd.s32 s2, s0;
	s0 =	sadd.s32 $0x19C00, s0  }
0xb: {  	s1 =	simm.s32 $0xA;
	v3 =	vcombine.low v5, v4;
	v4 =	vcombine.low v7, v6;
	v1 =	vand.u32 $0xF, v1;
	[dreg:$0x5] =	wrdreg s0;
	s28 =	sadd.s32 $0xC00, s2  }
0xc: {  	v0 =	vcombine.low v1, v0;
	s0 =	smax.u32 s26, $0x1;
	s26 =	simm.s32 $0x3;
	[dreg:$0x6] =	wrdreg s28  }
0xd: {  	s2 =	simm.s32 $0x9;
	v1 =	vand.u32 $0xF, v2;
	v2 =	vand.u32 $0xF, v3;
	v3 =	vand.u32 $0xF, v4;
	[dreg:$0x7] =	wrdreg s0;
	s0 =	simm.s32 $0x6  }
.LBB2_20:
0xe: {  	_ =	swait.ge [sflag:s2], $0x1900  }
0xf: {  	[sflag:s2] =	ssyncset.done $0x0  }
0x10: {  	[sflag:s2] =	ssyncadd.s32 $0xFFFFE700  }
0x11: {  	_ =	swait.ge [sflag:s1], $0x1900  }
0x12: {  	[sflag:s1] =	ssyncset.done $0x0  }
0x13: {  	[sflag:s1] =	ssyncadd.s32 $0xFFFFE700  }
0x14: {  	_ =	swait.ge [sflag:s11], $0x1900  }
0x15: {  	[sflag:s11] =	ssyncset.done $0x0  }
0x16: {  	[sflag:s11] =	ssyncadd.s32 $0xFFFFE700  }
0x17: {  	_ =	swait.ge [sflag:s8], $0x1900  }
0x18: {  	s10 =	rddreg [dreg:$0x8]  }
0x19: {  	s9 =	rddreg [dreg:$0x7];
	s10 =	sadd.s32 $0x1, s10  }
0x1a: {  	p0 =	sne.s32 s10, s9  }
.Ltmp1:
0x1b: {  	_ = 	snop;
	(pc) =	sbr.rel @!p0 .LBB2_21-.Ltmp1, $3  }
0x1c: {  	_ =	sdelay $0x1  }
0x1d: {  	[sflag:s8] =	ssyncset.done $0x0  }
0x1e: {  	[sflag:s8] =	ssyncadd.s32 $0xFFFFE700  }
.LBB2_1:
0x1f: {  	[dreg:$0x8] =	wrdreg s10  }
0x20: {  	s9 =	rddreg [dreg:$0x6];
	s22 =	simm.s32 $0xD  }
0x21: {  	[tilespmem:s6], [sflag:$0xD] =	stream.linear.gather [hbm4b:s9+s6], $0x6400, $0x38;
	[tilespmem:$0x1A940] =	vst v63  }
0x22: {  	_ =	swait.ge [sflag:s22], $0x6400  }
0x23: {  	[sflag:s22] =	ssyncset.done $0x0  }
0x24: {  	s12 =	simm.s32 $0x19000;
	s23 =	rddreg [dreg:$0x5];
	[sflag:s22] =	ssyncadd.s32 $0xFFFF9C00  }
0x25: {  	[tilespmem:s12], [sflag:$0xD] =	stream.linear.gather [hbm4b:s23+s6], $0x1900, $0x38;
	[tilespmem:$0x1A940] =	vst v63  }
0x26: {  	_ =	swait.ge [sflag:s22], $0x1900  }
0x27: {  	[sflag:s22] =	ssyncset.done $0x0  }
0x28: {  	[sflag:s22] =	ssyncadd.s32 $0xFFFFE700  }
0x29: {  	s28 =	simm.s32 $0x1A900;
	s25 =	rddreg [dreg:$0x1]  }
0x2a: {  	[tilespmem:s28], [sflag:$0xD] =	stream.linear.gather [hbm4b:s25+s6], $0x20, $0x38;
	[tilespmem:$0x1A940] =	vst v63  }
0x2b: {  	_ =	swait.ge [sflag:s22], $0x20  }
0x2c: {  	[sflag:s22] =	ssyncset.done $0x0  }
0x2d: {  	[sflag:s22] =	ssyncadd.s32 $0xFFFFFFE0  }
0x2e: {  	s14 =	simm.s32 $0x1A920;
	s12 =	rddreg [dreg:$0x2]  }
0x2f: {  	[tilespmem:s14], [sflag:$0xD] =	stream.linear.gather [hbm4b:s12+s6], $0x20, $0x38;
	[tilespmem:$0x1A940] =	vst v63  }
0x30: {  	_ =	swait.ge [sflag:s22], $0x20  }
0x31: {  	[sflag:s22] =	ssyncset.done $0x0  }
0x32: {  	[sflag:s22] =	ssyncadd.s32 $0xFFFFFFE0  }
0x33: {  	v4 =	vld [tilespmem:$0x1A900]  }
0x34: {  	v5 =	vld [tilespmem:$0x1A910]  }
0x35: {  	s16 =	simm.s32 $0x6400;
	v6 =	vld [tilespmem:$0x1A920]  }
0x36: {  	v7 =	vld [tilespmem:$0x1A930];
	[tilespmem:s16], [sflag:$0x1] =	stream.indirect.gather [hbm4b:s7+s24], $0x20, s6, s24, $0xb8  }
0x37: {  	s17 =	simm.s32 $0x7400  }
0x38: {  	[tilespmem:s17], [sflag:$0x1] =	stream.indirect.gather [hbm4b:s7+s15], $0x20, s24, s15, $0xb8;
	[tilespmem:$0x1A940] =	vst v63  }
0x39: {  	s18 =	simm.s32 $0xC8;
	s19 =	simm.s32 $0x7D00  }
0x3a: {  	[tilespmem:s19], [sflag:$0x2] =	stream.indirect.gather [hbm4b:s7+s24], $0x20, s18, s24, $0xb8;
	[tilespmem:$0x1A940] =	vst v63  }
0x3b: {  	s20 =	simm.s32 $0x148;
	s21 =	simm.s32 $0x8D00  }
0x3c: {  	[tilespmem:s21], [sflag:$0x2] =	stream.indirect.gather [hbm4b:s7+s15], $0x20, s20, s15, $0xb8;
	[tilespmem:$0x1A940] =	vst v63  }
0x3d: {  	s23 =	simm.s32 $0x9600;
	s22 =	simm.s32 $0x190  }
0x3e: {  	[tilespmem:s23], [sflag:$0x3] =	stream.indirect.gather [hbm4b:s7+s24], $0x20, s22, s24, $0xb8;
	[tilespmem:$0x1A940] =	vst v63  }
0x3f: {  	s25 =	simm.s32 $0x210;
	s28 =	simm.s32 $0xA600  }
0x40: {  	[tilespmem:s28], [sflag:$0x3] =	stream.indirect.gather [hbm4b:s7+s15], $0x20, s25, s15, $0xb8;
	[tilespmem:$0x1A940] =	vst v63  }
0x41: {  	s12 =	simm.s32 $0x258;
	s14 =	simm.s32 $0xAF00  }
0x42: {  	[tilespmem:s14], [sflag:$0x4] =	stream.indirect.gather [hbm4b:s7+s24], $0x20, s12, s24, $0xb8;
	[tilespmem:$0x1A940] =	vst v63  }
0x43: {  	s16 =	simm.s32 $0x2D8;
	s17 =	simm.s32 $0xBF00  }
0x44: {  	[tilespmem:s17], [sflag:$0x4] =	stream.indirect.gather [hbm4b:s7+s15], $0x20, s16, s15, $0xb8;
	[tilespmem:$0x1A940] =	vst v63  }
0x45: {  	s18 =	simm.s32 $0x320;
	s19 =	simm.s32 $0xC800  }
0x46: {  	[tilespmem:s19], [sflag:$0x5] =	stream.indirect.gather [hbm4b:s7+s24], $0x20, s18, s24, $0xb8;
	[tilespmem:$0x1A940] =	vst v63  }
0x47: {  	s20 =	simm.s32 $0x3A0;
	s21 =	simm.s32 $0xD800  }
0x48: {  	[tilespmem:s21], [sflag:$0x5] =	stream.indirect.gather [hbm4b:s7+s15], $0x20, s20, s15, $0xb8;
	[tilespmem:$0x1A940] =	vst v63  }
0x49: {  	s22 =	simm.s32 $0x3E8;
	s23 =	simm.s32 $0xE100  }
0x4a: {  	[tilespmem:s23], [sflag:$0x6] =	stream.indirect.gather [hbm4b:s7+s24], $0x20, s22, s24, $0xb8;
	[tilespmem:$0x1A940] =	vst v63  }
0x4b: {  	s25 =	simm.s32 $0x468;
	s28 =	simm.s32 $0xF100;
	s21 =	simm.s32 $0x0  }
0x4c: {  	[tilespmem:s28], [sflag:$0x6] =	stream.indirect.gather [hbm4b:s7+s15], $0x20, s25, s15, $0xb8;
	[tilespmem:$0x1A940] =	vst v63  }
.LBB2_2:
0x4d: {  	s9 =	simm.s32 $0x1  }
0x4e: {  	_ =	swait.ge [sflag:s9], $0x1900  }
0x4f: {  	p1 =	seq.s32 s21, $0x0;
	[sflag:s9] =	ssyncset.done $0x0  }
0x50: {  	[sflag:s9] =	ssyncadd.s32 $0xFFFFE700;
	s9 =	simm.s32 @!p1 $0x9  }
0x51: {  	_ =	swait.ge @!p1 [sflag:s9], $0x1900  }
0x52: {  	[sflag:s9] =	ssyncset.done @!p1 $0x0  }
0x53: {  	s20 =	simm.s32 $0x6420;
	[sflag:s9] =	ssyncadd.s32 @!p1 $0xFFFFE700  }
0x54: {  	v8 =	vld [tilespmem:s20+$0x0]  }
0x55: {  	s10 =	simm.s32 $0x19020;
	v9 =	vld [tilespmem:s20+$0x10]  }
0x56: {  	v10 =	vld [tilespmem:s10+$0x0]  }
0x57: {  	v11 =	vld [tilespmem:s10+$0x10];
	_ =	sdelay $0x1  }
0x58: {  	v12 =	vld [tilespmem:s20+$0xFFFFFFF0]  }
0x59: {  	v13 =	vld [tilespmem:s10+$0xFFFFFFE0]  }
0x5a: {  	v14 =	vld [tilespmem:s10+$0xFFFFFFF0]  }
0x5b: {  	v15 =	vld [tilespmem:s20+$0xFFFFFFE0];
	v10 =	vadd.f32 v10, v8;
	v9 =	vadd.f32 v11, v9;
	_ =	sdelay $0x1  }
0x5c: {  	v11 =	vadd.f32 v9, v10;
	v8 =	vmul.f32 v10, v10;
	v16 =	vmul.f32 v9, v9;
	_ =	sdelay $0x1  }
0x5d: {  	v16 =	vadd.f32 v16, v8;
	v17 =	vperm.xlane v11, v0  }
0x5e: {  	v8 =	vadd.f32 v14, v12;
	v12 =	vadd.f32 v13, v15  }
0x5f: {  	v11 =	vadd.f32 v11, v17;
	v13 =	vperm.xlane v16, v0  }
0x60: {  	v14 =	vadd.f32 v8, v12;
	v15 =	vmul.f32 v8, v8;
	v17 =	vmul.f32 v12, v12  }
0x61: {  	v13 =	vadd.f32 v16, v13;
	v16 =	vperm.xlane v11, v1  }
0x62: {  	v18 =	vperm.xlane v14, v0;
	v15 =	vadd.f32 v15, v17  }
0x63: {  	v11 =	vadd.f32 v16, v11;
	v16 =	vperm.xlane v13, v1  }
0x64: {  	v14 =	vadd.f32 v14, v18;
	v17 =	vperm.xlane v15, v0  }
0x65: {  	v13 =	vadd.f32 v16, v13;
	v16 =	vperm.xlane v11, v2  }
0x66: {  	v18 =	vperm.xlane v14, v1;
	v15 =	vadd.f32 v15, v17  }
0x67: {  	v11 =	vadd.f32 v16, v11;
	v16 =	vperm.xlane v13, v2  }
0x68: {  	v14 =	vadd.f32 v18, v14;
	v17 =	vperm.xlane v15, v1  }
0x69: {  	s22 =	simm.s32 $0x6460;
	v13 =	vadd.f32 v16, v13;
	v16 =	vperm.xlane v11, v3  }
0x6a: {  	s23 =	simm.s32 $0x19060;
	v19 =	vld [tilespmem:s22+$0x10];
	v18 =	vperm.xlane v14, v2;
	v15 =	vadd.f32 v17, v15  }
0x6b: {  	v21 =	vld [tilespmem:s23+$0x0];
	v11 =	vadd.f32 v16, v11;
	v16 =	vperm.xlane v13, v3  }
0x6c: {  	v22 =	vld [tilespmem:s23+$0xFFFFFFE0];
	v14 =	vadd.f32 v18, v14;
	v17 =	vperm.xlane v15, v2  }
0x6d: {  	v13 =	vadd.f32 v16, v13;
	v11 =	vmul.f32 $3.125000000e-02, v11;
	v16 =	vld [tilespmem:s22+$0x0]  }
0x6e: {  	v18 =	vperm.xlane v14, v3;
	v15 =	vadd.f32 v17, v15;
	v17 =	vld [tilespmem:s23+$0x10]  }
0x6f: {  	v25 =	vld [tilespmem:s22+$0xFFFFFFE0];
	v13 =	vmul.f32 $3.125000000e-02, v13;
	v20 =	vmul.f32 v11, v11  }
0x70: {  	v14 =	vadd.f32 v18, v14;
	v18 =	vperm.xlane v15, v3  }
0x71: {  	v13 =	vsub.f32 v13, v20  }
0x72: {  	v23 =	vld [tilespmem:s23+$0xFFFFFFF0];
	v14 =	vmul.f32 $3.125000000e-02, v14;
	v15 =	vadd.f32 v18, v15;
	v21 =	vadd.f32 v21, v16  }
0x73: {  	v20 =	vld [tilespmem:s22+$0xFFFFFFF0];
	v16 =	vadd.f32 v17, v19;
	v13 =	vadd.f32 $9.999999740e-06, v13  }
0x74: {  	v22 =	vadd.f32 v22, v25;
	v18 =	vmul.f32 v14, v14;
	v15 =	vmul.f32 $3.125000000e-02, v15  }
0x75: {  	v19 =	vadd.f32 v16, v21;
	v24 =	vshra.s32 v13, $0x1;
	v13 =	vmul.f32 $5.000000000e-01, v13  }
0x76: {  	v26 =	vmul.f32 v16, v16;
	v17 =	vsub.s32 $0x5F3759DF, v24;
	v24 =	vmul.f32 v21, v21  }
0x77: {  	v10 =	vsub.f32 v10, v11;
	v15 =	vsub.f32 v15, v18;
	v27 =	vmul.f32 v17, v13  }
0x78: {  	v20 =	vadd.f32 v23, v20;
	v18 =	vadd.f32 v26, v24;
	v24 =	vperm.xlane v19, v0  }
0x79: {  	v9 =	vsub.f32 v9, v11;
	v15 =	vadd.f32 $9.999999740e-06, v15;
	v26 =	vmul.f32 v17, v27  }
0x7a: {  	v25 =	vmul.f32 v20, v20;
	v19 =	vadd.f32 v19, v24;
	v23 =	vperm.xlane v18, v0  }
0x7b: {  	v27 =	vmul.f32 v22, v22;
	v24 =	vsub.f32 $1.500000000e+00, v26;
	v26 =	vadd.f32 v20, v22  }
0x7c: {  	v28 =	vshra.s32 v15, $0x1;
	v18 =	vadd.f32 v18, v23;
	v23 =	vperm.xlane v19, v1  }
0x7d: {  	v25 =	vadd.f32 v25, v27;
	v17 =	vmul.f32 v17, v24;
	v24 =	vperm.xlane v26, v0  }
0x7e: {  	v15 =	vmul.f32 $5.000000000e-01, v15;
	v19 =	vadd.f32 v23, v19;
	v23 =	vperm.xlane v18, v1  }
0x7f: {  	v13 =	vmul.f32 v17, v13;
	v24 =	vadd.f32 v26, v24;
	v26 =	vperm.xlane v25, v0  }
0x80: {  	v27 =	vsub.s32 $0x5F3759DF, v28;
	v18 =	vadd.f32 v23, v18;
	v23 =	vperm.xlane v19, v2  }
0x81: {  	v13 =	vmul.f32 v13, v17;
	v53 =	vperm.xlane v24, v1;
	v25 =	vadd.f32 v25, v26  }
0x82: {  	v26 =	vmul.f32 v27, v15;
	v19 =	vadd.f32 v23, v19;
	v23 =	vperm.xlane v18, v2  }
0x83: {  	v13 =	vsub.f32 $1.500000000e+00, v13;
	v24 =	vadd.f32 v53, v24;
	v54 =	vperm.xlane v25, v1  }
0x84: {  	v11 =	vmul.f32 v27, v26;
	v18 =	vadd.f32 v23, v18;
	v23 =	vperm.xlane v19, v3  }
0x85: {  	v13 =	vmul.f32 v13, v17;
	v17 =	vperm.xlane v24, v2;
	v25 =	vadd.f32 v54, v25  }
0x86: {  	v19 =	vadd.f32 v23, v19;
	v23 =	vperm.xlane v18, v3  }
0x87: {  	v11 =	vsub.f32 $1.500000000e+00, v11;
	v17 =	vadd.f32 v17, v24;
	v24 =	vperm.xlane v25, v2  }
0x88: {  	v9 =	vmul.f32 v13, v9;
	v18 =	vadd.f32 v23, v18;
	v19 =	vmul.f32 $3.125000000e-02, v19  }
0x89: {  	v26 =	vsub.f32 v12, v14;
	v11 =	vmul.f32 v27, v11;
	v23 =	vperm.xlane v17, v3  }
0x8a: {  	s9 =	simm.s32 $0x190A0;
	v24 =	vadd.f32 v24, v25;
	v18 =	vmul.f32 $3.125000000e-02, v18;
	v25 =	vmul.f32 v19, v19  }
0x8b: {  	v55 =	vld [tilespmem:s9+$0x10];
	v14 =	vsub.f32 v8, v14;
	v12 =	vadd.f32 v23, v17  }
0x8c: {  	s25 =	simm.s32 $0x64A0;
	v9 =	vmul.f32 v9, v5;
	v8 =	vmul.f32 v11, v15;
	v15 =	vld [tilespmem:s9+$0x0];
	v18 =	vsub.f32 v18, v25  }
0x8d: {  	v17 =	vld [tilespmem:s25+$0x0];
	v23 =	vperm.xlane v24, v3;
	v12 =	vmul.f32 $3.125000000e-02, v12  }
0x8e: {  	v27 =	vld [tilespmem:s25+$0x10];
	v13 =	vmul.f32 v13, v10;
	v25 =	vadd.f32 v9, v7;
	v9 =	vadd.f32 $9.999999740e-06, v18  }
0x8f: {  	v29 =	vld [tilespmem:s25+$0xFFFFFFF0];
	v18 =	vadd.f32 v23, v24;
	v23 =	vmul.f32 v8, v11;
	v24 =	vmul.f32 v12, v12  }
0x90: {  	v32 =	vld [tilespmem:s25+$0xFFFFFFE0];
	v8 =	vsub.f32 v22, v12;
	v30 =	vshra.s32 v9, $0x1;
	v31 =	vmul.f32 $5.000000000e-01, v9  }
0x91: {  	v18 =	vmul.f32 $3.125000000e-02, v18;
	v9 =	vsub.f32 v20, v12;
	v20 =	vld [tilespmem:s9+$0xFFFFFFF0];
	v30 =	vsub.s32 $0x5F3759DF, v30  }
0x92: {  	v22 =	vld [tilespmem:s9+$0xFFFFFFE0];
	v23 =	vsub.f32 $1.500000000e+00, v23;
	v12 =	vadd.f32 v15, v17;
	v15 =	vmul.f32 v30, v31  }
0x93: {  	v33 =	vsub.f32 v21, v19;
	v10 =	vadd.f32 v55, v27;
	v27 =	vmul.f32 v13, v4  }
0x94: {  	v17 =	vsub.f32 v18, v24;
	v18 =	vmul.f32 v23, v11;
	v15 =	vmul.f32 v30, v15  }
0x95: {  	v21 =	vadd.f32 v10, v12;
	v23 =	vmul.f32 v12, v12;
	v24 =	vmul.f32 v10, v10  }
0x96: {  	v13 =	vmul.f32 v18, v26;
	v11 =	vadd.f32 v20, v29;
	v20 =	vsub.f32 $1.500000000e+00, v15  }
0x97: {  	v14 =	vmul.f32 v18, v14;
	v15 =	vadd.f32 v22, v32;
	v22 =	vadd.f32 v24, v23  }
0x98: {  	v17 =	vadd.f32 $9.999999740e-06, v17;
	v18 =	vperm.xlane v21, v0;
	v20 =	vmul.f32 v30, v20  }
0x99: {  	v26 =	vmul.f32 v11, v11;
	v23 =	vadd.f32 v11, v15;
	v24 =	vperm.xlane v22, v0  }
0x9a: {  	v18 =	vadd.f32 v21, v18;
	v21 =	vmul.f32 v15, v15;
	v56 =	vmul.f32 v20, v31  }
0x9b: {  	v57 =	vperm.xlane v23, v0;
	v22 =	vadd.f32 v22, v24;
	v24 =	vshra.s32 v17, $0x1  }
0x9c: {  	v21 =	vadd.f32 v26, v21;
	v26 =	vperm.xlane v18, v1;
	v17 =	vmul.f32 $5.000000000e-01, v17  }
0x9d: {  	v28 =	vmul.f32 v56, v20;
	v58 =	vperm.xlane v22, v1  }
0x9e: {  	v23 =	vadd.f32 v23, v57;
	v18 =	vadd.f32 v26, v18;
	v26 =	vperm.xlane v21, v0  }
0x9f: {  	v24 =	vsub.s32 $0x5F3759DF, v24;
	v28 =	vsub.f32 $1.500000000e+00, v28;
	v22 =	vadd.f32 v58, v22  }
0xa0: {  	v59 =	vperm.xlane v23, v1;
	v21 =	vadd.f32 v21, v26;
	v26 =	vperm.xlane v18, v2  }
0xa1: {  	v16 =	vsub.f32 v16, v19;
	v60 =	vmul.f32 v24, v17;
	v20 =	vmul.f32 v28, v20  }
0xa2: {  	v19 =	vadd.f32 v59, v23;
	v18 =	vadd.f32 v26, v18;
	v23 =	vperm.xlane v22, v2  }
0xa3: {  	v26 =	vadd.f32 v27, v6;
	v27 =	vperm.xlane v21, v1;
	v16 =	vmul.f32 v20, v16  }
0xa4: {  	s14 =	simm.s32 $0x0;
	v29 =	vperm.xlane v19, v2;
	v22 =	vadd.f32 v23, v22;
	v23 =	vperm.xlane v18, v3  }
0xa5: {  	s12 =	sshll.u32 s21, $0x3;
	s17 =	simm.s32 $0x20;
	s28 =	sand.u32 $0x1F80, s14;
	v21 =	vadd.f32 v27, v21;
	v27 =	vmul.f32 v24, v60;
	v16 =	vmul.f32 v16, v5  }
0xa6: {  	s17 =	sand.u32 $0x60, s17;
	s18 =	sadd.s32 $0x12C00, s28;
	s10 =	simm.s32 $0x40;
	v61 =	vadd.f32 v29, v19;
	v18 =	vadd.f32 v23, v18;
	v19 =	vperm.xlane v22, v3  }
0xa7: {  	s17 =	sor.u32 s17, s18;
	s19 =	sand.u32 $0x1F80, s10;
	s22 =	simm.s32 $0x60;
	v23 =	vperm.xlane v21, v2;
	v27 =	vsub.f32 $1.500000000e+00, v27;
	v62 =	vadd.f32 v16, v7  }
0xa8: {  	s14 =	sand.u32 $0x40, s14;
	s19 =	sadd.s32 $0x12C00, s19;
	s22 =	sand.u32 $0x60, s22;
	[tilespmem:s17+$0x10] =	vst v25;
	v25 =	vperm.xlane v61, v3;
	v63 =	vadd.f32 v19, v22;
	v16 =	vmul.f32 $3.125000000e-02, v18  }
0xa9: {  	s14 =	sor.u32 s14, s18;
	s23 =	sand.u32 $0x40, s10;
	s18 =	sor.u32 s22, s19;
	[tilespmem:s17+$0x0] =	vst v26;
	v20 =	vmul.f32 v20, v33;
	v21 =	vadd.f32 v23, v21;
	v19 =	vmul.f32 v24, v27  }
0xaa: {  	s22 =	sor.u32 s23, s19;
	s19 =	simm.s32 $0x64E0;
	s17 =	simm.s32 $0x4;
	[tilespmem:s18+$0x10] =	vst v62;
	v22 =	vadd.f32 v25, v61;
	v23 =	vmul.f32 $3.125000000e-02, v63;
	v24 =	vmul.f32 v16, v16  }
.LBB2_3:
0xab: {  	v25 =	vld [tilespmem:s19+$0x0];
	v26 =	vperm.xlane v21, v3;
	v18 =	vsub.f32 v12, v16;
	v12 =	vmul.f32 v19, v17  }
0xac: {  	s9 =	sadd.s32 $0x40, s9;
	v13 =	vmul.f32 v13, v4;
	v17 =	vld [tilespmem:s19+$0x10];
	v22 =	vmul.f32 $3.125000000e-02, v22;
	v23 =	vsub.f32 v23, v24  }
0xad: {  	v14 =	vmul.f32 v14, v5;
	v24 =	vld [tilespmem:s9+$0x0];
	v21 =	vadd.f32 v26, v21;
	v12 =	vmul.f32 v12, v19  }
0xae: {  	s17 =	sadd.s32 $0x2, s17;
	v26 =	vld [tilespmem:s9+$0x10];
	v27 =	vmul.f32 v22, v22;
	v15 =	vsub.f32 v15, v22;
	v23 =	vadd.f32 $9.999999740e-06, v23  }
0xaf: {  	p0 =	slt.u32 s17, $0xC6;
	v11 =	vsub.f32 v11, v22;
	v28 =	vld [tilespmem:s19+$0xFFFFFFF0];
	v21 =	vmul.f32 $3.125000000e-02, v21;
	v12 =	vsub.f32 $1.500000000e+00, v12  }
0xb0: {  	v20 =	vmul.f32 v20, v4;
	v22 =	vld [tilespmem:s9+$0xFFFFFFE0];
	v29 =	vshra.s32 v23, $0x1;
	v23 =	vmul.f32 $5.000000000e-01, v23  }
0xb1: {  	v30 =	vld [tilespmem:s9+$0xFFFFFFF0];
	v21 =	vsub.f32 v21, v27;
	v27 =	vsub.s32 $0x5F3759DF, v29;
	v19 =	vmul.f32 v12, v19  }
0xb2: {  	v32 =	vadd.f32 v13, v6;
	v33 =	vadd.f32 v14, v7;
	v29 =	vld [tilespmem:s19+$0xFFFFFFE0];
	v31 =	vmul.f32 v27, v23  }
0xb3: {  	v12 =	vadd.f32 v24, v25;
	v24 =	vadd.f32 v26, v17;
	v13 =	vmul.f32 v19, v8;
	v8 =	vmovc v15  }
0xb4: {  	v17 =	vadd.f32 $9.999999740e-06, v21;
	v14 =	vmul.f32 v19, v9;
	v9 =	vmovc v11;
	v15 =	vmul.f32 v27, v31;
	[tilespmem:s14+$0x0] =	vst v32  }
0xb5: {  	v21 =	vmul.f32 v12, v12;
	v19 =	vadd.f32 v24, v12;
	v25 =	vmul.f32 v24, v24;
	[tilespmem:s14+$0x10] =	vst v33;
	s14 =	smov.u32 s22  }
0xb6: {  	v26 =	vshra.s32 v17, $0x1;
	v11 =	vadd.f32 v30, v28;
	v28 =	vsub.f32 $1.500000000e+00, v15  }
0xb7: {  	v15 =	vadd.f32 v22, v29;
	v21 =	vadd.f32 v25, v21;
	v22 =	vperm.xlane v19, v0  }
0xb8: {  	v26 =	vsub.s32 $0x5F3759DF, v26;
	v25 =	vmul.f32 v11, v11;
	v27 =	vmul.f32 v27, v28  }
0xb9: {  	v28 =	vadd.f32 v11, v15;
	v19 =	vadd.f32 v19, v22;
	v22 =	vperm.xlane v21, v0  }
0xba: {  	v20 =	vadd.f32 v20, v6;
	v29 =	vmul.f32 v15, v15;
	v23 =	vmul.f32 v27, v23  }
0xbb: {  	v30 =	vperm.xlane v28, v0;
	v21 =	vadd.f32 v21, v22;
	v22 =	vperm.xlane v19, v1  }
0xbc: {  	v17 =	vmul.f32 $5.000000000e-01, v17;
	v25 =	vadd.f32 v25, v29;
	v23 =	vmul.f32 v23, v27;
	[tilespmem:s18+$0x0] =	vst v20  }
0xbd: {  	v20 =	vadd.f32 v28, v30;
	v19 =	vadd.f32 v22, v19;
	v22 =	vperm.xlane v21, v1  }
0xbe: {  	v29 =	vmul.f32 v26, v17;
	v28 =	vperm.xlane v25, v0;
	v23 =	vsub.f32 $1.500000000e+00, v23  }
0xbf: {  	v30 =	vperm.xlane v20, v1;
	v21 =	vadd.f32 v22, v21;
	v22 =	vperm.xlane v19, v2  }
0xc0: {  	v16 =	vsub.f32 v10, v16;
	v10 =	vmovc v24;
	v25 =	vadd.f32 v25, v28;
	v23 =	vmul.f32 v23, v27  }
0xc1: {  	v20 =	vadd.f32 v30, v20;
	v19 =	vadd.f32 v22, v19;
	v22 =	vperm.xlane v21, v2  }
0xc2: {  	v24 =	vperm.xlane v25, v1;
	v16 =	vmul.f32 v23, v16  }
0xc3: {  	s10 =	sadd.s32 $0x40, s10;
	v27 =	vperm.xlane v20, v2;
	v21 =	vadd.f32 v22, v21;
	v22 =	vperm.xlane v19, v3  }
0xc4: {  	s23 =	sadd.s32 $0x20, s10;
	v24 =	vadd.f32 v24, v25;
	v25 =	vmul.f32 v26, v29;
	v16 =	vmul.f32 v16, v5  }
.Ltmp2:
0xc5: {  	s22 =	sand.u32 $0x1F80, s10;
	s18 =	sand.u32 $0x40, s10;
	v27 =	vadd.f32 v27, v20;
	v19 =	vadd.f32 v22, v19;
	v20 =	vperm.xlane v21, v3;
	(pc) =	sbr.rel @p0 .LBB2_3-.Ltmp2, $4  }
0xc6: {  	s23 =	sand.u32 $0x60, s23;
	s25 =	sadd.s32 $0x12C00, s22;
	v22 =	vperm.xlane v24, v2;
	v25 =	vsub.f32 $1.500000000e+00, v25;
	v28 =	vadd.f32 v16, v7  }
0xc7: {  	s22 =	sor.u32 s18, s25;
	s18 =	sor.u32 s23, s25;
	v29 =	vperm.xlane v27, v3;
	v30 =	vadd.f32 v20, v21;
	v16 =	vmul.f32 $3.125000000e-02, v19  }
0xc8: {  	v21 =	vadd.f32 v22, v24;
	v19 =	vmul.f32 v26, v25;
	v20 =	vmul.f32 v23, v18;
	[tilespmem:s18+$0x10] =	vst v28  }
0xc9: {  	s19 =	sadd.s32 $0x40, s19;
	v22 =	vadd.f32 v29, v27;
	v23 =	vmul.f32 $3.125000000e-02, v30;
	v24 =	vmul.f32 v16, v16  }
0xca: {  	v18 =	vperm.xlane v21, v3;
	_ =	sdelay $0x1  }
0xcb: {  	v22 =	vmul.f32 $3.125000000e-02, v22;
	v23 =	vsub.f32 v23, v24;
	v18 =	vadd.f32 v18, v21;
	_ =	sdelay $0x1  }
0xcc: {  	v21 =	vmul.f32 v22, v22;
	v23 =	vadd.f32 $9.999999740e-06, v23;
	v18 =	vmul.f32 $3.125000000e-02, v18;
	_ =	sdelay $0x1  }
0xcd: {  	v24 =	vshra.s32 v23, $0x1;
	v23 =	vmul.f32 $5.000000000e-01, v23;
	v18 =	vsub.f32 v18, v21  }
0xce: {  	v21 =	vsub.s32 $0x5F3759DF, v24  }
0xcf: {  	v24 =	vmul.f32 v21, v23;
	v18 =	vadd.f32 $9.999999740e-06, v18;
	_ =	sdelay $0x1  }
0xd0: {  	v24 =	vmul.f32 v21, v24;
	v25 =	vshra.s32 v18, $0x1;
	v18 =	vmul.f32 $5.000000000e-01, v18  }
0xd1: {  	v25 =	vsub.s32 $0x5F3759DF, v25  }
0xd2: {  	v24 =	vsub.f32 $1.500000000e+00, v24;
	v26 =	vmul.f32 v25, v18;
	_ =	sdelay $0x1  }
0xd3: {  	v21 =	vmul.f32 v21, v24;
	v24 =	vmul.f32 v25, v26  }
0xd4: {  	v17 =	vmul.f32 v19, v17  }
0xd5: {  	v23 =	vmul.f32 v21, v23;
	v24 =	vsub.f32 $1.500000000e+00, v24  }
0xd6: {  	v17 =	vmul.f32 v17, v19  }
0xd7: {  	v23 =	vmul.f32 v23, v21;
	v24 =	vmul.f32 v25, v24  }
0xd8: {  	v17 =	vsub.f32 $1.500000000e+00, v17  }
0xd9: {  	v13 =	vmul.f32 v13, v4;
	v23 =	vsub.f32 $1.500000000e+00, v23;
	v18 =	vmul.f32 v24, v18  }
0xda: {  	v12 =	vsub.f32 v12, v16;
	v14 =	vmul.f32 v14, v5;
	v17 =	vmul.f32 v17, v19  }
0xdb: {  	v10 =	vsub.f32 v10, v16;
	v21 =	vmul.f32 v23, v21;
	v16 =	vmul.f32 v18, v24  }
0xdc: {  	v13 =	vadd.f32 v13, v6;
	v8 =	vmul.f32 v17, v8  }
0xdd: {  	v14 =	vadd.f32 v14, v7;
	v10 =	vmul.f32 v21, v10;
	v16 =	vsub.f32 $1.500000000e+00, v16  }
0xde: {  	v15 =	vsub.f32 v15, v22;
	v9 =	vmul.f32 v17, v9;
	v8 =	vmul.f32 v8, v4  }
0xdf: {  	s9 =	sadd.s32 $0x40, s10;
	v11 =	vsub.f32 v11, v22;
	v10 =	vmul.f32 v10, v5;
	v16 =	vmul.f32 v16, v24  }
0xe0: {  	s10 =	sand.u32 $0x1F80, s9;
	s17 =	sadd.s32 $0x20, s9;
	[tilespmem:s14+$0x0] =	vst v13;
	v9 =	vmul.f32 v9, v5;
	v8 =	vadd.f32 v8, v6;
	v12 =	vmul.f32 v21, v12  }
0xe1: {  	s10 =	sadd.s32 $0x12C00, s10;
	s20 =	sand.u32 $0x60, s17;
	[tilespmem:s14+$0x10] =	vst v14;
	v18 =	vmul.f32 v20, v4;
	v10 =	vadd.f32 v10, v7;
	v14 =	vmul.f32 v16, v15  }
0xe2: {  	s14 =	sor.u32 s20, s10;
	v9 =	vadd.f32 v9, v7;
	[tilespmem:s22+$0x0] =	vst v8;
	v12 =	vmul.f32 v12, v4;
	v11 =	vmul.f32 v16, v11  }
0xe3: {  	v13 =	vadd.f32 v18, v6;
	[tilespmem:s14+$0x10] =	vst v10;
	v10 =	vmul.f32 v14, v4  }
0xe4: {  	[tilespmem:s22+$0x10] =	vst v9;
	v8 =	vadd.f32 v12, v6;
	v11 =	vmul.f32 v11, v5  }
0xe5: {  	s9 =	sand.u32 $0x40, s9;
	s22 =	sadd.s32 s5, s12;
	[tilespmem:s18+$0x0] =	vst v13;
	v9 =	vadd.f32 v10, v6  }
0xe6: {  	s9 =	sor.u32 s9, s10;
	s23 =	smul.u32 $0x320, s22;
	[tilespmem:s14+$0x0] =	vst v8;
	v8 =	vadd.f32 v11, v7  }
0xe7: {  	s10 =	sor.u32 $0x6, s12;
	[tilespmem:s9+$0x0] =	vst v9  }
0xe8: {  	s28 =	smul.u32 $0x320, s10;
	s25 =	sadd.s32 s4, s23;
	[tilespmem:s9+$0x10] =	vst v8  }
0xe9: {  	[hbm4b:s25+s6] =	stream.linear.scatter [tilespmem:s30], [sflag:$0x9], $0x1900, $0x38;
	[tilespmem:$0x1A940] =	vst v63  }
0xea: {  	s17 =	simm.s32 $0xFA00;
	s16 =	sshra.s32 s28, $0x2  }
0xeb: {  	[tilespmem:s17], [sflag:$0x7] =	stream.indirect.gather [hbm4b:s7+s24], $0x20, s16, s24, $0xb8;
	[tilespmem:$0x1A940] =	vst v63  }
0xec: {  	s19 =	simm.s32 $0x2;
	s18 =	simm.s32 $0x10A00;
	s9 =	sadd.s32 $0x80, s16  }
0xed: {  	[tilespmem:s18], [sflag:$0x7] =	stream.indirect.gather [hbm4b:s7+s15], $0x20, s9, s15, $0xb8;
	[tilespmem:$0x1A940] =	vst v63  }
0xee: {  	_ =	swait.ge [sflag:s19], $0x1900  }
0xef: {  	[sflag:s19] =	ssyncset.done $0x0  }
0xf0: {  	s9 =	simm.s32 @!p1 $0xA;
	[sflag:s19] =	ssyncadd.s32 $0xFFFFE700  }
0xf1: {  	_ =	swait.ge @!p1 [sflag:s9], $0x1900  }
0xf2: {  	[sflag:s9] =	ssyncset.done @!p1 $0x0  }
0xf3: {  	s20 =	simm.s32 $0x7D30;
	[sflag:s9] =	ssyncadd.s32 @!p1 $0xFFFFE700  }
0xf4: {  	v8 =	vld [tilespmem:s20+$0xFFFFFFF0]  }
0xf5: {  	s22 =	simm.s32 $0x19020;
	v9 =	vld [tilespmem:s20+$0x0]  }
0xf6: {  	v10 =	vld [tilespmem:s22+$0x0]  }
0xf7: {  	v11 =	vld [tilespmem:s22+$0x10];
	_ =	sdelay $0x1  }
0xf8: {  	v12 =	vld [tilespmem:s20+$0xFFFFFFE0]  }
0xf9: {  	v13 =	vld [tilespmem:s22+$0xFFFFFFE0]  }
0xfa: {  	v14 =	vld [tilespmem:s22+$0xFFFFFFF0]  }
0xfb: {  	v15 =	vld [tilespmem:s20+$0xFFFFFFD0];
	v10 =	vadd.f32 v10, v8;
	v9 =	vadd.f32 v11, v9;
	_ =	sdelay $0x1  }
0xfc: {  	v11 =	vadd.f32 v9, v10;
	v8 =	vmul.f32 v10, v10;
	v16 =	vmul.f32 v9, v9;
	_ =	sdelay $0x1  }
0xfd: {  	v16 =	vadd.f32 v16, v8;
	v17 =	vperm.xlane v11, v0  }
0xfe: {  	v8 =	vadd.f32 v14, v12;
	v12 =	vadd.f32 v13, v15  }
0xff: {  	v11 =	vadd.f32 v11, v17;
	v13 =	vperm.xlane v16, v0  }
0x100: {  	v14 =	vadd.f32 v8, v12;
	v15 =	vmul.f32 v8, v8;
	v17 =	vmul.f32 v12, v12  }
0x101: {  	v13 =	vadd.f32 v16, v13;
	v16 =	vperm.xlane v11, v1  }
0x102: {  	v18 =	vperm.xlane v14, v0;
	v15 =	vadd.f32 v15, v17  }
0x103: {  	v11 =	vadd.f32 v16, v11;
	v16 =	vperm.xlane v13, v1  }
0x104: {  	v14 =	vadd.f32 v14, v18;
	v17 =	vperm.xlane v15, v0  }
0x105: {  	v13 =	vadd.f32 v16, v13;
	v16 =	vperm.xlane v11, v2  }
0x106: {  	v18 =	vperm.xlane v14, v1;
	v15 =	vadd.f32 v15, v17  }
0x107: {  	v11 =	vadd.f32 v16, v11;
	v16 =	vperm.xlane v13, v2  }
0x108: {  	v14 =	vadd.f32 v18, v14;
	v17 =	vperm.xlane v15, v1  }
0x109: {  	s23 =	simm.s32 $0x7D70;
	v13 =	vadd.f32 v16, v13;
	v16 =	vperm.xlane v11, v3  }
0x10a: {  	s25 =	simm.s32 $0x19060;
	v19 =	vld [tilespmem:s23+$0x0];
	v18 =	vperm.xlane v14, v2;
	v15 =	vadd.f32 v17, v15  }
0x10b: {  	v21 =	vld [tilespmem:s25+$0x0];
	v11 =	vadd.f32 v16, v11;
	v16 =	vperm.xlane v13, v3  }
0x10c: {  	v22 =	vld [tilespmem:s25+$0xFFFFFFE0];
	v14 =	vadd.f32 v18, v14;
	v17 =	vperm.xlane v15, v2  }
0x10d: {  	v13 =	vadd.f32 v16, v13;
	v11 =	vmul.f32 $3.125000000e-02, v11;
	v16 =	vld [tilespmem:s23+$0xFFFFFFF0]  }
0x10e: {  	v18 =	vperm.xlane v14, v3;
	v15 =	vadd.f32 v17, v15;
	v17 =	vld [tilespmem:s25+$0x10]  }
0x10f: {  	v25 =	vld [tilespmem:s23+$0xFFFFFFD0];
	v13 =	vmul.f32 $3.125000000e-02, v13;
	v20 =	vmul.f32 v11, v11  }
0x110: {  	v14 =	vadd.f32 v18, v14;
	v18 =	vperm.xlane v15, v3  }
0x111: {  	v13 =	vsub.f32 v13, v20  }
0x112: {  	v23 =	vld [tilespmem:s25+$0xFFFFFFF0];
	v14 =	vmul.f32 $3.125000000e-02, v14;
	v15 =	vadd.f32 v18, v15;
	v21 =	vadd.f32 v21, v16  }
0x113: {  	v20 =	vld [tilespmem:s23+$0xFFFFFFE0];
	v16 =	vadd.f32 v17, v19;
	v13 =	vadd.f32 $9.999999740e-06, v13  }
0x114: {  	v22 =	vadd.f32 v22, v25;
	v18 =	vmul.f32 v14, v14;
	v15 =	vmul.f32 $3.125000000e-02, v15  }
0x115: {  	v19 =	vadd.f32 v16, v21;
	v24 =	vshra.s32 v13, $0x1;
	v13 =	vmul.f32 $5.000000000e-01, v13  }
0x116: {  	v26 =	vmul.f32 v16, v16;
	v17 =	vsub.s32 $0x5F3759DF, v24;
	v24 =	vmul.f32 v21, v21  }
0x117: {  	v10 =	vsub.f32 v10, v11;
	v15 =	vsub.f32 v15, v18;
	v27 =	vmul.f32 v17, v13  }
0x118: {  	v20 =	vadd.f32 v23, v20;
	v18 =	vadd.f32 v26, v24;
	v24 =	vperm.xlane v19, v0  }
0x119: {  	v9 =	vsub.f32 v9, v11;
	v15 =	vadd.f32 $9.999999740e-06, v15;
	v26 =	vmul.f32 v17, v27  }
0x11a: {  	v25 =	vmul.f32 v20, v20;
	v19 =	vadd.f32 v19, v24;
	v23 =	vperm.xlane v18, v0  }
0x11b: {  	v27 =	vmul.f32 v22, v22;
	v24 =	vsub.f32 $1.500000000e+00, v26;
	v26 =	vadd.f32 v20, v22  }
0x11c: {  	v28 =	vshra.s32 v15, $0x1;
	v18 =	vadd.f32 v18, v23;
	v23 =	vperm.xlane v19, v1  }
0x11d: {  	v25 =	vadd.f32 v25, v27;
	v17 =	vmul.f32 v17, v24;
	v24 =	vperm.xlane v26, v0  }
0x11e: {  	v15 =	vmul.f32 $5.000000000e-01, v15;
	v19 =	vadd.f32 v23, v19;
	v23 =	vperm.xlane v18, v1  }
0x11f: {  	v13 =	vmul.f32 v17, v13;
	v24 =	vadd.f32 v26, v24;
	v26 =	vperm.xlane v25, v0  }
0x120: {  	v27 =	vsub.s32 $0x5F3759DF, v28;
	v18 =	vadd.f32 v23, v18;
	v23 =	vperm.xlane v19, v2  }
0x121: {  	v13 =	vmul.f32 v13, v17;
	v53 =	vperm.xlane v24, v1;
	v25 =	vadd.f32 v25, v26  }
0x122: {  	v26 =	vmul.f32 v27, v15;
	v19 =	vadd.f32 v23, v19;
	v23 =	vperm.xlane v18, v2  }
0x123: {  	v13 =	vsub.f32 $1.500000000e+00, v13;
	v24 =	vadd.f32 v53, v24;
	v54 =	vperm.xlane v25, v1  }
0x124: {  	v11 =	vmul.f32 v27, v26;
	v18 =	vadd.f32 v23, v18;
	v23 =	vperm.xlane v19, v3  }
0x125: {  	v13 =	vmul.f32 v13, v17;
	v17 =	vperm.xlane v24, v2;
	v25 =	vadd.f32 v54, v25  }
0x126: {  	v19 =	vadd.f32 v23, v19;
	v23 =	vperm.xlane v18, v3  }
0x127: {  	v11 =	vsub.f32 $1.500000000e+00, v11;
	v17 =	vadd.f32 v17, v24;
	v24 =	vperm.xlane v25, v2  }
0x128: {  	v9 =	vmul.f32 v13, v9;
	v18 =	vadd.f32 v23, v18;
	v19 =	vmul.f32 $3.125000000e-02, v19  }
0x129: {  	v26 =	vsub.f32 v12, v14;
	v11 =	vmul.f32 v27, v11;
	v23 =	vperm.xlane v17, v3  }
0x12a: {  	s9 =	simm.s32 $0x190A0;
	v24 =	vadd.f32 v24, v25;
	v18 =	vmul.f32 $3.125000000e-02, v18;
	v25 =	vmul.f32 v19, v19  }
0x12b: {  	v55 =	vld [tilespmem:s9+$0x10];
	v14 =	vsub.f32 v8, v14;
	v12 =	vadd.f32 v23, v17  }
0x12c: {  	s28 =	simm.s32 $0x7DB0;
	v9 =	vmul.f32 v9, v5;
	v8 =	vmul.f32 v11, v15;
	v15 =	vld [tilespmem:s9+$0x0];
	v18 =	vsub.f32 v18, v25  }
0x12d: {  	v17 =	vld [tilespmem:s28+$0xFFFFFFF0];
	v23 =	vperm.xlane v24, v3;
	v12 =	vmul.f32 $3.125000000e-02, v12  }
0x12e: {  	v27 =	vld [tilespmem:s28+$0x0];
	v13 =	vmul.f32 v13, v10;
	v25 =	vadd.f32 v9, v7;
	v9 =	vadd.f32 $9.999999740e-06, v18  }
0x12f: {  	v29 =	vld [tilespmem:s28+$0xFFFFFFE0];
	v18 =	vadd.f32 v23, v24;
	v23 =	vmul.f32 v8, v11;
	v24 =	vmul.f32 v12, v12  }
0x130: {  	v32 =	vld [tilespmem:s28+$0xFFFFFFD0];
	v8 =	vsub.f32 v22, v12;
	v30 =	vshra.s32 v9, $0x1;
	v31 =	vmul.f32 $5.000000000e-01, v9  }
0x131: {  	v18 =	vmul.f32 $3.125000000e-02, v18;
	v9 =	vsub.f32 v20, v12;
	v20 =	vld [tilespmem:s9+$0xFFFFFFF0];
	v30 =	vsub.s32 $0x5F3759DF, v30  }
0x132: {  	v22 =	vld [tilespmem:s9+$0xFFFFFFE0];
	v23 =	vsub.f32 $1.500000000e+00, v23;
	v12 =	vadd.f32 v15, v17;
	v15 =	vmul.f32 v30, v31  }
0x133: {  	v33 =	vsub.f32 v21, v19;
	v10 =	vadd.f32 v55, v27;
	v27 =	vmul.f32 v13, v4  }
0x134: {  	v17 =	vsub.f32 v18, v24;
	v18 =	vmul.f32 v23, v11;
	v15 =	vmul.f32 v30, v15  }
0x135: {  	v21 =	vadd.f32 v10, v12;
	v23 =	vmul.f32 v12, v12;
	v24 =	vmul.f32 v10, v10  }
0x136: {  	v13 =	vmul.f32 v18, v26;
	v11 =	vadd.f32 v20, v29;
	v20 =	vsub.f32 $1.500000000e+00, v15  }
0x137: {  	v14 =	vmul.f32 v18, v14;
	v15 =	vadd.f32 v22, v32;
	v22 =	vadd.f32 v24, v23  }
0x138: {  	v17 =	vadd.f32 $9.999999740e-06, v17;
	v18 =	vperm.xlane v21, v0;
	v20 =	vmul.f32 v30, v20  }
0x139: {  	v26 =	vmul.f32 v11, v11;
	v23 =	vadd.f32 v11, v15;
	v24 =	vperm.xlane v22, v0  }
0x13a: {  	v18 =	vadd.f32 v21, v18;
	v21 =	vmul.f32 v15, v15;
	v56 =	vmul.f32 v20, v31  }
0x13b: {  	v57 =	vperm.xlane v23, v0;
	v22 =	vadd.f32 v22, v24;
	v24 =	vshra.s32 v17, $0x1  }
0x13c: {  	v21 =	vadd.f32 v26, v21;
	v26 =	vperm.xlane v18, v1;
	v17 =	vmul.f32 $5.000000000e-01, v17  }
0x13d: {  	v28 =	vmul.f32 v56, v20;
	v58 =	vperm.xlane v22, v1  }
0x13e: {  	v23 =	vadd.f32 v23, v57;
	v18 =	vadd.f32 v26, v18;
	v26 =	vperm.xlane v21, v0  }
0x13f: {  	v24 =	vsub.s32 $0x5F3759DF, v24;
	v28 =	vsub.f32 $1.500000000e+00, v28;
	v22 =	vadd.f32 v58, v22  }
0x140: {  	v59 =	vperm.xlane v23, v1;
	v21 =	vadd.f32 v21, v26;
	v26 =	vperm.xlane v18, v2  }
0x141: {  	v16 =	vsub.f32 v16, v19;
	v60 =	vmul.f32 v24, v17;
	v20 =	vmul.f32 v28, v20  }
0x142: {  	v19 =	vadd.f32 v59, v23;
	v18 =	vadd.f32 v26, v18;
	v23 =	vperm.xlane v22, v2  }
0x143: {  	v26 =	vadd.f32 v27, v6;
	v27 =	vperm.xlane v21, v1;
	v16 =	vmul.f32 v20, v16  }
0x144: {  	s30 =	simm.s32 $0x0;
	v29 =	vperm.xlane v19, v2;
	v22 =	vadd.f32 v23, v22;
	v23 =	vperm.xlane v18, v3  }
0x145: {  	s14 =	sor.u32 $0x1, s12;
	s16 =	sand.u32 $0x1F80, s30;
	s19 =	simm.s32 $0x20;
	v21 =	vadd.f32 v27, v21;
	v27 =	vmul.f32 v24, v60;
	v16 =	vmul.f32 v16, v5  }
0x146: {  	s18 =	simm.s32 $0x40;
	s19 =	sand.u32 $0x60, s19;
	s20 =	sadd.s32 $0x14500, s16;
	v61 =	vadd.f32 v29, v19;
	v18 =	vadd.f32 v23, v18;
	v19 =	vperm.xlane v22, v3  }
0x147: {  	s25 =	simm.s32 $0x60;
	s23 =	sor.u32 s19, s20;
	s28 =	sand.u32 $0x1F80, s18;
	v23 =	vperm.xlane v21, v2;
	v27 =	vsub.f32 $1.500000000e+00, v27;
	v62 =	vadd.f32 v16, v7  }
0x148: {  	s17 =	sand.u32 $0x40, s30;
	s25 =	sand.u32 $0x60, s25;
	s28 =	sadd.s32 $0x14500, s28;
	[tilespmem:s23+$0x10] =	vst v25;
	v25 =	vperm.xlane v61, v3;
	v63 =	vadd.f32 v19, v22;
	v16 =	vmul.f32 $3.125000000e-02, v18  }
0x149: {  	s30 =	sand.u32 $0x40, s18;
	s22 =	simm.s32 $0x7DF0;
	[tilespmem:s23+$0x0] =	vst v26;
	s23 =	sor.u32 s25, s28;
	v20 =	vmul.f32 v20, v33;
	v21 =	vadd.f32 v23, v21;
	v19 =	vmul.f32 v24, v27  }
0x14a: {  	s19 =	sor.u32 s17, s20;
	s17 =	simm.s32 $0x4;
	s25 =	sor.u32 s30, s28;
	[tilespmem:s23+$0x10] =	vst v62;
	v22 =	vadd.f32 v25, v61;
	v23 =	vmul.f32 $3.125000000e-02, v63;
	v24 =	vmul.f32 v16, v16  }
.LBB2_5:
0x14b: {  	v25 =	vld [tilespmem:s22+$0xFFFFFFF0];
	v26 =	vperm.xlane v21, v3;
	v18 =	vsub.f32 v12, v16;
	v12 =	vmul.f32 v19, v17  }
0x14c: {  	s9 =	sadd.s32 $0x40, s9;
	v13 =	vmul.f32 v13, v4;
	v17 =	vld [tilespmem:s22+$0x0];
	v22 =	vmul.f32 $3.125000000e-02, v22;
	v23 =	vsub.f32 v23, v24  }
0x14d: {  	v14 =	vmul.f32 v14, v5;
	v24 =	vld [tilespmem:s9+$0x0];
	v21 =	vadd.f32 v26, v21;
	v12 =	vmul.f32 v12, v19  }
0x14e: {  	s17 =	sadd.s32 $0x2, s17;
	v26 =	vld [tilespmem:s9+$0x10];
	v27 =	vmul.f32 v22, v22;
	v15 =	vsub.f32 v15, v22;
	v23 =	vadd.f32 $9.999999740e-06, v23  }
0x14f: {  	p0 =	slt.u32 s17, $0xC6;
	v11 =	vsub.f32 v11, v22;
	v28 =	vld [tilespmem:s22+$0xFFFFFFE0];
	v21 =	vmul.f32 $3.125000000e-02, v21;
	v12 =	vsub.f32 $1.500000000e+00, v12  }
0x150: {  	v20 =	vmul.f32 v20, v4;
	v22 =	vld [tilespmem:s9+$0xFFFFFFE0];
	v29 =	vshra.s32 v23, $0x1;
	v23 =	vmul.f32 $5.000000000e-01, v23  }
0x151: {  	v30 =	vld [tilespmem:s9+$0xFFFFFFF0];
	v21 =	vsub.f32 v21, v27;
	v27 =	vsub.s32 $0x5F3759DF, v29;
	v19 =	vmul.f32 v12, v19  }
0x152: {  	v32 =	vadd.f32 v13, v6;
	v33 =	vadd.f32 v14, v7;
	v29 =	vld [tilespmem:s22+$0xFFFFFFD0];
	v31 =	vmul.f32 v27, v23  }
0x153: {  	v12 =	vadd.f32 v24, v25;
	v24 =	vadd.f32 v26, v17;
	v13 =	vmul.f32 v19, v8;
	v8 =	vmovc v15  }
0x154: {  	v17 =	vadd.f32 $9.999999740e-06, v21;
	v14 =	vmul.f32 v19, v9;
	v9 =	vmovc v11;
	v15 =	vmul.f32 v27, v31;
	[tilespmem:s19+$0x0] =	vst v32  }
0x155: {  	v21 =	vmul.f32 v12, v12;
	v19 =	vadd.f32 v24, v12;
	v25 =	vmul.f32 v24, v24;
	[tilespmem:s19+$0x10] =	vst v33;
	s19 =	smov.u32 s25  }
0x156: {  	v26 =	vshra.s32 v17, $0x1;
	v11 =	vadd.f32 v30, v28;
	v28 =	vsub.f32 $1.500000000e+00, v15  }
0x157: {  	v15 =	vadd.f32 v22, v29;
	v21 =	vadd.f32 v25, v21;
	v22 =	vperm.xlane v19, v0  }
0x158: {  	v26 =	vsub.s32 $0x5F3759DF, v26;
	v25 =	vmul.f32 v11, v11;
	v27 =	vmul.f32 v27, v28  }
0x159: {  	v28 =	vadd.f32 v11, v15;
	v19 =	vadd.f32 v19, v22;
	v22 =	vperm.xlane v21, v0  }
0x15a: {  	v20 =	vadd.f32 v20, v6;
	v29 =	vmul.f32 v15, v15;
	v23 =	vmul.f32 v27, v23  }
0x15b: {  	v30 =	vperm.xlane v28, v0;
	v21 =	vadd.f32 v21, v22;
	v22 =	vperm.xlane v19, v1  }
0x15c: {  	v17 =	vmul.f32 $5.000000000e-01, v17;
	v25 =	vadd.f32 v25, v29;
	v23 =	vmul.f32 v23, v27;
	[tilespmem:s23+$0x0] =	vst v20  }
0x15d: {  	v20 =	vadd.f32 v28, v30;
	v19 =	vadd.f32 v22, v19;
	v22 =	vperm.xlane v21, v1  }
0x15e: {  	v29 =	vmul.f32 v26, v17;
	v28 =	vperm.xlane v25, v0;
	v23 =	vsub.f32 $1.500000000e+00, v23  }
0x15f: {  	v30 =	vperm.xlane v20, v1;
	v21 =	vadd.f32 v22, v21;
	v22 =	vperm.xlane v19, v2  }
0x160: {  	v16 =	vsub.f32 v10, v16;
	v10 =	vmovc v24;
	v25 =	vadd.f32 v25, v28;
	v23 =	vmul.f32 v23, v27  }
0x161: {  	v20 =	vadd.f32 v30, v20;
	v19 =	vadd.f32 v22, v19;
	v22 =	vperm.xlane v21, v2  }
0x162: {  	v24 =	vperm.xlane v25, v1;
	v16 =	vmul.f32 v23, v16  }
0x163: {  	s18 =	sadd.s32 $0x40, s18;
	v27 =	vperm.xlane v20, v2;
	v21 =	vadd.f32 v22, v21;
	v22 =	vperm.xlane v19, v3  }
0x164: {  	s28 =	sadd.s32 $0x20, s18;
	v24 =	vadd.f32 v24, v25;
	v25 =	vmul.f32 v26, v29;
	v16 =	vmul.f32 v16, v5  }
.Ltmp3:
0x165: {  	s25 =	sand.u32 $0x1F80, s18;
	s23 =	sand.u32 $0x40, s18;
	v27 =	vadd.f32 v27, v20;
	v19 =	vadd.f32 v22, v19;
	v20 =	vperm.xlane v21, v3;
	(pc) =	sbr.rel @p0 .LBB2_5-.Ltmp3, $4  }
0x166: {  	s28 =	sand.u32 $0x60, s28;
	s30 =	sadd.s32 $0x14500, s25;
	v22 =	vperm.xlane v24, v2;
	v25 =	vsub.f32 $1.500000000e+00, v25;
	v28 =	vadd.f32 v16, v7  }
0x167: {  	s25 =	sor.u32 s23, s30;
	s23 =	sor.u32 s28, s30;
	v29 =	vperm.xlane v27, v3;
	v30 =	vadd.f32 v20, v21;
	v16 =	vmul.f32 $3.125000000e-02, v19  }
0x168: {  	v21 =	vadd.f32 v22, v24;
	v19 =	vmul.f32 v26, v25;
	v20 =	vmul.f32 v23, v18;
	[tilespmem:s23+$0x10] =	vst v28  }
0x169: {  	s22 =	sadd.s32 $0x40, s22;
	v22 =	vadd.f32 v29, v27;
	v23 =	vmul.f32 $3.125000000e-02, v30;
	v24 =	vmul.f32 v16, v16  }
0x16a: {  	v18 =	vperm.xlane v21, v3;
	_ =	sdelay $0x1  }
0x16b: {  	v22 =	vmul.f32 $3.125000000e-02, v22;
	v23 =	vsub.f32 v23, v24;
	v18 =	vadd.f32 v18, v21;
	_ =	sdelay $0x1  }
0x16c: {  	v21 =	vmul.f32 v22, v22;
	v23 =	vadd.f32 $9.999999740e-06, v23;
	v18 =	vmul.f32 $3.125000000e-02, v18;
	_ =	sdelay $0x1  }
0x16d: {  	v24 =	vshra.s32 v23, $0x1;
	v23 =	vmul.f32 $5.000000000e-01, v23;
	v18 =	vsub.f32 v18, v21  }
0x16e: {  	v21 =	vsub.s32 $0x5F3759DF, v24  }
0x16f: {  	v24 =	vmul.f32 v21, v23;
	v18 =	vadd.f32 $9.999999740e-06, v18;
	_ =	sdelay $0x1  }
0x170: {  	v24 =	vmul.f32 v21, v24;
	v25 =	vshra.s32 v18, $0x1;
	v18 =	vmul.f32 $5.000000000e-01, v18  }
0x171: {  	v25 =	vsub.s32 $0x5F3759DF, v25  }
0x172: {  	v24 =	vsub.f32 $1.500000000e+00, v24;
	v26 =	vmul.f32 v25, v18;
	_ =	sdelay $0x1  }
0x173: {  	v21 =	vmul.f32 v21, v24;
	v24 =	vmul.f32 v25, v26  }
0x174: {  	v17 =	vmul.f32 v19, v17  }
0x175: {  	v23 =	vmul.f32 v21, v23;
	v24 =	vsub.f32 $1.500000000e+00, v24  }
0x176: {  	v17 =	vmul.f32 v17, v19  }
0x177: {  	v23 =	vmul.f32 v23, v21;
	v24 =	vmul.f32 v25, v24  }
0x178: {  	v17 =	vsub.f32 $1.500000000e+00, v17  }
0x179: {  	v13 =	vmul.f32 v13, v4;
	v23 =	vsub.f32 $1.500000000e+00, v23;
	v18 =	vmul.f32 v24, v18  }
0x17a: {  	v12 =	vsub.f32 v12, v16;
	v14 =	vmul.f32 v14, v5;
	v17 =	vmul.f32 v17, v19  }
0x17b: {  	v10 =	vsub.f32 v10, v16;
	v21 =	vmul.f32 v23, v21;
	v16 =	vmul.f32 v18, v24  }
0x17c: {  	v13 =	vadd.f32 v13, v6;
	v8 =	vmul.f32 v17, v8  }
0x17d: {  	v14 =	vadd.f32 v14, v7;
	v10 =	vmul.f32 v21, v10;
	v16 =	vsub.f32 $1.500000000e+00, v16  }
0x17e: {  	v15 =	vsub.f32 v15, v22;
	v9 =	vmul.f32 v17, v9;
	v8 =	vmul.f32 v8, v4  }
0x17f: {  	s9 =	sadd.s32 $0x40, s18;
	v11 =	vsub.f32 v11, v22;
	v10 =	vmul.f32 v10, v5;
	v16 =	vmul.f32 v16, v24  }
0x180: {  	s17 =	sand.u32 $0x1F80, s9;
	s18 =	sadd.s32 $0x20, s9;
	[tilespmem:s19+$0x0] =	vst v13;
	v9 =	vmul.f32 v9, v5;
	v8 =	vadd.f32 v8, v6;
	v12 =	vmul.f32 v21, v12  }
0x181: {  	s17 =	sadd.s32 $0x14500, s17;
	s18 =	sand.u32 $0x60, s18;
	[tilespmem:s19+$0x10] =	vst v14;
	v18 =	vmul.f32 v20, v4;
	v10 =	vadd.f32 v10, v7;
	v14 =	vmul.f32 v16, v15  }
0x182: {  	s18 =	sor.u32 s18, s17;
	v9 =	vadd.f32 v9, v7;
	[tilespmem:s25+$0x0] =	vst v8;
	v12 =	vmul.f32 v12, v4;
	v11 =	vmul.f32 v16, v11  }
0x183: {  	v13 =	vadd.f32 v18, v6;
	[tilespmem:s18+$0x10] =	vst v10;
	v10 =	vmul.f32 v14, v4  }
0x184: {  	[tilespmem:s25+$0x10] =	vst v9;
	v8 =	vadd.f32 v12, v6;
	v11 =	vmul.f32 v11, v5  }
0x185: {  	s14 =	sadd.s32 s5, s14;
	s9 =	sand.u32 $0x40, s9;
	[tilespmem:s23+$0x0] =	vst v13;
	v9 =	vadd.f32 v10, v6  }
0x186: {  	s14 =	smul.u32 $0x320, s14;
	s17 =	sor.u32 s9, s17;
	[tilespmem:s18+$0x0] =	vst v8;
	v8 =	vadd.f32 v11, v7  }
0x187: {  	s9 =	sor.u32 $0x7, s12;
	[tilespmem:s17+$0x0] =	vst v9  }
0x188: {  	s16 =	simm.s32 $0x14500;
	s14 =	sadd.s32 s4, s14;
	s23 =	smul.u32 $0x320, s9;
	[tilespmem:s17+$0x10] =	vst v8  }
0x189: {  	[hbm4b:s14+s6] =	stream.linear.scatter [tilespmem:s16], [sflag:$0xA], $0x1900, $0x38;
	[tilespmem:$0x1A940] =	vst v63  }
0x18a: {  	s30 =	simm.s32 $0x11300;
	s25 =	sshra.s32 s23, $0x2  }
0x18b: {  	[tilespmem:s30], [sflag:$0x8] =	stream.indirect.gather [hbm4b:s7+s24], $0x20, s25, s24, $0xb8;
	[tilespmem:$0x1A940] =	vst v63  }
0x18c: {  	s17 =	simm.s32 $0x12300;
	s14 =	sadd.s32 $0x80, s25  }
0x18d: {  	[tilespmem:s17], [sflag:$0x8] =	stream.indirect.gather [hbm4b:s7+s15], $0x20, s14, s15, $0xb8;
	[tilespmem:$0x1A940] =	vst v63  }
0x18e: {  	_ =	swait.ge [sflag:s26], $0x1900  }
0x18f: {  	[sflag:s26] =	ssyncset.done $0x0  }
0x190: {  	s14 =	simm.s32 @!p1 $0xB;
	[sflag:s26] =	ssyncadd.s32 $0xFFFFE700  }
0x191: {  	_ =	swait.ge @!p1 [sflag:s14], $0x1900  }
0x192: {  	[sflag:s14] =	ssyncset.done @!p1 $0x0  }
0x193: {  	s18 =	simm.s32 $0x9630;
	[sflag:s14] =	ssyncadd.s32 @!p1 $0xFFFFE700  }
0x194: {  	v8 =	vld [tilespmem:s18+$0xFFFFFFF0]  }
0x195: {  	s19 =	simm.s32 $0x19020;
	v9 =	vld [tilespmem:s18+$0x0]  }
0x196: {  	v10 =	vld [tilespmem:s19+$0x0]  }
0x197: {  	v11 =	vld [tilespmem:s19+$0x10];
	_ =	sdelay $0x1  }
0x198: {  	v12 =	vld [tilespmem:s18+$0xFFFFFFE0]  }
0x199: {  	v13 =	vld [tilespmem:s19+$0xFFFFFFE0]  }
0x19a: {  	v14 =	vld [tilespmem:s19+$0xFFFFFFF0]  }
0x19b: {  	v15 =	vld [tilespmem:s18+$0xFFFFFFD0];
	v10 =	vadd.f32 v10, v8;
	v9 =	vadd.f32 v11, v9;
	_ =	sdelay $0x1  }
0x19c: {  	v11 =	vadd.f32 v9, v10;
	v8 =	vmul.f32 v10, v10;
	v16 =	vmul.f32 v9, v9;
	_ =	sdelay $0x1  }
0x19d: {  	v16 =	vadd.f32 v16, v8;
	v17 =	vperm.xlane v11, v0  }
0x19e: {  	v8 =	vadd.f32 v14, v12;
	v12 =	vadd.f32 v13, v15  }
0x19f: {  	v11 =	vadd.f32 v11, v17;
	v13 =	vperm.xlane v16, v0  }
0x1a0: {  	v14 =	vadd.f32 v8, v12;
	v15 =	vmul.f32 v8, v8;
	v17 =	vmul.f32 v12, v12  }
0x1a1: {  	v13 =	vadd.f32 v16, v13;
	v16 =	vperm.xlane v11, v1  }
0x1a2: {  	v18 =	vperm.xlane v14, v0;
	v15 =	vadd.f32 v15, v17  }
0x1a3: {  	v11 =	vadd.f32 v16, v11;
	v16 =	vperm.xlane v13, v1  }
0x1a4: {  	v14 =	vadd.f32 v14, v18;
	v17 =	vperm.xlane v15, v0  }
0x1a5: {  	v13 =	vadd.f32 v16, v13;
	v16 =	vperm.xlane v11, v2  }
0x1a6: {  	v18 =	vperm.xlane v14, v1;
	v15 =	vadd.f32 v15, v17  }
0x1a7: {  	v11 =	vadd.f32 v16, v11;
	v16 =	vperm.xlane v13, v2  }
0x1a8: {  	v14 =	vadd.f32 v18, v14;
	v17 =	vperm.xlane v15, v1  }
0x1a9: {  	s20 =	simm.s32 $0x9670;
	v13 =	vadd.f32 v16, v13;
	v16 =	vperm.xlane v11, v3  }
0x1aa: {  	s22 =	simm.s32 $0x19060;
	v19 =	vld [tilespmem:s20+$0x0];
	v18 =	vperm.xlane v14, v2;
	v15 =	vadd.f32 v17, v15  }
0x1ab: {  	v21 =	vld [tilespmem:s22+$0x0];
	v11 =	vadd.f32 v16, v11;
	v16 =	vperm.xlane v13, v3  }
0x1ac: {  	v22 =	vld [tilespmem:s22+$0xFFFFFFE0];
	v14 =	vadd.f32 v18, v14;
	v17 =	vperm.xlane v15, v2  }
0x1ad: {  	v13 =	vadd.f32 v16, v13;
	v11 =	vmul.f32 $3.125000000e-02, v11;
	v16 =	vld [tilespmem:s20+$0xFFFFFFF0]  }
0x1ae: {  	v18 =	vperm.xlane v14, v3;
	v15 =	vadd.f32 v17, v15;
	v17 =	vld [tilespmem:s22+$0x10]  }
0x1af: {  	v25 =	vld [tilespmem:s20+$0xFFFFFFD0];
	v13 =	vmul.f32 $3.125000000e-02, v13;
	v20 =	vmul.f32 v11, v11  }
0x1b0: {  	v14 =	vadd.f32 v18, v14;
	v18 =	vperm.xlane v15, v3  }
0x1b1: {  	v13 =	vsub.f32 v13, v20  }
0x1b2: {  	v23 =	vld [tilespmem:s22+$0xFFFFFFF0];
	v14 =	vmul.f32 $3.125000000e-02, v14;
	v15 =	vadd.f32 v18, v15;
	v21 =	vadd.f32 v21, v16  }
0x1b3: {  	v20 =	vld [tilespmem:s20+$0xFFFFFFE0];
	v16 =	vadd.f32 v17, v19;
	v13 =	vadd.f32 $9.999999740e-06, v13  }
0x1b4: {  	v22 =	vadd.f32 v22, v25;
	v18 =	vmul.f32 v14, v14;
	v15 =	vmul.f32 $3.125000000e-02, v15  }
0x1b5: {  	v19 =	vadd.f32 v16, v21;
	v24 =	vshra.s32 v13, $0x1;
	v13 =	vmul.f32 $5.000000000e-01, v13  }
0x1b6: {  	v26 =	vmul.f32 v16, v16;
	v17 =	vsub.s32 $0x5F3759DF, v24;
	v24 =	vmul.f32 v21, v21  }
0x1b7: {  	v10 =	vsub.f32 v10, v11;
	v15 =	vsub.f32 v15, v18;
	v27 =	vmul.f32 v17, v13  }
0x1b8: {  	v20 =	vadd.f32 v23, v20;
	v18 =	vadd.f32 v26, v24;
	v24 =	vperm.xlane v19, v0  }
0x1b9: {  	v9 =	vsub.f32 v9, v11;
	v15 =	vadd.f32 $9.999999740e-06, v15;
	v26 =	vmul.f32 v17, v27  }
0x1ba: {  	v25 =	vmul.f32 v20, v20;
	v19 =	vadd.f32 v19, v24;
	v23 =	vperm.xlane v18, v0  }
0x1bb: {  	v27 =	vmul.f32 v22, v22;
	v24 =	vsub.f32 $1.500000000e+00, v26;
	v26 =	vadd.f32 v20, v22  }
0x1bc: {  	v28 =	vshra.s32 v15, $0x1;
	v18 =	vadd.f32 v18, v23;
	v23 =	vperm.xlane v19, v1  }
0x1bd: {  	v25 =	vadd.f32 v25, v27;
	v17 =	vmul.f32 v17, v24;
	v24 =	vperm.xlane v26, v0  }
0x1be: {  	v15 =	vmul.f32 $5.000000000e-01, v15;
	v19 =	vadd.f32 v23, v19;
	v23 =	vperm.xlane v18, v1  }
0x1bf: {  	v13 =	vmul.f32 v17, v13;
	v24 =	vadd.f32 v26, v24;
	v26 =	vperm.xlane v25, v0  }
0x1c0: {  	v27 =	vsub.s32 $0x5F3759DF, v28;
	v18 =	vadd.f32 v23, v18;
	v23 =	vperm.xlane v19, v2  }
0x1c1: {  	v13 =	vmul.f32 v13, v17;
	v53 =	vperm.xlane v24, v1;
	v25 =	vadd.f32 v25, v26  }
0x1c2: {  	v26 =	vmul.f32 v27, v15;
	v19 =	vadd.f32 v23, v19;
	v23 =	vperm.xlane v18, v2  }
0x1c3: {  	v13 =	vsub.f32 $1.500000000e+00, v13;
	v24 =	vadd.f32 v53, v24;
	v54 =	vperm.xlane v25, v1  }
0x1c4: {  	v11 =	vmul.f32 v27, v26;
	v18 =	vadd.f32 v23, v18;
	v23 =	vperm.xlane v19, v3  }
0x1c5: {  	v13 =	vmul.f32 v13, v17;
	v17 =	vperm.xlane v24, v2;
	v25 =	vadd.f32 v54, v25  }
0x1c6: {  	v19 =	vadd.f32 v23, v19;
	v23 =	vperm.xlane v18, v3  }
0x1c7: {  	v11 =	vsub.f32 $1.500000000e+00, v11;
	v17 =	vadd.f32 v17, v24;
	v24 =	vperm.xlane v25, v2  }
0x1c8: {  	v9 =	vmul.f32 v13, v9;
	v18 =	vadd.f32 v23, v18;
	v19 =	vmul.f32 $3.125000000e-02, v19  }
0x1c9: {  	v26 =	vsub.f32 v12, v14;
	v11 =	vmul.f32 v27, v11;
	v23 =	vperm.xlane v17, v3  }
0x1ca: {  	s14 =	simm.s32 $0x190A0;
	v24 =	vadd.f32 v24, v25;
	v18 =	vmul.f32 $3.125000000e-02, v18;
	v25 =	vmul.f32 v19, v19  }
0x1cb: {  	v55 =	vld [tilespmem:s14+$0x10];
	v14 =	vsub.f32 v8, v14;
	v12 =	vadd.f32 v23, v17  }
0x1cc: {  	s23 =	simm.s32 $0x96B0;
	v9 =	vmul.f32 v9, v5;
	v8 =	vmul.f32 v11, v15;
	v15 =	vld [tilespmem:s14+$0x0];
	v18 =	vsub.f32 v18, v25  }
0x1cd: {  	v17 =	vld [tilespmem:s23+$0xFFFFFFF0];
	v23 =	vperm.xlane v24, v3;
	v12 =	vmul.f32 $3.125000000e-02, v12  }
0x1ce: {  	v27 =	vld [tilespmem:s23+$0x0];
	v13 =	vmul.f32 v13, v10;
	v25 =	vadd.f32 v9, v7;
	v9 =	vadd.f32 $9.999999740e-06, v18  }
0x1cf: {  	v29 =	vld [tilespmem:s23+$0xFFFFFFE0];
	v18 =	vadd.f32 v23, v24;
	v23 =	vmul.f32 v8, v11;
	v24 =	vmul.f32 v12, v12  }
0x1d0: {  	v32 =	vld [tilespmem:s23+$0xFFFFFFD0];
	v8 =	vsub.f32 v22, v12;
	v30 =	vshra.s32 v9, $0x1;
	v31 =	vmul.f32 $5.000000000e-01, v9  }
0x1d1: {  	v18 =	vmul.f32 $3.125000000e-02, v18;
	v9 =	vsub.f32 v20, v12;
	v20 =	vld [tilespmem:s14+$0xFFFFFFF0];
	v30 =	vsub.s32 $0x5F3759DF, v30  }
0x1d2: {  	v22 =	vld [tilespmem:s14+$0xFFFFFFE0];
	v23 =	vsub.f32 $1.500000000e+00, v23;
	v12 =	vadd.f32 v15, v17;
	v15 =	vmul.f32 v30, v31  }
0x1d3: {  	v33 =	vsub.f32 v21, v19;
	v10 =	vadd.f32 v55, v27;
	v27 =	vmul.f32 v13, v4  }
0x1d4: {  	v17 =	vsub.f32 v18, v24;
	v18 =	vmul.f32 v23, v11;
	v15 =	vmul.f32 v30, v15  }
0x1d5: {  	v21 =	vadd.f32 v10, v12;
	v23 =	vmul.f32 v12, v12;
	v24 =	vmul.f32 v10, v10  }
0x1d6: {  	v13 =	vmul.f32 v18, v26;
	v11 =	vadd.f32 v20, v29;
	v20 =	vsub.f32 $1.500000000e+00, v15  }
0x1d7: {  	v14 =	vmul.f32 v18, v14;
	v15 =	vadd.f32 v22, v32;
	v22 =	vadd.f32 v24, v23  }
0x1d8: {  	v17 =	vadd.f32 $9.999999740e-06, v17;
	v18 =	vperm.xlane v21, v0;
	v20 =	vmul.f32 v30, v20  }
0x1d9: {  	v26 =	vmul.f32 v11, v11;
	v23 =	vadd.f32 v11, v15;
	v24 =	vperm.xlane v22, v0  }
0x1da: {  	v18 =	vadd.f32 v21, v18;
	v21 =	vmul.f32 v15, v15;
	v56 =	vmul.f32 v20, v31  }
0x1db: {  	v57 =	vperm.xlane v23, v0;
	v22 =	vadd.f32 v22, v24;
	v24 =	vshra.s32 v17, $0x1  }
0x1dc: {  	v21 =	vadd.f32 v26, v21;
	v26 =	vperm.xlane v18, v1;
	v17 =	vmul.f32 $5.000000000e-01, v17  }
0x1dd: {  	v28 =	vmul.f32 v56, v20;
	v58 =	vperm.xlane v22, v1  }
0x1de: {  	v23 =	vadd.f32 v23, v57;
	v18 =	vadd.f32 v26, v18;
	v26 =	vperm.xlane v21, v0  }
0x1df: {  	v24 =	vsub.s32 $0x5F3759DF, v24;
	v28 =	vsub.f32 $1.500000000e+00, v28;
	v22 =	vadd.f32 v58, v22  }
0x1e0: {  	v59 =	vperm.xlane v23, v1;
	v21 =	vadd.f32 v21, v26;
	v26 =	vperm.xlane v18, v2  }
0x1e1: {  	v16 =	vsub.f32 v16, v19;
	v60 =	vmul.f32 v24, v17;
	v20 =	vmul.f32 v28, v20  }
0x1e2: {  	v19 =	vadd.f32 v59, v23;
	v18 =	vadd.f32 v26, v18;
	v23 =	vperm.xlane v22, v2  }
0x1e3: {  	v26 =	vadd.f32 v27, v6;
	v27 =	vperm.xlane v21, v1;
	v16 =	vmul.f32 v20, v16  }
0x1e4: {  	s25 =	simm.s32 $0x0;
	v29 =	vperm.xlane v19, v2;
	v22 =	vadd.f32 v23, v22;
	v23 =	vperm.xlane v18, v3  }
0x1e5: {  	s28 =	simm.s32 $0x60;
	s16 =	sand.u32 $0x1F80, s25;
	s22 =	simm.s32 $0x20;
	v21 =	vadd.f32 v27, v21;
	v27 =	vmul.f32 v24, v60;
	v16 =	vmul.f32 v16, v5  }
0x1e6: {  	s19 =	simm.s32 $0x40;
	s22 =	sand.u32 $0x60, s22;
	s20 =	sadd.s32 $0x15E00, s16;
	v61 =	vadd.f32 v29, v19;
	v18 =	vadd.f32 v23, v18;
	v19 =	vperm.xlane v22, v3  }
0x1e7: {  	s17 =	sand.u32 $0x40, s25;
	s30 =	sand.u32 $0x1F80, s19;
	s22 =	sor.u32 s22, s20;
	v23 =	vperm.xlane v21, v2;
	v27 =	vsub.f32 $1.500000000e+00, v27;
	v62 =	vadd.f32 v16, v7  }
0x1e8: {  	s18 =	sor.u32 $0x2, s12;
	s30 =	sadd.s32 $0x15E00, s30;
	s16 =	sand.u32 $0x60, s28;
	[tilespmem:s22+$0x10] =	vst v25;
	v25 =	vperm.xlane v61, v3;
	v63 =	vadd.f32 v19, v22;
	v16 =	vmul.f32 $3.125000000e-02, v18  }
0x1e9: {  	s25 =	sor.u32 s16, s30;
	s23 =	sor.u32 s17, s20;
	s20 =	sand.u32 $0x40, s19;
	[tilespmem:s22+$0x0] =	vst v26;
	v20 =	vmul.f32 v20, v33;
	v21 =	vadd.f32 v23, v21;
	v19 =	vmul.f32 v24, v27  }
0x1ea: {  	s17 =	simm.s32 $0x4;
	s28 =	sor.u32 s20, s30;
	s22 =	simm.s32 $0x96F0;
	[tilespmem:s25+$0x10] =	vst v62;
	v22 =	vadd.f32 v25, v61;
	v23 =	vmul.f32 $3.125000000e-02, v63;
	v24 =	vmul.f32 v16, v16  }
.LBB2_7:
0x1eb: {  	v25 =	vld [tilespmem:s22+$0xFFFFFFF0];
	v26 =	vperm.xlane v21, v3;
	v18 =	vsub.f32 v12, v16;
	v12 =	vmul.f32 v19, v17  }
0x1ec: {  	s14 =	sadd.s32 $0x40, s14;
	v13 =	vmul.f32 v13, v4;
	v17 =	vld [tilespmem:s22+$0x0];
	v22 =	vmul.f32 $3.125000000e-02, v22;
	v23 =	vsub.f32 v23, v24  }
0x1ed: {  	v14 =	vmul.f32 v14, v5;
	v24 =	vld [tilespmem:s14+$0x0];
	v21 =	vadd.f32 v26, v21;
	v12 =	vmul.f32 v12, v19  }
0x1ee: {  	s17 =	sadd.s32 $0x2, s17;
	v26 =	vld [tilespmem:s14+$0x10];
	v27 =	vmul.f32 v22, v22;
	v15 =	vsub.f32 v15, v22;
	v23 =	vadd.f32 $9.999999740e-06, v23  }
0x1ef: {  	p0 =	slt.u32 s17, $0xC6;
	v11 =	vsub.f32 v11, v22;
	v28 =	vld [tilespmem:s22+$0xFFFFFFE0];
	v21 =	vmul.f32 $3.125000000e-02, v21;
	v12 =	vsub.f32 $1.500000000e+00, v12  }
0x1f0: {  	v20 =	vmul.f32 v20, v4;
	v22 =	vld [tilespmem:s14+$0xFFFFFFE0];
	v29 =	vshra.s32 v23, $0x1;
	v23 =	vmul.f32 $5.000000000e-01, v23  }
0x1f1: {  	v30 =	vld [tilespmem:s14+$0xFFFFFFF0];
	v21 =	vsub.f32 v21, v27;
	v27 =	vsub.s32 $0x5F3759DF, v29;
	v19 =	vmul.f32 v12, v19  }
0x1f2: {  	v32 =	vadd.f32 v13, v6;
	v33 =	vadd.f32 v14, v7;
	v29 =	vld [tilespmem:s22+$0xFFFFFFD0];
	v31 =	vmul.f32 v27, v23  }
0x1f3: {  	v12 =	vadd.f32 v24, v25;
	v24 =	vadd.f32 v26, v17;
	v13 =	vmul.f32 v19, v8;
	v8 =	vmovc v15  }
0x1f4: {  	v17 =	vadd.f32 $9.999999740e-06, v21;
	v14 =	vmul.f32 v19, v9;
	v9 =	vmovc v11;
	v15 =	vmul.f32 v27, v31;
	[tilespmem:s23+$0x0] =	vst v32  }
0x1f5: {  	v21 =	vmul.f32 v12, v12;
	v19 =	vadd.f32 v24, v12;
	v25 =	vmul.f32 v24, v24;
	[tilespmem:s23+$0x10] =	vst v33;
	s23 =	smov.u32 s28  }
0x1f6: {  	v26 =	vshra.s32 v17, $0x1;
	v11 =	vadd.f32 v30, v28;
	v28 =	vsub.f32 $1.500000000e+00, v15  }
0x1f7: {  	v15 =	vadd.f32 v22, v29;
	v21 =	vadd.f32 v25, v21;
	v22 =	vperm.xlane v19, v0  }
0x1f8: {  	v26 =	vsub.s32 $0x5F3759DF, v26;
	v25 =	vmul.f32 v11, v11;
	v27 =	vmul.f32 v27, v28  }
0x1f9: {  	v28 =	vadd.f32 v11, v15;
	v19 =	vadd.f32 v19, v22;
	v22 =	vperm.xlane v21, v0  }
0x1fa: {  	v20 =	vadd.f32 v20, v6;
	v29 =	vmul.f32 v15, v15;
	v23 =	vmul.f32 v27, v23  }
0x1fb: {  	v30 =	vperm.xlane v28, v0;
	v21 =	vadd.f32 v21, v22;
	v22 =	vperm.xlane v19, v1  }
0x1fc: {  	v17 =	vmul.f32 $5.000000000e-01, v17;
	v25 =	vadd.f32 v25, v29;
	v23 =	vmul.f32 v23, v27;
	[tilespmem:s25+$0x0] =	vst v20  }
0x1fd: {  	v20 =	vadd.f32 v28, v30;
	v19 =	vadd.f32 v22, v19;
	v22 =	vperm.xlane v21, v1  }
0x1fe: {  	v29 =	vmul.f32 v26, v17;
	v28 =	vperm.xlane v25, v0;
	v23 =	vsub.f32 $1.500000000e+00, v23  }
0x1ff: {  	v30 =	vperm.xlane v20, v1;
	v21 =	vadd.f32 v22, v21;
	v22 =	vperm.xlane v19, v2  }
0x200: {  	v16 =	vsub.f32 v10, v16;
	v10 =	vmovc v24;
	v25 =	vadd.f32 v25, v28;
	v23 =	vmul.f32 v23, v27  }
0x201: {  	v20 =	vadd.f32 v30, v20;
	v19 =	vadd.f32 v22, v19;
	v22 =	vperm.xlane v21, v2  }
0x202: {  	v24 =	vperm.xlane v25, v1;
	v16 =	vmul.f32 v23, v16  }
0x203: {  	s19 =	sadd.s32 $0x40, s19;
	v27 =	vperm.xlane v20, v2;
	v21 =	vadd.f32 v22, v21;
	v22 =	vperm.xlane v19, v3  }
0x204: {  	s30 =	sadd.s32 $0x20, s19;
	v24 =	vadd.f32 v24, v25;
	v25 =	vmul.f32 v26, v29;
	v16 =	vmul.f32 v16, v5  }
.Ltmp4:
0x205: {  	s28 =	sand.u32 $0x1F80, s19;
	s25 =	sand.u32 $0x40, s19;
	v27 =	vadd.f32 v27, v20;
	v19 =	vadd.f32 v22, v19;
	v20 =	vperm.xlane v21, v3;
	(pc) =	sbr.rel @p0 .LBB2_7-.Ltmp4, $4  }
0x206: {  	s30 =	sand.u32 $0x60, s30;
	s16 =	sadd.s32 $0x15E00, s28;
	v22 =	vperm.xlane v24, v2;
	v25 =	vsub.f32 $1.500000000e+00, v25;
	v28 =	vadd.f32 v16, v7  }
0x207: {  	s28 =	sor.u32 s25, s16;
	s25 =	sor.u32 s30, s16;
	v29 =	vperm.xlane v27, v3;
	v30 =	vadd.f32 v20, v21;
	v16 =	vmul.f32 $3.125000000e-02, v19  }
0x208: {  	v21 =	vadd.f32 v22, v24;
	v19 =	vmul.f32 v26, v25;
	v20 =	vmul.f32 v23, v18;
	[tilespmem:s25+$0x10] =	vst v28  }
0x209: {  	s22 =	sadd.s32 $0x40, s22;
	v22 =	vadd.f32 v29, v27;
	v23 =	vmul.f32 $3.125000000e-02, v30;
	v24 =	vmul.f32 v16, v16  }
0x20a: {  	v18 =	vperm.xlane v21, v3;
	_ =	sdelay $0x1  }
0x20b: {  	v22 =	vmul.f32 $3.125000000e-02, v22;
	v23 =	vsub.f32 v23, v24;
	v18 =	vadd.f32 v18, v21;
	_ =	sdelay $0x1  }
0x20c: {  	v21 =	vmul.f32 v22, v22;
	v23 =	vadd.f32 $9.999999740e-06, v23;
	v18 =	vmul.f32 $3.125000000e-02, v18;
	_ =	sdelay $0x1  }
0x20d: {  	v24 =	vshra.s32 v23, $0x1;
	v23 =	vmul.f32 $5.000000000e-01, v23;
	v18 =	vsub.f32 v18, v21  }
0x20e: {  	v21 =	vsub.s32 $0x5F3759DF, v24  }
0x20f: {  	v24 =	vmul.f32 v21, v23;
	v18 =	vadd.f32 $9.999999740e-06, v18;
	_ =	sdelay $0x1  }
0x210: {  	v24 =	vmul.f32 v21, v24;
	v25 =	vshra.s32 v18, $0x1;
	v18 =	vmul.f32 $5.000000000e-01, v18  }
0x211: {  	v25 =	vsub.s32 $0x5F3759DF, v25  }
0x212: {  	v24 =	vsub.f32 $1.500000000e+00, v24;
	v26 =	vmul.f32 v25, v18;
	_ =	sdelay $0x1  }
0x213: {  	v21 =	vmul.f32 v21, v24;
	v24 =	vmul.f32 v25, v26  }
0x214: {  	v17 =	vmul.f32 v19, v17  }
0x215: {  	v23 =	vmul.f32 v21, v23;
	v24 =	vsub.f32 $1.500000000e+00, v24  }
0x216: {  	v17 =	vmul.f32 v17, v19  }
0x217: {  	v23 =	vmul.f32 v23, v21;
	v24 =	vmul.f32 v25, v24  }
0x218: {  	v17 =	vsub.f32 $1.500000000e+00, v17  }
0x219: {  	v13 =	vmul.f32 v13, v4;
	v23 =	vsub.f32 $1.500000000e+00, v23;
	v18 =	vmul.f32 v24, v18  }
0x21a: {  	v12 =	vsub.f32 v12, v16;
	v14 =	vmul.f32 v14, v5;
	v17 =	vmul.f32 v17, v19  }
0x21b: {  	v10 =	vsub.f32 v10, v16;
	v21 =	vmul.f32 v23, v21;
	v16 =	vmul.f32 v18, v24  }
0x21c: {  	v13 =	vadd.f32 v13, v6;
	v8 =	vmul.f32 v17, v8  }
0x21d: {  	v14 =	vadd.f32 v14, v7;
	v10 =	vmul.f32 v21, v10;
	v16 =	vsub.f32 $1.500000000e+00, v16  }
0x21e: {  	v15 =	vsub.f32 v15, v22;
	v9 =	vmul.f32 v17, v9;
	v8 =	vmul.f32 v8, v4  }
0x21f: {  	s14 =	sadd.s32 $0x40, s19;
	v11 =	vsub.f32 v11, v22;
	v10 =	vmul.f32 v10, v5;
	v16 =	vmul.f32 v16, v24  }
0x220: {  	s16 =	sand.u32 $0x1F80, s14;
	s17 =	sadd.s32 $0x20, s14;
	[tilespmem:s23+$0x0] =	vst v13;
	v9 =	vmul.f32 v9, v5;
	v8 =	vadd.f32 v8, v6;
	v12 =	vmul.f32 v21, v12  }
0x221: {  	s16 =	sadd.s32 $0x15E00, s16;
	s17 =	sand.u32 $0x60, s17;
	[tilespmem:s23+$0x10] =	vst v14;
	v18 =	vmul.f32 v20, v4;
	v10 =	vadd.f32 v10, v7;
	v14 =	vmul.f32 v16, v15  }
0x222: {  	s17 =	sor.u32 s17, s16;
	v9 =	vadd.f32 v9, v7;
	[tilespmem:s28+$0x0] =	vst v8;
	v12 =	vmul.f32 v12, v4;
	v11 =	vmul.f32 v16, v11  }
0x223: {  	v13 =	vadd.f32 v18, v6;
	[tilespmem:s17+$0x10] =	vst v10;
	v10 =	vmul.f32 v14, v4  }
0x224: {  	s18 =	sadd.s32 s5, s18;
	[tilespmem:s28+$0x10] =	vst v9;
	v8 =	vadd.f32 v12, v6;
	v11 =	vmul.f32 v11, v5  }
0x225: {  	p0 =	seq.s32 s21, $0xF;
	s14 =	sand.u32 $0x40, s14;
	s19 =	smul.u32 $0x320, s18;
	[tilespmem:s25+$0x0] =	vst v13;
	v9 =	vadd.f32 v10, v6  }
0x226: {  	s14 =	sor.u32 s14, s16;
	s16 =	smul.u32 @!p0 $0x1900, s21;
	[tilespmem:s17+$0x0] =	vst v8;
	v8 =	vadd.f32 v11, v7  }
0x227: {  	[tilespmem:s14+$0x0] =	vst v9  }
0x228: {  	s22 =	simm.s32 $0x15E00;
	s20 =	sadd.s32 s4, s19;
	[tilespmem:s14+$0x10] =	vst v8;
	s14 =	sshra.s32 @!p0 s16, $0x2  }
0x229: {  	[hbm4b:s20+s6] =	stream.linear.scatter [tilespmem:s22], [sflag:$0xB], $0x1900, $0x38;
	[tilespmem:$0x1A940] =	vst v63  }
0x22a: {  	s18 =	simm.s32 @!p0 $0x6400;
	s17 =	simm.s32 @!p0 $0x80;
	s16 =	sadd.s32 @!p0 $0x640, s14  }
0x22b: {  	[tilespmem:s18], [sflag:$0x1] =	stream.indirect.gather @!p0 [hbm4b:s7+s17], $0x20, s16, s17, $0xb8;
	[tilespmem:$0x1A940] =	vst v63  }
0x22c: {  	s16 =	sadd.s32 @!p0 $0x6C0, s14;
	s17 =	simm.s32 @!p0 $0x48;
	s18 =	simm.s32 @!p0 $0x7400  }
0x22d: {  	[tilespmem:s18], [sflag:$0x1] =	stream.indirect.gather @!p0 [hbm4b:s7+s17], $0x20, s16, s17, $0xb8;
	[tilespmem:$0x1A940] =	vst v63  }
0x22e: {  	_ =	swait.ge [sflag:s29], $0x1900  }
0x22f: {  	[sflag:s29] =	ssyncset.done $0x0  }
0x230: {  	s16 =	simm.s32 @!p1 $0xC;
	[sflag:s29] =	ssyncadd.s32 $0xFFFFE700  }
0x231: {  	_ =	swait.ge @!p1 [sflag:s16], $0x1900  }
0x232: {  	[sflag:s16] =	ssyncset.done @!p1 $0x0  }
0x233: {  	s23 =	simm.s32 $0xAF00;
	[sflag:s16] =	ssyncadd.s32 @!p1 $0xFFFFE700  }
0x234: {  	v8 =	vld [tilespmem:s23+$0x20]  }
0x235: {  	s25 =	simm.s32 $0x19020;
	v9 =	vld [tilespmem:s23+$0x30]  }
0x236: {  	v10 =	vld [tilespmem:s25+$0x0]  }
0x237: {  	v11 =	vld [tilespmem:s25+$0x10];
	_ =	sdelay $0x1  }
0x238: {  	v12 =	vld [tilespmem:s23+$0x0]  }
0x239: {  	v13 =	vld [tilespmem:s23+$0x10]  }
0x23a: {  	v14 =	vld [tilespmem:s25+$0xFFFFFFE0]  }
0x23b: {  	v15 =	vld [tilespmem:s25+$0xFFFFFFF0];
	v10 =	vadd.f32 v10, v8;
	v9 =	vadd.f32 v11, v9;
	_ =	sdelay $0x1  }
0x23c: {  	v11 =	vadd.f32 v9, v10;
	v8 =	vmul.f32 v10, v10;
	v16 =	vmul.f32 v9, v9;
	_ =	sdelay $0x1  }
0x23d: {  	v16 =	vadd.f32 v16, v8;
	v17 =	vperm.xlane v11, v0  }
0x23e: {  	v12 =	vadd.f32 v14, v12;
	v8 =	vadd.f32 v15, v13  }
0x23f: {  	v11 =	vadd.f32 v11, v17;
	v13 =	vperm.xlane v16, v0  }
0x240: {  	v15 =	vmul.f32 v12, v12;
	v14 =	vadd.f32 v8, v12;
	v17 =	vmul.f32 v8, v8  }
0x241: {  	v13 =	vadd.f32 v16, v13;
	v16 =	vperm.xlane v11, v1  }
0x242: {  	v18 =	vperm.xlane v14, v0;
	v15 =	vadd.f32 v17, v15  }
0x243: {  	v11 =	vadd.f32 v16, v11;
	v16 =	vperm.xlane v13, v1  }
0x244: {  	v14 =	vadd.f32 v14, v18;
	v17 =	vperm.xlane v15, v0  }
0x245: {  	v13 =	vadd.f32 v16, v13;
	v16 =	vperm.xlane v11, v2  }
0x246: {  	v18 =	vperm.xlane v14, v1;
	v15 =	vadd.f32 v15, v17  }
0x247: {  	v11 =	vadd.f32 v16, v11;
	v16 =	vperm.xlane v13, v2  }
0x248: {  	v14 =	vadd.f32 v18, v14;
	v17 =	vperm.xlane v15, v1  }
0x249: {  	s17 =	simm.s32 $0xAF40;
	v13 =	vadd.f32 v16, v13;
	v16 =	vperm.xlane v11, v3  }
0x24a: {  	s18 =	simm.s32 $0x19060;
	v19 =	vld [tilespmem:s17+$0x30];
	v18 =	vperm.xlane v14, v2;
	v15 =	vadd.f32 v17, v15  }
0x24b: {  	v21 =	vld [tilespmem:s18+$0x0];
	v11 =	vadd.f32 v16, v11;
	v16 =	vperm.xlane v13, v3  }
0x24c: {  	v22 =	vld [tilespmem:s17+$0x10];
	v14 =	vadd.f32 v18, v14;
	v17 =	vperm.xlane v15, v2  }
0x24d: {  	v13 =	vadd.f32 v16, v13;
	v11 =	vmul.f32 $3.125000000e-02, v11;
	v16 =	vld [tilespmem:s17+$0x20]  }
0x24e: {  	v18 =	vperm.xlane v14, v3;
	v15 =	vadd.f32 v17, v15;
	v17 =	vld [tilespmem:s18+$0x10]  }
0x24f: {  	v25 =	vld [tilespmem:s18+$0xFFFFFFF0];
	v13 =	vmul.f32 $3.125000000e-02, v13;
	v20 =	vmul.f32 v11, v11  }
0x250: {  	v14 =	vadd.f32 v18, v14;
	v18 =	vperm.xlane v15, v3  }
0x251: {  	v13 =	vsub.f32 v13, v20  }
0x252: {  	v23 =	vld [tilespmem:s18+$0xFFFFFFE0];
	v14 =	vmul.f32 $3.125000000e-02, v14;
	v15 =	vadd.f32 v18, v15;
	v21 =	vadd.f32 v21, v16  }
0x253: {  	v20 =	vld [tilespmem:s17+$0x0];
	v16 =	vadd.f32 v17, v19;
	v13 =	vadd.f32 $9.999999740e-06, v13  }
0x254: {  	v22 =	vadd.f32 v25, v22;
	v18 =	vmul.f32 v14, v14;
	v15 =	vmul.f32 $3.125000000e-02, v15  }
0x255: {  	v19 =	vadd.f32 v16, v21;
	v24 =	vshra.s32 v13, $0x1;
	v13 =	vmul.f32 $5.000000000e-01, v13  }
0x256: {  	v26 =	vmul.f32 v16, v16;
	v17 =	vsub.s32 $0x5F3759DF, v24;
	v24 =	vmul.f32 v21, v21  }
0x257: {  	v10 =	vsub.f32 v10, v11;
	v15 =	vsub.f32 v15, v18;
	v27 =	vmul.f32 v17, v13  }
0x258: {  	v20 =	vadd.f32 v23, v20;
	v18 =	vadd.f32 v26, v24;
	v24 =	vperm.xlane v19, v0  }
0x259: {  	v9 =	vsub.f32 v9, v11;
	v15 =	vadd.f32 $9.999999740e-06, v15;
	v26 =	vmul.f32 v17, v27  }
0x25a: {  	v25 =	vmul.f32 v20, v20;
	v19 =	vadd.f32 v19, v24;
	v23 =	vperm.xlane v18, v0  }
0x25b: {  	v27 =	vmul.f32 v22, v22;
	v24 =	vsub.f32 $1.500000000e+00, v26;
	v26 =	vadd.f32 v22, v20  }
0x25c: {  	v28 =	vshra.s32 v15, $0x1;
	v18 =	vadd.f32 v18, v23;
	v23 =	vperm.xlane v19, v1  }
0x25d: {  	v25 =	vadd.f32 v27, v25;
	v17 =	vmul.f32 v17, v24;
	v24 =	vperm.xlane v26, v0  }
0x25e: {  	v15 =	vmul.f32 $5.000000000e-01, v15;
	v19 =	vadd.f32 v23, v19;
	v23 =	vperm.xlane v18, v1  }
0x25f: {  	v13 =	vmul.f32 v17, v13;
	v24 =	vadd.f32 v26, v24;
	v26 =	vperm.xlane v25, v0  }
0x260: {  	v27 =	vsub.s32 $0x5F3759DF, v28;
	v18 =	vadd.f32 v23, v18;
	v23 =	vperm.xlane v19, v2  }
0x261: {  	v13 =	vmul.f32 v13, v17;
	v53 =	vperm.xlane v24, v1;
	v25 =	vadd.f32 v25, v26  }
0x262: {  	v26 =	vmul.f32 v27, v15;
	v19 =	vadd.f32 v23, v19;
	v23 =	vperm.xlane v18, v2  }
0x263: {  	v13 =	vsub.f32 $1.500000000e+00, v13;
	v24 =	vadd.f32 v53, v24;
	v54 =	vperm.xlane v25, v1  }
0x264: {  	v11 =	vmul.f32 v27, v26;
	v18 =	vadd.f32 v23, v18;
	v23 =	vperm.xlane v19, v3  }
0x265: {  	v13 =	vmul.f32 v13, v17;
	v17 =	vperm.xlane v24, v2;
	v25 =	vadd.f32 v54, v25  }
0x266: {  	v19 =	vadd.f32 v23, v19;
	v23 =	vperm.xlane v18, v3  }
0x267: {  	v11 =	vsub.f32 $1.500000000e+00, v11;
	v17 =	vadd.f32 v17, v24;
	v24 =	vperm.xlane v25, v2  }
0x268: {  	v9 =	vmul.f32 v13, v9;
	v18 =	vadd.f32 v23, v18;
	v19 =	vmul.f32 $3.125000000e-02, v19  }
0x269: {  	s19 =	simm.s32 $0xAF80;
	v26 =	vsub.f32 v12, v14;
	v12 =	vmul.f32 v27, v11;
	v23 =	vperm.xlane v17, v3  }
0x26a: {  	v27 =	vld [tilespmem:s19+$0x30];
	v24 =	vadd.f32 v24, v25;
	v18 =	vmul.f32 $3.125000000e-02, v18;
	v25 =	vmul.f32 v19, v19  }
0x26b: {  	s18 =	simm.s32 $0x190A0;
	v9 =	vmul.f32 v9, v5;
	v11 =	vadd.f32 v23, v17;
	v17 =	vld [tilespmem:s19+$0x20]  }
0x26c: {  	v23 =	vperm.xlane v24, v3;
	v18 =	vsub.f32 v18, v25;
	v25 =	vsub.f32 v8, v14;
	v14 =	vld [tilespmem:s18+$0x0]  }
0x26d: {  	v55 =	vadd.f32 v9, v7;
	v8 =	vmul.f32 v12, v15;
	v15 =	vld [tilespmem:s18+$0x10];
	v11 =	vmul.f32 $3.125000000e-02, v11  }
0x26e: {  	v29 =	vld [tilespmem:s19+$0x0];
	v13 =	vmul.f32 v13, v10;
	v9 =	vadd.f32 $9.999999740e-06, v18;
	v18 =	vadd.f32 v23, v24  }
0x26f: {  	v32 =	vld [tilespmem:s18+$0xFFFFFFF0];
	v23 =	vmul.f32 v8, v12;
	v24 =	vmul.f32 v11, v11;
	v8 =	vsub.f32 v20, v11  }
0x270: {  	v20 =	vld [tilespmem:s19+$0x10];
	v30 =	vshra.s32 v9, $0x1;
	v31 =	vmul.f32 $5.000000000e-01, v9;
	v18 =	vmul.f32 $3.125000000e-02, v18  }
0x271: {  	v9 =	vsub.f32 v22, v11;
	v22 =	vld [tilespmem:s18+$0xFFFFFFE0];
	v23 =	vsub.f32 $1.500000000e+00, v23;
	v30 =	vsub.s32 $0x5F3759DF, v30  }
0x272: {  	v11 =	vadd.f32 v14, v17;
	v10 =	vadd.f32 v15, v27;
	v14 =	vmul.f32 v30, v31  }
0x273: {  	v15 =	vsub.f32 v18, v24;
	v17 =	vmul.f32 v23, v12;
	v24 =	vmul.f32 v13, v4  }
0x274: {  	v33 =	vsub.f32 v21, v19;
	v21 =	vmul.f32 v11, v11;
	v23 =	vmul.f32 v10, v10  }
0x275: {  	v18 =	vadd.f32 v10, v11;
	v14 =	vmul.f32 v30, v14;
	v13 =	vadd.f32 v32, v20  }
0x276: {  	v12 =	vadd.f32 v22, v29;
	v20 =	vadd.f32 v23, v21  }
0x277: {  	v21 =	vadd.f32 $9.999999740e-06, v15;
	v15 =	vmul.f32 v17, v25;
	v22 =	vsub.f32 $1.500000000e+00, v14  }
0x278: {  	v14 =	vmul.f32 v17, v26;
	v17 =	vperm.xlane v18, v0  }
0x279: {  	v23 =	vadd.f32 v13, v12;
	v25 =	vperm.xlane v20, v0;
	v22 =	vmul.f32 v30, v22  }
0x27a: {  	v26 =	vmul.f32 v12, v12;
	v17 =	vadd.f32 v18, v17;
	v18 =	vmul.f32 v13, v13  }
0x27b: {  	v56 =	vperm.xlane v23, v0;
	v20 =	vadd.f32 v20, v25;
	v27 =	vmul.f32 v22, v31  }
0x27c: {  	v25 =	vshra.s32 v21, $0x1;
	v18 =	vadd.f32 v18, v26;
	v26 =	vperm.xlane v17, v1  }
0x27d: {  	v16 =	vsub.f32 v16, v19;
	v25 =	vsub.s32 $0x5F3759DF, v25;
	v27 =	vmul.f32 v27, v22  }
0x27e: {  	v23 =	vadd.f32 v23, v56;
	v57 =	vperm.xlane v20, v1;
	v26 =	vadd.f32 v26, v17  }
0x27f: {  	v58 =	vperm.xlane v18, v0;
	v17 =	vmul.f32 $5.000000000e-01, v21;
	v21 =	vsub.f32 $1.500000000e+00, v27  }
0x280: {  	v20 =	vadd.f32 v57, v20;
	v27 =	vperm.xlane v23, v1;
	v59 =	vperm.xlane v26, v2  }
0x281: {  	v18 =	vadd.f32 v18, v58;
	v22 =	vmul.f32 v21, v22;
	v21 =	vmul.f32 v25, v17  }
0x282: {  	v19 =	vadd.f32 v27, v23;
	v23 =	vadd.f32 v59, v26;
	v26 =	vperm.xlane v20, v2  }
0x283: {  	v24 =	vadd.f32 v24, v6;
	v27 =	vperm.xlane v18, v1;
	v16 =	vmul.f32 v22, v16  }
0x284: {  	s20 =	simm.s32 $0x0;
	v60 =	vperm.xlane v19, v2;
	v20 =	vadd.f32 v26, v20;
	v26 =	vperm.xlane v23, v3  }
0x285: {  	s22 =	simm.s32 $0x20;
	s16 =	sand.u32 $0x1F80, s20;
	s23 =	sand.u32 $0x40, s20;
	v18 =	vadd.f32 v27, v18;
	v21 =	vmul.f32 v25, v21;
	v16 =	vmul.f32 v16, v5  }
0x286: {  	s16 =	sadd.s32 $0x17700, s16;
	s17 =	sand.u32 $0x60, s22;
	s22 =	simm.s32 $0x40;
	v27 =	vadd.f32 v60, v19;
	v19 =	vadd.f32 v26, v23;
	v23 =	vperm.xlane v20, v3  }
0x287: {  	s25 =	simm.s32 $0x60;
	s17 =	sor.u32 s17, s16;
	s28 =	sand.u32 $0x1F80, s22;
	v26 =	vperm.xlane v18, v2;
	v61 =	vsub.f32 $1.500000000e+00, v21;
	v62 =	vadd.f32 v16, v7  }
0x288: {  	s23 =	sor.u32 s23, s16;
	s20 =	sadd.s32 $0x17700, s28;
	s28 =	sand.u32 $0x60, s25;
	[tilespmem:s17+$0x10] =	vst v55;
	v63 =	vperm.xlane v27, v3;
	v23 =	vadd.f32 v23, v20;
	v16 =	vmul.f32 $3.125000000e-02, v19  }
0x289: {  	s30 =	sand.u32 $0x40, s22;
	s22 =	simm.s32 $0x4;
	[tilespmem:s17+$0x0] =	vst v24;
	s17 =	sor.u32 s28, s20;
	v21 =	vadd.f32 v26, v18;
	v19 =	vmul.f32 v25, v61;
	v20 =	vmul.f32 v22, v33  }
0x28a: {  	s30 =	sor.u32 s30, s20;
	s19 =	sor.u32 $0x3, s12;
	s28 =	simm.s32 $0xAFC0;
	[tilespmem:s17+$0x10] =	vst v62;
	v22 =	vadd.f32 v63, v27;
	v23 =	vmul.f32 $3.125000000e-02, v23;
	v24 =	vmul.f32 v16, v16  }
.LBB2_9:
0x28b: {  	v25 =	vld [tilespmem:s28+$0x20];
	v26 =	vperm.xlane v21, v3;
	v18 =	vsub.f32 v11, v16;
	v11 =	vmul.f32 v19, v17  }
0x28c: {  	s18 =	sadd.s32 $0x40, s18;
	v14 =	vmul.f32 v14, v4;
	v17 =	vld [tilespmem:s28+$0x30];
	v22 =	vmul.f32 $3.125000000e-02, v22;
	v23 =	vsub.f32 v23, v24  }
0x28d: {  	v15 =	vmul.f32 v15, v5;
	v24 =	vld [tilespmem:s18+$0x0];
	v21 =	vadd.f32 v26, v21;
	v11 =	vmul.f32 v11, v19  }
0x28e: {  	s22 =	sadd.s32 $0x2, s22;
	v26 =	vld [tilespmem:s18+$0x10];
	v27 =	vmul.f32 v22, v22;
	v12 =	vsub.f32 v12, v22;
	v23 =	vadd.f32 $9.999999740e-06, v23  }
0x28f: {  	p1 =	slt.u32 s22, $0xC6;
	v13 =	vsub.f32 v13, v22;
	v28 =	vld [tilespmem:s28+$0x0];
	v21 =	vmul.f32 $3.125000000e-02, v21;
	v11 =	vsub.f32 $1.500000000e+00, v11  }
0x290: {  	v20 =	vmul.f32 v20, v4;
	v22 =	vld [tilespmem:s28+$0x10];
	v29 =	vshra.s32 v23, $0x1;
	v23 =	vmul.f32 $5.000000000e-01, v23  }
0x291: {  	v30 =	vld [tilespmem:s18+$0xFFFFFFE0];
	v21 =	vsub.f32 v21, v27;
	v27 =	vsub.s32 $0x5F3759DF, v29;
	v19 =	vmul.f32 v11, v19  }
0x292: {  	v32 =	vadd.f32 v14, v6;
	v33 =	vadd.f32 v15, v7;
	v29 =	vld [tilespmem:s18+$0xFFFFFFF0];
	v31 =	vmul.f32 v27, v23  }
0x293: {  	v11 =	vadd.f32 v24, v25;
	v24 =	vadd.f32 v26, v17;
	v14 =	vmul.f32 v19, v8;
	v8 =	vmovc v12  }
0x294: {  	v17 =	vadd.f32 $9.999999740e-06, v21;
	v15 =	vmul.f32 v19, v9;
	v9 =	vmovc v13;
	v21 =	vmul.f32 v27, v31;
	[tilespmem:s23+$0x0] =	vst v32  }
0x295: {  	v25 =	vmul.f32 v11, v11;
	v19 =	vadd.f32 v24, v11;
	v26 =	vmul.f32 v24, v24;
	[tilespmem:s23+$0x10] =	vst v33;
	s23 =	smov.u32 s30  }
0x296: {  	v12 =	vadd.f32 v30, v28;
	v28 =	vshra.s32 v17, $0x1;
	v21 =	vsub.f32 $1.500000000e+00, v21  }
0x297: {  	v13 =	vadd.f32 v29, v22;
	v22 =	vadd.f32 v26, v25;
	v25 =	vperm.xlane v19, v0  }
0x298: {  	v28 =	vsub.s32 $0x5F3759DF, v28;
	v26 =	vmul.f32 v12, v12;
	v21 =	vmul.f32 v27, v21  }
0x299: {  	v27 =	vadd.f32 v13, v12;
	v19 =	vadd.f32 v19, v25;
	v25 =	vperm.xlane v22, v0  }
0x29a: {  	v20 =	vadd.f32 v20, v6;
	v29 =	vmul.f32 v13, v13;
	v23 =	vmul.f32 v21, v23  }
0x29b: {  	v30 =	vperm.xlane v27, v0;
	v22 =	vadd.f32 v22, v25;
	v25 =	vperm.xlane v19, v1  }
0x29c: {  	v17 =	vmul.f32 $5.000000000e-01, v17;
	v26 =	vadd.f32 v29, v26;
	v23 =	vmul.f32 v23, v21;
	[tilespmem:s17+$0x0] =	vst v20  }
0x29d: {  	v20 =	vadd.f32 v27, v30;
	v19 =	vadd.f32 v25, v19;
	v25 =	vperm.xlane v22, v1  }
0x29e: {  	v29 =	vmul.f32 v28, v17;
	v27 =	vperm.xlane v26, v0;
	v23 =	vsub.f32 $1.500000000e+00, v23  }
0x29f: {  	v30 =	vperm.xlane v20, v1;
	v22 =	vadd.f32 v25, v22;
	v25 =	vperm.xlane v19, v2  }
0x2a0: {  	v16 =	vsub.f32 v10, v16;
	v10 =	vmovc v24;
	v26 =	vadd.f32 v26, v27;
	v23 =	vmul.f32 v23, v21  }
0x2a1: {  	v20 =	vadd.f32 v30, v20;
	v19 =	vadd.f32 v25, v19;
	v21 =	vperm.xlane v22, v2  }
0x2a2: {  	v24 =	vperm.xlane v26, v1;
	v16 =	vmul.f32 v23, v16  }
0x2a3: {  	s25 =	sadd.s32 $0x40, s25;
	v25 =	vperm.xlane v20, v2;
	v21 =	vadd.f32 v21, v22;
	v22 =	vperm.xlane v19, v3  }
0x2a4: {  	s16 =	sadd.s32 $0xFFFFFFE0, s25;
	v24 =	vadd.f32 v24, v26;
	v26 =	vmul.f32 v28, v29;
	v16 =	vmul.f32 v16, v5  }
.Ltmp5:
0x2a5: {  	s17 =	sand.u32 $0x40, s16;
	s16 =	sand.u32 $0x1F80, s16;
	v25 =	vadd.f32 v25, v20;
	v19 =	vadd.f32 v22, v19;
	v20 =	vperm.xlane v21, v3;
	(pc) =	sbr.rel @p1 .LBB2_9-.Ltmp5, $4  }
0x2a6: {  	s20 =	sand.u32 $0x60, s25;
	s16 =	sadd.s32 $0x17700, s16;
	v22 =	vperm.xlane v24, v2;
	v26 =	vsub.f32 $1.500000000e+00, v26;
	v27 =	vadd.f32 v16, v7  }
0x2a7: {  	s30 =	sor.u32 s17, s16;
	s17 =	sor.u32 s20, s16;
	v29 =	vperm.xlane v25, v3;
	v30 =	vadd.f32 v20, v21;
	v16 =	vmul.f32 $3.125000000e-02, v19  }
0x2a8: {  	v21 =	vadd.f32 v22, v24;
	v19 =	vmul.f32 v28, v26;
	v20 =	vmul.f32 v23, v18;
	[tilespmem:s17+$0x10] =	vst v27  }
0x2a9: {  	s28 =	sadd.s32 $0x40, s28;
	v22 =	vadd.f32 v29, v25;
	v23 =	vmul.f32 $3.125000000e-02, v30;
	v24 =	vmul.f32 v16, v16  }
0x2aa: {  	v18 =	vperm.xlane v21, v3;
	_ =	sdelay $0x1  }
0x2ab: {  	v22 =	vmul.f32 $3.125000000e-02, v22;
	v23 =	vsub.f32 v23, v24;
	v18 =	vadd.f32 v18, v21;
	_ =	sdelay $0x1  }
0x2ac: {  	v21 =	vmul.f32 v22, v22;
	v23 =	vadd.f32 $9.999999740e-06, v23;
	v18 =	vmul.f32 $3.125000000e-02, v18;
	_ =	sdelay $0x1  }
0x2ad: {  	v24 =	vshra.s32 v23, $0x1;
	v23 =	vmul.f32 $5.000000000e-01, v23;
	v18 =	vsub.f32 v18, v21  }
0x2ae: {  	v21 =	vsub.s32 $0x5F3759DF, v24  }
0x2af: {  	v24 =	vmul.f32 v21, v23;
	v18 =	vadd.f32 $9.999999740e-06, v18;
	_ =	sdelay $0x1  }
0x2b0: {  	v24 =	vmul.f32 v21, v24;
	v25 =	vshra.s32 v18, $0x1;
	v18 =	vmul.f32 $5.000000000e-01, v18  }
0x2b1: {  	v25 =	vsub.s32 $0x5F3759DF, v25  }
0x2b2: {  	v24 =	vsub.f32 $1.500000000e+00, v24;
	v26 =	vmul.f32 v25, v18;
	_ =	sdelay $0x1  }
0x2b3: {  	v21 =	vmul.f32 v21, v24;
	v24 =	vmul.f32 v25, v26  }
0x2b4: {  	v17 =	vmul.f32 v19, v17  }
0x2b5: {  	v23 =	vmul.f32 v21, v23;
	v24 =	vsub.f32 $1.500000000e+00, v24  }
0x2b6: {  	v17 =	vmul.f32 v17, v19  }
0x2b7: {  	v23 =	vmul.f32 v23, v21;
	v24 =	vmul.f32 v25, v24  }
0x2b8: {  	v17 =	vsub.f32 $1.500000000e+00, v17  }
0x2b9: {  	v14 =	vmul.f32 v14, v4;
	v23 =	vsub.f32 $1.500000000e+00, v23;
	v18 =	vmul.f32 v24, v18  }
0x2ba: {  	v11 =	vsub.f32 v11, v16;
	v15 =	vmul.f32 v15, v5;
	v17 =	vmul.f32 v17, v19  }
0x2bb: {  	v10 =	vsub.f32 v10, v16;
	v21 =	vmul.f32 v23, v21;
	v16 =	vmul.f32 v18, v24  }
0x2bc: {  	v14 =	vadd.f32 v14, v6;
	v8 =	vmul.f32 v17, v8  }
0x2bd: {  	v15 =	vadd.f32 v15, v7;
	v10 =	vmul.f32 v21, v10;
	v16 =	vsub.f32 $1.500000000e+00, v16  }
0x2be: {  	s16 =	sadd.s32 $0x40, s25;
	v12 =	vsub.f32 v12, v22;
	v9 =	vmul.f32 v17, v9;
	v8 =	vmul.f32 v8, v4  }
0x2bf: {  	s18 =	sadd.s32 $0xFFFFFFE0, s16;
	v13 =	vsub.f32 v13, v22;
	v10 =	vmul.f32 v10, v5;
	v16 =	vmul.f32 v16, v24  }
0x2c0: {  	s20 =	sand.u32 $0x1F80, s18;
	[tilespmem:s23+$0x0] =	vst v14;
	v9 =	vmul.f32 v9, v5;
	v8 =	vadd.f32 v8, v6;
	v11 =	vmul.f32 v21, v11  }
0x2c1: {  	s16 =	sand.u32 $0x60, s16;
	s20 =	sadd.s32 $0x17700, s20;
	[tilespmem:s23+$0x10] =	vst v15;
	v18 =	vmul.f32 v20, v4;
	v10 =	vadd.f32 v10, v7;
	v12 =	vmul.f32 v16, v12  }
0x2c2: {  	s16 =	sor.u32 s16, s20;
	v9 =	vadd.f32 v9, v7;
	[tilespmem:s30+$0x0] =	vst v8;
	v11 =	vmul.f32 v11, v4;
	v13 =	vmul.f32 v16, v13  }
0x2c3: {  	v14 =	vadd.f32 v18, v6;
	[tilespmem:s16+$0x10] =	vst v10;
	v10 =	vmul.f32 v12, v4  }
0x2c4: {  	[tilespmem:s30+$0x10] =	vst v9;
	v8 =	vadd.f32 v11, v6;
	v11 =	vmul.f32 v13, v5  }
0x2c5: {  	s19 =	sadd.s32 s5, s19;
	s18 =	sand.u32 $0x40, s18;
	[tilespmem:s17+$0x0] =	vst v14;
	v9 =	vadd.f32 v10, v6  }
0x2c6: {  	s22 =	smul.u32 $0x320, s19;
	s17 =	sor.u32 s18, s20;
	[tilespmem:s16+$0x0] =	vst v8;
	v8 =	vadd.f32 v11, v7  }
0x2c7: {  	[tilespmem:s17+$0x0] =	vst v9  }
0x2c8: {  	s23 =	simm.s32 $0x17700;
	s16 =	sadd.s32 s4, s22;
	[tilespmem:s17+$0x10] =	vst v8  }
0x2c9: {  	[hbm4b:s16+s6] =	stream.linear.scatter [tilespmem:s23], [sflag:$0xC], $0x1900, $0x38;
	[tilespmem:$0x1A940] =	vst v63  }
0x2ca: {  	s18 =	simm.s32 @!p0 $0x7D00;
	s17 =	simm.s32 @!p0 $0x80;
	s16 =	sadd.s32 @!p0 $0x708, s14  }
0x2cb: {  	[tilespmem:s18], [sflag:$0x2] =	stream.indirect.gather @!p0 [hbm4b:s7+s17], $0x20, s16, s17, $0xb8;
	[tilespmem:$0x1A940] =	vst v63  }
0x2cc: {  	s16 =	sadd.s32 @!p0 $0x788, s14;
	s17 =	simm.s32 @!p0 $0x48;
	s18 =	simm.s32 @!p0 $0x8D00  }
0x2cd: {  	[tilespmem:s18], [sflag:$0x2] =	stream.indirect.gather @!p0 [hbm4b:s7+s17], $0x20, s16, s17, $0xb8;
	[tilespmem:$0x1A940] =	vst v63  }
0x2ce: {  	_ =	swait.ge [sflag:s31], $0x1900  }
0x2cf: {  	[sflag:s31] =	ssyncset.done $0x0  }
0x2d0: {  	[sflag:s31] =	ssyncadd.s32 $0xFFFFE700  }
0x2d1: {  	_ =	swait.ge [sflag:s2], $0x1900  }
0x2d2: {  	[sflag:s2] =	ssyncset.done $0x0  }
0x2d3: {  	s25 =	simm.s32 $0xC800;
	[sflag:s2] =	ssyncadd.s32 $0xFFFFE700  }
0x2d4: {  	v8 =	vld [tilespmem:s25+$0x20]  }
0x2d5: {  	s30 =	simm.s32 $0x19020;
	v9 =	vld [tilespmem:s25+$0x30]  }
0x2d6: {  	v10 =	vld [tilespmem:s30+$0x0]  }
0x2d7: {  	v11 =	vld [tilespmem:s30+$0x10];
	_ =	sdelay $0x1  }
0x2d8: {  	v12 =	vld [tilespmem:s25+$0x0]  }
0x2d9: {  	v13 =	vld [tilespmem:s25+$0x10]  }
0x2da: {  	v14 =	vld [tilespmem:s30+$0xFFFFFFE0]  }
0x2db: {  	v15 =	vld [tilespmem:s30+$0xFFFFFFF0];
	v10 =	vadd.f32 v10, v8;
	v9 =	vadd.f32 v11, v9;
	_ =	sdelay $0x1  }
0x2dc: {  	v11 =	vadd.f32 v9, v10;
	v8 =	vmul.f32 v10, v10;
	v16 =	vmul.f32 v9, v9;
	_ =	sdelay $0x1  }
0x2dd: {  	v16 =	vadd.f32 v16, v8;
	v17 =	vperm.xlane v11, v0  }
0x2de: {  	v12 =	vadd.f32 v14, v12;
	v8 =	vadd.f32 v15, v13  }
0x2df: {  	v11 =	vadd.f32 v11, v17;
	v13 =	vperm.xlane v16, v0  }
0x2e0: {  	v15 =	vmul.f32 v12, v12;
	v14 =	vadd.f32 v8, v12;
	v17 =	vmul.f32 v8, v8  }
0x2e1: {  	v13 =	vadd.f32 v16, v13;
	v16 =	vperm.xlane v11, v1  }
0x2e2: {  	v18 =	vperm.xlane v14, v0;
	v15 =	vadd.f32 v17, v15  }
0x2e3: {  	v11 =	vadd.f32 v16, v11;
	v16 =	vperm.xlane v13, v1  }
0x2e4: {  	v14 =	vadd.f32 v14, v18;
	v17 =	vperm.xlane v15, v0  }
0x2e5: {  	v13 =	vadd.f32 v16, v13;
	v16 =	vperm.xlane v11, v2  }
0x2e6: {  	v18 =	vperm.xlane v14, v1;
	v15 =	vadd.f32 v15, v17  }
0x2e7: {  	v11 =	vadd.f32 v16, v11;
	v16 =	vperm.xlane v13, v2  }
0x2e8: {  	v14 =	vadd.f32 v18, v14;
	v17 =	vperm.xlane v15, v1  }
0x2e9: {  	s17 =	simm.s32 $0xC840;
	v13 =	vadd.f32 v16, v13;
	v16 =	vperm.xlane v11, v3  }
0x2ea: {  	s18 =	simm.s32 $0x19060;
	v19 =	vld [tilespmem:s17+$0x30];
	v18 =	vperm.xlane v14, v2;
	v15 =	vadd.f32 v17, v15  }
0x2eb: {  	v21 =	vld [tilespmem:s18+$0x0];
	v11 =	vadd.f32 v16, v11;
	v16 =	vperm.xlane v13, v3  }
0x2ec: {  	v22 =	vld [tilespmem:s17+$0x10];
	v14 =	vadd.f32 v18, v14;
	v17 =	vperm.xlane v15, v2  }
0x2ed: {  	v13 =	vadd.f32 v16, v13;
	v11 =	vmul.f32 $3.125000000e-02, v11;
	v16 =	vld [tilespmem:s17+$0x20]  }
0x2ee: {  	v18 =	vperm.xlane v14, v3;
	v15 =	vadd.f32 v17, v15;
	v17 =	vld [tilespmem:s18+$0x10]  }
0x2ef: {  	v25 =	vld [tilespmem:s18+$0xFFFFFFF0];
	v13 =	vmul.f32 $3.125000000e-02, v13;
	v20 =	vmul.f32 v11, v11  }
0x2f0: {  	v14 =	vadd.f32 v18, v14;
	v18 =	vperm.xlane v15, v3  }
0x2f1: {  	v13 =	vsub.f32 v13, v20  }
0x2f2: {  	v23 =	vld [tilespmem:s18+$0xFFFFFFE0];
	v14 =	vmul.f32 $3.125000000e-02, v14;
	v15 =	vadd.f32 v18, v15;
	v21 =	vadd.f32 v21, v16  }
0x2f3: {  	v20 =	vld [tilespmem:s17+$0x0];
	v16 =	vadd.f32 v17, v19;
	v13 =	vadd.f32 $9.999999740e-06, v13  }
0x2f4: {  	v22 =	vadd.f32 v25, v22;
	v18 =	vmul.f32 v14, v14;
	v15 =	vmul.f32 $3.125000000e-02, v15  }
0x2f5: {  	v19 =	vadd.f32 v16, v21;
	v24 =	vshra.s32 v13, $0x1;
	v13 =	vmul.f32 $5.000000000e-01, v13  }
0x2f6: {  	v26 =	vmul.f32 v16, v16;
	v17 =	vsub.s32 $0x5F3759DF, v24;
	v24 =	vmul.f32 v21, v21  }
0x2f7: {  	v10 =	vsub.f32 v10, v11;
	v15 =	vsub.f32 v15, v18;
	v27 =	vmul.f32 v17, v13  }
0x2f8: {  	v20 =	vadd.f32 v23, v20;
	v18 =	vadd.f32 v26, v24;
	v24 =	vperm.xlane v19, v0  }
0x2f9: {  	v9 =	vsub.f32 v9, v11;
	v15 =	vadd.f32 $9.999999740e-06, v15;
	v26 =	vmul.f32 v17, v27  }
0x2fa: {  	v25 =	vmul.f32 v20, v20;
	v19 =	vadd.f32 v19, v24;
	v23 =	vperm.xlane v18, v0  }
0x2fb: {  	v27 =	vmul.f32 v22, v22;
	v24 =	vsub.f32 $1.500000000e+00, v26;
	v26 =	vadd.f32 v22, v20  }
0x2fc: {  	v28 =	vshra.s32 v15, $0x1;
	v18 =	vadd.f32 v18, v23;
	v23 =	vperm.xlane v19, v1  }
0x2fd: {  	v25 =	vadd.f32 v27, v25;
	v17 =	vmul.f32 v17, v24;
	v24 =	vperm.xlane v26, v0  }
0x2fe: {  	v15 =	vmul.f32 $5.000000000e-01, v15;
	v19 =	vadd.f32 v23, v19;
	v23 =	vperm.xlane v18, v1  }
0x2ff: {  	v13 =	vmul.f32 v17, v13;
	v24 =	vadd.f32 v26, v24;
	v26 =	vperm.xlane v25, v0  }
0x300: {  	v27 =	vsub.s32 $0x5F3759DF, v28;
	v18 =	vadd.f32 v23, v18;
	v23 =	vperm.xlane v19, v2  }
0x301: {  	v13 =	vmul.f32 v13, v17;
	v53 =	vperm.xlane v24, v1;
	v25 =	vadd.f32 v25, v26  }
0x302: {  	v26 =	vmul.f32 v27, v15;
	v19 =	vadd.f32 v23, v19;
	v23 =	vperm.xlane v18, v2  }
0x303: {  	v13 =	vsub.f32 $1.500000000e+00, v13;
	v24 =	vadd.f32 v53, v24;
	v54 =	vperm.xlane v25, v1  }
0x304: {  	v11 =	vmul.f32 v27, v26;
	v18 =	vadd.f32 v23, v18;
	v23 =	vperm.xlane v19, v3  }
0x305: {  	v13 =	vmul.f32 v13, v17;
	v17 =	vperm.xlane v24, v2;
	v25 =	vadd.f32 v54, v25  }
0x306: {  	v19 =	vadd.f32 v23, v19;
	v23 =	vperm.xlane v18, v3  }
0x307: {  	v11 =	vsub.f32 $1.500000000e+00, v11;
	v17 =	vadd.f32 v17, v24;
	v24 =	vperm.xlane v25, v2  }
0x308: {  	v9 =	vmul.f32 v13, v9;
	v18 =	vadd.f32 v23, v18;
	v19 =	vmul.f32 $3.125000000e-02, v19  }
0x309: {  	s19 =	simm.s32 $0xC880;
	v26 =	vsub.f32 v12, v14;
	v12 =	vmul.f32 v27, v11;
	v23 =	vperm.xlane v17, v3  }
0x30a: {  	v27 =	vld [tilespmem:s19+$0x30];
	v24 =	vadd.f32 v24, v25;
	v18 =	vmul.f32 $3.125000000e-02, v18;
	v25 =	vmul.f32 v19, v19  }
0x30b: {  	s18 =	simm.s32 $0x190A0;
	v9 =	vmul.f32 v9, v5;
	v11 =	vadd.f32 v23, v17;
	v17 =	vld [tilespmem:s19+$0x20]  }
0x30c: {  	v23 =	vperm.xlane v24, v3;
	v18 =	vsub.f32 v18, v25;
	v25 =	vsub.f32 v8, v14;
	v14 =	vld [tilespmem:s18+$0x0]  }
0x30d: {  	v55 =	vadd.f32 v9, v7;
	v8 =	vmul.f32 v12, v15;
	v15 =	vld [tilespmem:s18+$0x10];
	v11 =	vmul.f32 $3.125000000e-02, v11  }
0x30e: {  	v29 =	vld [tilespmem:s19+$0x0];
	v13 =	vmul.f32 v13, v10;
	v9 =	vadd.f32 $9.999999740e-06, v18;
	v18 =	vadd.f32 v23, v24  }
0x30f: {  	v32 =	vld [tilespmem:s18+$0xFFFFFFF0];
	v23 =	vmul.f32 v8, v12;
	v24 =	vmul.f32 v11, v11;
	v8 =	vsub.f32 v20, v11  }
0x310: {  	v20 =	vld [tilespmem:s19+$0x10];
	v30 =	vshra.s32 v9, $0x1;
	v31 =	vmul.f32 $5.000000000e-01, v9;
	v18 =	vmul.f32 $3.125000000e-02, v18  }
0x311: {  	v9 =	vsub.f32 v22, v11;
	v22 =	vld [tilespmem:s18+$0xFFFFFFE0];
	v23 =	vsub.f32 $1.500000000e+00, v23;
	v30 =	vsub.s32 $0x5F3759DF, v30  }
0x312: {  	v11 =	vadd.f32 v14, v17;
	v10 =	vadd.f32 v15, v27;
	v14 =	vmul.f32 v30, v31  }
0x313: {  	v15 =	vsub.f32 v18, v24;
	v17 =	vmul.f32 v23, v12;
	v24 =	vmul.f32 v13, v4  }
0x314: {  	v33 =	vsub.f32 v21, v19;
	v21 =	vmul.f32 v11, v11;
	v23 =	vmul.f32 v10, v10  }
0x315: {  	v18 =	vadd.f32 v10, v11;
	v14 =	vmul.f32 v30, v14;
	v13 =	vadd.f32 v32, v20  }
0x316: {  	v12 =	vadd.f32 v22, v29;
	v20 =	vadd.f32 v23, v21  }
0x317: {  	v21 =	vadd.f32 $9.999999740e-06, v15;
	v15 =	vmul.f32 v17, v25;
	v22 =	vsub.f32 $1.500000000e+00, v14  }
0x318: {  	v14 =	vmul.f32 v17, v26;
	v17 =	vperm.xlane v18, v0  }
0x319: {  	v23 =	vadd.f32 v13, v12;
	v25 =	vperm.xlane v20, v0;
	v22 =	vmul.f32 v30, v22  }
0x31a: {  	v26 =	vmul.f32 v12, v12;
	v17 =	vadd.f32 v18, v17;
	v18 =	vmul.f32 v13, v13  }
0x31b: {  	v56 =	vperm.xlane v23, v0;
	v20 =	vadd.f32 v20, v25;
	v27 =	vmul.f32 v22, v31  }
0x31c: {  	v25 =	vshra.s32 v21, $0x1;
	v18 =	vadd.f32 v18, v26;
	v26 =	vperm.xlane v17, v1  }
0x31d: {  	v16 =	vsub.f32 v16, v19;
	v25 =	vsub.s32 $0x5F3759DF, v25;
	v27 =	vmul.f32 v27, v22  }
0x31e: {  	v23 =	vadd.f32 v23, v56;
	v57 =	vperm.xlane v20, v1;
	v26 =	vadd.f32 v26, v17  }
0x31f: {  	v58 =	vperm.xlane v18, v0;
	v17 =	vmul.f32 $5.000000000e-01, v21;
	v21 =	vsub.f32 $1.500000000e+00, v27  }
0x320: {  	v20 =	vadd.f32 v57, v20;
	v27 =	vperm.xlane v23, v1;
	v59 =	vperm.xlane v26, v2  }
0x321: {  	v18 =	vadd.f32 v18, v58;
	v22 =	vmul.f32 v21, v22;
	v21 =	vmul.f32 v25, v17  }
0x322: {  	v19 =	vadd.f32 v27, v23;
	v23 =	vadd.f32 v59, v26;
	v26 =	vperm.xlane v20, v2  }
0x323: {  	v24 =	vadd.f32 v24, v6;
	v27 =	vperm.xlane v18, v1;
	v16 =	vmul.f32 v22, v16  }
0x324: {  	s20 =	simm.s32 $0x0;
	v60 =	vperm.xlane v19, v2;
	v20 =	vadd.f32 v26, v20;
	v26 =	vperm.xlane v23, v3  }
0x325: {  	s23 =	simm.s32 $0x20;
	s25 =	sand.u32 $0x1F80, s20;
	v18 =	vadd.f32 v27, v18;
	v21 =	vmul.f32 v25, v21;
	v16 =	vmul.f32 v16, v5  }
0x326: {  	s22 =	simm.s32 $0x40;
	s30 =	sadd.s32 $0x12C00, s25;
	s17 =	sand.u32 $0x60, s23;
	v27 =	vadd.f32 v60, v19;
	v19 =	vadd.f32 v26, v23;
	v23 =	vperm.xlane v20, v3  }
0x327: {  	s25 =	sand.u32 $0x1F80, s22;
	s17 =	sor.u32 s17, s30;
	s19 =	simm.s32 $0x60;
	v26 =	vperm.xlane v18, v2;
	v61 =	vsub.f32 $1.500000000e+00, v21;
	v62 =	vadd.f32 v16, v7  }
0x328: {  	s16 =	sand.u32 $0x40, s20;
	s25 =	sadd.s32 $0x12C00, s25;
	[tilespmem:s17+$0x10] =	vst v55;
	s28 =	sand.u32 $0x60, s19;
	v63 =	vperm.xlane v27, v3;
	v23 =	vadd.f32 v23, v20;
	v16 =	vmul.f32 $3.125000000e-02, v19  }
0x329: {  	s23 =	sor.u32 s16, s30;
	s30 =	sand.u32 $0x40, s22;
	[tilespmem:s17+$0x0] =	vst v24;
	s17 =	sor.u32 s28, s25;
	v21 =	vadd.f32 v26, v18;
	v19 =	vmul.f32 v25, v61;
	v20 =	vmul.f32 v22, v33  }
0x32a: {  	s22 =	simm.s32 $0x4;
	s25 =	sor.u32 s30, s25;
	s28 =	simm.s32 $0xC8C0;
	[tilespmem:s17+$0x10] =	vst v62;
	v22 =	vadd.f32 v63, v27;
	v23 =	vmul.f32 $3.125000000e-02, v23;
	v24 =	vmul.f32 v16, v16  }
.LBB2_11:
0x32b: {  	v25 =	vld [tilespmem:s28+$0x20];
	v26 =	vperm.xlane v21, v3;
	v18 =	vsub.f32 v11, v16;
	v11 =	vmul.f32 v19, v17  }
0x32c: {  	s18 =	sadd.s32 $0x40, s18;
	v14 =	vmul.f32 v14, v4;
	v17 =	vld [tilespmem:s28+$0x30];
	v22 =	vmul.f32 $3.125000000e-02, v22;
	v23 =	vsub.f32 v23, v24  }
0x32d: {  	v15 =	vmul.f32 v15, v5;
	v24 =	vld [tilespmem:s18+$0x0];
	v21 =	vadd.f32 v26, v21;
	v11 =	vmul.f32 v11, v19  }
0x32e: {  	s22 =	sadd.s32 $0x2, s22;
	v26 =	vld [tilespmem:s18+$0x10];
	v27 =	vmul.f32 v22, v22;
	v12 =	vsub.f32 v12, v22;
	v23 =	vadd.f32 $9.999999740e-06, v23  }
0x32f: {  	p1 =	slt.u32 s22, $0xC6;
	v13 =	vsub.f32 v13, v22;
	v28 =	vld [tilespmem:s28+$0x0];
	v21 =	vmul.f32 $3.125000000e-02, v21;
	v11 =	vsub.f32 $1.500000000e+00, v11  }
0x330: {  	v20 =	vmul.f32 v20, v4;
	v22 =	vld [tilespmem:s28+$0x10];
	v29 =	vshra.s32 v23, $0x1;
	v23 =	vmul.f32 $5.000000000e-01, v23  }
0x331: {  	v30 =	vld [tilespmem:s18+$0xFFFFFFE0];
	v21 =	vsub.f32 v21, v27;
	v27 =	vsub.s32 $0x5F3759DF, v29;
	v19 =	vmul.f32 v11, v19  }
0x332: {  	v32 =	vadd.f32 v14, v6;
	v33 =	vadd.f32 v15, v7;
	v29 =	vld [tilespmem:s18+$0xFFFFFFF0];
	v31 =	vmul.f32 v27, v23  }
0x333: {  	v11 =	vadd.f32 v24, v25;
	v24 =	vadd.f32 v26, v17;
	v14 =	vmul.f32 v19, v8;
	v8 =	vmovc v12  }
0x334: {  	v17 =	vadd.f32 $9.999999740e-06, v21;
	v15 =	vmul.f32 v19, v9;
	v9 =	vmovc v13;
	v21 =	vmul.f32 v27, v31;
	[tilespmem:s23+$0x0] =	vst v32  }
0x335: {  	v25 =	vmul.f32 v11, v11;
	v19 =	vadd.f32 v24, v11;
	v26 =	vmul.f32 v24, v24;
	[tilespmem:s23+$0x10] =	vst v33;
	s23 =	smov.u32 s25  }
0x336: {  	v12 =	vadd.f32 v30, v28;
	v28 =	vshra.s32 v17, $0x1;
	v21 =	vsub.f32 $1.500000000e+00, v21  }
0x337: {  	v13 =	vadd.f32 v29, v22;
	v22 =	vadd.f32 v26, v25;
	v25 =	vperm.xlane v19, v0  }
0x338: {  	v28 =	vsub.s32 $0x5F3759DF, v28;
	v26 =	vmul.f32 v12, v12;
	v21 =	vmul.f32 v27, v21  }
0x339: {  	v27 =	vadd.f32 v13, v12;
	v19 =	vadd.f32 v19, v25;
	v25 =	vperm.xlane v22, v0  }
0x33a: {  	v20 =	vadd.f32 v20, v6;
	v29 =	vmul.f32 v13, v13;
	v23 =	vmul.f32 v21, v23  }
0x33b: {  	v30 =	vperm.xlane v27, v0;
	v22 =	vadd.f32 v22, v25;
	v25 =	vperm.xlane v19, v1  }
0x33c: {  	v17 =	vmul.f32 $5.000000000e-01, v17;
	v26 =	vadd.f32 v29, v26;
	v23 =	vmul.f32 v23, v21;
	[tilespmem:s17+$0x0] =	vst v20  }
0x33d: {  	v20 =	vadd.f32 v27, v30;
	v19 =	vadd.f32 v25, v19;
	v25 =	vperm.xlane v22, v1  }
0x33e: {  	v29 =	vmul.f32 v28, v17;
	v27 =	vperm.xlane v26, v0;
	v23 =	vsub.f32 $1.500000000e+00, v23  }
0x33f: {  	v30 =	vperm.xlane v20, v1;
	v22 =	vadd.f32 v25, v22;
	v25 =	vperm.xlane v19, v2  }
0x340: {  	v16 =	vsub.f32 v10, v16;
	v10 =	vmovc v24;
	v26 =	vadd.f32 v26, v27;
	v23 =	vmul.f32 v23, v21  }
0x341: {  	v20 =	vadd.f32 v30, v20;
	v19 =	vadd.f32 v25, v19;
	v21 =	vperm.xlane v22, v2  }
0x342: {  	v24 =	vperm.xlane v26, v1;
	v16 =	vmul.f32 v23, v16  }
0x343: {  	s19 =	sadd.s32 $0x40, s19;
	v25 =	vperm.xlane v20, v2;
	v21 =	vadd.f32 v21, v22;
	v22 =	vperm.xlane v19, v3  }
0x344: {  	s16 =	sadd.s32 $0xFFFFFFE0, s19;
	v24 =	vadd.f32 v24, v26;
	v26 =	vmul.f32 v28, v29;
	v16 =	vmul.f32 v16, v5  }
.Ltmp6:
0x345: {  	s17 =	sand.u32 $0x40, s16;
	s16 =	sand.u32 $0x1F80, s16;
	v25 =	vadd.f32 v25, v20;
	v19 =	vadd.f32 v22, v19;
	v20 =	vperm.xlane v21, v3;
	(pc) =	sbr.rel @p1 .LBB2_11-.Ltmp6, $4  }
0x346: {  	s20 =	sand.u32 $0x60, s19;
	s16 =	sadd.s32 $0x12C00, s16;
	v22 =	vperm.xlane v24, v2;
	v26 =	vsub.f32 $1.500000000e+00, v26;
	v27 =	vadd.f32 v16, v7  }
0x347: {  	s25 =	sor.u32 s17, s16;
	s17 =	sor.u32 s20, s16;
	v29 =	vperm.xlane v25, v3;
	v30 =	vadd.f32 v20, v21;
	v16 =	vmul.f32 $3.125000000e-02, v19  }
0x348: {  	v21 =	vadd.f32 v22, v24;
	v19 =	vmul.f32 v28, v26;
	v20 =	vmul.f32 v23, v18;
	[tilespmem:s17+$0x10] =	vst v27  }
0x349: {  	s28 =	sadd.s32 $0x40, s28;
	v22 =	vadd.f32 v29, v25;
	v23 =	vmul.f32 $3.125000000e-02, v30;
	v24 =	vmul.f32 v16, v16  }
0x34a: {  	v18 =	vperm.xlane v21, v3;
	_ =	sdelay $0x1  }
0x34b: {  	v22 =	vmul.f32 $3.125000000e-02, v22;
	v23 =	vsub.f32 v23, v24;
	v18 =	vadd.f32 v18, v21;
	_ =	sdelay $0x1  }
0x34c: {  	v21 =	vmul.f32 v22, v22;
	v23 =	vadd.f32 $9.999999740e-06, v23;
	v18 =	vmul.f32 $3.125000000e-02, v18;
	_ =	sdelay $0x1  }
0x34d: {  	v24 =	vshra.s32 v23, $0x1;
	v23 =	vmul.f32 $5.000000000e-01, v23;
	v18 =	vsub.f32 v18, v21  }
0x34e: {  	v21 =	vsub.s32 $0x5F3759DF, v24  }
0x34f: {  	v24 =	vmul.f32 v21, v23;
	v18 =	vadd.f32 $9.999999740e-06, v18;
	_ =	sdelay $0x1  }
0x350: {  	v24 =	vmul.f32 v21, v24;
	v25 =	vshra.s32 v18, $0x1;
	v18 =	vmul.f32 $5.000000000e-01, v18  }
0x351: {  	v25 =	vsub.s32 $0x5F3759DF, v25  }
0x352: {  	v24 =	vsub.f32 $1.500000000e+00, v24;
	v26 =	vmul.f32 v25, v18;
	_ =	sdelay $0x1  }
0x353: {  	v21 =	vmul.f32 v21, v24;
	v24 =	vmul.f32 v25, v26  }
0x354: {  	v17 =	vmul.f32 v19, v17  }
0x355: {  	v23 =	vmul.f32 v21, v23;
	v24 =	vsub.f32 $1.500000000e+00, v24  }
0x356: {  	v17 =	vmul.f32 v17, v19  }
0x357: {  	v23 =	vmul.f32 v23, v21;
	v24 =	vmul.f32 v25, v24  }
0x358: {  	v17 =	vsub.f32 $1.500000000e+00, v17  }
0x359: {  	v14 =	vmul.f32 v14, v4;
	v23 =	vsub.f32 $1.500000000e+00, v23;
	v18 =	vmul.f32 v24, v18  }
0x35a: {  	v11 =	vsub.f32 v11, v16;
	v15 =	vmul.f32 v15, v5;
	v17 =	vmul.f32 v17, v19  }
0x35b: {  	v10 =	vsub.f32 v10, v16;
	v21 =	vmul.f32 v23, v21;
	v16 =	vmul.f32 v18, v24  }
0x35c: {  	v14 =	vadd.f32 v14, v6;
	v8 =	vmul.f32 v17, v8  }
0x35d: {  	v15 =	vadd.f32 v15, v7;
	v10 =	vmul.f32 v21, v10;
	v16 =	vsub.f32 $1.500000000e+00, v16  }
0x35e: {  	s16 =	sadd.s32 $0x40, s19;
	v12 =	vsub.f32 v12, v22;
	v9 =	vmul.f32 v17, v9;
	v8 =	vmul.f32 v8, v4  }
0x35f: {  	s18 =	sadd.s32 $0xFFFFFFE0, s16;
	v13 =	vsub.f32 v13, v22;
	v10 =	vmul.f32 v10, v5;
	v16 =	vmul.f32 v16, v24  }
0x360: {  	s22 =	sand.u32 $0x1F80, s18;
	[tilespmem:s23+$0x0] =	vst v14;
	v9 =	vmul.f32 v9, v5;
	v8 =	vadd.f32 v8, v6;
	v11 =	vmul.f32 v21, v11  }
0x361: {  	s16 =	sand.u32 $0x60, s16;
	s19 =	sadd.s32 $0x12C00, s22;
	[tilespmem:s23+$0x10] =	vst v15;
	v18 =	vmul.f32 v20, v4;
	v10 =	vadd.f32 v10, v7;
	v12 =	vmul.f32 v16, v12  }
0x362: {  	s16 =	sor.u32 s16, s19;
	v9 =	vadd.f32 v9, v7;
	[tilespmem:s25+$0x0] =	vst v8;
	v11 =	vmul.f32 v11, v4;
	v13 =	vmul.f32 v16, v13  }
0x363: {  	v14 =	vadd.f32 v18, v6;
	[tilespmem:s16+$0x10] =	vst v10;
	v10 =	vmul.f32 v12, v4  }
0x364: {  	s12 =	sadd.s32 s12, s5;
	[tilespmem:s25+$0x10] =	vst v9;
	v8 =	vadd.f32 v11, v6;
	v11 =	vmul.f32 v13, v5  }
0x365: {  	s12 =	smul.u32 $0x320, s12;
	s20 =	sand.u32 $0x40, s18;
	[tilespmem:s17+$0x0] =	vst v14;
	v9 =	vadd.f32 v10, v6  }
0x366: {  	s17 =	sor.u32 s20, s19;
	[tilespmem:s16+$0x0] =	vst v8;
	v8 =	vadd.f32 v11, v7  }
0x367: {  	s12 =	sadd.s32 s4, s12;
	[tilespmem:s17+$0x0] =	vst v9  }
0x368: {  	s30 =	simm.s32 $0x12C00;
	s22 =	sadd.s32 $0xC80, s12;
	[tilespmem:s17+$0x10] =	vst v8  }
0x369: {  	[hbm4b:s22+s6] =	stream.linear.scatter [tilespmem:s30], [sflag:$0x9], $0x1900, $0x38;
	[tilespmem:$0x1A940] =	vst v63  }
0x36a: {  	s18 =	simm.s32 @!p0 $0x9600;
	s16 =	sadd.s32 @!p0 $0x7D0, s14;
	s17 =	simm.s32 @!p0 $0x80  }
0x36b: {  	[tilespmem:s18], [sflag:$0x3] =	stream.indirect.gather @!p0 [hbm4b:s7+s17], $0x20, s16, s17, $0xb8;
	[tilespmem:$0x1A940] =	vst v63  }
0x36c: {  	s16 =	sadd.s32 @!p0 $0x850, s14;
	s17 =	simm.s32 @!p0 $0x48;
	s18 =	simm.s32 @!p0 $0xA600  }
0x36d: {  	[tilespmem:s18], [sflag:$0x3] =	stream.indirect.gather @!p0 [hbm4b:s7+s17], $0x20, s16, s17, $0xb8;
	[tilespmem:$0x1A940] =	vst v63  }
0x36e: {  	_ =	swait.ge [sflag:s0], $0x1900  }
0x36f: {  	[sflag:s0] =	ssyncset.done $0x0  }
0x370: {  	[sflag:s0] =	ssyncadd.s32 $0xFFFFE700  }
0x371: {  	_ =	swait.ge [sflag:s1], $0x1900  }
0x372: {  	[sflag:s1] =	ssyncset.done $0x0  }
0x373: {  	s23 =	simm.s32 $0xE100;
	[sflag:s1] =	ssyncadd.s32 $0xFFFFE700  }
0x374: {  	v8 =	vld [tilespmem:s23+$0x20]  }
0x375: {  	s25 =	simm.s32 $0x19020;
	v9 =	vld [tilespmem:s23+$0x30]  }
0x376: {  	v10 =	vld [tilespmem:s25+$0x0]  }
0x377: {  	v11 =	vld [tilespmem:s25+$0x10];
	_ =	sdelay $0x1  }
0x378: {  	v12 =	vld [tilespmem:s23+$0x0]  }
0x379: {  	v13 =	vld [tilespmem:s23+$0x10]  }
0x37a: {  	v14 =	vld [tilespmem:s25+$0xFFFFFFE0]  }
0x37b: {  	v15 =	vld [tilespmem:s25+$0xFFFFFFF0];
	v10 =	vadd.f32 v10, v8;
	v9 =	vadd.f32 v11, v9;
	_ =	sdelay $0x1  }
0x37c: {  	v11 =	vadd.f32 v9, v10;
	v8 =	vmul.f32 v10, v10;
	v16 =	vmul.f32 v9, v9;
	_ =	sdelay $0x1  }
0x37d: {  	v16 =	vadd.f32 v16, v8;
	v17 =	vperm.xlane v11, v0  }
0x37e: {  	v12 =	vadd.f32 v14, v12;
	v8 =	vadd.f32 v15, v13  }
0x37f: {  	v11 =	vadd.f32 v11, v17;
	v13 =	vperm.xlane v16, v0  }
0x380: {  	v15 =	vmul.f32 v12, v12;
	v14 =	vadd.f32 v8, v12;
	v17 =	vmul.f32 v8, v8  }
0x381: {  	v13 =	vadd.f32 v16, v13;
	v16 =	vperm.xlane v11, v1  }
0x382: {  	v18 =	vperm.xlane v14, v0;
	v15 =	vadd.f32 v17, v15  }
0x383: {  	v11 =	vadd.f32 v16, v11;
	v16 =	vperm.xlane v13, v1  }
0x384: {  	v14 =	vadd.f32 v14, v18;
	v17 =	vperm.xlane v15, v0  }
0x385: {  	v13 =	vadd.f32 v16, v13;
	v16 =	vperm.xlane v11, v2  }
0x386: {  	v18 =	vperm.xlane v14, v1;
	v15 =	vadd.f32 v15, v17  }
0x387: {  	v11 =	vadd.f32 v16, v11;
	v16 =	vperm.xlane v13, v2  }
0x388: {  	v14 =	vadd.f32 v18, v14;
	v17 =	vperm.xlane v15, v1  }
0x389: {  	s18 =	simm.s32 $0xE140;
	v13 =	vadd.f32 v16, v13;
	v16 =	vperm.xlane v11, v3  }
0x38a: {  	s19 =	simm.s32 $0x19060;
	v19 =	vld [tilespmem:s18+$0x30];
	v18 =	vperm.xlane v14, v2;
	v15 =	vadd.f32 v17, v15  }
0x38b: {  	v21 =	vld [tilespmem:s19+$0x0];
	v11 =	vadd.f32 v16, v11;
	v16 =	vperm.xlane v13, v3  }
0x38c: {  	v22 =	vld [tilespmem:s18+$0x10];
	v14 =	vadd.f32 v18, v14;
	v17 =	vperm.xlane v15, v2  }
0x38d: {  	v13 =	vadd.f32 v16, v13;
	v11 =	vmul.f32 $3.125000000e-02, v11;
	v16 =	vld [tilespmem:s18+$0x20]  }
0x38e: {  	v18 =	vperm.xlane v14, v3;
	v15 =	vadd.f32 v17, v15;
	v17 =	vld [tilespmem:s19+$0x10]  }
0x38f: {  	v25 =	vld [tilespmem:s19+$0xFFFFFFF0];
	v13 =	vmul.f32 $3.125000000e-02, v13;
	v20 =	vmul.f32 v11, v11  }
0x390: {  	v14 =	vadd.f32 v18, v14;
	v18 =	vperm.xlane v15, v3  }
0x391: {  	v13 =	vsub.f32 v13, v20  }
0x392: {  	v23 =	vld [tilespmem:s19+$0xFFFFFFE0];
	v14 =	vmul.f32 $3.125000000e-02, v14;
	v15 =	vadd.f32 v18, v15;
	v21 =	vadd.f32 v21, v16  }
0x393: {  	v20 =	vld [tilespmem:s18+$0x0];
	v16 =	vadd.f32 v17, v19;
	v13 =	vadd.f32 $9.999999740e-06, v13  }
0x394: {  	v22 =	vadd.f32 v25, v22;
	v18 =	vmul.f32 v14, v14;
	v15 =	vmul.f32 $3.125000000e-02, v15  }
0x395: {  	v19 =	vadd.f32 v16, v21;
	v24 =	vshra.s32 v13, $0x1;
	v13 =	vmul.f32 $5.000000000e-01, v13  }
0x396: {  	v26 =	vmul.f32 v16, v16;
	v17 =	vsub.s32 $0x5F3759DF, v24;
	v24 =	vmul.f32 v21, v21  }
0x397: {  	v10 =	vsub.f32 v10, v11;
	v15 =	vsub.f32 v15, v18;
	v27 =	vmul.f32 v17, v13  }
0x398: {  	v20 =	vadd.f32 v23, v20;
	v18 =	vadd.f32 v26, v24;
	v24 =	vperm.xlane v19, v0  }
0x399: {  	v9 =	vsub.f32 v9, v11;
	v15 =	vadd.f32 $9.999999740e-06, v15;
	v26 =	vmul.f32 v17, v27  }
0x39a: {  	v25 =	vmul.f32 v20, v20;
	v19 =	vadd.f32 v19, v24;
	v23 =	vperm.xlane v18, v0  }
0x39b: {  	v27 =	vmul.f32 v22, v22;
	v24 =	vsub.f32 $1.500000000e+00, v26;
	v26 =	vadd.f32 v22, v20  }
0x39c: {  	v28 =	vshra.s32 v15, $0x1;
	v18 =	vadd.f32 v18, v23;
	v23 =	vperm.xlane v19, v1  }
0x39d: {  	v25 =	vadd.f32 v27, v25;
	v17 =	vmul.f32 v17, v24;
	v24 =	vperm.xlane v26, v0  }
0x39e: {  	v15 =	vmul.f32 $5.000000000e-01, v15;
	v19 =	vadd.f32 v23, v19;
	v23 =	vperm.xlane v18, v1  }
0x39f: {  	v13 =	vmul.f32 v17, v13;
	v24 =	vadd.f32 v26, v24;
	v26 =	vperm.xlane v25, v0  }
0x3a0: {  	v27 =	vsub.s32 $0x5F3759DF, v28;
	v18 =	vadd.f32 v23, v18;
	v23 =	vperm.xlane v19, v2  }
0x3a1: {  	v13 =	vmul.f32 v13, v17;
	v53 =	vperm.xlane v24, v1;
	v25 =	vadd.f32 v25, v26  }
0x3a2: {  	v26 =	vmul.f32 v27, v15;
	v19 =	vadd.f32 v23, v19;
	v23 =	vperm.xlane v18, v2  }
0x3a3: {  	v13 =	vsub.f32 $1.500000000e+00, v13;
	v24 =	vadd.f32 v53, v24;
	v54 =	vperm.xlane v25, v1  }
0x3a4: {  	v11 =	vmul.f32 v27, v26;
	v18 =	vadd.f32 v23, v18;
	v23 =	vperm.xlane v19, v3  }
0x3a5: {  	v13 =	vmul.f32 v13, v17;
	v17 =	vperm.xlane v24, v2;
	v25 =	vadd.f32 v54, v25  }
0x3a6: {  	v19 =	vadd.f32 v23, v19;
	v23 =	vperm.xlane v18, v3  }
0x3a7: {  	v11 =	vsub.f32 $1.500000000e+00, v11;
	v17 =	vadd.f32 v17, v24;
	v24 =	vperm.xlane v25, v2  }
0x3a8: {  	v9 =	vmul.f32 v13, v9;
	v18 =	vadd.f32 v23, v18;
	v19 =	vmul.f32 $3.125000000e-02, v19  }
0x3a9: {  	s20 =	simm.s32 $0xE180;
	v26 =	vsub.f32 v12, v14;
	v12 =	vmul.f32 v27, v11;
	v23 =	vperm.xlane v17, v3  }
0x3aa: {  	v27 =	vld [tilespmem:s20+$0x30];
	v24 =	vadd.f32 v24, v25;
	v18 =	vmul.f32 $3.125000000e-02, v18;
	v25 =	vmul.f32 v19, v19  }
0x3ab: {  	s18 =	simm.s32 $0x190A0;
	v9 =	vmul.f32 v9, v5;
	v11 =	vadd.f32 v23, v17;
	v17 =	vld [tilespmem:s20+$0x20]  }
0x3ac: {  	v23 =	vperm.xlane v24, v3;
	v18 =	vsub.f32 v18, v25;
	v25 =	vsub.f32 v8, v14;
	v14 =	vld [tilespmem:s18+$0x0]  }
0x3ad: {  	v55 =	vadd.f32 v9, v7;
	v8 =	vmul.f32 v12, v15;
	v15 =	vld [tilespmem:s18+$0x10];
	v11 =	vmul.f32 $3.125000000e-02, v11  }
0x3ae: {  	v29 =	vld [tilespmem:s20+$0x0];
	v13 =	vmul.f32 v13, v10;
	v9 =	vadd.f32 $9.999999740e-06, v18;
	v18 =	vadd.f32 v23, v24  }
0x3af: {  	v32 =	vld [tilespmem:s18+$0xFFFFFFF0];
	v23 =	vmul.f32 v8, v12;
	v24 =	vmul.f32 v11, v11;
	v8 =	vsub.f32 v20, v11  }
0x3b0: {  	v20 =	vld [tilespmem:s20+$0x10];
	v30 =	vshra.s32 v9, $0x1;
	v31 =	vmul.f32 $5.000000000e-01, v9;
	v18 =	vmul.f32 $3.125000000e-02, v18  }
0x3b1: {  	v9 =	vsub.f32 v22, v11;
	v22 =	vld [tilespmem:s18+$0xFFFFFFE0];
	v23 =	vsub.f32 $1.500000000e+00, v23;
	v30 =	vsub.s32 $0x5F3759DF, v30  }
0x3b2: {  	v11 =	vadd.f32 v14, v17;
	v10 =	vadd.f32 v15, v27;
	v14 =	vmul.f32 v30, v31  }
0x3b3: {  	v15 =	vsub.f32 v18, v24;
	v17 =	vmul.f32 v23, v12;
	v24 =	vmul.f32 v13, v4  }
0x3b4: {  	v33 =	vsub.f32 v21, v19;
	v21 =	vmul.f32 v11, v11;
	v23 =	vmul.f32 v10, v10  }
0x3b5: {  	v18 =	vadd.f32 v10, v11;
	v14 =	vmul.f32 v30, v14;
	v13 =	vadd.f32 v32, v20  }
0x3b6: {  	v12 =	vadd.f32 v22, v29;
	v20 =	vadd.f32 v23, v21  }
0x3b7: {  	v21 =	vadd.f32 $9.999999740e-06, v15;
	v15 =	vmul.f32 v17, v25;
	v22 =	vsub.f32 $1.500000000e+00, v14  }
0x3b8: {  	v14 =	vmul.f32 v17, v26;
	v17 =	vperm.xlane v18, v0  }
0x3b9: {  	v23 =	vadd.f32 v13, v12;
	v25 =	vperm.xlane v20, v0;
	v22 =	vmul.f32 v30, v22  }
0x3ba: {  	v26 =	vmul.f32 v12, v12;
	v17 =	vadd.f32 v18, v17;
	v18 =	vmul.f32 v13, v13  }
0x3bb: {  	v56 =	vperm.xlane v23, v0;
	v20 =	vadd.f32 v20, v25;
	v27 =	vmul.f32 v22, v31  }
0x3bc: {  	v25 =	vshra.s32 v21, $0x1;
	v18 =	vadd.f32 v18, v26;
	v26 =	vperm.xlane v17, v1  }
0x3bd: {  	v16 =	vsub.f32 v16, v19;
	v25 =	vsub.s32 $0x5F3759DF, v25;
	v27 =	vmul.f32 v27, v22  }
0x3be: {  	v23 =	vadd.f32 v23, v56;
	v57 =	vperm.xlane v20, v1;
	v26 =	vadd.f32 v26, v17  }
0x3bf: {  	v58 =	vperm.xlane v18, v0;
	v17 =	vmul.f32 $5.000000000e-01, v21;
	v21 =	vsub.f32 $1.500000000e+00, v27  }
0x3c0: {  	v20 =	vadd.f32 v57, v20;
	v27 =	vperm.xlane v23, v1;
	v59 =	vperm.xlane v26, v2  }
0x3c1: {  	v18 =	vadd.f32 v18, v58;
	v22 =	vmul.f32 v21, v22;
	v21 =	vmul.f32 v25, v17  }
0x3c2: {  	v19 =	vadd.f32 v27, v23;
	v23 =	vadd.f32 v59, v26;
	v26 =	vperm.xlane v20, v2  }
0x3c3: {  	v24 =	vadd.f32 v24, v6;
	v27 =	vperm.xlane v18, v1;
	v16 =	vmul.f32 v22, v16  }
0x3c4: {  	s16 =	simm.s32 $0x0;
	v60 =	vperm.xlane v19, v2;
	v20 =	vadd.f32 v26, v20;
	v26 =	vperm.xlane v23, v3  }
0x3c5: {  	s22 =	simm.s32 $0x20;
	s23 =	sand.u32 $0x1F80, s16;
	v18 =	vadd.f32 v27, v18;
	v21 =	vmul.f32 v25, v21;
	v16 =	vmul.f32 v16, v5  }
0x3c6: {  	s17 =	sand.u32 $0x60, s22;
	s22 =	simm.s32 $0x40;
	s20 =	sadd.s32 $0x14500, s23;
	v27 =	vadd.f32 v60, v19;
	v19 =	vadd.f32 v26, v23;
	v23 =	vperm.xlane v20, v3  }
0x3c7: {  	s25 =	sand.u32 $0x1F80, s22;
	s19 =	simm.s32 $0x60;
	s17 =	sor.u32 s17, s20;
	v26 =	vperm.xlane v18, v2;
	v61 =	vsub.f32 $1.500000000e+00, v21;
	v62 =	vadd.f32 v16, v7  }
0x3c8: {  	s16 =	sand.u32 $0x40, s16;
	s25 =	sadd.s32 $0x14500, s25;
	s28 =	sand.u32 $0x60, s19;
	[tilespmem:s17+$0x10] =	vst v55;
	v63 =	vperm.xlane v27, v3;
	v23 =	vadd.f32 v23, v20;
	v16 =	vmul.f32 $3.125000000e-02, v19  }
0x3c9: {  	s23 =	sor.u32 s16, s20;
	s20 =	sand.u32 $0x40, s22;
	[tilespmem:s17+$0x0] =	vst v24;
	s17 =	sor.u32 s28, s25;
	v21 =	vadd.f32 v26, v18;
	v19 =	vmul.f32 v25, v61;
	v20 =	vmul.f32 v22, v33  }
0x3ca: {  	s22 =	simm.s32 $0x4;
	s28 =	sor.u32 s20, s25;
	s25 =	simm.s32 $0xE1C0;
	[tilespmem:s17+$0x10] =	vst v62;
	v22 =	vadd.f32 v63, v27;
	v23 =	vmul.f32 $3.125000000e-02, v23;
	v24 =	vmul.f32 v16, v16  }
.LBB2_13:
0x3cb: {  	v25 =	vld [tilespmem:s25+$0x20];
	v26 =	vperm.xlane v21, v3;
	v18 =	vsub.f32 v11, v16;
	v11 =	vmul.f32 v19, v17  }
0x3cc: {  	s18 =	sadd.s32 $0x40, s18;
	v14 =	vmul.f32 v14, v4;
	v17 =	vld [tilespmem:s25+$0x30];
	v22 =	vmul.f32 $3.125000000e-02, v22;
	v23 =	vsub.f32 v23, v24  }
0x3cd: {  	v15 =	vmul.f32 v15, v5;
	v24 =	vld [tilespmem:s18+$0x0];
	v21 =	vadd.f32 v26, v21;
	v11 =	vmul.f32 v11, v19  }
0x3ce: {  	s22 =	sadd.s32 $0x2, s22;
	v26 =	vld [tilespmem:s18+$0x10];
	v27 =	vmul.f32 v22, v22;
	v12 =	vsub.f32 v12, v22;
	v23 =	vadd.f32 $9.999999740e-06, v23  }
0x3cf: {  	p1 =	slt.u32 s22, $0xC6;
	v13 =	vsub.f32 v13, v22;
	v28 =	vld [tilespmem:s25+$0x0];
	v21 =	vmul.f32 $3.125000000e-02, v21;
	v11 =	vsub.f32 $1.500000000e+00, v11  }
0x3d0: {  	v20 =	vmul.f32 v20, v4;
	v22 =	vld [tilespmem:s25+$0x10];
	v29 =	vshra.s32 v23, $0x1;
	v23 =	vmul.f32 $5.000000000e-01, v23  }
0x3d1: {  	v30 =	vld [tilespmem:s18+$0xFFFFFFE0];
	v21 =	vsub.f32 v21, v27;
	v27 =	vsub.s32 $0x5F3759DF, v29;
	v19 =	vmul.f32 v11, v19  }
0x3d2: {  	v32 =	vadd.f32 v14, v6;
	v33 =	vadd.f32 v15, v7;
	v29 =	vld [tilespmem:s18+$0xFFFFFFF0];
	v31 =	vmul.f32 v27, v23  }
0x3d3: {  	v11 =	vadd.f32 v24, v25;
	v24 =	vadd.f32 v26, v17;
	v14 =	vmul.f32 v19, v8;
	v8 =	vmovc v12  }
0x3d4: {  	v17 =	vadd.f32 $9.999999740e-06, v21;
	v15 =	vmul.f32 v19, v9;
	v9 =	vmovc v13;
	v21 =	vmul.f32 v27, v31;
	[tilespmem:s23+$0x0] =	vst v32  }
0x3d5: {  	v25 =	vmul.f32 v11, v11;
	v19 =	vadd.f32 v24, v11;
	v26 =	vmul.f32 v24, v24;
	[tilespmem:s23+$0x10] =	vst v33;
	s23 =	smov.u32 s28  }
0x3d6: {  	v12 =	vadd.f32 v30, v28;
	v28 =	vshra.s32 v17, $0x1;
	v21 =	vsub.f32 $1.500000000e+00, v21  }
0x3d7: {  	v13 =	vadd.f32 v29, v22;
	v22 =	vadd.f32 v26, v25;
	v25 =	vperm.xlane v19, v0  }
0x3d8: {  	v28 =	vsub.s32 $0x5F3759DF, v28;
	v26 =	vmul.f32 v12, v12;
	v21 =	vmul.f32 v27, v21  }
0x3d9: {  	v27 =	vadd.f32 v13, v12;
	v19 =	vadd.f32 v19, v25;
	v25 =	vperm.xlane v22, v0  }
0x3da: {  	v20 =	vadd.f32 v20, v6;
	v29 =	vmul.f32 v13, v13;
	v23 =	vmul.f32 v21, v23  }
0x3db: {  	v30 =	vperm.xlane v27, v0;
	v22 =	vadd.f32 v22, v25;
	v25 =	vperm.xlane v19, v1  }
0x3dc: {  	v17 =	vmul.f32 $5.000000000e-01, v17;
	v26 =	vadd.f32 v29, v26;
	v23 =	vmul.f32 v23, v21;
	[tilespmem:s17+$0x0] =	vst v20  }
0x3dd: {  	v20 =	vadd.f32 v27, v30;
	v19 =	vadd.f32 v25, v19;
	v25 =	vperm.xlane v22, v1  }
0x3de: {  	v29 =	vmul.f32 v28, v17;
	v27 =	vperm.xlane v26, v0;
	v23 =	vsub.f32 $1.500000000e+00, v23  }
0x3df: {  	v30 =	vperm.xlane v20, v1;
	v22 =	vadd.f32 v25, v22;
	v25 =	vperm.xlane v19, v2  }
0x3e0: {  	v16 =	vsub.f32 v10, v16;
	v10 =	vmovc v24;
	v26 =	vadd.f32 v26, v27;
	v23 =	vmul.f32 v23, v21  }
0x3e1: {  	v20 =	vadd.f32 v30, v20;
	v19 =	vadd.f32 v25, v19;
	v21 =	vperm.xlane v22, v2  }
0x3e2: {  	v24 =	vperm.xlane v26, v1;
	v16 =	vmul.f32 v23, v16  }
0x3e3: {  	s19 =	sadd.s32 $0x40, s19;
	v25 =	vperm.xlane v20, v2;
	v21 =	vadd.f32 v21, v22;
	v22 =	vperm.xlane v19, v3  }
0x3e4: {  	s16 =	sadd.s32 $0xFFFFFFE0, s19;
	v24 =	vadd.f32 v24, v26;
	v26 =	vmul.f32 v28, v29;
	v16 =	vmul.f32 v16, v5  }
.Ltmp7:
0x3e5: {  	s17 =	sand.u32 $0x40, s16;
	s16 =	sand.u32 $0x1F80, s16;
	v25 =	vadd.f32 v25, v20;
	v19 =	vadd.f32 v22, v19;
	v20 =	vperm.xlane v21, v3;
	(pc) =	sbr.rel @p1 .LBB2_13-.Ltmp7, $4  }
0x3e6: {  	s20 =	sand.u32 $0x60, s19;
	s16 =	sadd.s32 $0x14500, s16;
	v22 =	vperm.xlane v24, v2;
	v26 =	vsub.f32 $1.500000000e+00, v26;
	v27 =	vadd.f32 v16, v7  }
0x3e7: {  	s28 =	sor.u32 s17, s16;
	s17 =	sor.u32 s20, s16;
	v29 =	vperm.xlane v25, v3;
	v30 =	vadd.f32 v20, v21;
	v16 =	vmul.f32 $3.125000000e-02, v19  }
0x3e8: {  	v21 =	vadd.f32 v22, v24;
	v19 =	vmul.f32 v28, v26;
	v20 =	vmul.f32 v23, v18;
	[tilespmem:s17+$0x10] =	vst v27  }
0x3e9: {  	s25 =	sadd.s32 $0x40, s25;
	v22 =	vadd.f32 v29, v25;
	v23 =	vmul.f32 $3.125000000e-02, v30;
	v24 =	vmul.f32 v16, v16  }
0x3ea: {  	v18 =	vperm.xlane v21, v3;
	_ =	sdelay $0x1  }
0x3eb: {  	v22 =	vmul.f32 $3.125000000e-02, v22;
	v23 =	vsub.f32 v23, v24;
	v18 =	vadd.f32 v18, v21;
	_ =	sdelay $0x1  }
0x3ec: {  	v21 =	vmul.f32 v22, v22;
	v23 =	vadd.f32 $9.999999740e-06, v23;
	v18 =	vmul.f32 $3.125000000e-02, v18;
	_ =	sdelay $0x1  }
0x3ed: {  	v24 =	vshra.s32 v23, $0x1;
	v23 =	vmul.f32 $5.000000000e-01, v23;
	v18 =	vsub.f32 v18, v21  }
0x3ee: {  	v21 =	vsub.s32 $0x5F3759DF, v24  }
0x3ef: {  	v24 =	vmul.f32 v21, v23;
	v18 =	vadd.f32 $9.999999740e-06, v18;
	_ =	sdelay $0x1  }
0x3f0: {  	v24 =	vmul.f32 v21, v24;
	v25 =	vshra.s32 v18, $0x1;
	v18 =	vmul.f32 $5.000000000e-01, v18  }
0x3f1: {  	v25 =	vsub.s32 $0x5F3759DF, v25  }
0x3f2: {  	v24 =	vsub.f32 $1.500000000e+00, v24;
	v26 =	vmul.f32 v25, v18;
	_ =	sdelay $0x1  }
0x3f3: {  	v21 =	vmul.f32 v21, v24;
	v24 =	vmul.f32 v25, v26  }
0x3f4: {  	v17 =	vmul.f32 v19, v17  }
0x3f5: {  	v23 =	vmul.f32 v21, v23;
	v24 =	vsub.f32 $1.500000000e+00, v24  }
0x3f6: {  	v17 =	vmul.f32 v17, v19  }
0x3f7: {  	v23 =	vmul.f32 v23, v21;
	v24 =	vmul.f32 v25, v24  }
0x3f8: {  	v17 =	vsub.f32 $1.500000000e+00, v17  }
0x3f9: {  	v14 =	vmul.f32 v14, v4;
	v23 =	vsub.f32 $1.500000000e+00, v23;
	v18 =	vmul.f32 v24, v18  }
0x3fa: {  	v11 =	vsub.f32 v11, v16;
	v15 =	vmul.f32 v15, v5;
	v17 =	vmul.f32 v17, v19  }
0x3fb: {  	v10 =	vsub.f32 v10, v16;
	v21 =	vmul.f32 v23, v21;
	v16 =	vmul.f32 v18, v24  }
0x3fc: {  	v14 =	vadd.f32 v14, v6;
	v8 =	vmul.f32 v17, v8  }
0x3fd: {  	v15 =	vadd.f32 v15, v7;
	v10 =	vmul.f32 v21, v10;
	v16 =	vsub.f32 $1.500000000e+00, v16  }
0x3fe: {  	s16 =	sadd.s32 $0x40, s19;
	v12 =	vsub.f32 v12, v22;
	v9 =	vmul.f32 v17, v9;
	v8 =	vmul.f32 v8, v4  }
0x3ff: {  	s18 =	sadd.s32 $0xFFFFFFE0, s16;
	v13 =	vsub.f32 v13, v22;
	v10 =	vmul.f32 v10, v5;
	v16 =	vmul.f32 v16, v24  }
0x400: {  	s20 =	sand.u32 $0x1F80, s18;
	[tilespmem:s23+$0x0] =	vst v14;
	v9 =	vmul.f32 v9, v5;
	v8 =	vadd.f32 v8, v6;
	v11 =	vmul.f32 v21, v11  }
0x401: {  	s16 =	sand.u32 $0x60, s16;
	s19 =	sadd.s32 $0x14500, s20;
	[tilespmem:s23+$0x10] =	vst v15;
	v18 =	vmul.f32 v20, v4;
	v10 =	vadd.f32 v10, v7;
	v12 =	vmul.f32 v16, v12  }
0x402: {  	s16 =	sor.u32 s16, s19;
	v9 =	vadd.f32 v9, v7;
	[tilespmem:s28+$0x0] =	vst v8;
	v11 =	vmul.f32 v11, v4;
	v13 =	vmul.f32 v16, v13  }
0x403: {  	v14 =	vadd.f32 v18, v6;
	[tilespmem:s16+$0x10] =	vst v10;
	v10 =	vmul.f32 v12, v4  }
0x404: {  	[tilespmem:s28+$0x10] =	vst v9;
	v8 =	vadd.f32 v11, v6;
	v11 =	vmul.f32 v13, v5  }
0x405: {  	s22 =	sand.u32 $0x40, s18;
	[tilespmem:s17+$0x0] =	vst v14;
	v9 =	vadd.f32 v10, v6  }
0x406: {  	s17 =	sor.u32 s22, s19;
	[tilespmem:s16+$0x0] =	vst v8;
	v8 =	vadd.f32 v11, v7  }
0x407: {  	[tilespmem:s17+$0x0] =	vst v9  }
0x408: {  	s12 =	sadd.s32 $0xFA0, s12;
	s23 =	simm.s32 $0x14500;
	[tilespmem:s17+$0x10] =	vst v8  }
0x409: {  	[hbm4b:s12+s6] =	stream.linear.scatter [tilespmem:s23], [sflag:$0xA], $0x1900, $0x38;
	[tilespmem:$0x1A940] =	vst v63  }
0x40a: {  	s16 =	simm.s32 @!p0 $0x80;
	s17 =	simm.s32 @!p0 $0xAF00;
	s12 =	sadd.s32 @!p0 $0x898, s14  }
0x40b: {  	[tilespmem:s17], [sflag:$0x4] =	stream.indirect.gather @!p0 [hbm4b:s7+s16], $0x20, s12, s16, $0xb8;
	[tilespmem:$0x1A940] =	vst v63  }
0x40c: {  	s12 =	sadd.s32 @!p0 $0x918, s14;
	s16 =	simm.s32 @!p0 $0x48;
	s17 =	simm.s32 @!p0 $0xBF00  }
0x40d: {  	[tilespmem:s17], [sflag:$0x4] =	stream.indirect.gather @!p0 [hbm4b:s7+s16], $0x20, s12, s16, $0xb8;
	[tilespmem:$0x1A940] =	vst v63  }
0x40e: {  	_ =	swait.ge [sflag:s3], $0x1900  }
0x40f: {  	[sflag:s3] =	ssyncset.done $0x0  }
0x410: {  	[sflag:s3] =	ssyncadd.s32 $0xFFFFE700  }
0x411: {  	_ =	swait.ge [sflag:s11], $0x1900  }
0x412: {  	[sflag:s11] =	ssyncset.done $0x0  }
0x413: {  	s25 =	simm.s32 $0xFA00;
	[sflag:s11] =	ssyncadd.s32 $0xFFFFE700  }
0x414: {  	v8 =	vld [tilespmem:s25+$0x20]  }
0x415: {  	s28 =	simm.s32 $0x19020;
	v9 =	vld [tilespmem:s25+$0x30]  }
0x416: {  	v10 =	vld [tilespmem:s28+$0x0]  }
0x417: {  	v11 =	vld [tilespmem:s28+$0x10];
	_ =	sdelay $0x1  }
0x418: {  	v12 =	vld [tilespmem:s25+$0x0]  }
0x419: {  	v13 =	vld [tilespmem:s25+$0x10]  }
0x41a: {  	v14 =	vld [tilespmem:s28+$0xFFFFFFE0]  }
0x41b: {  	v15 =	vld [tilespmem:s28+$0xFFFFFFF0];
	v10 =	vadd.f32 v10, v8;
	v9 =	vadd.f32 v11, v9;
	_ =	sdelay $0x1  }
0x41c: {  	v11 =	vadd.f32 v9, v10;
	v8 =	vmul.f32 v10, v10;
	v16 =	vmul.f32 v9, v9;
	_ =	sdelay $0x1  }
0x41d: {  	v16 =	vadd.f32 v16, v8;
	v17 =	vperm.xlane v11, v0  }
0x41e: {  	v12 =	vadd.f32 v14, v12;
	v8 =	vadd.f32 v15, v13  }
0x41f: {  	v11 =	vadd.f32 v11, v17;
	v13 =	vperm.xlane v16, v0  }
0x420: {  	v15 =	vmul.f32 v12, v12;
	v14 =	vadd.f32 v8, v12;
	v17 =	vmul.f32 v8, v8  }
0x421: {  	v13 =	vadd.f32 v16, v13;
	v16 =	vperm.xlane v11, v1  }
0x422: {  	v18 =	vperm.xlane v14, v0;
	v15 =	vadd.f32 v17, v15  }
0x423: {  	v11 =	vadd.f32 v16, v11;
	v16 =	vperm.xlane v13, v1  }
0x424: {  	v14 =	vadd.f32 v14, v18;
	v17 =	vperm.xlane v15, v0  }
0x425: {  	v13 =	vadd.f32 v16, v13;
	v16 =	vperm.xlane v11, v2  }
0x426: {  	v18 =	vperm.xlane v14, v1;
	v15 =	vadd.f32 v15, v17  }
0x427: {  	v11 =	vadd.f32 v16, v11;
	v16 =	vperm.xlane v13, v2  }
0x428: {  	v14 =	vadd.f32 v18, v14;
	v17 =	vperm.xlane v15, v1  }
0x429: {  	s16 =	simm.s32 $0xFA40;
	v13 =	vadd.f32 v16, v13;
	v16 =	vperm.xlane v11, v3  }
0x42a: {  	s17 =	simm.s32 $0x19060;
	v19 =	vld [tilespmem:s16+$0x30];
	v18 =	vperm.xlane v14, v2;
	v15 =	vadd.f32 v17, v15  }
0x42b: {  	v21 =	vld [tilespmem:s17+$0x0];
	v11 =	vadd.f32 v16, v11;
	v16 =	vperm.xlane v13, v3  }
0x42c: {  	v22 =	vld [tilespmem:s16+$0x10];
	v14 =	vadd.f32 v18, v14;
	v17 =	vperm.xlane v15, v2  }
0x42d: {  	v13 =	vadd.f32 v16, v13;
	v11 =	vmul.f32 $3.125000000e-02, v11;
	v16 =	vld [tilespmem:s16+$0x20]  }
0x42e: {  	v18 =	vperm.xlane v14, v3;
	v15 =	vadd.f32 v17, v15;
	v17 =	vld [tilespmem:s17+$0x10]  }
0x42f: {  	v25 =	vld [tilespmem:s17+$0xFFFFFFF0];
	v13 =	vmul.f32 $3.125000000e-02, v13;
	v20 =	vmul.f32 v11, v11  }
0x430: {  	v14 =	vadd.f32 v18, v14;
	v18 =	vperm.xlane v15, v3  }
0x431: {  	v13 =	vsub.f32 v13, v20  }
0x432: {  	v23 =	vld [tilespmem:s17+$0xFFFFFFE0];
	v14 =	vmul.f32 $3.125000000e-02, v14;
	v15 =	vadd.f32 v18, v15;
	v21 =	vadd.f32 v21, v16  }
0x433: {  	v20 =	vld [tilespmem:s16+$0x0];
	v16 =	vadd.f32 v17, v19;
	v13 =	vadd.f32 $9.999999740e-06, v13  }
0x434: {  	v22 =	vadd.f32 v25, v22;
	v18 =	vmul.f32 v14, v14;
	v15 =	vmul.f32 $3.125000000e-02, v15  }
0x435: {  	v19 =	vadd.f32 v16, v21;
	v24 =	vshra.s32 v13, $0x1;
	v13 =	vmul.f32 $5.000000000e-01, v13  }
0x436: {  	v26 =	vmul.f32 v16, v16;
	v17 =	vsub.s32 $0x5F3759DF, v24;
	v24 =	vmul.f32 v21, v21  }
0x437: {  	v10 =	vsub.f32 v10, v11;
	v15 =	vsub.f32 v15, v18;
	v27 =	vmul.f32 v17, v13  }
0x438: {  	v20 =	vadd.f32 v23, v20;
	v18 =	vadd.f32 v26, v24;
	v24 =	vperm.xlane v19, v0  }
0x439: {  	v9 =	vsub.f32 v9, v11;
	v15 =	vadd.f32 $9.999999740e-06, v15;
	v26 =	vmul.f32 v17, v27  }
0x43a: {  	v25 =	vmul.f32 v20, v20;
	v19 =	vadd.f32 v19, v24;
	v23 =	vperm.xlane v18, v0  }
0x43b: {  	v27 =	vmul.f32 v22, v22;
	v24 =	vsub.f32 $1.500000000e+00, v26;
	v26 =	vadd.f32 v22, v20  }
0x43c: {  	v28 =	vshra.s32 v15, $0x1;
	v18 =	vadd.f32 v18, v23;
	v23 =	vperm.xlane v19, v1  }
0x43d: {  	v25 =	vadd.f32 v27, v25;
	v17 =	vmul.f32 v17, v24;
	v24 =	vperm.xlane v26, v0  }
0x43e: {  	v15 =	vmul.f32 $5.000000000e-01, v15;
	v19 =	vadd.f32 v23, v19;
	v23 =	vperm.xlane v18, v1  }
0x43f: {  	v13 =	vmul.f32 v17, v13;
	v24 =	vadd.f32 v26, v24;
	v26 =	vperm.xlane v25, v0  }
0x440: {  	v27 =	vsub.s32 $0x5F3759DF, v28;
	v18 =	vadd.f32 v23, v18;
	v23 =	vperm.xlane v19, v2  }
0x441: {  	v13 =	vmul.f32 v13, v17;
	v53 =	vperm.xlane v24, v1;
	v25 =	vadd.f32 v25, v26  }
0x442: {  	v26 =	vmul.f32 v27, v15;
	v19 =	vadd.f32 v23, v19;
	v23 =	vperm.xlane v18, v2  }
0x443: {  	v13 =	vsub.f32 $1.500000000e+00, v13;
	v24 =	vadd.f32 v53, v24;
	v54 =	vperm.xlane v25, v1  }
0x444: {  	v11 =	vmul.f32 v27, v26;
	v18 =	vadd.f32 v23, v18;
	v23 =	vperm.xlane v19, v3  }
0x445: {  	v13 =	vmul.f32 v13, v17;
	v17 =	vperm.xlane v24, v2;
	v25 =	vadd.f32 v54, v25  }
0x446: {  	v19 =	vadd.f32 v23, v19;
	v23 =	vperm.xlane v18, v3  }
0x447: {  	v11 =	vsub.f32 $1.500000000e+00, v11;
	v17 =	vadd.f32 v17, v24;
	v24 =	vperm.xlane v25, v2  }
0x448: {  	v9 =	vmul.f32 v13, v9;
	v18 =	vadd.f32 v23, v18;
	v19 =	vmul.f32 $3.125000000e-02, v19  }
0x449: {  	s18 =	simm.s32 $0xFA80;
	v26 =	vsub.f32 v12, v14;
	v12 =	vmul.f32 v27, v11;
	v23 =	vperm.xlane v17, v3  }
0x44a: {  	v27 =	vld [tilespmem:s18+$0x30];
	v24 =	vadd.f32 v24, v25;
	v18 =	vmul.f32 $3.125000000e-02, v18;
	v25 =	vmul.f32 v19, v19  }
0x44b: {  	s12 =	simm.s32 $0x190A0;
	v9 =	vmul.f32 v9, v5;
	v11 =	vadd.f32 v23, v17;
	v17 =	vld [tilespmem:s18+$0x20]  }
0x44c: {  	v23 =	vperm.xlane v24, v3;
	v18 =	vsub.f32 v18, v25;
	v25 =	vsub.f32 v8, v14;
	v14 =	vld [tilespmem:s12+$0x0]  }
0x44d: {  	v55 =	vadd.f32 v9, v7;
	v8 =	vmul.f32 v12, v15;
	v15 =	vld [tilespmem:s12+$0x10];
	v11 =	vmul.f32 $3.125000000e-02, v11  }
0x44e: {  	v29 =	vld [tilespmem:s18+$0x0];
	v13 =	vmul.f32 v13, v10;
	v9 =	vadd.f32 $9.999999740e-06, v18;
	v18 =	vadd.f32 v23, v24  }
0x44f: {  	v32 =	vld [tilespmem:s12+$0xFFFFFFF0];
	v23 =	vmul.f32 v8, v12;
	v24 =	vmul.f32 v11, v11;
	v8 =	vsub.f32 v20, v11  }
0x450: {  	v20 =	vld [tilespmem:s18+$0x10];
	v30 =	vshra.s32 v9, $0x1;
	v31 =	vmul.f32 $5.000000000e-01, v9;
	v18 =	vmul.f32 $3.125000000e-02, v18  }
0x451: {  	v9 =	vsub.f32 v22, v11;
	v22 =	vld [tilespmem:s12+$0xFFFFFFE0];
	v23 =	vsub.f32 $1.500000000e+00, v23;
	v30 =	vsub.s32 $0x5F3759DF, v30  }
0x452: {  	v11 =	vadd.f32 v14, v17;
	v10 =	vadd.f32 v15, v27;
	v14 =	vmul.f32 v30, v31  }
0x453: {  	v15 =	vsub.f32 v18, v24;
	v17 =	vmul.f32 v23, v12;
	v24 =	vmul.f32 v13, v4  }
0x454: {  	v33 =	vsub.f32 v21, v19;
	v21 =	vmul.f32 v11, v11;
	v23 =	vmul.f32 v10, v10  }
0x455: {  	v18 =	vadd.f32 v10, v11;
	v14 =	vmul.f32 v30, v14;
	v13 =	vadd.f32 v32, v20  }
0x456: {  	v12 =	vadd.f32 v22, v29;
	v20 =	vadd.f32 v23, v21  }
0x457: {  	v21 =	vadd.f32 $9.999999740e-06, v15;
	v15 =	vmul.f32 v17, v25;
	v22 =	vsub.f32 $1.500000000e+00, v14  }
0x458: {  	v14 =	vmul.f32 v17, v26;
	v17 =	vperm.xlane v18, v0  }
0x459: {  	v23 =	vadd.f32 v13, v12;
	v25 =	vperm.xlane v20, v0;
	v22 =	vmul.f32 v30, v22  }
0x45a: {  	v26 =	vmul.f32 v12, v12;
	v17 =	vadd.f32 v18, v17;
	v18 =	vmul.f32 v13, v13  }
0x45b: {  	v56 =	vperm.xlane v23, v0;
	v20 =	vadd.f32 v20, v25;
	v27 =	vmul.f32 v22, v31  }
0x45c: {  	v25 =	vshra.s32 v21, $0x1;
	v18 =	vadd.f32 v18, v26;
	v26 =	vperm.xlane v17, v1  }
0x45d: {  	v16 =	vsub.f32 v16, v19;
	v25 =	vsub.s32 $0x5F3759DF, v25;
	v27 =	vmul.f32 v27, v22  }
0x45e: {  	v23 =	vadd.f32 v23, v56;
	v57 =	vperm.xlane v20, v1;
	v26 =	vadd.f32 v26, v17  }
0x45f: {  	v58 =	vperm.xlane v18, v0;
	v17 =	vmul.f32 $5.000000000e-01, v21;
	v21 =	vsub.f32 $1.500000000e+00, v27  }
0x460: {  	v20 =	vadd.f32 v57, v20;
	v27 =	vperm.xlane v23, v1;
	v59 =	vperm.xlane v26, v2  }
0x461: {  	v18 =	vadd.f32 v18, v58;
	v22 =	vmul.f32 v21, v22;
	v21 =	vmul.f32 v25, v17  }
0x462: {  	v19 =	vadd.f32 v27, v23;
	v23 =	vadd.f32 v59, v26;
	v26 =	vperm.xlane v20, v2  }
0x463: {  	v24 =	vadd.f32 v24, v6;
	v27 =	vperm.xlane v18, v1;
	v16 =	vmul.f32 v22, v16  }
0x464: {  	s19 =	simm.s32 $0x0;
	v60 =	vperm.xlane v19, v2;
	v20 =	vadd.f32 v26, v20;
	v26 =	vperm.xlane v23, v3  }
0x465: {  	s23 =	simm.s32 $0x20;
	s25 =	sand.u32 $0x1F80, s19;
	v18 =	vadd.f32 v27, v18;
	v21 =	vmul.f32 v25, v21;
	v16 =	vmul.f32 v16, v5  }
0x466: {  	s20 =	simm.s32 $0x40;
	s28 =	sadd.s32 $0x15E00, s25;
	s17 =	sand.u32 $0x60, s23;
	v27 =	vadd.f32 v60, v19;
	v19 =	vadd.f32 v26, v23;
	v23 =	vperm.xlane v20, v3  }
0x467: {  	s22 =	sand.u32 $0x1F80, s20;
	s17 =	sor.u32 s17, s28;
	s18 =	simm.s32 $0x60;
	v26 =	vperm.xlane v18, v2;
	v61 =	vsub.f32 $1.500000000e+00, v21;
	v62 =	vadd.f32 v16, v7  }
0x468: {  	s23 =	sadd.s32 $0x15E00, s22;
	s16 =	sand.u32 $0x40, s19;
	[tilespmem:s17+$0x10] =	vst v55;
	s25 =	sand.u32 $0x60, s18;
	v63 =	vperm.xlane v27, v3;
	v23 =	vadd.f32 v23, v20;
	v16 =	vmul.f32 $3.125000000e-02, v19  }
0x469: {  	s19 =	sor.u32 s16, s28;
	s28 =	sand.u32 $0x40, s20;
	[tilespmem:s17+$0x0] =	vst v24;
	s17 =	sor.u32 s25, s23;
	v21 =	vadd.f32 v26, v18;
	v19 =	vmul.f32 v25, v61;
	v20 =	vmul.f32 v22, v33  }
0x46a: {  	s22 =	simm.s32 $0x4;
	s25 =	sor.u32 s28, s23;
	s23 =	simm.s32 $0xFAC0;
	[tilespmem:s17+$0x10] =	vst v62;
	v22 =	vadd.f32 v63, v27;
	v23 =	vmul.f32 $3.125000000e-02, v23;
	v24 =	vmul.f32 v16, v16  }
.LBB2_15:
0x46b: {  	v25 =	vld [tilespmem:s23+$0x20];
	v26 =	vperm.xlane v21, v3;
	v18 =	vsub.f32 v11, v16;
	v11 =	vmul.f32 v19, v17  }
0x46c: {  	s12 =	sadd.s32 $0x40, s12;
	v14 =	vmul.f32 v14, v4;
	v17 =	vld [tilespmem:s23+$0x30];
	v22 =	vmul.f32 $3.125000000e-02, v22;
	v23 =	vsub.f32 v23, v24  }
0x46d: {  	v15 =	vmul.f32 v15, v5;
	v24 =	vld [tilespmem:s12+$0x0];
	v21 =	vadd.f32 v26, v21;
	v11 =	vmul.f32 v11, v19  }
0x46e: {  	s22 =	sadd.s32 $0x2, s22;
	v26 =	vld [tilespmem:s12+$0x10];
	v27 =	vmul.f32 v22, v22;
	v12 =	vsub.f32 v12, v22;
	v23 =	vadd.f32 $9.999999740e-06, v23  }
0x46f: {  	p1 =	slt.u32 s22, $0xC6;
	v13 =	vsub.f32 v13, v22;
	v28 =	vld [tilespmem:s23+$0x0];
	v21 =	vmul.f32 $3.125000000e-02, v21;
	v11 =	vsub.f32 $1.500000000e+00, v11  }
0x470: {  	v20 =	vmul.f32 v20, v4;
	v22 =	vld [tilespmem:s23+$0x10];
	v29 =	vshra.s32 v23, $0x1;
	v23 =	vmul.f32 $5.000000000e-01, v23  }
0x471: {  	v30 =	vld [tilespmem:s12+$0xFFFFFFE0];
	v21 =	vsub.f32 v21, v27;
	v27 =	vsub.s32 $0x5F3759DF, v29;
	v19 =	vmul.f32 v11, v19  }
0x472: {  	v32 =	vadd.f32 v14, v6;
	v33 =	vadd.f32 v15, v7;
	v29 =	vld [tilespmem:s12+$0xFFFFFFF0];
	v31 =	vmul.f32 v27, v23  }
0x473: {  	v11 =	vadd.f32 v24, v25;
	v24 =	vadd.f32 v26, v17;
	v14 =	vmul.f32 v19, v8;
	v8 =	vmovc v12  }
0x474: {  	v17 =	vadd.f32 $9.999999740e-06, v21;
	v15 =	vmul.f32 v19, v9;
	v9 =	vmovc v13;
	v21 =	vmul.f32 v27, v31;
	[tilespmem:s19+$0x0] =	vst v32  }
0x475: {  	v25 =	vmul.f32 v11, v11;
	v19 =	vadd.f32 v24, v11;
	v26 =	vmul.f32 v24, v24;
	[tilespmem:s19+$0x10] =	vst v33;
	s19 =	smov.u32 s25  }
0x476: {  	v12 =	vadd.f32 v30, v28;
	v28 =	vshra.s32 v17, $0x1;
	v21 =	vsub.f32 $1.500000000e+00, v21  }
0x477: {  	v13 =	vadd.f32 v29, v22;
	v22 =	vadd.f32 v26, v25;
	v25 =	vperm.xlane v19, v0  }
0x478: {  	v28 =	vsub.s32 $0x5F3759DF, v28;
	v26 =	vmul.f32 v12, v12;
	v21 =	vmul.f32 v27, v21  }
0x479: {  	v27 =	vadd.f32 v13, v12;
	v19 =	vadd.f32 v19, v25;
	v25 =	vperm.xlane v22, v0  }
0x47a: {  	v20 =	vadd.f32 v20, v6;
	v29 =	vmul.f32 v13, v13;
	v23 =	vmul.f32 v21, v23  }
0x47b: {  	v30 =	vperm.xlane v27, v0;
	v22 =	vadd.f32 v22, v25;
	v25 =	vperm.xlane v19, v1  }
0x47c: {  	v17 =	vmul.f32 $5.000000000e-01, v17;
	v26 =	vadd.f32 v29, v26;
	v23 =	vmul.f32 v23, v21;
	[tilespmem:s17+$0x0] =	vst v20  }
0x47d: {  	v20 =	vadd.f32 v27, v30;
	v19 =	vadd.f32 v25, v19;
	v25 =	vperm.xlane v22, v1  }
0x47e: {  	v29 =	vmul.f32 v28, v17;
	v27 =	vperm.xlane v26, v0;
	v23 =	vsub.f32 $1.500000000e+00, v23  }
0x47f: {  	v30 =	vperm.xlane v20, v1;
	v22 =	vadd.f32 v25, v22;
	v25 =	vperm.xlane v19, v2  }
0x480: {  	v16 =	vsub.f32 v10, v16;
	v10 =	vmovc v24;
	v26 =	vadd.f32 v26, v27;
	v23 =	vmul.f32 v23, v21  }
0x481: {  	v20 =	vadd.f32 v30, v20;
	v19 =	vadd.f32 v25, v19;
	v21 =	vperm.xlane v22, v2  }
0x482: {  	v24 =	vperm.xlane v26, v1;
	v16 =	vmul.f32 v23, v16  }
0x483: {  	s18 =	sadd.s32 $0x40, s18;
	v25 =	vperm.xlane v20, v2;
	v21 =	vadd.f32 v21, v22;
	v22 =	vperm.xlane v19, v3  }
0x484: {  	s16 =	sadd.s32 $0xFFFFFFE0, s18;
	v24 =	vadd.f32 v24, v26;
	v26 =	vmul.f32 v28, v29;
	v16 =	vmul.f32 v16, v5  }
.Ltmp8:
0x485: {  	s17 =	sand.u32 $0x40, s16;
	s16 =	sand.u32 $0x1F80, s16;
	v25 =	vadd.f32 v25, v20;
	v19 =	vadd.f32 v22, v19;
	v20 =	vperm.xlane v21, v3;
	(pc) =	sbr.rel @p1 .LBB2_15-.Ltmp8, $4  }
0x486: {  	s20 =	sand.u32 $0x60, s18;
	s16 =	sadd.s32 $0x15E00, s16;
	v22 =	vperm.xlane v24, v2;
	v26 =	vsub.f32 $1.500000000e+00, v26;
	v27 =	vadd.f32 v16, v7  }
0x487: {  	s25 =	sor.u32 s17, s16;
	s17 =	sor.u32 s20, s16;
	v29 =	vperm.xlane v25, v3;
	v30 =	vadd.f32 v20, v21;
	v16 =	vmul.f32 $3.125000000e-02, v19  }
0x488: {  	v21 =	vadd.f32 v22, v24;
	v19 =	vmul.f32 v28, v26;
	v20 =	vmul.f32 v23, v18;
	[tilespmem:s17+$0x10] =	vst v27  }
0x489: {  	s23 =	sadd.s32 $0x40, s23;
	v22 =	vadd.f32 v29, v25;
	v23 =	vmul.f32 $3.125000000e-02, v30;
	v24 =	vmul.f32 v16, v16  }
0x48a: {  	v18 =	vperm.xlane v21, v3;
	_ =	sdelay $0x1  }
0x48b: {  	v22 =	vmul.f32 $3.125000000e-02, v22;
	v23 =	vsub.f32 v23, v24;
	v18 =	vadd.f32 v18, v21;
	_ =	sdelay $0x1  }
0x48c: {  	v21 =	vmul.f32 v22, v22;
	v23 =	vadd.f32 $9.999999740e-06, v23;
	v18 =	vmul.f32 $3.125000000e-02, v18;
	_ =	sdelay $0x1  }
0x48d: {  	v24 =	vshra.s32 v23, $0x1;
	v23 =	vmul.f32 $5.000000000e-01, v23;
	v18 =	vsub.f32 v18, v21  }
0x48e: {  	v21 =	vsub.s32 $0x5F3759DF, v24  }
0x48f: {  	v24 =	vmul.f32 v21, v23;
	v18 =	vadd.f32 $9.999999740e-06, v18;
	_ =	sdelay $0x1  }
0x490: {  	v24 =	vmul.f32 v21, v24;
	v25 =	vshra.s32 v18, $0x1;
	v18 =	vmul.f32 $5.000000000e-01, v18  }
0x491: {  	v25 =	vsub.s32 $0x5F3759DF, v25  }
0x492: {  	v24 =	vsub.f32 $1.500000000e+00, v24;
	v26 =	vmul.f32 v25, v18;
	_ =	sdelay $0x1  }
0x493: {  	v21 =	vmul.f32 v21, v24;
	v24 =	vmul.f32 v25, v26  }
0x494: {  	v17 =	vmul.f32 v19, v17  }
0x495: {  	v23 =	vmul.f32 v21, v23;
	v24 =	vsub.f32 $1.500000000e+00, v24  }
0x496: {  	v17 =	vmul.f32 v17, v19  }
0x497: {  	v23 =	vmul.f32 v23, v21;
	v24 =	vmul.f32 v25, v24  }
0x498: {  	v17 =	vsub.f32 $1.500000000e+00, v17  }
0x499: {  	v14 =	vmul.f32 v14, v4;
	v23 =	vsub.f32 $1.500000000e+00, v23;
	v18 =	vmul.f32 v24, v18  }
0x49a: {  	v11 =	vsub.f32 v11, v16;
	v15 =	vmul.f32 v15, v5;
	v17 =	vmul.f32 v17, v19  }
0x49b: {  	v10 =	vsub.f32 v10, v16;
	v21 =	vmul.f32 v23, v21;
	v16 =	vmul.f32 v18, v24  }
0x49c: {  	v14 =	vadd.f32 v14, v6;
	v8 =	vmul.f32 v17, v8  }
0x49d: {  	v15 =	vadd.f32 v15, v7;
	v10 =	vmul.f32 v21, v10;
	v16 =	vsub.f32 $1.500000000e+00, v16  }
0x49e: {  	s12 =	sadd.s32 $0x40, s18;
	v12 =	vsub.f32 v12, v22;
	v9 =	vmul.f32 v17, v9;
	v8 =	vmul.f32 v8, v4  }
0x49f: {  	s16 =	sadd.s32 $0xFFFFFFE0, s12;
	v13 =	vsub.f32 v13, v22;
	v10 =	vmul.f32 v10, v5;
	v16 =	vmul.f32 v16, v24  }
0x4a0: {  	s22 =	sand.u32 $0x1F80, s16;
	[tilespmem:s19+$0x0] =	vst v14;
	v9 =	vmul.f32 v9, v5;
	v8 =	vadd.f32 v8, v6;
	v11 =	vmul.f32 v21, v11  }
0x4a1: {  	s12 =	sand.u32 $0x60, s12;
	s18 =	sadd.s32 $0x15E00, s22;
	[tilespmem:s19+$0x10] =	vst v15;
	v18 =	vmul.f32 v20, v4;
	v10 =	vadd.f32 v10, v7;
	v12 =	vmul.f32 v16, v12  }
0x4a2: {  	s12 =	sor.u32 s12, s18;
	v9 =	vadd.f32 v9, v7;
	[tilespmem:s25+$0x0] =	vst v8;
	v11 =	vmul.f32 v11, v4;
	v13 =	vmul.f32 v16, v13  }
0x4a3: {  	v14 =	vadd.f32 v18, v6;
	[tilespmem:s12+$0x10] =	vst v10;
	v10 =	vmul.f32 v12, v4  }
0x4a4: {  	[tilespmem:s25+$0x10] =	vst v9;
	v8 =	vadd.f32 v11, v6;
	v11 =	vmul.f32 v13, v5  }
0x4a5: {  	s10 =	sadd.s32 s5, s10;
	s16 =	sand.u32 $0x40, s16;
	[tilespmem:s17+$0x0] =	vst v14;
	v9 =	vadd.f32 v10, v6  }
0x4a6: {  	s10 =	smul.u32 $0x320, s10;
	s16 =	sor.u32 s16, s18;
	[tilespmem:s12+$0x0] =	vst v8;
	v8 =	vadd.f32 v11, v7  }
0x4a7: {  	[tilespmem:s16+$0x0] =	vst v9  }
0x4a8: {  	s23 =	simm.s32 $0x15E00;
	s10 =	sadd.s32 s4, s10;
	[tilespmem:s16+$0x10] =	vst v8  }
0x4a9: {  	[hbm4b:s10+s6] =	stream.linear.scatter [tilespmem:s23], [sflag:$0xB], $0x1900, $0x38;
	[tilespmem:$0x1A940] =	vst v63  }
0x4aa: {  	s12 =	simm.s32 @!p0 $0x80;
	s16 =	simm.s32 @!p0 $0xC800;
	s10 =	sadd.s32 @!p0 $0x960, s14  }
0x4ab: {  	[tilespmem:s16], [sflag:$0x5] =	stream.indirect.gather @!p0 [hbm4b:s7+s12], $0x20, s10, s12, $0xb8;
	[tilespmem:$0x1A940] =	vst v63  }
0x4ac: {  	s10 =	sadd.s32 @!p0 $0x9E0, s14;
	s12 =	simm.s32 @!p0 $0x48;
	s14 =	simm.s32 @!p0 $0xD800  }
0x4ad: {  	[tilespmem:s14], [sflag:$0x5] =	stream.indirect.gather @!p0 [hbm4b:s7+s12], $0x20, s10, s12, $0xb8;
	[tilespmem:$0x1A940] =	vst v63  }
0x4ae: {  	_ =	swait.ge [sflag:s13], $0x1900  }
0x4af: {  	[sflag:s13] =	ssyncset.done $0x0  }
0x4b0: {  	[sflag:s13] =	ssyncadd.s32 $0xFFFFE700  }
0x4b1: {  	_ =	swait.ge [sflag:s8], $0x1900  }
0x4b2: {  	[sflag:s8] =	ssyncset.done $0x0  }
0x4b3: {  	s25 =	simm.s32 $0x11300;
	[sflag:s8] =	ssyncadd.s32 $0xFFFFE700  }
0x4b4: {  	v8 =	vld [tilespmem:s25+$0x20]  }
0x4b5: {  	s28 =	simm.s32 $0x19020;
	v9 =	vld [tilespmem:s25+$0x30]  }
0x4b6: {  	v10 =	vld [tilespmem:s28+$0x0]  }
0x4b7: {  	v11 =	vld [tilespmem:s28+$0x10];
	_ =	sdelay $0x1  }
0x4b8: {  	v12 =	vld [tilespmem:s25+$0x0]  }
0x4b9: {  	v13 =	vld [tilespmem:s25+$0x10]  }
0x4ba: {  	v14 =	vld [tilespmem:s28+$0xFFFFFFE0]  }
0x4bb: {  	v15 =	vld [tilespmem:s28+$0xFFFFFFF0];
	v10 =	vadd.f32 v10, v8;
	v9 =	vadd.f32 v11, v9;
	_ =	sdelay $0x1  }
0x4bc: {  	v11 =	vadd.f32 v9, v10;
	v8 =	vmul.f32 v10, v10;
	v16 =	vmul.f32 v9, v9;
	_ =	sdelay $0x1  }
0x4bd: {  	v16 =	vadd.f32 v16, v8;
	v17 =	vperm.xlane v11, v0  }
0x4be: {  	v12 =	vadd.f32 v14, v12;
	v8 =	vadd.f32 v15, v13  }
0x4bf: {  	v11 =	vadd.f32 v11, v17;
	v13 =	vperm.xlane v16, v0  }
0x4c0: {  	v15 =	vmul.f32 v12, v12;
	v14 =	vadd.f32 v8, v12;
	v17 =	vmul.f32 v8, v8  }
0x4c1: {  	v13 =	vadd.f32 v16, v13;
	v16 =	vperm.xlane v11, v1  }
0x4c2: {  	v18 =	vperm.xlane v14, v0;
	v15 =	vadd.f32 v17, v15  }
0x4c3: {  	v11 =	vadd.f32 v16, v11;
	v16 =	vperm.xlane v13, v1  }
0x4c4: {  	v14 =	vadd.f32 v14, v18;
	v17 =	vperm.xlane v15, v0  }
0x4c5: {  	v13 =	vadd.f32 v16, v13;
	v16 =	vperm.xlane v11, v2  }
0x4c6: {  	v18 =	vperm.xlane v14, v1;
	v15 =	vadd.f32 v15, v17  }
0x4c7: {  	v11 =	vadd.f32 v16, v11;
	v16 =	vperm.xlane v13, v2  }
0x4c8: {  	v14 =	vadd.f32 v18, v14;
	v17 =	vperm.xlane v15, v1  }
0x4c9: {  	s14 =	simm.s32 $0x11340;
	v13 =	vadd.f32 v16, v13;
	v16 =	vperm.xlane v11, v3  }
0x4ca: {  	s16 =	simm.s32 $0x19060;
	v19 =	vld [tilespmem:s14+$0x30];
	v18 =	vperm.xlane v14, v2;
	v15 =	vadd.f32 v17, v15  }
0x4cb: {  	v21 =	vld [tilespmem:s16+$0x0];
	v11 =	vadd.f32 v16, v11;
	v16 =	vperm.xlane v13, v3  }
0x4cc: {  	v22 =	vld [tilespmem:s14+$0x10];
	v14 =	vadd.f32 v18, v14;
	v17 =	vperm.xlane v15, v2  }
0x4cd: {  	v13 =	vadd.f32 v16, v13;
	v11 =	vmul.f32 $3.125000000e-02, v11;
	v16 =	vld [tilespmem:s14+$0x20]  }
0x4ce: {  	v18 =	vperm.xlane v14, v3;
	v15 =	vadd.f32 v17, v15;
	v17 =	vld [tilespmem:s16+$0x10]  }
0x4cf: {  	v25 =	vld [tilespmem:s16+$0xFFFFFFF0];
	v13 =	vmul.f32 $3.125000000e-02, v13;
	v20 =	vmul.f32 v11, v11  }
0x4d0: {  	v14 =	vadd.f32 v18, v14;
	v18 =	vperm.xlane v15, v3  }
0x4d1: {  	v13 =	vsub.f32 v13, v20  }
0x4d2: {  	v23 =	vld [tilespmem:s16+$0xFFFFFFE0];
	v14 =	vmul.f32 $3.125000000e-02, v14;
	v15 =	vadd.f32 v18, v15;
	v21 =	vadd.f32 v21, v16  }
0x4d3: {  	v20 =	vld [tilespmem:s14+$0x0];
	v16 =	vadd.f32 v17, v19;
	v13 =	vadd.f32 $9.999999740e-06, v13  }
0x4d4: {  	v22 =	vadd.f32 v25, v22;
	v18 =	vmul.f32 v14, v14;
	v15 =	vmul.f32 $3.125000000e-02, v15  }
0x4d5: {  	v19 =	vadd.f32 v16, v21;
	v24 =	vshra.s32 v13, $0x1;
	v13 =	vmul.f32 $5.000000000e-01, v13  }
0x4d6: {  	v26 =	vmul.f32 v16, v16;
	v17 =	vsub.s32 $0x5F3759DF, v24;
	v24 =	vmul.f32 v21, v21  }
0x4d7: {  	v10 =	vsub.f32 v10, v11;
	v15 =	vsub.f32 v15, v18;
	v27 =	vmul.f32 v17, v13  }
0x4d8: {  	v20 =	vadd.f32 v23, v20;
	v18 =	vadd.f32 v26, v24;
	v24 =	vperm.xlane v19, v0  }
0x4d9: {  	v9 =	vsub.f32 v9, v11;
	v15 =	vadd.f32 $9.999999740e-06, v15;
	v26 =	vmul.f32 v17, v27  }
0x4da: {  	v25 =	vmul.f32 v20, v20;
	v19 =	vadd.f32 v19, v24;
	v23 =	vperm.xlane v18, v0  }
0x4db: {  	v27 =	vmul.f32 v22, v22;
	v24 =	vsub.f32 $1.500000000e+00, v26;
	v26 =	vadd.f32 v22, v20  }
0x4dc: {  	v28 =	vshra.s32 v15, $0x1;
	v18 =	vadd.f32 v18, v23;
	v23 =	vperm.xlane v19, v1  }
0x4dd: {  	v25 =	vadd.f32 v27, v25;
	v17 =	vmul.f32 v17, v24;
	v24 =	vperm.xlane v26, v0  }
0x4de: {  	v15 =	vmul.f32 $5.000000000e-01, v15;
	v19 =	vadd.f32 v23, v19;
	v23 =	vperm.xlane v18, v1  }
0x4df: {  	v13 =	vmul.f32 v17, v13;
	v24 =	vadd.f32 v26, v24;
	v26 =	vperm.xlane v25, v0  }
0x4e0: {  	v27 =	vsub.s32 $0x5F3759DF, v28;
	v18 =	vadd.f32 v23, v18;
	v23 =	vperm.xlane v19, v2  }
0x4e1: {  	v13 =	vmul.f32 v13, v17;
	v53 =	vperm.xlane v24, v1;
	v25 =	vadd.f32 v25, v26  }
0x4e2: {  	v26 =	vmul.f32 v27, v15;
	v19 =	vadd.f32 v23, v19;
	v23 =	vperm.xlane v18, v2  }
0x4e3: {  	v13 =	vsub.f32 $1.500000000e+00, v13;
	v24 =	vadd.f32 v53, v24;
	v54 =	vperm.xlane v25, v1  }
0x4e4: {  	v11 =	vmul.f32 v27, v26;
	v18 =	vadd.f32 v23, v18;
	v23 =	vperm.xlane v19, v3  }
0x4e5: {  	v13 =	vmul.f32 v13, v17;
	v17 =	vperm.xlane v24, v2;
	v25 =	vadd.f32 v54, v25  }
0x4e6: {  	v19 =	vadd.f32 v23, v19;
	v23 =	vperm.xlane v18, v3  }
0x4e7: {  	v11 =	vsub.f32 $1.500000000e+00, v11;
	v17 =	vadd.f32 v17, v24;
	v24 =	vperm.xlane v25, v2  }
0x4e8: {  	v9 =	vmul.f32 v13, v9;
	v18 =	vadd.f32 v23, v18;
	v19 =	vmul.f32 $3.125000000e-02, v19  }
0x4e9: {  	s17 =	simm.s32 $0x11380;
	v26 =	vsub.f32 v12, v14;
	v12 =	vmul.f32 v27, v11;
	v23 =	vperm.xlane v17, v3  }
0x4ea: {  	v27 =	vld [tilespmem:s17+$0x30];
	v24 =	vadd.f32 v24, v25;
	v18 =	vmul.f32 $3.125000000e-02, v18;
	v25 =	vmul.f32 v19, v19  }
0x4eb: {  	s10 =	simm.s32 $0x190A0;
	v9 =	vmul.f32 v9, v5;
	v11 =	vadd.f32 v23, v17;
	v17 =	vld [tilespmem:s17+$0x20]  }
0x4ec: {  	v23 =	vperm.xlane v24, v3;
	v18 =	vsub.f32 v18, v25;
	v25 =	vsub.f32 v8, v14;
	v14 =	vld [tilespmem:s10+$0x0]  }
0x4ed: {  	v55 =	vadd.f32 v9, v7;
	v8 =	vmul.f32 v12, v15;
	v15 =	vld [tilespmem:s10+$0x10];
	v11 =	vmul.f32 $3.125000000e-02, v11  }
0x4ee: {  	v29 =	vld [tilespmem:s17+$0x0];
	v13 =	vmul.f32 v13, v10;
	v9 =	vadd.f32 $9.999999740e-06, v18;
	v18 =	vadd.f32 v23, v24  }
0x4ef: {  	v32 =	vld [tilespmem:s10+$0xFFFFFFF0];
	v23 =	vmul.f32 v8, v12;
	v24 =	vmul.f32 v11, v11;
	v8 =	vsub.f32 v20, v11  }
0x4f0: {  	v20 =	vld [tilespmem:s17+$0x10];
	v30 =	vshra.s32 v9, $0x1;
	v31 =	vmul.f32 $5.000000000e-01, v9;
	v18 =	vmul.f32 $3.125000000e-02, v18  }
0x4f1: {  	v9 =	vsub.f32 v22, v11;
	v22 =	vld [tilespmem:s10+$0xFFFFFFE0];
	v23 =	vsub.f32 $1.500000000e+00, v23;
	v30 =	vsub.s32 $0x5F3759DF, v30  }
0x4f2: {  	v11 =	vadd.f32 v14, v17;
	v10 =	vadd.f32 v15, v27;
	v14 =	vmul.f32 v30, v31  }
0x4f3: {  	v15 =	vsub.f32 v18, v24;
	v17 =	vmul.f32 v23, v12;
	v24 =	vmul.f32 v13, v4  }
0x4f4: {  	v33 =	vsub.f32 v21, v19;
	v21 =	vmul.f32 v11, v11;
	v23 =	vmul.f32 v10, v10  }
0x4f5: {  	v18 =	vadd.f32 v10, v11;
	v14 =	vmul.f32 v30, v14;
	v13 =	vadd.f32 v32, v20  }
0x4f6: {  	v12 =	vadd.f32 v22, v29;
	v20 =	vadd.f32 v23, v21  }
0x4f7: {  	v21 =	vadd.f32 $9.999999740e-06, v15;
	v15 =	vmul.f32 v17, v25;
	v22 =	vsub.f32 $1.500000000e+00, v14  }
0x4f8: {  	v14 =	vmul.f32 v17, v26;
	v17 =	vperm.xlane v18, v0  }
0x4f9: {  	v23 =	vadd.f32 v13, v12;
	v25 =	vperm.xlane v20, v0;
	v22 =	vmul.f32 v30, v22  }
0x4fa: {  	v26 =	vmul.f32 v12, v12;
	v17 =	vadd.f32 v18, v17;
	v18 =	vmul.f32 v13, v13  }
0x4fb: {  	v56 =	vperm.xlane v23, v0;
	v20 =	vadd.f32 v20, v25;
	v27 =	vmul.f32 v22, v31  }
0x4fc: {  	v25 =	vshra.s32 v21, $0x1;
	v18 =	vadd.f32 v18, v26;
	v26 =	vperm.xlane v17, v1  }
0x4fd: {  	v16 =	vsub.f32 v16, v19;
	v25 =	vsub.s32 $0x5F3759DF, v25;
	v27 =	vmul.f32 v27, v22  }
0x4fe: {  	v23 =	vadd.f32 v23, v56;
	v57 =	vperm.xlane v20, v1;
	v26 =	vadd.f32 v26, v17  }
0x4ff: {  	v58 =	vperm.xlane v18, v0;
	v17 =	vmul.f32 $5.000000000e-01, v21;
	v21 =	vsub.f32 $1.500000000e+00, v27  }
0x500: {  	v20 =	vadd.f32 v57, v20;
	v27 =	vperm.xlane v23, v1;
	v59 =	vperm.xlane v26, v2  }
0x501: {  	v18 =	vadd.f32 v18, v58;
	v22 =	vmul.f32 v21, v22;
	v21 =	vmul.f32 v25, v17  }
0x502: {  	v19 =	vadd.f32 v27, v23;
	v23 =	vadd.f32 v59, v26;
	v26 =	vperm.xlane v20, v2  }
0x503: {  	v24 =	vadd.f32 v24, v6;
	v27 =	vperm.xlane v18, v1;
	v16 =	vmul.f32 v22, v16  }
0x504: {  	s18 =	simm.s32 $0x0;
	v60 =	vperm.xlane v19, v2;
	v20 =	vadd.f32 v26, v20;
	v26 =	vperm.xlane v23, v3  }
0x505: {  	s19 =	simm.s32 $0x20;
	s20 =	sand.u32 $0x1F80, s18;
	v18 =	vadd.f32 v27, v18;
	v21 =	vmul.f32 v25, v21;
	v16 =	vmul.f32 v16, v5  }
0x506: {  	s22 =	simm.s32 $0x40;
	s12 =	sand.u32 $0x60, s19;
	s16 =	sadd.s32 $0x17700, s20;
	v27 =	vadd.f32 v60, v19;
	v19 =	vadd.f32 v26, v23;
	v23 =	vperm.xlane v20, v3  }
0x507: {  	s25 =	sand.u32 $0x1F80, s22;
	s23 =	sor.u32 s12, s16;
	s12 =	simm.s32 $0x60;
	v26 =	vperm.xlane v18, v2;
	v61 =	vsub.f32 $1.500000000e+00, v21;
	v62 =	vadd.f32 v16, v7  }
0x508: {  	s28 =	sand.u32 $0x40, s22;
	s19 =	sadd.s32 $0x17700, s25;
	s20 =	sand.u32 $0x60, s12;
	[tilespmem:s23+$0x10] =	vst v55;
	v63 =	vperm.xlane v27, v3;
	v23 =	vadd.f32 v23, v20;
	v16 =	vmul.f32 $3.125000000e-02, v19  }
0x509: {  	s22 =	sor.u32 s28, s19;
	s14 =	sand.u32 $0x40, s18;
	s17 =	sor.u32 s20, s19;
	[tilespmem:s23+$0x0] =	vst v24;
	v21 =	vadd.f32 v26, v18;
	v19 =	vmul.f32 v25, v61;
	v20 =	vmul.f32 v22, v33  }
0x50a: {  	s18 =	simm.s32 $0x4;
	s14 =	sor.u32 s14, s16;
	s19 =	simm.s32 $0x113C0;
	[tilespmem:s17+$0x10] =	vst v62;
	v22 =	vadd.f32 v63, v27;
	v23 =	vmul.f32 $3.125000000e-02, v23;
	v24 =	vmul.f32 v16, v16  }
.LBB2_17:
0x50b: {  	v25 =	vld [tilespmem:s19+$0x20];
	v26 =	vperm.xlane v21, v3;
	v18 =	vsub.f32 v11, v16;
	v11 =	vmul.f32 v19, v17  }
0x50c: {  	s10 =	sadd.s32 $0x40, s10;
	v14 =	vmul.f32 v14, v4;
	v17 =	vld [tilespmem:s19+$0x30];
	v22 =	vmul.f32 $3.125000000e-02, v22;
	v23 =	vsub.f32 v23, v24  }
0x50d: {  	v15 =	vmul.f32 v15, v5;
	v24 =	vld [tilespmem:s10+$0x0];
	v21 =	vadd.f32 v26, v21;
	v11 =	vmul.f32 v11, v19  }
0x50e: {  	s18 =	sadd.s32 $0x2, s18;
	v26 =	vld [tilespmem:s10+$0x10];
	v27 =	vmul.f32 v22, v22;
	v12 =	vsub.f32 v12, v22;
	v23 =	vadd.f32 $9.999999740e-06, v23  }
0x50f: {  	p1 =	slt.u32 s18, $0xC6;
	v13 =	vsub.f32 v13, v22;
	v28 =	vld [tilespmem:s19+$0x0];
	v21 =	vmul.f32 $3.125000000e-02, v21;
	v11 =	vsub.f32 $1.500000000e+00, v11  }
0x510: {  	v20 =	vmul.f32 v20, v4;
	v22 =	vld [tilespmem:s19+$0x10];
	v29 =	vshra.s32 v23, $0x1;
	v23 =	vmul.f32 $5.000000000e-01, v23  }
0x511: {  	v30 =	vld [tilespmem:s10+$0xFFFFFFE0];
	v21 =	vsub.f32 v21, v27;
	v27 =	vsub.s32 $0x5F3759DF, v29;
	v19 =	vmul.f32 v11, v19  }
0x512: {  	v32 =	vadd.f32 v14, v6;
	v33 =	vadd.f32 v15, v7;
	v29 =	vld [tilespmem:s10+$0xFFFFFFF0];
	v31 =	vmul.f32 v27, v23  }
0x513: {  	v11 =	vadd.f32 v24, v25;
	v24 =	vadd.f32 v26, v17;
	v14 =	vmul.f32 v19, v8;
	v8 =	vmovc v12  }
0x514: {  	v17 =	vadd.f32 $9.999999740e-06, v21;
	v15 =	vmul.f32 v19, v9;
	v9 =	vmovc v13;
	v21 =	vmul.f32 v27, v31;
	[tilespmem:s14+$0x0] =	vst v32  }
0x515: {  	v25 =	vmul.f32 v11, v11;
	v19 =	vadd.f32 v24, v11;
	v26 =	vmul.f32 v24, v24;
	[tilespmem:s14+$0x10] =	vst v33;
	s14 =	smov.u32 s22  }
0x516: {  	v12 =	vadd.f32 v30, v28;
	v28 =	vshra.s32 v17, $0x1;
	v21 =	vsub.f32 $1.500000000e+00, v21  }
0x517: {  	v13 =	vadd.f32 v29, v22;
	v22 =	vadd.f32 v26, v25;
	v25 =	vperm.xlane v19, v0  }
0x518: {  	v28 =	vsub.s32 $0x5F3759DF, v28;
	v26 =	vmul.f32 v12, v12;
	v21 =	vmul.f32 v27, v21  }
0x519: {  	v27 =	vadd.f32 v13, v12;
	v19 =	vadd.f32 v19, v25;
	v25 =	vperm.xlane v22, v0  }
0x51a: {  	v20 =	vadd.f32 v20, v6;
	v29 =	vmul.f32 v13, v13;
	v23 =	vmul.f32 v21, v23  }
0x51b: {  	v30 =	vperm.xlane v27, v0;
	v22 =	vadd.f32 v22, v25;
	v25 =	vperm.xlane v19, v1  }
0x51c: {  	v17 =	vmul.f32 $5.000000000e-01, v17;
	v26 =	vadd.f32 v29, v26;
	v23 =	vmul.f32 v23, v21;
	[tilespmem:s17+$0x0] =	vst v20  }
0x51d: {  	v20 =	vadd.f32 v27, v30;
	v19 =	vadd.f32 v25, v19;
	v25 =	vperm.xlane v22, v1  }
0x51e: {  	v29 =	vmul.f32 v28, v17;
	v27 =	vperm.xlane v26, v0;
	v23 =	vsub.f32 $1.500000000e+00, v23  }
0x51f: {  	v30 =	vperm.xlane v20, v1;
	v22 =	vadd.f32 v25, v22;
	v25 =	vperm.xlane v19, v2  }
0x520: {  	v16 =	vsub.f32 v10, v16;
	v10 =	vmovc v24;
	v26 =	vadd.f32 v26, v27;
	v23 =	vmul.f32 v23, v21  }
0x521: {  	v20 =	vadd.f32 v30, v20;
	v19 =	vadd.f32 v25, v19;
	v21 =	vperm.xlane v22, v2  }
0x522: {  	v24 =	vperm.xlane v26, v1;
	v16 =	vmul.f32 v23, v16  }
0x523: {  	s12 =	sadd.s32 $0x40, s12;
	v25 =	vperm.xlane v20, v2;
	v21 =	vadd.f32 v21, v22;
	v22 =	vperm.xlane v19, v3  }
0x524: {  	s16 =	sadd.s32 $0xFFFFFFE0, s12;
	v24 =	vadd.f32 v24, v26;
	v26 =	vmul.f32 v28, v29;
	v16 =	vmul.f32 v16, v5  }
.Ltmp9:
0x525: {  	s17 =	sand.u32 $0x40, s16;
	s16 =	sand.u32 $0x1F80, s16;
	v25 =	vadd.f32 v25, v20;
	v19 =	vadd.f32 v22, v19;
	v20 =	vperm.xlane v21, v3;
	(pc) =	sbr.rel @p1 .LBB2_17-.Ltmp9, $4  }
0x526: {  	s20 =	sand.u32 $0x60, s12;
	s16 =	sadd.s32 $0x17700, s16;
	v22 =	vperm.xlane v24, v2;
	v26 =	vsub.f32 $1.500000000e+00, v26;
	v27 =	vadd.f32 v16, v7  }
0x527: {  	s22 =	sor.u32 s17, s16;
	s17 =	sor.u32 s20, s16;
	v29 =	vperm.xlane v25, v3;
	v30 =	vadd.f32 v20, v21;
	v16 =	vmul.f32 $3.125000000e-02, v19  }
0x528: {  	v21 =	vadd.f32 v22, v24;
	v19 =	vmul.f32 v28, v26;
	v20 =	vmul.f32 v23, v18;
	[tilespmem:s17+$0x10] =	vst v27  }
0x529: {  	s19 =	sadd.s32 $0x40, s19;
	v22 =	vadd.f32 v29, v25;
	v23 =	vmul.f32 $3.125000000e-02, v30;
	v24 =	vmul.f32 v16, v16  }
0x52a: {  	v18 =	vperm.xlane v21, v3;
	_ =	sdelay $0x1  }
0x52b: {  	v22 =	vmul.f32 $3.125000000e-02, v22;
	v18 =	vadd.f32 v18, v21;
	_ =	sdelay $0x1  }
0x52c: {  	v23 =	vsub.f32 v23, v24;
	v54 =	vmul.f32 v22, v22;
	v18 =	vmul.f32 $3.125000000e-02, v18;
	_ =	sdelay $0x1  }
0x52d: {  	v23 =	vadd.f32 $9.999999740e-06, v23;
	v18 =	vsub.f32 v18, v54;
	_ =	sdelay $0x1  }
0x52e: {  	v55 =	vshra.s32 v23, $0x1;
	v23 =	vmul.f32 $5.000000000e-01, v23;
	v18 =	vadd.f32 $9.999999740e-06, v18  }
0x52f: {  	v56 =	vsub.s32 $0x5F3759DF, v55  }
0x530: {  	v24 =	vmul.f32 v56, v23;
	v25 =	vshra.s32 v18, $0x1;
	v18 =	vmul.f32 $5.000000000e-01, v18  }
0x531: {  	v25 =	vsub.s32 $0x5F3759DF, v25  }
0x532: {  	v24 =	vmul.f32 v56, v24;
	v26 =	vmul.f32 v25, v18;
	_ =	sdelay $0x1  }
0x533: {  	v24 =	vsub.f32 $1.500000000e+00, v24;
	v57 =	vmul.f32 v25, v26  }
0x534: {  	v17 =	vmul.f32 v19, v17  }
0x535: {  	v21 =	vmul.f32 v56, v24;
	v24 =	vsub.f32 $1.500000000e+00, v57  }
0x536: {  	v17 =	vmul.f32 v17, v19  }
0x537: {  	v23 =	vmul.f32 v21, v23;
	v24 =	vmul.f32 v25, v24  }
0x538: {  	v14 =	vmul.f32 v14, v4;
	v17 =	vsub.f32 $1.500000000e+00, v17  }
0x539: {  	v23 =	vmul.f32 v23, v21;
	v18 =	vmul.f32 v24, v18  }
0x53a: {  	v11 =	vsub.f32 v11, v16;
	v15 =	vmul.f32 v15, v5;
	v17 =	vmul.f32 v17, v19  }
0x53b: {  	v10 =	vsub.f32 v10, v16;
	v23 =	vsub.f32 $1.500000000e+00, v23;
	v58 =	vmul.f32 v18, v24  }
0x53c: {  	v59 =	vmul.f32 v20, v4;
	v14 =	vadd.f32 v14, v6;
	v8 =	vmul.f32 v17, v8  }
0x53d: {  	v15 =	vadd.f32 v15, v7;
	v21 =	vmul.f32 v23, v21;
	v16 =	vsub.f32 $1.500000000e+00, v58  }
0x53e: {  	v60 =	vadd.f32 v59, v6;
	v9 =	vmul.f32 v17, v9;
	v8 =	vmul.f32 v8, v4  }
0x53f: {  	v12 =	vsub.f32 v12, v22;
	v10 =	vmul.f32 v21, v10;
	v16 =	vmul.f32 v16, v24  }
0x540: {  	s10 =	sadd.s32 $0x40, s12;
	v13 =	vsub.f32 v13, v22;
	[tilespmem:s14+$0x0] =	vst v14;
	v9 =	vmul.f32 v9, v5;
	v11 =	vmul.f32 v21, v11  }
0x541: {  	s12 =	sadd.s32 $0xFFFFFFE0, s10;
	[tilespmem:s14+$0x10] =	vst v15;
	v8 =	vadd.f32 v8, v6;
	v10 =	vmul.f32 v10, v5;
	v12 =	vmul.f32 v16, v12  }
0x542: {  	s16 =	sand.u32 $0x1F80, s12;
	[tilespmem:s17+$0x0] =	vst v60;
	v9 =	vadd.f32 v9, v7;
	v11 =	vmul.f32 v11, v4;
	v13 =	vmul.f32 v16, v13  }
0x543: {  	s10 =	sand.u32 $0x60, s10;
	s25 =	sadd.s32 $0x17700, s16;
	[tilespmem:s22+$0x0] =	vst v8;
	v10 =	vadd.f32 v10, v7;
	v61 =	vmul.f32 v12, v4  }
0x544: {  	s10 =	sor.u32 s10, s25;
	[tilespmem:s22+$0x10] =	vst v9;
	v8 =	vadd.f32 v11, v6;
	v62 =	vmul.f32 v13, v5  }
.Ltmp10:
0x545: {  	s9 =	sadd.s32 s5, s9;
	s12 =	sand.u32 $0x40, s12;
	[tilespmem:s10+$0x10] =	vst v10;
	v63 =	vadd.f32 v61, v6;
	(pc) =	sbr.rel @p0 .LBB2_20-.Ltmp10, $4  }
0x546: {  	s9 =	smul.u32 $0x320, s9;
	s12 =	sor.u32 s12, s25;
	[tilespmem:s10+$0x0] =	vst v8;
	v8 =	vadd.f32 v62, v7  }
0x547: {  	[tilespmem:s12+$0x0] =	vst v63  }
0x548: {  	s28 =	simm.s32 $0x17700;
	s9 =	sadd.s32 s4, s9;
	[tilespmem:s12+$0x10] =	vst v8  }
0x549: {  	[hbm4b:s9+s6] =	stream.linear.scatter [tilespmem:s28], [sflag:$0xC], $0x1900, $0x38;
	[tilespmem:$0x1A940] =	vst v63  }
0x54a: {  	s9 =	smul.u32 $0x1900, s21;
	_ =	sdelay $0x1  }
.Ltmp11:
0x54b: {  	s9 =	sshra.s32 s9, $0x2;
	(pc) =	sbr.rel .LBB2_2-.Ltmp11, $4  }
0x54c: {  	s12 =	simm.s32 $0xE100;
	s10 =	sadd.s32 $0xA28, s9  }
0x54d: {  	[tilespmem:s12], [sflag:$0x6] =	stream.indirect.gather [hbm4b:s7+s24], $0x20, s10, s24, $0xb8;
	[tilespmem:$0x1A940] =	vst v63  }
0x54e: {  	s28 =	simm.s32 $0xF100;
	s21 =	sadd.s32 $0x1, s21;
	s9 =	sadd.s32 $0xAA8, s9  }
0x54f: {  	[tilespmem:s28], [sflag:$0x6] =	stream.indirect.gather [hbm4b:s7+s15], $0x20, s9, s15, $0xb8;
	[tilespmem:$0x1A940] =	vst v63  }
.LBB2_21:
0x550: {  	_ =	sfence.sel $0x180000  }
0x551: {  	[bflag:$0x0] =	sbarrier.arrive $0xFFFF  }
0x552: {  	_ =	strace $0x90000047  }
0x553: {  	s0 =	stileid.u32;
	[bflag:$0x2] =	sbarrier.arrive $0xFFFF  }
0x554: {  	p0 =	sne.s32 s0, $0x0;
	s0 =	rddreg [dreg:$0x4]  }
0x555: {  	s0 =	sadd.s32 @!p0 $0x100000, s0  }
0x556: {  	[sflag:s0] =	ssyncadd.tile.s32 @!p0 $0x1;
	_ =	shalt  }
.Lfunc_end2:
_tile_overlayer_lowered:
.L_overlay_start_2:
0x557: {  	(tag) =	ssettag $0x2  }
0x558: {  	s0 =	rddreg [dreg:$0x0];
	s2 =	stileid.u32  }
0x559: {  	s1 =	rddreg [dreg:$0x1];
	p0 =	sne.s32 s2, $0x0  }
0x55a: {  	s3 =	rddreg [dreg:$0x2];
	[bflag:$0x3] =	sbarrier.arrive $0xFFFF;
	s2 =	simm.s32 @!p0 $0x1C0D  }
0x55b: {  	[timem:s3], [sflag:s2] =	dma.local @!p0 [hbm:s0], s1  }
0x55c: {  	s0 =	simm.s32 @!p0 $0xD  }
0x55d: {  	_ =	swait.ge @!p0 [sflag:s0], s1  }
0x55e: {  	s1 =	ssub.s32 @!p0 $0x0, s1;
	[sflag:s0] =	ssyncset.done @!p0 $0x0  }
0x55f: {  	[sflag:s0] =	ssyncadd.s32 @!p0 s1  }
0x560: {  	[bflag:$0x3] =	sbarrier.arrive $0xFFFF  }
0x561: {  	_ =	shalt  }

// kernel: sparse-core-data-format-call.cloned.1.call-start
scs
called_computation_lowered:
.L_overlay_start_0:
0x0: {  	s2 =	sld [smem:$0x3FD9]  }
0x1: {  	s3 =	sld [smem:$0x3FFE];
	_ =	sdelay $0x1  }
0x2: {  	s1 =	srdreg.scid  }
0x3: {  	s0 =	sand.u32 $0x1, s1  }
0x4: {  	s18 =	sshll.u32 s0, $0xA;
	s2 =	sadd.s32 s3, s2  }
0x5: {  	s2 =	sadd.s32 s2, s18  }
0x6: {  	[smem:$0x3FC3] =	sst s2  }
0x7: {  	_ = 	snop  }
0x8: {  	s2 =	sld [smem:$0x3FD0];
	(tm) =	ssettm $0x1  }
0x9: {  	s19 =	sld [smem:$0x3FFB];
	_ =	sdelay $0x3  }
0xa: {  	_ =	strace s19  }
0xb: {  	s3 =	sld [smem:$0x3FFC];
	_ =	sdelay $0x3  }
0xc: {  	_ =	strace s3  }
0xd: {  	s3 =	sld [smem:$0x3FFD];
	_ =	sdelay $0x3  }
0xe: {  	_ =	strace s3  }
0xf: {  	_ =	strace $0x8FFFFFFF  }
0x10: {  	s20 =	sld [smem:$0x3FDB];
	_ =	sdelay $0x1  }
0x11: {  	s4 =	simm.s32 $_scs_section_size  }
0x12: {  	s5 =	simm.s32 $_size__tile_overlayer_lowered;
	s6 =	simm.s32 $_tile_overlayer_lowered  }
0x13: {  	s23 =	simm.s32 $0x1BFF;
	s22 =	sshll.u32 s6, $0x1;
	s3 =	sadd.s32 s4, s20  }
0x14: {  	s7 =	simm.s32 $0x0;
	s21 =	sshll.u32 s5, $0x1;
	s5 =	sadd.s32 s22, s3  }
0x15: {  	[timem:s7], [sflag:s23] =	dma.local [hbm:s5], s21  }
0x16: {  	_ =	swait.ge [sflag:s23], s21  }
0x17: {  	s4 =	ssub.s32 $0x0, s21;
	[sflag:s23] =	ssyncset.done $0x0  }
0x18: {  	[sflag:s23] =	ssyncadd.s32 s4;
	_ =	sdelay $0x1  }
0x19: {  	s24 =	simm.s32 $0x1B8B  }
0x1a: {  	_ =	swait.ge [sflag:s24], $0x1  }
0x1b: {  	[sflag:s24] =	ssyncset.done $0x0  }
0x1c: {  	s26 =	simm.s32 $0x1B8E;
	s25 =	sld [smem:$0x3FFE];
	[sflag:s24] =	ssyncadd.s32 $0xFFFFFFFF  }
0x1d: {  	s27 =	simm.s32 $execute0_lowered;
	[smem:$0x3FD2] =	sst s26  }
0x1e: {  	s5 =	sshll.u32 s27, $0x1;
	_ =	strace $0x80000049;
	[dreg:$0x1] =	wrdreg $0xFFFFFFFF  }
0x1f: {  	s28 =	simm.s32 $_size_execute0_lowered;
	s3 =	sadd.s32 s3, s5;
	[dreg:$0x0] =	wrdreg $0x0  }
0x20: {  	s5 =	sshll.u32 s28, $0x1;
	[dreg:$0x2] =	wrdreg s3  }
0x21: {  	[dreg:$0x3] =	wrdreg s5  }
0x22: {  	[dreg:$0x4] =	wrdreg $0xC0  }
0x23: {  	_ =	task [dreg:s7], $0x5FFFF  }
0x24: {  	[dreg:$0x1] =	wrdreg $0xFFFFFFFF  }
0x25: {  	[dreg:$0x0] =	wrdreg $0x60  }
0x26: {  	[dreg:$0x2] =	wrdreg s25  }
0x27: {  	[dreg:$0x3] =	wrdreg s2  }
0x28: {  	[dreg:$0x4] =	wrdreg $0x9  }
0x29: {  	_ =	task.clear_ibuf [dreg:s7], $0x5FFFF;
	_ =	strace $0x90000049  }
0x2a: {  	s29 =	simm.s32 $0x9;
	_ =	strace $0x8000004B  }
0x2b: {  	_ =	swait.ge [sflag:s29], $0x1  }
0x2c: {  	[sflag:s29] =	ssyncadd.s32 $0xFFFFFFFF  }
0x2d: {  	_ =	strace $0x9000004B  }
0x2e: {  	_ =	sfence  }
0x2f: {  	s30 =	sld [smem:$0x0];
	_ =	sdelay $0x2  }
0x30: {  	s31 =	sshll.u32 s1, $0xD;
	s1 =	sshrl.u32 s1, $0x2  }
0x31: {  	s3 =	sand.u32 $0x4000, s31;
	s1 =	sadd.s32 s1, s30  }
0x32: {  	s0 =	sor.u32 s3, s0;
	s1 =	sshll.u32 s1, $0x11  }
0x33: {  	s0 =	sor.u32 s1, s0  }
0x34: {  	s0 =	sadd.s32 $0x8F2B, s0  }
0x35: {  	[sflag:s0] =	ssyncadd.remote.s32 $0x1  }
0x36: {  	_ =	sfence.sel $0xFFFF  }
0x37: {  	[dreg:$0x0] =	wrdreg $0xFFFFFFFF;
	(pc) =	sbr.abs _section_cstart, $3  }
0x38: {  	[dreg:$0x1] =	wrdreg $0xFFFFFFFF  }
0x39: {  	_ =	task.clear_ibuf [dreg:s7], $0x2FFFF;
	_ =	strace $0x9FFFFFFF  }
0x3a: {  	(tm) =	ssettm $0x7FFFFFFF  }
0x3b: {  	_ =	shalt  }
tec
execute0_lowered:
.L_overlay_start_1:
0x0: {  	(tag) =	ssettag $0x1  }
0x1: {  	s0 =	srdreg.scid  }
0x2: {  	s1 =	sshll.u32 s0, $0x4  }
0x3: {  	s0 =	stileid.u32;
	s1 =	sand.u32 $0x10, s1  }
0x4: {  	s1 =	sor.u32 s0, s1  }
0x5: {  	s6 =	rddreg [dreg:$0x0];
	s4 =	simm.s32 $0x1;
	s2 =	sshll.u32 s1, $0x7  }
0x6: {  	s7 =	simm.s32 $0x2;
	s12 =	simm.s32 $0x0;
	s1 =	ssub.s32 $0x1000, s2  }
0x7: {  	s8 =	simm.s32 $0x8000;
	s13 =	simm.s32 $0x0;
	s3 =	sand.u32 $0xF80, s1  }
0x8: {  	s9 =	simm.s32 $0x0;
	s5 =	sshrl.u32 s1, $0xC;
	p0 =	sne.s32 s3, $0x0  }
.Ltmp0:
0x9: {  	s1 =	rddreg [dreg:$0x2];
	s4 =	simm.s32 @!p0 $0x0;
	(pc) =	sbr.rel .LBB1_1-.Ltmp0, $4  }
0xa: {  	s11 =	simm.s32 $0x0;
	s3 =	rddreg [dreg:$0x1];
	s5 =	sadd.s32 s4, s5  }
0xb: {  	_ =	strace $0x8000004A;
	s4 =	simm.s32 $0x1;
	s5 =	smul.u32 $0xC8, s5  }
0xc: {  	s6 =	sadd.s32 $0xC00, s6;
	s10 =	smov.u32 s2;
	[sflag:s4] =	ssyncpa.u1 $0x0  }
0xd: {  	p0 =	por $0x0, $0x0;
	[sflag:s7] =	ssyncpa.u1 $0x0;
	s7 =	sor.u32 $0x1, s5  }
.LBB1_4:
0xe: {  	s16 =	sshll.u32 s13, $0x3;
	s17 =	sand.u32 $0x78, s13  }
0xf: {  	s30 =	sand.u32 $0x3E00, s13;
	s12 =	sshll.u32 s12, $0xE;
	s16 =	sand.u32 $0xC00, s16  }
0x10: {  	s31 =	sand.u32 $0x7, s13;
	s16 =	sor.u32 s17, s16;
	s17 =	sadd.s32 s3, s30  }
0x11: {  	s13 =	sshll.u32 s31, $0x12;
	s16 =	sshrl.u32 s16, $0x3;
	s12 =	sadd.s32 s12, s17  }
0x12: {  	[tilespmem:s15+$0x0 ss:$0x81] =	vst.msk $0xffff, v0;
	s13 =	sor.u32 $0x400, s13;
	s12 =	sadd.s32 s16, s12  }
0x13: {  	[hbm4b:s12+s13] =	stream.strided.scatter [tilespmem:s14], [sflag:$0x2], $0x1000, s8, s13, $0x20;
	[tilespmem:$0x4040] =	vst v63  }
.LBB1_5:
0x14: {  	s14 =	sadd.s32 $0x1, s9  }
0x15: {  	s12 =	sadd.s32 $0x1000, s10;
	s16 =	smov.u32 s10;
	p2 =	sgt.s32 s14, $0xC7  }
0x16: {  	s16 =	smov.u32 @p2 s12  }
0x17: {  	s14 =	simm.s32 @p2 $0x0;
	p2 =	sgt.s32 s16, $0xFFF  }
0x18: {  	s16 =	smov.u32 @p2 s2;
	p2 =	sne.s32 s11, s7  }
.Ltmp1:
0x19: {  	p1 =	slt.u32 s11, $0x2;
	(pc) =	sbr.rel @!p2 .LBB1_6-.Ltmp1, $4  }
0x1a: {  	s15 =	simm.s32 @!p1 $0x2  }
0x1b: {  	s13 =	smov.u32 s10;
	p0 =	por !p0, !p0;
	_ =	swait.ge @!p1 [sflag:s15], $0x1000  }
0x1c: {  	s12 =	smov.u32 s9;
	[sflag:s15] =	ssyncset.done @!p1 $0x0;
	s9 =	smov.u32 s14  }
0x1d: {  	s11 =	sadd.s32 $0x1, s11;
	[sflag:s15] =	ssyncadd.s32 @!p1 $0xFFFFF000;
	s10 =	smov.u32 s16  }
.LBB1_1:
0x1e: {  	p1 =	sge.u32 s11, s5  }
0x1f: {  	s14 =	sand.u32 @!p1 $0x1FFFFFF, s9  }
0x20: {  	s15 =	smulhi.u32 @!p1 $0x147AE15, s14;
	_ =	sdelay $0x1  }
0x21: {  	s15 =	smul.u32 @!p1 $0xC8, s15  }
0x22: {  	s16 =	sxor.u32 @!p1 $0xFFFFFFFF, s11;
	s17 =	smul.u32 @!p1 $0xC80, s10  }
0x23: {  	s31 =	sadd.s32 $0xFFFFFFFF, s11;
	s16 =	sshll.u32 @!p1 s16, $0xC;
	s14 =	ssub.s32 @!p1 s14, s15  }
0x24: {  	s15 =	sand.u32 @!p1 $0x1000, s16;
	s16 =	sadd.s32 @!p1 s6, s17;
	s14 =	sshll.u32 @!p1 s14, $0x4  }
0x25: {  	s17 =	simm.s32 @!p1 $0x6400;
	s14 =	sadd.s32 @!p1 s14, s16;
	s16 =	simm.s32 @!p1 $0x20  }
0x26: {  	[tilespmem:s15], [sflag:$0x1] =	stream.strided.gather @!p1 [hbm4b:s14+s16], $0x1000, s17, s16, $0x38;
	[tilespmem:$0x4040] =	vst v63  }
0x27: {  	p1 =	sge.u32 s31, s5  }
.Ltmp2:
0x28: {  	_ = 	snop;
	(pc) =	sbr.rel @p1 .LBB1_5-.Ltmp2, $1  }
0x29: {  	_ =	sdelay $0x3  }
0x2a: {  	s14 =	simm.s32 $0x1  }
0x2b: {  	_ =	swait.ge [sflag:s4], $0x1000;
	s14 =	simm.s32 @!p0 $0x0  }
0x2c: {  	[sflag:s4] =	ssyncset.done $0x0;
	s15 =	sshll.u32 s14, $0xC  }
0x2d: {  	[sflag:s4] =	ssyncadd.s32 $0xFFFFF000;
	s18 =	sor.u32 $0x10, s15  }
0x2e: {  	s14 =	smul.u32 $0x4080, s14;
	v1 =	vld [tilespmem:s18+$0x0]  }
0x2f: {  	s30 =	sand.u32 $0x1, s11;
	v0 =	vld [tilespmem:s18+$0xFFFFFFF0]  }
0x30: {  	s15 =	smul.u32 $0x4080, s30;
	s14 =	sshrl.u32 s14, $0x2  }
0x31: {  	s16 =	sor.u32 $0x2000, s14  }
0x32: {  	s31 =	sshrl.u32 s15, $0x2;
	s15 =	sadd.s32 $0x0, s16  }
0x33: {  	s17 =	simm.s32 $0x4;
	s18 =	sadd.s32 $0x20, s18;
	s14 =	sor.u32 $0x2000, s31;
	[tilespmem:s15+$0x810 ss:$0x81] =	vst.msk $0xffff, v1  }
.LBB1_3:
0x34: {  	v1 =	vld [tilespmem:s18+$0x0];
	p1 =	sne.s32 s17, $0x1FC;
	[tilespmem:s15+$0x0 ss:$0x81] =	vst.msk $0xffff, v0;
	s15 =	smov.u32 s17;
	s17 =	sadd.s32 $0x4, s17  }
.Ltmp3:
0x35: {  	v0 =	vld [tilespmem:s18+$0xFFFFFFF0];
	(pc) =	sbr.rel @p1 .LBB1_3-.Ltmp3, $4  }
0x36: {  	_ = 	snop  }
0x37: {  	s15 =	sshra.s32 s15, $0x2  }
0x38: {  	s15 =	sadd.s32 s15, s16  }
0x39: {  	s18 =	sadd.s32 $0x20, s18;
	[tilespmem:s15+$0x810 ss:$0x81] =	vst.msk $0xffff, v1  }
.Ltmp4:
0x3a: {  	_ = 	snop;
	(pc) =	sbr.rel .LBB1_4-.Ltmp4, $1  }
0x3b: {  	_ =	sdelay $0x3  }
.LBB1_6:
0x3c: {  	_ =	sfence.sel $0x180000  }
0x3d: {  	s2 =	simm.s32 $0x1;
	[bflag:$0x0] =	sbarrier.arrive $0xFFFF  }
0x3e: {  	s31 =	simm.s32 $0x2;
	[sflag:s2] =	ssyncpa.u1 $0x1  }
0x3f: {  	[sflag:s31] =	ssyncpa.u1 $0x1  }
0x40: {  	p0 =	sne.s32 s0, $0x0;
	_ =	strace $0x9000004A  }
0x41: {  	s0 =	sadd.s32 @!p0 $0x100000, s1;
	[bflag:$0x2] =	sbarrier.arrive $0xFFFF  }
0x42: {  	[sflag:s0] =	ssyncadd.tile.s32 @!p0 $0x1;
	_ =	shalt  }
.Lfunc_end1:
_tile_overlayer_lowered:
.L_overlay_start_2:
0x43: {  	(tag) =	ssettag $0x2  }
0x44: {  	s0 =	rddreg [dreg:$0x0];
	s2 =	stileid.u32  }
0x45: {  	s1 =	rddreg [dreg:$0x1];
	p0 =	sne.s32 s2, $0x0  }
0x46: {  	s3 =	rddreg [dreg:$0x2];
	[bflag:$0x3] =	sbarrier.arrive $0xFFFF;
	s2 =	simm.s32 @!p0 $0x1C01  }
0x47: {  	[timem:s3], [sflag:s2] =	dma.local @!p0 [hbm:s0], s1  }
0x48: {  	s0 =	simm.s32 @!p0 $0x1  }
0x49: {  	_ =	swait.ge @!p0 [sflag:s0], s1  }
0x4a: {  	s1 =	ssub.s32 @!p0 $0x0, s1;
	[sflag:s0] =	ssyncset.done @!p0 $0x0  }
0x4b: {  	[sflag:s0] =	ssyncadd.s32 @!p0 s1  }
0x4c: {  	[bflag:$0x3] =	sbarrier.arrive $0xFFFF  }
0x4d: {  	_ =	shalt  }

</sc_bundles>
